<compile_context>
chip_gen: v7x
topology: tpu7x:2x2x1
jax: 0.10.2.dev20260603
libtpu: 0.0.44.dev20260713+nightly
codegen_flags: <defaults>
</compile_context>

<pallas_src>
import numpy as np
import jax
import jax.numpy as jnp
from jax import lax
from jax.experimental import pallas as pl
from jax.experimental.pallas import tpu as pltpu
from jax.experimental.pallas import tpu_sc as plsc

_B, _C, _H, _W, _Q = 32, 1, 64, 256, 1024
_NC, _NS = 2, 16
_NW = _NC * _NS
_RPW = _Q // _NW

_CHUNKS = [2] * 16
_NSLOT = len(_CHUNKS) + 1
_NBUF = 3

_PERM = np.random.default_rng(1).permutation(_Q).astype(np.int32)


def _build_gidx() -> np.ndarray:
    g = np.zeros((_NW, _NSLOT, 16), np.int32)
    for w in range(_NW):
        off = 0
        for c, ck in enumerate(_CHUNKS):
            g[w, c, :ck] = _PERM[w * _RPW + off : w * _RPW + off + ck]
            off += ck
        g[w, _NSLOT - 1, 0] = _PERM[w]
    return g.reshape(-1)


_GIDX_NP = _build_gidx()


def _run_jobs(jobs):
    n = len(jobs)
    gh = [None] * n
    sh = [None] * n
    for t in range(min(_NBUF - 1, n)):
        gh[t] = jobs[t][0]()
    for t in range(n):
        if t + _NBUF - 1 < n:
            if t - 1 >= 0:
                sh[t - 1].wait()
            gh[t + _NBUF - 1] = jobs[t + _NBUF - 1][0]()
        gh[t].wait()
        sh[t] = jobs[t][1]()
    for t in range(max(0, n - _NBUF), n):
        sh[t].wait()


def _sc_body(qk, keyb, gidx, dq_k, out_k, idxv,
             buf_a, buf_b, buf_c, ga, gb, gc, sa, sb, sc):
    wid = lax.axis_index("s") * _NC + lax.axis_index("c")
    base = wid * _RPW
    bufs = (buf_a, buf_b, buf_c)
    gsems = (ga, gb, gc)
    ssems = (sa, sb, sc)

    pltpu.sync_copy(gidx.at[pl.ds(wid * _NSLOT * 16, _NSLOT * 16)], idxv)

    def gather_job(t, slot, ck):
        buf, sem = bufs[t % _NBUF], gsems[t % _NBUF]
        return lambda: pltpu.async_copy(
            qk.at[idxv.at[pl.ds(slot * 16, ck)]], buf.at[pl.ds(0, ck)], sem)

    def linear_in_job(t, off, ck):
        buf, sem = bufs[t % _NBUF], gsems[t % _NBUF]
        return lambda: pltpu.async_copy(
            keyb.at[pl.ds(off, ck)], buf.at[pl.ds(0, ck)], sem)

    def scatter_job(t, dst, off, ck):
        buf, sem = bufs[t % _NBUF], ssems[t % _NBUF]
        return lambda: pltpu.async_copy(
            buf.at[pl.ds(0, ck)], dst.at[pl.ds(off, ck)], sem)

    def queue_jobs(linear_batch):
        jobs = []
        t = 0
        off = 0
        for c, ck in enumerate(_CHUNKS):
            gj = linear_in_job(t, off, ck) if linear_batch \
                else gather_job(t, c, ck)
            jobs.append((gj, scatter_job(t, out_k, base + off, ck)))
            t += 1
            off += ck
        jobs.append((gather_job(t, _NSLOT - 1, 1),
                     scatter_job(t, dq_k, wid, 1)))
        return jobs

    @pl.when(wid == 0)
    def _():
        _run_jobs(queue_jobs(True))

    @pl.when(wid != 0)
    def _():
        _run_jobs(queue_jobs(False))


def _sc_kernel(queue_k, key):
    f32 = jnp.float32
    mesh = plsc.VectorSubcoreMesh(core_axis_name="c", subcore_axis_name="s")
    sc_call = pl.kernel(
        _sc_body,
        mesh=mesh,
        out_type=[
            jax.ShapeDtypeStruct((_B, _C, _H, _W), f32),
            jax.ShapeDtypeStruct((_Q, _C, _H, _W), f32),
        ],
        scratch_types=[
            pltpu.VMEM((_NSLOT * 16,), jnp.int32),
            pltpu.VMEM((2, _C, _H, _W), f32),
            pltpu.VMEM((2, _C, _H, _W), f32),
            pltpu.VMEM((2, _C, _H, _W), f32),
            pltpu.SemaphoreType.DMA,
            pltpu.SemaphoreType.DMA,
            pltpu.SemaphoreType.DMA,
            pltpu.SemaphoreType.DMA,
            pltpu.SemaphoreType.DMA,
            pltpu.SemaphoreType.DMA,
        ],
    )
    dq_k, nk = sc_call(queue_k, key, jnp.asarray(_GIDX_NP))
    return dq_k, nk


_NLANE = 32


def _tc_body(perm_ref, *refs):
    i = pl.program_id(0)
    qq = refs[0:_NLANE]
    qry = refs[_NLANE]
    nq, dqq = refs[_NLANE + 1], refs[_NLANE + 2]
    for j in range(_NLANE):
        row = i * _NLANE + j

        @pl.when(row < _B)
        def _(j=j):
            dqq[pl.ds(j, 1)] = qq[j][...]
            nq[pl.ds(j, 1)] = qry[pl.ds(j, 1)]

        @pl.when(row >= _B)
        def _(j=j):
            nq[pl.ds(j, 1)] = qq[j][...]


def _tc_kernel(queue_q, query):
    blk = (1, _C, _H, _W)
    blk8 = (_NLANE, _C, _H, _W)
    nb_batch = _B // _NLANE
    f32 = jnp.float32

    def src_map(j):
        def m(i, perm_ref):
            return (perm_ref[i * _NLANE + j], 0, 0, 0)
        return m

    def batch_map(i, perm_ref):
        return (jnp.minimum(i, nb_batch - 1), 0, 0, 0)

    def out_map(i, perm_ref):
        return (i, 0, 0, 0)

    lanes = range(_NLANE)
    nq, dqq = pl.pallas_call(
        _tc_body,
        grid_spec=pltpu.PrefetchScalarGridSpec(
            num_scalar_prefetch=1,
            grid=(_Q // _NLANE,),
            in_specs=(
                [pl.BlockSpec(blk, src_map(j)) for j in lanes]
                + [pl.BlockSpec(blk8, batch_map)]
            ),
            out_specs=[
                pl.BlockSpec(blk8, out_map),
                pl.BlockSpec(blk8, batch_map),
            ],
        ),
        out_shape=[
            jax.ShapeDtypeStruct((_Q, _C, _H, _W), f32),
            jax.ShapeDtypeStruct((_B, _C, _H, _W), f32),
        ],
    )(jnp.asarray(_PERM), *([queue_q] * _NLANE + [query]))
    return nq, dqq


def kernel(queue_q, queue_k, query, key):
    dq_k, nk = _sc_kernel(queue_k, key)
    nq, dq_q = _tc_kernel(queue_q, query)
    return (dq_q, dq_k, nq, nk)

# --- scband reference (transcript-rebuilt; emitter-appended) ---
"""Pipeline reference for scband-dequeue-and-enqueue-52372831207749 (READ-ONLY COPY).

The authoritative reference and input builder live on the scoring server;
editing this copy changes nothing except your own understanding.
"""

import jax, jax.numpy as jnp
import numpy as np

B = 32
C = 1
H = 64
W = 256
Q = 1024


def setup_inputs(seed: int = 0) -> dict:
    key = jax.random.key(seed)
    k1, k2, k3, k4 = jax.random.split(key, 4)
    return {
        "queue_q": jax.random.normal(k1, (Q, C, H, W), dtype=jnp.float32),
        "queue_k": jax.random.normal(k2, (Q, C, H, W), dtype=jnp.float32),
        "query": jax.random.normal(k3, (B, C, H, W), dtype=jnp.float32),
        "key": jax.random.normal(k4, (B, C, H, W), dtype=jnp.float32),
    }


def reference(queue_q, queue_k, query, key):
    # Models the full-queue branch (queue_ptr == queue_size):
    # 1) random permutation shuffle of the queue (fixed seed for determinism)
    # 2) dequeue the first b entries
    # 3) enqueue the incoming batch into the first b slots (in-place buffer write -> .at[].set)
    idx = jnp.asarray(np.random.default_rng(1).permutation(Q), dtype=jnp.int32)
    q_shuf = jnp.take(queue_q, idx, axis=0)
    k_shuf = jnp.take(queue_k, idx, axis=0)
    q_dequeue = q_shuf[0:B]
    k_dequeue = k_shuf[0:B]
    new_queue_q = q_shuf.at[0:B].set(query)
    new_queue_k = k_shuf.at[0:B].set(key)
    # (q_dequeue, k_dequeue) matches the torch return; new_queue_* captures the
    # in-place buffer mutation as explicit functional state outputs.
    return (q_dequeue, k_dequeue, new_queue_q, new_queue_k)

if __name__ == "__main__":
    import jax
    _d = setup_inputs()
    print(jax.jit(kernel)(*tuple(_d.values())))

</pallas_src>

<mosaic_0001>
#map = affine_map<(d0, d1) -> (0, 0, 0, 0)>
#map1 = affine_map<(d0, d1) -> (0)>
module attributes {stable_mosaic.version = 14 : i64} {
  func.func @_sc_body(%arg0: i32, %arg1: i32, %arg2: memref<1024x1x64x256xf32, #tpu.memory_space<hbm>>, %arg3: memref<32x1x64x256xf32, #tpu.memory_space<hbm>>, %arg4: memref<8704xi32, #tpu.memory_space<hbm>>, %arg5: memref<32x1x64x256xf32, #tpu.memory_space<hbm>>, %arg6: memref<1024x1x64x256xf32, #tpu.memory_space<hbm>>, %arg7: memref<272xi32, #tpu.memory_space<vmem>>, %arg8: memref<2x1x64x256xf32, #tpu.memory_space<vmem>>, %arg9: memref<2x1x64x256xf32, #tpu.memory_space<vmem>>, %arg10: memref<2x1x64x256xf32, #tpu.memory_space<vmem>>, %arg11: memref<!tpu.dma_semaphore, #tpu.memory_space<semaphore_mem>>, %arg12: memref<!tpu.dma_semaphore, #tpu.memory_space<semaphore_mem>>, %arg13: memref<!tpu.dma_semaphore, #tpu.memory_space<semaphore_mem>>, %arg14: memref<!tpu.dma_semaphore, #tpu.memory_space<semaphore_mem>>, %arg15: memref<!tpu.dma_semaphore, #tpu.memory_space<semaphore_mem>>, %arg16: memref<!tpu.dma_semaphore, #tpu.memory_space<semaphore_mem>>) attributes {dimension_semantics = [#tpu.dimension_semantics<core_parallel>, #tpu.dimension_semantics<subcore_parallel>], iteration_bounds = array<i64: 2, 16>, scalar_prefetch = 0 : i64, scratch_operands = 10 : i64, tpu.core_type = #tpu.core_type<sc_vector_subcore>, window_params = [{transform_indices = #map}, {transform_indices = #map}, {transform_indices = #map1}, {transform_indices = #map}, {transform_indices = #map}]} {
    %mul3A = arith.constant 2 : i32
    %mul3A_0 = arith.muli %arg1, %mul3A : i32
    %add3A = arith.addi %mul3A_0, %arg0 : i32
    %mul3A_1 = arith.constant 32 : i32
    %mul3A_2 = arith.muli %add3A, %mul3A_1 : i32
    %mul3A_3 = arith.constant 17 : i32
    %mul3A_4 = arith.muli %add3A, %mul3A_3 : i32
    %mul3A_5 = arith.constant 16 : i32
    %mul3A_6 = arith.muli %mul3A_4, %mul3A_5 : i32
    "tpu.region"() ({
      %run_scoped3A = tpu.sem_alloc : memref<!tpu.dma_semaphore, #tpu.memory_space<semaphore_mem>>
      %dma_start3A = tpu.memref_slice %arg4[%mul3A_6] : memref<8704xi32, #tpu.memory_space<hbm>> -> memref<272xi32, #tpu.memory_space<hbm>>
      %dma_start3A_13 = tpu.memref_slice %arg4[%mul3A_6] : memref<8704xi32, #tpu.memory_space<hbm>> -> memref<272xi32, #tpu.memory_space<hbm>>
      tpu.enqueue_dma source(%dma_start3A_13 : memref<272xi32, #tpu.memory_space<hbm>>) target(%arg7 : memref<272xi32, #tpu.memory_space<vmem>>) target_semaphore(%run_scoped3A : memref<!tpu.dma_semaphore, #tpu.memory_space<semaphore_mem>>)
      %dma_wait3A = tpu.memref_slice %arg4[%mul3A_6] : memref<8704xi32, #tpu.memory_space<hbm>> -> memref<272xi32, #tpu.memory_space<hbm>>
      %dma_wait3A_14 = tpu.memref_slice %arg4[%mul3A_6] : memref<8704xi32, #tpu.memory_space<hbm>> -> memref<272xi32, #tpu.memory_space<hbm>>
      tpu.wait_dma2 semaphore(%run_scoped3A : memref<!tpu.dma_semaphore, #tpu.memory_space<semaphore_mem>>) src(%dma_wait3A_14 : memref<272xi32, #tpu.memory_space<hbm>>) dst(%arg7 : memref<272xi32, #tpu.memory_space<vmem>>)
      tpu.yield
    }) : () -> ()
    %eq3A = arith.constant 0 : i32
    %eq3A_7 = arith.cmpi eq, %add3A, %eq3A : i32
    %convert_element_type3A = arith.extui %eq3A_7 : i1 to i32
    %cond3A = arith.constant 0 : i32
    %cond3A_8 = arith.cmpi ne, %convert_element_type3A, %cond3A : i32
    scf.if %cond3A_8 {
      %add3A_13 = arith.constant 0 : i32
      %add3A_14 = arith.addi %mul3A_2, %add3A_13 : i32
      %add3A_15 = arith.constant 2 : i32
      %add3A_16 = arith.addi %mul3A_2, %add3A_15 : i32
      %add3A_17 = arith.constant 4 : i32
      %add3A_18 = arith.addi %mul3A_2, %add3A_17 : i32
      %add3A_19 = arith.constant 6 : i32
      %add3A_20 = arith.addi %mul3A_2, %add3A_19 : i32
      %add3A_21 = arith.constant 8 : i32
      %add3A_22 = arith.addi %mul3A_2, %add3A_21 : i32
      %add3A_23 = arith.constant 10 : i32
      %add3A_24 = arith.addi %mul3A_2, %add3A_23 : i32
      %add3A_25 = arith.constant 12 : i32
      %add3A_26 = arith.addi %mul3A_2, %add3A_25 : i32
      %add3A_27 = arith.constant 14 : i32
      %add3A_28 = arith.addi %mul3A_2, %add3A_27 : i32
      %add3A_29 = arith.constant 16 : i32
      %add3A_30 = arith.addi %mul3A_2, %add3A_29 : i32
      %add3A_31 = arith.constant 18 : i32
      %add3A_32 = arith.addi %mul3A_2, %add3A_31 : i32
      %add3A_33 = arith.constant 20 : i32
      %add3A_34 = arith.addi %mul3A_2, %add3A_33 : i32
      %add3A_35 = arith.constant 22 : i32
      %add3A_36 = arith.addi %mul3A_2, %add3A_35 : i32
      %add3A_37 = arith.constant 24 : i32
      %add3A_38 = arith.addi %mul3A_2, %add3A_37 : i32
      %add3A_39 = arith.constant 26 : i32
      %add3A_40 = arith.addi %mul3A_2, %add3A_39 : i32
      %add3A_41 = arith.constant 28 : i32
      %add3A_42 = arith.addi %mul3A_2, %add3A_41 : i32
      %add3A_43 = arith.constant 30 : i32
      %add3A_44 = arith.addi %mul3A_2, %add3A_43 : i32
      %dma_start3A = arith.constant 0 : i32
      %dma_start3A_45 = arith.constant 0 : i32
      %dma_start3A_46 = arith.constant 0 : i32
      %dma_start3A_47 = arith.constant 0 : i32
      %dma_start3A_48 = tpu.memref_slice %arg8[%dma_start3A, %dma_start3A_45, %dma_start3A_46, %dma_start3A_47] : memref<2x1x64x256xf32, #tpu.memory_space<vmem>> -> memref<2x1x64x256xf32, #tpu.memory_space<vmem>>
      %dma_start3A_49 = arith.constant 0 : i32
      %dma_start3A_50 = arith.constant 0 : i32
      %dma_start3A_51 = arith.constant 0 : i32
      %dma_start3A_52 = arith.constant 0 : i32
      %dma_start3A_53 = tpu.memref_slice %arg3[%dma_start3A_49, %dma_start3A_50, %dma_start3A_51, %dma_start3A_52] : memref<32x1x64x256xf32, #tpu.memory_space<hbm>> -> memref<2x1x64x256xf32, #tpu.memory_space<hbm>>
      %dma_start3A_54 = arith.constant 0 : i32
      %dma_start3A_55 = arith.constant 0 : i32
      %dma_start3A_56 = arith.constant 0 : i32
      %dma_start3A_57 = arith.constant 0 : i32
      %dma_start3A_58 = tpu.memref_slice %arg8[%dma_start3A_54, %dma_start3A_55, %dma_start3A_56, %dma_start3A_57] : memref<2x1x64x256xf32, #tpu.memory_space<vmem>> -> memref<2x1x64x256xf32, #tpu.memory_space<vmem>>
      %dma_start3A_59 = arith.constant 0 : i32
      %dma_start3A_60 = arith.constant 0 : i32
      %dma_start3A_61 = arith.constant 0 : i32
      %dma_start3A_62 = arith.constant 0 : i32
      %dma_start3A_63 = tpu.memref_slice %arg3[%dma_start3A_59, %dma_start3A_60, %dma_start3A_61, %dma_start3A_62] : memref<32x1x64x256xf32, #tpu.memory_space<hbm>> -> memref<2x1x64x256xf32, #tpu.memory_space<hbm>>
      tpu.enqueue_dma source(%dma_start3A_63 : memref<2x1x64x256xf32, #tpu.memory_space<hbm>>) target(%dma_start3A_58 : memref<2x1x64x256xf32, #tpu.memory_space<vmem>>) target_semaphore(%arg11 : memref<!tpu.dma_semaphore, #tpu.memory_space<semaphore_mem>>)
      %dma_start3A_64 = arith.constant 0 : i32
      %dma_start3A_65 = arith.constant 0 : i32
      %dma_start3A_66 = arith.constant 0 : i32
      %dma_start3A_67 = arith.constant 0 : i32
      %dma_start3A_68 = tpu.memref_slice %arg9[%dma_start3A_64, %dma_start3A_65, %dma_start3A_66, %dma_start3A_67] : memref<2x1x64x256xf32, #tpu.memory_space<vmem>> -> memref<2x1x64x256xf32, #tpu.memory_space<vmem>>
      %dma_start3A_69 = arith.constant 2 : i32
      %dma_start3A_70 = arith.constant 0 : i32
      %dma_start3A_71 = arith.constant 0 : i32
      %dma_start3A_72 = arith.constant 0 : i32
      %dma_start3A_73 = tpu.memref_slice %arg3[%dma_start3A_69, %dma_start3A_70, %dma_start3A_71, %dma_start3A_72] : memref<32x1x64x256xf32, #tpu.memory_space<hbm>> -> memref<2x1x64x256xf32, #tpu.memory_space<hbm>>
      %dma_start3A_74 = arith.constant 0 : i32
      %dma_start3A_75 = arith.constant 0 : i32
      %dma_start3A_76 = arith.constant 0 : i32
      %dma_start3A_77 = arith.constant 0 : i32
      %dma_start3A_78 = tpu.memref_slice %arg9[%dma_start3A_74, %dma_start3A_75, %dma_start3A_76, %dma_start3A_77] : memref<2x1x64x256xf32, #tpu.memory_space<vmem>> -> memref<2x1x64x256xf32, #tpu.memory_space<vmem>>
      %dma_start3A_79 = arith.constant 2 : i32
      %dma_start3A_80 = arith.constant 0 : i32
      %dma_start3A_81 = arith.constant 0 : i32
      %dma_start3A_82 = arith.constant 0 : i32
      %dma_start3A_83 = tpu.memref_slice %arg3[%dma_start3A_79, %dma_start3A_80, %dma_start3A_81, %dma_start3A_82] : memref<32x1x64x256xf32, #tpu.memory_space<hbm>> -> memref<2x1x64x256xf32, #tpu.memory_space<hbm>>
      tpu.enqueue_dma source(%dma_start3A_83 : memref<2x1x64x256xf32, #tpu.memory_space<hbm>>) target(%dma_start3A_78 : memref<2x1x64x256xf32, #tpu.memory_space<vmem>>) target_semaphore(%arg12 : memref<!tpu.dma_semaphore, #tpu.memory_space<semaphore_mem>>)
      %dma_start3A_84 = arith.constant 0 : i32
      %dma_start3A_85 = arith.constant 0 : i32
      %dma_start3A_86 = arith.constant 0 : i32
      %dma_start3A_87 = arith.constant 0 : i32
      %dma_start3A_88 = tpu.memref_slice %arg10[%dma_start3A_84, %dma_start3A_85, %dma_start3A_86, %dma_start3A_87] : memref<2x1x64x256xf32, #tpu.memory_space<vmem>> -> memref<2x1x64x256xf32, #tpu.memory_space<vmem>>
      %dma_start3A_89 = arith.constant 4 : i32
      %dma_start3A_90 = arith.constant 0 : i32
      %dma_start3A_91 = arith.constant 0 : i32
      %dma_start3A_92 = arith.constant 0 : i32
      %dma_start3A_93 = tpu.memref_slice %arg3[%dma_start3A_89, %dma_start3A_90, %dma_start3A_91, %dma_start3A_92] : memref<32x1x64x256xf32, #tpu.memory_space<hbm>> -> memref<2x1x64x256xf32, #tpu.memory_space<hbm>>
      %dma_start3A_94 = arith.constant 0 : i32
      %dma_start3A_95 = arith.constant 0 : i32
      %dma_start3A_96 = arith.constant 0 : i32
      %dma_start3A_97 = arith.constant 0 : i32
      %dma_start3A_98 = tpu.memref_slice %arg10[%dma_start3A_94, %dma_start3A_95, %dma_start3A_96, %dma_start3A_97] : memref<2x1x64x256xf32, #tpu.memory_space<vmem>> -> memref<2x1x64x256xf32, #tpu.memory_space<vmem>>
      %dma_start3A_99 = arith.constant 4 : i32
      %dma_start3A_100 = arith.constant 0 : i32
      %dma_start3A_101 = arith.constant 0 : i32
      %dma_start3A_102 = arith.constant 0 : i32
      %dma_start3A_103 = tpu.memref_slice %arg3[%dma_start3A_99, %dma_start3A_100, %dma_start3A_101, %dma_start3A_102] : memref<32x1x64x256xf32, #tpu.memory_space<hbm>> -> memref<2x1x64x256xf32, #tpu.memory_space<hbm>>
      tpu.enqueue_dma source(%dma_start3A_103 : memref<2x1x64x256xf32, #tpu.memory_space<hbm>>) target(%dma_start3A_98 : memref<2x1x64x256xf32, #tpu.memory_space<vmem>>) target_semaphore(%arg13 : memref<!tpu.dma_semaphore, #tpu.memory_space<semaphore_mem>>)
      %dma_wait3A = arith.constant 0 : i32
      %dma_wait3A_104 = arith.constant 0 : i32
      %dma_wait3A_105 = arith.constant 0 : i32
      %dma_wait3A_106 = arith.constant 0 : i32
      %dma_wait3A_107 = tpu.memref_slice %arg8[%dma_wait3A, %dma_wait3A_104, %dma_wait3A_105, %dma_wait3A_106] : memref<2x1x64x256xf32, #tpu.memory_space<vmem>> -> memref<2x1x64x256xf32, #tpu.memory_space<vmem>>
      %dma_wait3A_108 = arith.constant 0 : i32
      %dma_wait3A_109 = arith.constant 0 : i32
      %dma_wait3A_110 = arith.constant 0 : i32
      %dma_wait3A_111 = arith.constant 0 : i32
      %dma_wait3A_112 = tpu.memref_slice %arg3[%dma_wait3A_108, %dma_wait3A_109, %dma_wait3A_110, %dma_wait3A_111] : memref<32x1x64x256xf32, #tpu.memory_space<hbm>> -> memref<2x1x64x256xf32, #tpu.memory_space<hbm>>
      %dma_wait3A_113 = arith.constant 0 : i32
      %dma_wait3A_114 = arith.constant 0 : i32
      %dma_wait3A_115 = arith.constant 0 : i32
      %dma_wait3A_116 = arith.constant 0 : i32
      %dma_wait3A_117 = tpu.memref_slice %arg8[%dma_wait3A_113, %dma_wait3A_114, %dma_wait3A_115, %dma_wait3A_116] : memref<2x1x64x256xf32, #tpu.memory_space<vmem>> -> memref<2x1x64x256xf32, #tpu.memory_space<vmem>>
      %dma_wait3A_118 = arith.constant 0 : i32
      %dma_wait3A_119 = arith.constant 0 : i32
      %dma_wait3A_120 = arith.constant 0 : i32
      %dma_wait3A_121 = arith.constant 0 : i32
      %dma_wait3A_122 = tpu.memref_slice %arg3[%dma_wait3A_118, %dma_wait3A_119, %dma_wait3A_120, %dma_wait3A_121] : memref<32x1x64x256xf32, #tpu.memory_space<hbm>> -> memref<2x1x64x256xf32, #tpu.memory_space<hbm>>
      tpu.wait_dma2 semaphore(%arg11 : memref<!tpu.dma_semaphore, #tpu.memory_space<semaphore_mem>>) src(%dma_wait3A_122 : memref<2x1x64x256xf32, #tpu.memory_space<hbm>>) dst(%dma_wait3A_117 : memref<2x1x64x256xf32, #tpu.memory_space<vmem>>)
      %dma_start3A_123 = arith.constant 0 : i32
      %dma_start3A_124 = arith.constant 0 : i32
      %dma_start3A_125 = arith.constant 0 : i32
      %dma_start3A_126 = arith.constant 0 : i32
      %dma_start3A_127 = tpu.memref_slice %arg8[%dma_start3A_123, %dma_start3A_124, %dma_start3A_125, %dma_start3A_126] : memref<2x1x64x256xf32, #tpu.memory_space<vmem>> -> memref<2x1x64x256xf32, #tpu.memory_space<vmem>>
      %dma_start3A_128 = arith.constant 0 : i32
      %dma_start3A_129 = arith.constant 0 : i32
      %dma_start3A_130 = arith.constant 0 : i32
      %dma_start3A_131 = tpu.memref_slice %arg6[%add3A_14, %dma_start3A_128, %dma_start3A_129, %dma_start3A_130] : memref<1024x1x64x256xf32, #tpu.memory_space<hbm>> -> memref<2x1x64x256xf32, #tpu.memory_space<hbm>>
      %dma_start3A_132 = arith.constant 0 : i32
      %dma_start3A_133 = arith.constant 0 : i32
      %dma_start3A_134 = arith.constant 0 : i32
      %dma_start3A_135 = tpu.memref_slice %arg6[%add3A_14, %dma_start3A_132, %dma_start3A_133, %dma_start3A_134] : memref<1024x1x64x256xf32, #tpu.memory_space<hbm>> -> memref<2x1x64x256xf32, #tpu.memory_space<hbm>>
      %dma_start3A_136 = arith.constant 0 : i32
      %dma_start3A_137 = arith.constant 0 : i32
      %dma_start3A_138 = arith.constant 0 : i32
      %dma_start3A_139 = arith.constant 0 : i32
      %dma_start3A_140 = tpu.memref_slice %arg8[%dma_start3A_136, %dma_start3A_137, %dma_start3A_138, %dma_start3A_139] : memref<2x1x64x256xf32, #tpu.memory_space<vmem>> -> memref<2x1x64x256xf32, #tpu.memory_space<vmem>>
      tpu.enqueue_dma source(%dma_start3A_140 : memref<2x1x64x256xf32, #tpu.memory_space<vmem>>) target(%dma_start3A_135 : memref<2x1x64x256xf32, #tpu.memory_space<hbm>>) target_semaphore(%arg14 : memref<!tpu.dma_semaphore, #tpu.memory_space<semaphore_mem>>)
      %dma_wait3A_141 = arith.constant 0 : i32
      %dma_wait3A_142 = arith.constant 0 : i32
      %dma_wait3A_143 = arith.constant 0 : i32
      %dma_wait3A_144 = arith.constant 0 : i32
      %dma_wait3A_145 = tpu.memref_slice %arg8[%dma_wait3A_141, %dma_wait3A_142, %dma_wait3A_143, %dma_wait3A_144] : memref<2x1x64x256xf32, #tpu.memory_space<vmem>> -> memref<2x1x64x256xf32, #tpu.memory_space<vmem>>
      %dma_wait3A_146 = arith.constant 0 : i32
      %dma_wait3A_147 = arith.constant 0 : i32
      %dma_wait3A_148 = arith.constant 0 : i32
      %dma_wait3A_149 = tpu.memref_slice %arg6[%add3A_14, %dma_wait3A_146, %dma_wait3A_147, %dma_wait3A_148] : memref<1024x1x64x256xf32, #tpu.memory_space<hbm>> -> memref<2x1x64x256xf32, #tpu.memory_space<hbm>>
      %dma_wait3A_150 = arith.constant 0 : i32
      %dma_wait3A_151 = arith.constant 0 : i32
      %dma_wait3A_152 = arith.constant 0 : i32
      %dma_wait3A_153 = tpu.memref_slice %arg6[%add3A_14, %dma_wait3A_150, %dma_wait3A_151, %dma_wait3A_152] : memref<1024x1x64x256xf32, #tpu.memory_space<hbm>> -> memref<2x1x64x256xf32, #tpu.memory_space<hbm>>
      %dma_wait3A_154 = arith.constant 0 : i32
      %dma_wait3A_155 = arith.constant 0 : i32
      %dma_wait3A_156 = arith.constant 0 : i32
      %dma_wait3A_157 = arith.constant 0 : i32
      %dma_wait3A_158 = tpu.memref_slice %arg8[%dma_wait3A_154, %dma_wait3A_155, %dma_wait3A_156, %dma_wait3A_157] : memref<2x1x64x256xf32, #tpu.memory_space<vmem>> -> memref<2x1x64x256xf32, #tpu.memory_space<vmem>>
      tpu.wait_dma2 semaphore(%arg14 : memref<!tpu.dma_semaphore, #tpu.memory_space<semaphore_mem>>) src(%dma_wait3A_158 : memref<2x1x64x256xf32, #tpu.memory_space<vmem>>) dst(%dma_wait3A_153 : memref<2x1x64x256xf32, #tpu.memory_space<hbm>>)
      %dma_start3A_159 = arith.constant 0 : i32
      %dma_start3A_160 = arith.constant 0 : i32
      %dma_start3A_161 = arith.constant 0 : i32
      %dma_start3A_162 = arith.constant 0 : i32
      %dma_start3A_163 = tpu.memref_slice %arg8[%dma_start3A_159, %dma_start3A_160, %dma_start3A_161, %dma_start3A_162] : memref<2x1x64x256xf32, #tpu.memory_space<vmem>> -> memref<2x1x64x256xf32, #tpu.memory_space<vmem>>
      %dma_start3A_164 = arith.constant 6 : i32
      %dma_start3A_165 = arith.constant 0 : i32
      %dma_start3A_166 = arith.constant 0 : i32
      %dma_start3A_167 = arith.constant 0 : i32
      %dma_start3A_168 = tpu.memref_slice %arg3[%dma_start3A_164, %dma_start3A_165, %dma_start3A_166, %dma_start3A_167] : memref<32x1x64x256xf32, #tpu.memory_space<hbm>> -> memref<2x1x64x256xf32, #tpu.memory_space<hbm>>
      %dma_start3A_169 = arith.constant 0 : i32
      %dma_start3A_170 = arith.constant 0 : i32
      %dma_start3A_171 = arith.constant 0 : i32
      %dma_start3A_172 = arith.constant 0 : i32
      %dma_start3A_173 = tpu.memref_slice %arg8[%dma_start3A_169, %dma_start3A_170, %dma_start3A_171, %dma_start3A_172] : memref<2x1x64x256xf32, #tpu.memory_space<vmem>> -> memref<2x1x64x256xf32, #tpu.memory_space<vmem>>
      %dma_start3A_174 = arith.constant 6 : i32
      %dma_start3A_175 = arith.constant 0 : i32
      %dma_start3A_176 = arith.constant 0 : i32
      %dma_start3A_177 = arith.constant 0 : i32
      %dma_start3A_178 = tpu.memref_slice %arg3[%dma_start3A_174, %dma_start3A_175, %dma_start3A_176, %dma_start3A_177] : memref<32x1x64x256xf32, #tpu.memory_space<hbm>> -> memref<2x1x64x256xf32, #tpu.memory_space<hbm>>
      tpu.enqueue_dma source(%dma_start3A_178 : memref<2x1x64x256xf32, #tpu.memory_space<hbm>>) target(%dma_start3A_173 : memref<2x1x64x256xf32, #tpu.memory_space<vmem>>) target_semaphore(%arg11 : memref<!tpu.dma_semaphore, #tpu.memory_space<semaphore_mem>>)
      %dma_wait3A_179 = arith.constant 0 : i32
      %dma_wait3A_180 = arith.constant 0 : i32
      %dma_wait3A_181 = arith.constant 0 : i32
      %dma_wait3A_182 = arith.constant 0 : i32
      %dma_wait3A_183 = tpu.memref_slice %arg9[%dma_wait3A_179, %dma_wait3A_180, %dma_wait3A_181, %dma_wait3A_182] : memref<2x1x64x256xf32, #tpu.memory_space<vmem>> -> memref<2x1x64x256xf32, #tpu.memory_space<vmem>>
      %dma_wait3A_184 = arith.constant 2 : i32
      %dma_wait3A_185 = arith.constant 0 : i32
      %dma_wait3A_186 = arith.constant 0 : i32
      %dma_wait3A_187 = arith.constant 0 : i32
      %dma_wait3A_188 = tpu.memref_slice %arg3[%dma_wait3A_184, %dma_wait3A_185, %dma_wait3A_186, %dma_wait3A_187] : memref<32x1x64x256xf32, #tpu.memory_space<hbm>> -> memref<2x1x64x256xf32, #tpu.memory_space<hbm>>
      %dma_wait3A_189 = arith.constant 0 : i32
      %dma_wait3A_190 = arith.constant 0 : i32
      %dma_wait3A_191 = arith.constant 0 : i32
      %dma_wait3A_192 = arith.constant 0 : i32
      %dma_wait3A_193 = tpu.memref_slice %arg9[%dma_wait3A_189, %dma_wait3A_190, %dma_wait3A_191, %dma_wait3A_192] : memref<2x1x64x256xf32, #tpu.memory_space<vmem>> -> memref<2x1x64x256xf32, #tpu.memory_space<vmem>>
      %dma_wait3A_194 = arith.constant 2 : i32
      %dma_wait3A_195 = arith.constant 0 : i32
      %dma_wait3A_196 = arith.constant 0 : i32
      %dma_wait3A_197 = arith.constant 0 : i32
      %dma_wait3A_198 = tpu.memref_slice %arg3[%dma_wait3A_194, %dma_wait3A_195, %dma_wait3A_196, %dma_wait3A_197] : memref<32x1x64x256xf32, #tpu.memory_space<hbm>> -> memref<2x1x64x256xf32, #tpu.memory_space<hbm>>
      tpu.wait_dma2 semaphore(%arg12 : memref<!tpu.dma_semaphore, #tpu.memory_space<semaphore_mem>>) src(%dma_wait3A_198 : memref<2x1x64x256xf32, #tpu.memory_space<hbm>>) dst(%dma_wait3A_193 : memref<2x1x64x256xf32, #tpu.memory_space<vmem>>)
      %dma_start3A_199 = arith.constant 0 : i32
      %dma_start3A_200 = arith.constant 0 : i32
      %dma_start3A_201 = arith.constant 0 : i32
      %dma_start3A_202 = arith.constant 0 : i32
      %dma_start3A_203 = tpu.memref_slice %arg9[%dma_start3A_199, %dma_start3A_200, %dma_start3A_201, %dma_start3A_202] : memref<2x1x64x256xf32, #tpu.memory_space<vmem>> -> memref<2x1x64x256xf32, #tpu.memory_space<vmem>>
      %dma_start3A_204 = arith.constant 0 : i32
      %dma_start3A_205 = arith.constant 0 : i32
      %dma_start3A_206 = arith.constant 0 : i32
      %dma_start3A_207 = tpu.memref_slice %arg6[%add3A_16, %dma_start3A_204, %dma_start3A_205, %dma_start3A_206] : memref<1024x1x64x256xf32, #tpu.memory_space<hbm>> -> memref<2x1x64x256xf32, #tpu.memory_space<hbm>>
      %dma_start3A_208 = arith.constant 0 : i32
      %dma_start3A_209 = arith.constant 0 : i32
      %dma_start3A_210 = arith.constant 0 : i32
      %dma_start3A_211 = tpu.memref_slice %arg6[%add3A_16, %dma_start3A_208, %dma_start3A_209, %dma_start3A_210] : memref<1024x1x64x256xf32, #tpu.memory_space<hbm>> -> memref<2x1x64x256xf32, #tpu.memory_space<hbm>>
      %dma_start3A_212 = arith.constant 0 : i32
      %dma_start3A_213 = arith.constant 0 : i32
      %dma_start3A_214 = arith.constant 0 : i32
      %dma_start3A_215 = arith.constant 0 : i32
      %dma_start3A_216 = tpu.memref_slice %arg9[%dma_start3A_212, %dma_start3A_213, %dma_start3A_214, %dma_start3A_215] : memref<2x1x64x256xf32, #tpu.memory_space<vmem>> -> memref<2x1x64x256xf32, #tpu.memory_space<vmem>>
      tpu.enqueue_dma source(%dma_start3A_216 : memref<2x1x64x256xf32, #tpu.memory_space<vmem>>) target(%dma_start3A_211 : memref<2x1x64x256xf32, #tpu.memory_space<hbm>>) target_semaphore(%arg15 : memref<!tpu.dma_semaphore, #tpu.memory_space<semaphore_mem>>)
      %dma_wait3A_217 = arith.constant 0 : i32
      %dma_wait3A_218 = arith.constant 0 : i32
      %dma_wait3A_219 = arith.constant 0 : i32
      %dma_wait3A_220 = arith.constant 0 : i32
      %dma_wait3A_221 = tpu.memref_slice %arg9[%dma_wait3A_217, %dma_wait3A_218, %dma_wait3A_219, %dma_wait3A_220] : memref<2x1x64x256xf32, #tpu.memory_space<vmem>> -> memref<2x1x64x256xf32, #tpu.memory_space<vmem>>
      %dma_wait3A_222 = arith.constant 0 : i32
      %dma_wait3A_223 = arith.constant 0 : i32
      %dma_wait3A_224 = arith.constant 0 : i32
      %dma_wait3A_225 = tpu.memref_slice %arg6[%add3A_16, %dma_wait3A_222, %dma_wait3A_223, %dma_wait3A_224] : memref<1024x1x64x256xf32, #tpu.memory_space<hbm>> -> memref<2x1x64x256xf32, #tpu.memory_space<hbm>>
      %dma_wait3A_226 = arith.constant 0 : i32
      %dma_wait3A_227 = arith.constant 0 : i32
      %dma_wait3A_228 = arith.constant 0 : i32
      %dma_wait3A_229 = tpu.memref_slice %arg6[%add3A_16, %dma_wait3A_226, %dma_wait3A_227, %dma_wait3A_228] : memref<1024x1x64x256xf32, #tpu.memory_space<hbm>> -> memref<2x1x64x256xf32, #tpu.memory_space<hbm>>
      %dma_wait3A_230 = arith.constant 0 : i32
      %dma_wait3A_231 = arith.constant 0 : i32
      %dma_wait3A_232 = arith.constant 0 : i32
      %dma_wait3A_233 = arith.constant 0 : i32
      %dma_wait3A_234 = tpu.memref_slice %arg9[%dma_wait3A_230, %dma_wait3A_231, %dma_wait3A_232, %dma_wait3A_233] : memref<2x1x64x256xf32, #tpu.memory_space<vmem>> -> memref<2x1x64x256xf32, #tpu.memory_space<vmem>>
      tpu.wait_dma2 semaphore(%arg15 : memref<!tpu.dma_semaphore, #tpu.memory_space<semaphore_mem>>) src(%dma_wait3A_234 : memref<2x1x64x256xf32, #tpu.memory_space<vmem>>) dst(%dma_wait3A_229 : memref<2x1x64x256xf32, #tpu.memory_space<hbm>>)
      %dma_start3A_235 = arith.constant 0 : i32
      %dma_start3A_236 = arith.constant 0 : i32
      %dma_start3A_237 = arith.constant 0 : i32
      %dma_start3A_238 = arith.constant 0 : i32
      %dma_start3A_239 = tpu.memref_slice %arg9[%dma_start3A_235, %dma_start3A_236, %dma_start3A_237, %dma_start3A_238] : memref<2x1x64x256xf32, #tpu.memory_space<vmem>> -> memref<2x1x64x256xf32, #tpu.memory_space<vmem>>
      %dma_start3A_240 = arith.constant 8 : i32
      %dma_start3A_241 = arith.constant 0 : i32
      %dma_start3A_242 = arith.constant 0 : i32
      %dma_start3A_243 = arith.constant 0 : i32
      %dma_start3A_244 = tpu.memref_slice %arg3[%dma_start3A_240, %dma_start3A_241, %dma_start3A_242, %dma_start3A_243] : memref<32x1x64x256xf32, #tpu.memory_space<hbm>> -> memref<2x1x64x256xf32, #tpu.memory_space<hbm>>
      %dma_start3A_245 = arith.constant 0 : i32
      %dma_start3A_246 = arith.constant 0 : i32
      %dma_start3A_247 = arith.constant 0 : i32
      %dma_start3A_248 = arith.constant 0 : i32
      %dma_start3A_249 = tpu.memref_slice %arg9[%dma_start3A_245, %dma_start3A_246, %dma_start3A_247, %dma_start3A_248] : memref<2x1x64x256xf32, #tpu.memory_space<vmem>> -> memref<2x1x64x256xf32, #tpu.memory_space<vmem>>
      %dma_start3A_250 = arith.constant 8 : i32
      %dma_start3A_251 = arith.constant 0 : i32
      %dma_start3A_252 = arith.constant 0 : i32
      %dma_start3A_253 = arith.constant 0 : i32
      %dma_start3A_254 = tpu.memref_slice %arg3[%dma_start3A_250, %dma_start3A_251, %dma_start3A_252, %dma_start3A_253] : memref<32x1x64x256xf32, #tpu.memory_space<hbm>> -> memref<2x1x64x256xf32, #tpu.memory_space<hbm>>
      tpu.enqueue_dma source(%dma_start3A_254 : memref<2x1x64x256xf32, #tpu.memory_space<hbm>>) target(%dma_start3A_249 : memref<2x1x64x256xf32, #tpu.memory_space<vmem>>) target_semaphore(%arg12 : memref<!tpu.dma_semaphore, #tpu.memory_space<semaphore_mem>>)
      %dma_wait3A_255 = arith.constant 0 : i32
      %dma_wait3A_256 = arith.constant 0 : i32
      %dma_wait3A_257 = arith.constant 0 : i32
      %dma_wait3A_258 = arith.constant 0 : i32
      %dma_wait3A_259 = tpu.memref_slice %arg10[%dma_wait3A_255, %dma_wait3A_256, %dma_wait3A_257, %dma_wait3A_258] : memref<2x1x64x256xf32, #tpu.memory_space<vmem>> -> memref<2x1x64x256xf32, #tpu.memory_space<vmem>>
      %dma_wait3A_260 = arith.constant 4 : i32
      %dma_wait3A_261 = arith.constant 0 : i32
      %dma_wait3A_262 = arith.constant 0 : i32
      %dma_wait3A_263 = arith.constant 0 : i32
      %dma_wait3A_264 = tpu.memref_slice %arg3[%dma_wait3A_260, %dma_wait3A_261, %dma_wait3A_262, %dma_wait3A_263] : memref<32x1x64x256xf32, #tpu.memory_space<hbm>> -> memref<2x1x64x256xf32, #tpu.memory_space<hbm>>
      %dma_wait3A_265 = arith.constant 0 : i32
      %dma_wait3A_266 = arith.constant 0 : i32
      %dma_wait3A_267 = arith.constant 0 : i32
      %dma_wait3A_268 = arith.constant 0 : i32
      %dma_wait3A_269 = tpu.memref_slice %arg10[%dma_wait3A_265, %dma_wait3A_266, %dma_wait3A_267, %dma_wait3A_268] : memref<2x1x64x256xf32, #tpu.memory_space<vmem>> -> memref<2x1x64x256xf32, #tpu.memory_space<vmem>>
      %dma_wait3A_270 = arith.constant 4 : i32
      %dma_wait3A_271 = arith.constant 0 : i32
      %dma_wait3A_272 = arith.constant 0 : i32
      %dma_wait3A_273 = arith.constant 0 : i32
      %dma_wait3A_274 = tpu.memref_slice %arg3[%dma_wait3A_270, %dma_wait3A_271, %dma_wait3A_272, %dma_wait3A_273] : memref<32x1x64x256xf32, #tpu.memory_space<hbm>> -> memref<2x1x64x256xf32, #tpu.memory_space<hbm>>
      tpu.wait_dma2 semaphore(%arg13 : memref<!tpu.dma_semaphore, #tpu.memory_space<semaphore_mem>>) src(%dma_wait3A_274 : memref<2x1x64x256xf32, #tpu.memory_space<hbm>>) dst(%dma_wait3A_269 : memref<2x1x64x256xf32, #tpu.memory_space<vmem>>)
      %dma_start3A_275 = arith.constant 0 : i32
      %dma_start3A_276 = arith.constant 0 : i32
      %dma_start3A_277 = arith.constant 0 : i32
      %dma_start3A_278 = arith.constant 0 : i32
      %dma_start3A_279 = tpu.memref_slice %arg10[%dma_start3A_275, %dma_start3A_276, %dma_start3A_277, %dma_start3A_278] : memref<2x1x64x256xf32, #tpu.memory_space<vmem>> -> memref<2x1x64x256xf32, #tpu.memory_space<vmem>>
      %dma_start3A_280 = arith.constant 0 : i32
      %dma_start3A_281 = arith.constant 0 : i32
      %dma_start3A_282 = arith.constant 0 : i32
      %dma_start3A_283 = tpu.memref_slice %arg6[%add3A_18, %dma_start3A_280, %dma_start3A_281, %dma_start3A_282] : memref<1024x1x64x256xf32, #tpu.memory_space<hbm>> -> memref<2x1x64x256xf32, #tpu.memory_space<hbm>>
      %dma_start3A_284 = arith.constant 0 : i32
      %dma_start3A_285 = arith.constant 0 : i32
      %dma_start3A_286 = arith.constant 0 : i32
      %dma_start3A_287 = tpu.memref_slice %arg6[%add3A_18, %dma_start3A_284, %dma_start3A_285, %dma_start3A_286] : memref<1024x1x64x256xf32, #tpu.memory_space<hbm>> -> memref<2x1x64x256xf32, #tpu.memory_space<hbm>>
      %dma_start3A_288 = arith.constant 0 : i32
      %dma_start3A_289 = arith.constant 0 : i32
      %dma_start3A_290 = arith.constant 0 : i32
      %dma_start3A_291 = arith.constant 0 : i32
      %dma_start3A_292 = tpu.memref_slice %arg10[%dma_start3A_288, %dma_start3A_289, %dma_start3A_290, %dma_start3A_291] : memref<2x1x64x256xf32, #tpu.memory_space<vmem>> -> memref<2x1x64x256xf32, #tpu.memory_space<vmem>>
      tpu.enqueue_dma source(%dma_start3A_292 : memref<2x1x64x256xf32, #tpu.memory_space<vmem>>) target(%dma_start3A_287 : memref<2x1x64x256xf32, #tpu.memory_space<hbm>>) target_semaphore(%arg16 : memref<!tpu.dma_semaphore, #tpu.memory_space<semaphore_mem>>)
      %dma_wait3A_293 = arith.constant 0 : i32
      %dma_wait3A_294 = arith.constant 0 : i32
      %dma_wait3A_295 = arith.constant 0 : i32
      %dma_wait3A_296 = arith.constant 0 : i32
      %dma_wait3A_297 = tpu.memref_slice %arg10[%dma_wait3A_293, %dma_wait3A_294, %dma_wait3A_295, %dma_wait3A_296] : memref<2x1x64x256xf32, #tpu.memory_space<vmem>> -> memref<2x1x64x256xf32, #tpu.memory_space<vmem>>
      %dma_wait3A_298 = arith.constant 0 : i32
      %dma_wait3A_299 = arith.constant 0 : i32
      %dma_wait3A_300 = arith.constant 0 : i32
      %dma_wait3A_301 = tpu.memref_slice %arg6[%add3A_18, %dma_wait3A_298, %dma_wait3A_299, %dma_wait3A_300] : memref<1024x1x64x256xf32, #tpu.memory_space<hbm>> -> memref<2x1x64x256xf32, #tpu.memory_space<hbm>>
      %dma_wait3A_302 = arith.constant 0 : i32
      %dma_wait3A_303 = arith.constant 0 : i32
      %dma_wait3A_304 = arith.constant 0 : i32
      %dma_wait3A_305 = tpu.memref_slice %arg6[%add3A_18, %dma_wait3A_302, %dma_wait3A_303, %dma_wait3A_304] : memref<1024x1x64x256xf32, #tpu.memory_space<hbm>> -> memref<2x1x64x256xf32, #tpu.memory_space<hbm>>
      %dma_wait3A_306 = arith.constant 0 : i32
      %dma_wait3A_307 = arith.constant 0 : i32
      %dma_wait3A_308 = arith.constant 0 : i32
      %dma_wait3A_309 = arith.constant 0 : i32
      %dma_wait3A_310 = tpu.memref_slice %arg10[%dma_wait3A_306, %dma_wait3A_307, %dma_wait3A_308, %dma_wait3A_309] : memref<2x1x64x256xf32, #tpu.memory_space<vmem>> -> memref<2x1x64x256xf32, #tpu.memory_space<vmem>>
      tpu.wait_dma2 semaphore(%arg16 : memref<!tpu.dma_semaphore, #tpu.memory_space<semaphore_mem>>) src(%dma_wait3A_310 : memref<2x1x64x256xf32, #tpu.memory_space<vmem>>) dst(%dma_wait3A_305 : memref<2x1x64x256xf32, #tpu.memory_space<hbm>>)
      %dma_start3A_311 = arith.constant 0 : i32
      %dma_start3A_312 = arith.constant 0 : i32
      %dma_start3A_313 = arith.constant 0 : i32
      %dma_start3A_314 = arith.constant 0 : i32
      %dma_start3A_315 = tpu.memref_slice %arg10[%dma_start3A_311, %dma_start3A_312, %dma_start3A_313, %dma_start3A_314] : memref<2x1x64x256xf32, #tpu.memory_space<vmem>> -> memref<2x1x64x256xf32, #tpu.memory_space<vmem>>
      %dma_start3A_316 = arith.constant 10 : i32
      %dma_start3A_317 = arith.constant 0 : i32
      %dma_start3A_318 = arith.constant 0 : i32
      %dma_start3A_319 = arith.constant 0 : i32
      %dma_start3A_320 = tpu.memref_slice %arg3[%dma_start3A_316, %dma_start3A_317, %dma_start3A_318, %dma_start3A_319] : memref<32x1x64x256xf32, #tpu.memory_space<hbm>> -> memref<2x1x64x256xf32, #tpu.memory_space<hbm>>
      %dma_start3A_321 = arith.constant 0 : i32
      %dma_start3A_322 = arith.constant 0 : i32
      %dma_start3A_323 = arith.constant 0 : i32
      %dma_start3A_324 = arith.constant 0 : i32
      %dma_start3A_325 = tpu.memref_slice %arg10[%dma_start3A_321, %dma_start3A_322, %dma_start3A_323, %dma_start3A_324] : memref<2x1x64x256xf32, #tpu.memory_space<vmem>> -> memref<2x1x64x256xf32, #tpu.memory_space<vmem>>
      %dma_start3A_326 = arith.constant 10 : i32
      %dma_start3A_327 = arith.constant 0 : i32
      %dma_start3A_328 = arith.constant 0 : i32
      %dma_start3A_329 = arith.constant 0 : i32
      %dma_start3A_330 = tpu.memref_slice %arg3[%dma_start3A_326, %dma_start3A_327, %dma_start3A_328, %dma_start3A_329] : memref<32x1x64x256xf32, #tpu.memory_space<hbm>> -> memref<2x1x64x256xf32, #tpu.memory_space<hbm>>
      tpu.enqueue_dma source(%dma_start3A_330 : memref<2x1x64x256xf32, #tpu.memory_space<hbm>>) target(%dma_start3A_325 : memref<2x1x64x256xf32, #tpu.memory_space<vmem>>) target_semaphore(%arg13 : memref<!tpu.dma_semaphore, #tpu.memory_space<semaphore_mem>>)
      %dma_wait3A_331 = arith.constant 0 : i32
      %dma_wait3A_332 = arith.constant 0 : i32
      %dma_wait3A_333 = arith.constant 0 : i32
      %dma_wait3A_334 = arith.constant 0 : i32
      %dma_wait3A_335 = tpu.memref_slice %arg8[%dma_wait3A_331, %dma_wait3A_332, %dma_wait3A_333, %dma_wait3A_334] : memref<2x1x64x256xf32, #tpu.memory_space<vmem>> -> memref<2x1x64x256xf32, #tpu.memory_space<vmem>>
      %dma_wait3A_336 = arith.constant 6 : i32
      %dma_wait3A_337 = arith.constant 0 : i32
      %dma_wait3A_338 = arith.constant 0 : i32
      %dma_wait3A_339 = arith.constant 0 : i32
      %dma_wait3A_340 = tpu.memref_slice %arg3[%dma_wait3A_336, %dma_wait3A_337, %dma_wait3A_338, %dma_wait3A_339] : memref<32x1x64x256xf32, #tpu.memory_space<hbm>> -> memref<2x1x64x256xf32, #tpu.memory_space<hbm>>
      %dma_wait3A_341 = arith.constant 0 : i32
      %dma_wait3A_342 = arith.constant 0 : i32
      %dma_wait3A_343 = arith.constant 0 : i32
      %dma_wait3A_344 = arith.constant 0 : i32
      %dma_wait3A_345 = tpu.memref_slice %arg8[%dma_wait3A_341, %dma_wait3A_342, %dma_wait3A_343, %dma_wait3A_344] : memref<2x1x64x256xf32, #tpu.memory_space<vmem>> -> memref<2x1x64x256xf32, #tpu.memory_space<vmem>>
      %dma_wait3A_346 = arith.constant 6 : i32
      %dma_wait3A_347 = arith.constant 0 : i32
      %dma_wait3A_348 = arith.constant 0 : i32
      %dma_wait3A_349 = arith.constant 0 : i32
      %dma_wait3A_350 = tpu.memref_slice %arg3[%dma_wait3A_346, %dma_wait3A_347, %dma_wait3A_348, %dma_wait3A_349] : memref<32x1x64x256xf32, #tpu.memory_space<hbm>> -> memref<2x1x64x256xf32, #tpu.memory_space<hbm>>
      tpu.wait_dma2 semaphore(%arg11 : memref<!tpu.dma_semaphore, #tpu.memory_space<semaphore_mem>>) src(%dma_wait3A_350 : memref<2x1x64x256xf32, #tpu.memory_space<hbm>>) dst(%dma_wait3A_345 : memref<2x1x64x256xf32, #tpu.memory_space<vmem>>)
      %dma_start3A_351 = arith.constant 0 : i32
      %dma_start3A_352 = arith.constant 0 : i32
      %dma_start3A_353 = arith.constant 0 : i32
      %dma_start3A_354 = arith.constant 0 : i32
      %dma_start3A_355 = tpu.memref_slice %arg8[%dma_start3A_351, %dma_start3A_352, %dma_start3A_353, %dma_start3A_354] : memref<2x1x64x256xf32, #tpu.memory_space<vmem>> -> memref<2x1x64x256xf32, #tpu.memory_space<vmem>>
      %dma_start3A_356 = arith.constant 0 : i32
      %dma_start3A_357 = arith.constant 0 : i32
      %dma_start3A_358 = arith.constant 0 : i32
      %dma_start3A_359 = tpu.memref_slice %arg6[%add3A_20, %dma_start3A_356, %dma_start3A_357, %dma_start3A_358] : memref<1024x1x64x256xf32, #tpu.memory_space<hbm>> -> memref<2x1x64x256xf32, #tpu.memory_space<hbm>>
      %dma_start3A_360 = arith.constant 0 : i32
      %dma_start3A_361 = arith.constant 0 : i32
      %dma_start3A_362 = arith.constant 0 : i32
      %dma_start3A_363 = tpu.memref_slice %arg6[%add3A_20, %dma_start3A_360, %dma_start3A_361, %dma_start3A_362] : memref<1024x1x64x256xf32, #tpu.memory_space<hbm>> -> memref<2x1x64x256xf32, #tpu.memory_space<hbm>>
      %dma_start3A_364 = arith.constant 0 : i32
      %dma_start3A_365 = arith.constant 0 : i32
      %dma_start3A_366 = arith.constant 0 : i32
      %dma_start3A_367 = arith.constant 0 : i32
      %dma_start3A_368 = tpu.memref_slice %arg8[%dma_start3A_364, %dma_start3A_365, %dma_start3A_366, %dma_start3A_367] : memref<2x1x64x256xf32, #tpu.memory_space<vmem>> -> memref<2x1x64x256xf32, #tpu.memory_space<vmem>>
      tpu.enqueue_dma source(%dma_start3A_368 : memref<2x1x64x256xf32, #tpu.memory_space<vmem>>) target(%dma_start3A_363 : memref<2x1x64x256xf32, #tpu.memory_space<hbm>>) target_semaphore(%arg14 : memref<!tpu.dma_semaphore, #tpu.memory_space<semaphore_mem>>)
      %dma_wait3A_369 = arith.constant 0 : i32
      %dma_wait3A_370 = arith.constant 0 : i32
      %dma_wait3A_371 = arith.constant 0 : i32
      %dma_wait3A_372 = arith.constant 0 : i32
      %dma_wait3A_373 = tpu.memref_slice %arg8[%dma_wait3A_369, %dma_wait3A_370, %dma_wait3A_371, %dma_wait3A_372] : memref<2x1x64x256xf32, #tpu.memory_space<vmem>> -> memref<2x1x64x256xf32, #tpu.memory_space<vmem>>
      %dma_wait3A_374 = arith.constant 0 : i32
      %dma_wait3A_375 = arith.constant 0 : i32
      %dma_wait3A_376 = arith.constant 0 : i32
      %dma_wait3A_377 = tpu.memref_slice %arg6[%add3A_20, %dma_wait3A_374, %dma_wait3A_375, %dma_wait3A_376] : memref<1024x1x64x256xf32, #tpu.memory_space<hbm>> -> memref<2x1x64x256xf32, #tpu.memory_space<hbm>>
      %dma_wait3A_378 = arith.constant 0 : i32
      %dma_wait3A_379 = arith.constant 0 : i32
      %dma_wait3A_380 = arith.constant 0 : i32
      %dma_wait3A_381 = tpu.memref_slice %arg6[%add3A_20, %dma_wait3A_378, %dma_wait3A_379, %dma_wait3A_380] : memref<1024x1x64x256xf32, #tpu.memory_space<hbm>> -> memref<2x1x64x256xf32, #tpu.memory_space<hbm>>
      %dma_wait3A_382 = arith.constant 0 : i32
      %dma_wait3A_383 = arith.constant 0 : i32
      %dma_wait3A_384 = arith.constant 0 : i32
      %dma_wait3A_385 = arith.constant 0 : i32
      %dma_wait3A_386 = tpu.memref_slice %arg8[%dma_wait3A_382, %dma_wait3A_383, %dma_wait3A_384, %dma_wait3A_385] : memref<2x1x64x256xf32, #tpu.memory_space<vmem>> -> memref<2x1x64x256xf32, #tpu.memory_space<vmem>>
      tpu.wait_dma2 semaphore(%arg14 : memref<!tpu.dma_semaphore, #tpu.memory_space<semaphore_mem>>) src(%dma_wait3A_386 : memref<2x1x64x256xf32, #tpu.memory_space<vmem>>) dst(%dma_wait3A_381 : memref<2x1x64x256xf32, #tpu.memory_space<hbm>>)
      %dma_start3A_387 = arith.constant 0 : i32
      %dma_start3A_388 = arith.constant 0 : i32
      %dma_start3A_389 = arith.constant 0 : i32
      %dma_start3A_390 = arith.constant 0 : i32
      %dma_start3A_391 = tpu.memref_slice %arg8[%dma_start3A_387, %dma_start3A_388, %dma_start3A_389, %dma_start3A_390] : memref<2x1x64x256xf32, #tpu.memory_space<vmem>> -> memref<2x1x64x256xf32, #tpu.memory_space<vmem>>
      %dma_start3A_392 = arith.constant 12 : i32
      %dma_start3A_393 = arith.constant 0 : i32
      %dma_start3A_394 = arith.constant 0 : i32
      %dma_start3A_395 = arith.constant 0 : i32
      %dma_start3A_396 = tpu.memref_slice %arg3[%dma_start3A_392, %dma_start3A_393, %dma_start3A_394, %dma_start3A_395] : memref<32x1x64x256xf32, #tpu.memory_space<hbm>> -> memref<2x1x64x256xf32, #tpu.memory_space<hbm>>
      %dma_start3A_397 = arith.constant 0 : i32
      %dma_start3A_398 = arith.constant 0 : i32
      %dma_start3A_399 = arith.constant 0 : i32
      %dma_start3A_400 = arith.constant 0 : i32
      %dma_start3A_401 = tpu.memref_slice %arg8[%dma_start3A_397, %dma_start3A_398, %dma_start3A_399, %dma_start3A_400] : memref<2x1x64x256xf32, #tpu.memory_space<vmem>> -> memref<2x1x64x256xf32, #tpu.memory_space<vmem>>
      %dma_start3A_402 = arith.constant 12 : i32
      %dma_start3A_403 = arith.constant 0 : i32
      %dma_start3A_404 = arith.constant 0 : i32
      %dma_start3A_405 = arith.constant 0 : i32
      %dma_start3A_406 = tpu.memref_slice %arg3[%dma_start3A_402, %dma_start3A_403, %dma_start3A_404, %dma_start3A_405] : memref<32x1x64x256xf32, #tpu.memory_space<hbm>> -> memref<2x1x64x256xf32, #tpu.memory_space<hbm>>
      tpu.enqueue_dma source(%dma_start3A_406 : memref<2x1x64x256xf32, #tpu.memory_space<hbm>>) target(%dma_start3A_401 : memref<2x1x64x256xf32, #tpu.memory_space<vmem>>) target_semaphore(%arg11 : memref<!tpu.dma_semaphore, #tpu.memory_space<semaphore_mem>>)
      %dma_wait3A_407 = arith.constant 0 : i32
      %dma_wait3A_408 = arith.constant 0 : i32
      %dma_wait3A_409 = arith.constant 0 : i32
      %dma_wait3A_410 = arith.constant 0 : i32
      %dma_wait3A_411 = tpu.memref_slice %arg9[%dma_wait3A_407, %dma_wait3A_408, %dma_wait3A_409, %dma_wait3A_410] : memref<2x1x64x256xf32, #tpu.memory_space<vmem>> -> memref<2x1x64x256xf32, #tpu.memory_space<vmem>>
      %dma_wait3A_412 = arith.constant 8 : i32
      %dma_wait3A_413 = arith.constant 0 : i32
      %dma_wait3A_414 = arith.constant 0 : i32
      %dma_wait3A_415 = arith.constant 0 : i32
      %dma_wait3A_416 = tpu.memref_slice %arg3[%dma_wait3A_412, %dma_wait3A_413, %dma_wait3A_414, %dma_wait3A_415] : memref<32x1x64x256xf32, #tpu.memory_space<hbm>> -> memref<2x1x64x256xf32, #tpu.memory_space<hbm>>
      %dma_wait3A_417 = arith.constant 0 : i32
      %dma_wait3A_418 = arith.constant 0 : i32
      %dma_wait3A_419 = arith.constant 0 : i32
      %dma_wait3A_420 = arith.constant 0 : i32
      %dma_wait3A_421 = tpu.memref_slice %arg9[%dma_wait3A_417, %dma_wait3A_418, %dma_wait3A_419, %dma_wait3A_420] : memref<2x1x64x256xf32, #tpu.memory_space<vmem>> -> memref<2x1x64x256xf32, #tpu.memory_space<vmem>>
      %dma_wait3A_422 = arith.constant 8 : i32
      %dma_wait3A_423 = arith.constant 0 : i32
      %dma_wait3A_424 = arith.constant 0 : i32
      %dma_wait3A_425 = arith.constant 0 : i32
      %dma_wait3A_426 = tpu.memref_slice %arg3[%dma_wait3A_422, %dma_wait3A_423, %dma_wait3A_424, %dma_wait3A_425] : memref<32x1x64x256xf32, #tpu.memory_space<hbm>> -> memref<2x1x64x256xf32, #tpu.memory_space<hbm>>
      tpu.wait_dma2 semaphore(%arg12 : memref<!tpu.dma_semaphore, #tpu.memory_space<semaphore_mem>>) src(%dma_wait3A_426 : memref<2x1x64x256xf32, #tpu.memory_space<hbm>>) dst(%dma_wait3A_421 : memref<2x1x64x256xf32, #tpu.memory_space<vmem>>)
      %dma_start3A_427 = arith.constant 0 : i32
      %dma_start3A_428 = arith.constant 0 : i32
      %dma_start3A_429 = arith.constant 0 : i32
      %dma_start3A_430 = arith.constant 0 : i32
      %dma_start3A_431 = tpu.memref_slice %arg9[%dma_start3A_427, %dma_start3A_428, %dma_start3A_429, %dma_start3A_430] : memref<2x1x64x256xf32, #tpu.memory_space<vmem>> -> memref<2x1x64x256xf32, #tpu.memory_space<vmem>>
      %dma_start3A_432 = arith.constant 0 : i32
      %dma_start3A_433 = arith.constant 0 : i32
      %dma_start3A_434 = arith.constant 0 : i32
      %dma_start3A_435 = tpu.memref_slice %arg6[%add3A_22, %dma_start3A_432, %dma_start3A_433, %dma_start3A_434] : memref<1024x1x64x256xf32, #tpu.memory_space<hbm>> -> memref<2x1x64x256xf32, #tpu.memory_space<hbm>>
      %dma_start3A_436 = arith.constant 0 : i32
      %dma_start3A_437 = arith.constant 0 : i32
      %dma_start3A_438 = arith.constant 0 : i32
      %dma_start3A_439 = tpu.memref_slice %arg6[%add3A_22, %dma_start3A_436, %dma_start3A_437, %dma_start3A_438] : memref<1024x1x64x256xf32, #tpu.memory_space<hbm>> -> memref<2x1x64x256xf32, #tpu.memory_space<hbm>>
      %dma_start3A_440 = arith.constant 0 : i32
      %dma_start3A_441 = arith.constant 0 : i32
      %dma_start3A_442 = arith.constant 0 : i32
      %dma_start3A_443 = arith.constant 0 : i32
      %dma_start3A_444 = tpu.memref_slice %arg9[%dma_start3A_440, %dma_start3A_441, %dma_start3A_442, %dma_start3A_443] : memref<2x1x64x256xf32, #tpu.memory_space<vmem>> -> memref<2x1x64x256xf32, #tpu.memory_space<vmem>>
      tpu.enqueue_dma source(%dma_start3A_444 : memref<2x1x64x256xf32, #tpu.memory_space<vmem>>) target(%dma_start3A_439 : memref<2x1x64x256xf32, #tpu.memory_space<hbm>>) target_semaphore(%arg15 : memref<!tpu.dma_semaphore, #tpu.memory_space<semaphore_mem>>)
      %dma_wait3A_445 = arith.constant 0 : i32
      %dma_wait3A_446 = arith.constant 0 : i32
      %dma_wait3A_447 = arith.constant 0 : i32
      %dma_wait3A_448 = arith.constant 0 : i32
      %dma_wait3A_449 = tpu.memref_slice %arg9[%dma_wait3A_445, %dma_wait3A_446, %dma_wait3A_447, %dma_wait3A_448] : memref<2x1x64x256xf32, #tpu.memory_space<vmem>> -> memref<2x1x64x256xf32, #tpu.memory_space<vmem>>
      %dma_wait3A_450 = arith.constant 0 : i32
      %dma_wait3A_451 = arith.constant 0 : i32
      %dma_wait3A_452 = arith.constant 0 : i32
      %dma_wait3A_453 = tpu.memref_slice %arg6[%add3A_22, %dma_wait3A_450, %dma_wait3A_451, %dma_wait3A_452] : memref<1024x1x64x256xf32, #tpu.memory_space<hbm>> -> memref<2x1x64x256xf32, #tpu.memory_space<hbm>>
      %dma_wait3A_454 = arith.constant 0 : i32
      %dma_wait3A_455 = arith.constant 0 : i32
      %dma_wait3A_456 = arith.constant 0 : i32
      %dma_wait3A_457 = tpu.memref_slice %arg6[%add3A_22, %dma_wait3A_454, %dma_wait3A_455, %dma_wait3A_456] : memref<1024x1x64x256xf32, #tpu.memory_space<hbm>> -> memref<2x1x64x256xf32, #tpu.memory_space<hbm>>
      %dma_wait3A_458 = arith.constant 0 : i32
      %dma_wait3A_459 = arith.constant 0 : i32
      %dma_wait3A_460 = arith.constant 0 : i32
      %dma_wait3A_461 = arith.constant 0 : i32
      %dma_wait3A_462 = tpu.memref_slice %arg9[%dma_wait3A_458, %dma_wait3A_459, %dma_wait3A_460, %dma_wait3A_461] : memref<2x1x64x256xf32, #tpu.memory_space<vmem>> -> memref<2x1x64x256xf32, #tpu.memory_space<vmem>>
      tpu.wait_dma2 semaphore(%arg15 : memref<!tpu.dma_semaphore, #tpu.memory_space<semaphore_mem>>) src(%dma_wait3A_462 : memref<2x1x64x256xf32, #tpu.memory_space<vmem>>) dst(%dma_wait3A_457 : memref<2x1x64x256xf32, #tpu.memory_space<hbm>>)
      %dma_start3A_463 = arith.constant 0 : i32
      %dma_start3A_464 = arith.constant 0 : i32
      %dma_start3A_465 = arith.constant 0 : i32
      %dma_start3A_466 = arith.constant 0 : i32
      %dma_start3A_467 = tpu.memref_slice %arg9[%dma_start3A_463, %dma_start3A_464, %dma_start3A_465, %dma_start3A_466] : memref<2x1x64x256xf32, #tpu.memory_space<vmem>> -> memref<2x1x64x256xf32, #tpu.memory_space<vmem>>
      %dma_start3A_468 = arith.constant 14 : i32
      %dma_start3A_469 = arith.constant 0 : i32
      %dma_start3A_470 = arith.constant 0 : i32
      %dma_start3A_471 = arith.constant 0 : i32
      %dma_start3A_472 = tpu.memref_slice %arg3[%dma_start3A_468, %dma_start3A_469, %dma_start3A_470, %dma_start3A_471] : memref<32x1x64x256xf32, #tpu.memory_space<hbm>> -> memref<2x1x64x256xf32, #tpu.memory_space<hbm>>
      %dma_start3A_473 = arith.constant 0 : i32
      %dma_start3A_474 = arith.constant 0 : i32
      %dma_start3A_475 = arith.constant 0 : i32
      %dma_start3A_476 = arith.constant 0 : i32
      %dma_start3A_477 = tpu.memref_slice %arg9[%dma_start3A_473, %dma_start3A_474, %dma_start3A_475, %dma_start3A_476] : memref<2x1x64x256xf32, #tpu.memory_space<vmem>> -> memref<2x1x64x256xf32, #tpu.memory_space<vmem>>
      %dma_start3A_478 = arith.constant 14 : i32
      %dma_start3A_479 = arith.constant 0 : i32
      %dma_start3A_480 = arith.constant 0 : i32
      %dma_start3A_481 = arith.constant 0 : i32
      %dma_start3A_482 = tpu.memref_slice %arg3[%dma_start3A_478, %dma_start3A_479, %dma_start3A_480, %dma_start3A_481] : memref<32x1x64x256xf32, #tpu.memory_space<hbm>> -> memref<2x1x64x256xf32, #tpu.memory_space<hbm>>
      tpu.enqueue_dma source(%dma_start3A_482 : memref<2x1x64x256xf32, #tpu.memory_space<hbm>>) target(%dma_start3A_477 : memref<2x1x64x256xf32, #tpu.memory_space<vmem>>) target_semaphore(%arg12 : memref<!tpu.dma_semaphore, #tpu.memory_space<semaphore_mem>>)
      %dma_wait3A_483 = arith.constant 0 : i32
      %dma_wait3A_484 = arith.constant 0 : i32
      %dma_wait3A_485 = arith.constant 0 : i32
      %dma_wait3A_486 = arith.constant 0 : i32
      %dma_wait3A_487 = tpu.memref_slice %arg10[%dma_wait3A_483, %dma_wait3A_484, %dma_wait3A_485, %dma_wait3A_486] : memref<2x1x64x256xf32, #tpu.memory_space<vmem>> -> memref<2x1x64x256xf32, #tpu.memory_space<vmem>>
      %dma_wait3A_488 = arith.constant 10 : i32
      %dma_wait3A_489 = arith.constant 0 : i32
      %dma_wait3A_490 = arith.constant 0 : i32
      %dma_wait3A_491 = arith.constant 0 : i32
      %dma_wait3A_492 = tpu.memref_slice %arg3[%dma_wait3A_488, %dma_wait3A_489, %dma_wait3A_490, %dma_wait3A_491] : memref<32x1x64x256xf32, #tpu.memory_space<hbm>> -> memref<2x1x64x256xf32, #tpu.memory_space<hbm>>
      %dma_wait3A_493 = arith.constant 0 : i32
      %dma_wait3A_494 = arith.constant 0 : i32
      %dma_wait3A_495 = arith.constant 0 : i32
      %dma_wait3A_496 = arith.constant 0 : i32
      %dma_wait3A_497 = tpu.memref_slice %arg10[%dma_wait3A_493, %dma_wait3A_494, %dma_wait3A_495, %dma_wait3A_496] : memref<2x1x64x256xf32, #tpu.memory_space<vmem>> -> memref<2x1x64x256xf32, #tpu.memory_space<vmem>>
      %dma_wait3A_498 = arith.constant 10 : i32
      %dma_wait3A_499 = arith.constant 0 : i32
      %dma_wait3A_500 = arith.constant 0 : i32
      %dma_wait3A_501 = arith.constant 0 : i32
      %dma_wait3A_502 = tpu.memref_slice %arg3[%dma_wait3A_498, %dma_wait3A_499, %dma_wait3A_500, %dma_wait3A_501] : memref<32x1x64x256xf32, #tpu.memory_space<hbm>> -> memref<2x1x64x256xf32, #tpu.memory_space<hbm>>
      tpu.wait_dma2 semaphore(%arg13 : memref<!tpu.dma_semaphore, #tpu.memory_space<semaphore_mem>>) src(%dma_wait3A_502 : memref<2x1x64x256xf32, #tpu.memory_space<hbm>>) dst(%dma_wait3A_497 : memref<2x1x64x256xf32, #tpu.memory_space<vmem>>)
      %dma_start3A_503 = arith.constant 0 : i32
      %dma_start3A_504 = arith.constant 0 : i32
      %dma_start3A_505 = arith.constant 0 : i32
      %dma_start3A_506 = arith.constant 0 : i32
      %dma_start3A_507 = tpu.memref_slice %arg10[%dma_start3A_503, %dma_start3A_504, %dma_start3A_505, %dma_start3A_506] : memref<2x1x64x256xf32, #tpu.memory_space<vmem>> -> memref<2x1x64x256xf32, #tpu.memory_space<vmem>>
      %dma_start3A_508 = arith.constant 0 : i32
      %dma_start3A_509 = arith.constant 0 : i32
      %dma_start3A_510 = arith.constant 0 : i32
      %dma_start3A_511 = tpu.memref_slice %arg6[%add3A_24, %dma_start3A_508, %dma_start3A_509, %dma_start3A_510] : memref<1024x1x64x256xf32, #tpu.memory_space<hbm>> -> memref<2x1x64x256xf32, #tpu.memory_space<hbm>>
      %dma_start3A_512 = arith.constant 0 : i32
      %dma_start3A_513 = arith.constant 0 : i32
      %dma_start3A_514 = arith.constant 0 : i32
      %dma_start3A_515 = tpu.memref_slice %arg6[%add3A_24, %dma_start3A_512, %dma_start3A_513, %dma_start3A_514] : memref<1024x1x64x256xf32, #tpu.memory_space<hbm>> -> memref<2x1x64x256xf32, #tpu.memory_space<hbm>>
      %dma_start3A_516 = arith.constant 0 : i32
      %dma_start3A_517 = arith.constant 0 : i32
      %dma_start3A_518 = arith.constant 0 : i32
      %dma_start3A_519 = arith.constant 0 : i32
      %dma_start3A_520 = tpu.memref_slice %arg10[%dma_start3A_516, %dma_start3A_517, %dma_start3A_518, %dma_start3A_519] : memref<2x1x64x256xf32, #tpu.memory_space<vmem>> -> memref<2x1x64x256xf32, #tpu.memory_space<vmem>>
      tpu.enqueue_dma source(%dma_start3A_520 : memref<2x1x64x256xf32, #tpu.memory_space<vmem>>) target(%dma_start3A_515 : memref<2x1x64x256xf32, #tpu.memory_space<hbm>>) target_semaphore(%arg16 : memref<!tpu.dma_semaphore, #tpu.memory_space<semaphore_mem>>)
      %dma_wait3A_521 = arith.constant 0 : i32
      %dma_wait3A_522 = arith.constant 0 : i32
      %dma_wait3A_523 = arith.constant 0 : i32
      %dma_wait3A_524 = arith.constant 0 : i32
      %dma_wait3A_525 = tpu.memref_slice %arg10[%dma_wait3A_521, %dma_wait3A_522, %dma_wait3A_523, %dma_wait3A_524] : memref<2x1x64x256xf32, #tpu.memory_space<vmem>> -> memref<2x1x64x256xf32, #tpu.memory_space<vmem>>
      %dma_wait3A_526 = arith.constant 0 : i32
      %dma_wait3A_527 = arith.constant 0 : i32
      %dma_wait3A_528 = arith.constant 0 : i32
      %dma_wait3A_529 = tpu.memref_slice %arg6[%add3A_24, %dma_wait3A_526, %dma_wait3A_527, %dma_wait3A_528] : memref<1024x1x64x256xf32, #tpu.memory_space<hbm>> -> memref<2x1x64x256xf32, #tpu.memory_space<hbm>>
      %dma_wait3A_530 = arith.constant 0 : i32
      %dma_wait3A_531 = arith.constant 0 : i32
      %dma_wait3A_532 = arith.constant 0 : i32
      %dma_wait3A_533 = tpu.memref_slice %arg6[%add3A_24, %dma_wait3A_530, %dma_wait3A_531, %dma_wait3A_532] : memref<1024x1x64x256xf32, #tpu.memory_space<hbm>> -> memref<2x1x64x256xf32, #tpu.memory_space<hbm>>
      %dma_wait3A_534 = arith.constant 0 : i32
      %dma_wait3A_535 = arith.constant 0 : i32
      %dma_wait3A_536 = arith.constant 0 : i32
      %dma_wait3A_537 = arith.constant 0 : i32
      %dma_wait3A_538 = tpu.memref_slice %arg10[%dma_wait3A_534, %dma_wait3A_535, %dma_wait3A_536, %dma_wait3A_537] : memref<2x1x64x256xf32, #tpu.memory_space<vmem>> -> memref<2x1x64x256xf32, #tpu.memory_space<vmem>>
      tpu.wait_dma2 semaphore(%arg16 : memref<!tpu.dma_semaphore, #tpu.memory_space<semaphore_mem>>) src(%dma_wait3A_538 : memref<2x1x64x256xf32, #tpu.memory_space<vmem>>) dst(%dma_wait3A_533 : memref<2x1x64x256xf32, #tpu.memory_space<hbm>>)
      %dma_start3A_539 = arith.constant 0 : i32
      %dma_start3A_540 = arith.constant 0 : i32
      %dma_start3A_541 = arith.constant 0 : i32
      %dma_start3A_542 = arith.constant 0 : i32
      %dma_start3A_543 = tpu.memref_slice %arg10[%dma_start3A_539, %dma_start3A_540, %dma_start3A_541, %dma_start3A_542] : memref<2x1x64x256xf32, #tpu.memory_space<vmem>> -> memref<2x1x64x256xf32, #tpu.memory_space<vmem>>
      %dma_start3A_544 = arith.constant 16 : i32
      %dma_start3A_545 = arith.constant 0 : i32
      %dma_start3A_546 = arith.constant 0 : i32
      %dma_start3A_547 = arith.constant 0 : i32
      %dma_start3A_548 = tpu.memref_slice %arg3[%dma_start3A_544, %dma_start3A_545, %dma_start3A_546, %dma_start3A_547] : memref<32x1x64x256xf32, #tpu.memory_space<hbm>> -> memref<2x1x64x256xf32, #tpu.memory_space<hbm>>
      %dma_start3A_549 = arith.constant 0 : i32
      %dma_start3A_550 = arith.constant 0 : i32
      %dma_start3A_551 = arith.constant 0 : i32
      %dma_start3A_552 = arith.constant 0 : i32
      %dma_start3A_553 = tpu.memref_slice %arg10[%dma_start3A_549, %dma_start3A_550, %dma_start3A_551, %dma_start3A_552] : memref<2x1x64x256xf32, #tpu.memory_space<vmem>> -> memref<2x1x64x256xf32, #tpu.memory_space<vmem>>
      %dma_start3A_554 = arith.constant 16 : i32
      %dma_start3A_555 = arith.constant 0 : i32
      %dma_start3A_556 = arith.constant 0 : i32
      %dma_start3A_557 = arith.constant 0 : i32
      %dma_start3A_558 = tpu.memref_slice %arg3[%dma_start3A_554, %dma_start3A_555, %dma_start3A_556, %dma_start3A_557] : memref<32x1x64x256xf32, #tpu.memory_space<hbm>> -> memref<2x1x64x256xf32, #tpu.memory_space<hbm>>
      tpu.enqueue_dma source(%dma_start3A_558 : memref<2x1x64x256xf32, #tpu.memory_space<hbm>>) target(%dma_start3A_553 : memref<2x1x64x256xf32, #tpu.memory_space<vmem>>) target_semaphore(%arg13 : memref<!tpu.dma_semaphore, #tpu.memory_space<semaphore_mem>>)
      %dma_wait3A_559 = arith.constant 0 : i32
      %dma_wait3A_560 = arith.constant 0 : i32
      %dma_wait3A_561 = arith.constant 0 : i32
      %dma_wait3A_562 = arith.constant 0 : i32
      %dma_wait3A_563 = tpu.memref_slice %arg8[%dma_wait3A_559, %dma_wait3A_560, %dma_wait3A_561, %dma_wait3A_562] : memref<2x1x64x256xf32, #tpu.memory_space<vmem>> -> memref<2x1x64x256xf32, #tpu.memory_space<vmem>>
      %dma_wait3A_564 = arith.constant 12 : i32
      %dma_wait3A_565 = arith.constant 0 : i32
      %dma_wait3A_566 = arith.constant 0 : i32
      %dma_wait3A_567 = arith.constant 0 : i32
      %dma_wait3A_568 = tpu.memref_slice %arg3[%dma_wait3A_564, %dma_wait3A_565, %dma_wait3A_566, %dma_wait3A_567] : memref<32x1x64x256xf32, #tpu.memory_space<hbm>> -> memref<2x1x64x256xf32, #tpu.memory_space<hbm>>
      %dma_wait3A_569 = arith.constant 0 : i32
      %dma_wait3A_570 = arith.constant 0 : i32
      %dma_wait3A_571 = arith.constant 0 : i32
      %dma_wait3A_572 = arith.constant 0 : i32
      %dma_wait3A_573 = tpu.memref_slice %arg8[%dma_wait3A_569, %dma_wait3A_570, %dma_wait3A_571, %dma_wait3A_572] : memref<2x1x64x256xf32, #tpu.memory_space<vmem>> -> memref<2x1x64x256xf32, #tpu.memory_space<vmem>>
      %dma_wait3A_574 = arith.constant 12 : i32
      %dma_wait3A_575 = arith.constant 0 : i32
      %dma_wait3A_576 = arith.constant 0 : i32
      %dma_wait3A_577 = arith.constant 0 : i32
      %dma_wait3A_578 = tpu.memref_slice %arg3[%dma_wait3A_574, %dma_wait3A_575, %dma_wait3A_576, %dma_wait3A_577] : memref<32x1x64x256xf32, #tpu.memory_space<hbm>> -> memref<2x1x64x256xf32, #tpu.memory_space<hbm>>
      tpu.wait_dma2 semaphore(%arg11 : memref<!tpu.dma_semaphore, #tpu.memory_space<semaphore_mem>>) src(%dma_wait3A_578 : memref<2x1x64x256xf32, #tpu.memory_space<hbm>>) dst(%dma_wait3A_573 : memref<2x1x64x256xf32, #tpu.memory_space<vmem>>)
      %dma_start3A_579 = arith.constant 0 : i32
      %dma_start3A_580 = arith.constant 0 : i32
      %dma_start3A_581 = arith.constant 0 : i32
      %dma_start3A_582 = arith.constant 0 : i32
      %dma_start3A_583 = tpu.memref_slice %arg8[%dma_start3A_579, %dma_start3A_580, %dma_start3A_581, %dma_start3A_582] : memref<2x1x64x256xf32, #tpu.memory_space<vmem>> -> memref<2x1x64x256xf32, #tpu.memory_space<vmem>>
      %dma_start3A_584 = arith.constant 0 : i32
      %dma_start3A_585 = arith.constant 0 : i32
      %dma_start3A_586 = arith.constant 0 : i32
      %dma_start3A_587 = tpu.memref_slice %arg6[%add3A_26, %dma_start3A_584, %dma_start3A_585, %dma_start3A_586] : memref<1024x1x64x256xf32, #tpu.memory_space<hbm>> -> memref<2x1x64x256xf32, #tpu.memory_space<hbm>>
      %dma_start3A_588 = arith.constant 0 : i32
      %dma_start3A_589 = arith.constant 0 : i32
      %dma_start3A_590 = arith.constant 0 : i32
      %dma_start3A_591 = tpu.memref_slice %arg6[%add3A_26, %dma_start3A_588, %dma_start3A_589, %dma_start3A_590] : memref<1024x1x64x256xf32, #tpu.memory_space<hbm>> -> memref<2x1x64x256xf32, #tpu.memory_space<hbm>>
      %dma_start3A_592 = arith.constant 0 : i32
      %dma_start3A_593 = arith.constant 0 : i32
      %dma_start3A_594 = arith.constant 0 : i32
      %dma_start3A_595 = arith.constant 0 : i32
      %dma_start3A_596 = tpu.memref_slice %arg8[%dma_start3A_592, %dma_start3A_593, %dma_start3A_594, %dma_start3A_595] : memref<2x1x64x256xf32, #tpu.memory_space<vmem>> -> memref<2x1x64x256xf32, #tpu.memory_space<vmem>>
      tpu.enqueue_dma source(%dma_start3A_596 : memref<2x1x64x256xf32, #tpu.memory_space<vmem>>) target(%dma_start3A_591 : memref<2x1x64x256xf32, #tpu.memory_space<hbm>>) target_semaphore(%arg14 : memref<!tpu.dma_semaphore, #tpu.memory_space<semaphore_mem>>)
      %dma_wait3A_597 = arith.constant 0 : i32
      %dma_wait3A_598 = arith.constant 0 : i32
      %dma_wait3A_599 = arith.constant 0 : i32
      %dma_wait3A_600 = arith.constant 0 : i32
      %dma_wait3A_601 = tpu.memref_slice %arg8[%dma_wait3A_597, %dma_wait3A_598, %dma_wait3A_599, %dma_wait3A_600] : memref<2x1x64x256xf32, #tpu.memory_space<vmem>> -> memref<2x1x64x256xf32, #tpu.memory_space<vmem>>
      %dma_wait3A_602 = arith.constant 0 : i32
      %dma_wait3A_603 = arith.constant 0 : i32
      %dma_wait3A_604 = arith.constant 0 : i32
      %dma_wait3A_605 = tpu.memref_slice %arg6[%add3A_26, %dma_wait3A_602, %dma_wait3A_603, %dma_wait3A_604] : memref<1024x1x64x256xf32, #tpu.memory_space<hbm>> -> memref<2x1x64x256xf32, #tpu.memory_space<hbm>>
      %dma_wait3A_606 = arith.constant 0 : i32
      %dma_wait3A_607 = arith.constant 0 : i32
      %dma_wait3A_608 = arith.constant 0 : i32
      %dma_wait3A_609 = tpu.memref_slice %arg6[%add3A_26, %dma_wait3A_606, %dma_wait3A_607, %dma_wait3A_608] : memref<1024x1x64x256xf32, #tpu.memory_space<hbm>> -> memref<2x1x64x256xf32, #tpu.memory_space<hbm>>
      %dma_wait3A_610 = arith.constant 0 : i32
      %dma_wait3A_611 = arith.constant 0 : i32
      %dma_wait3A_612 = arith.constant 0 : i32
      %dma_wait3A_613 = arith.constant 0 : i32
      %dma_wait3A_614 = tpu.memref_slice %arg8[%dma_wait3A_610, %dma_wait3A_611, %dma_wait3A_612, %dma_wait3A_613] : memref<2x1x64x256xf32, #tpu.memory_space<vmem>> -> memref<2x1x64x256xf32, #tpu.memory_space<vmem>>
      tpu.wait_dma2 semaphore(%arg14 : memref<!tpu.dma_semaphore, #tpu.memory_space<semaphore_mem>>) src(%dma_wait3A_614 : memref<2x1x64x256xf32, #tpu.memory_space<vmem>>) dst(%dma_wait3A_609 : memref<2x1x64x256xf32, #tpu.memory_space<hbm>>)
      %dma_start3A_615 = arith.constant 0 : i32
      %dma_start3A_616 = arith.constant 0 : i32
      %dma_start3A_617 = arith.constant 0 : i32
      %dma_start3A_618 = arith.constant 0 : i32
      %dma_start3A_619 = tpu.memref_slice %arg8[%dma_start3A_615, %dma_start3A_616, %dma_start3A_617, %dma_start3A_618] : memref<2x1x64x256xf32, #tpu.memory_space<vmem>> -> memref<2x1x64x256xf32, #tpu.memory_space<vmem>>
      %dma_start3A_620 = arith.constant 18 : i32
      %dma_start3A_621 = arith.constant 0 : i32
      %dma_start3A_622 = arith.constant 0 : i32
      %dma_start3A_623 = arith.constant 0 : i32
      %dma_start3A_624 = tpu.memref_slice %arg3[%dma_start3A_620, %dma_start3A_621, %dma_start3A_622, %dma_start3A_623] : memref<32x1x64x256xf32, #tpu.memory_space<hbm>> -> memref<2x1x64x256xf32, #tpu.memory_space<hbm>>
      %dma_start3A_625 = arith.constant 0 : i32
      %dma_start3A_626 = arith.constant 0 : i32
      %dma_start3A_627 = arith.constant 0 : i32
      %dma_start3A_628 = arith.constant 0 : i32
      %dma_start3A_629 = tpu.memref_slice %arg8[%dma_start3A_625, %dma_start3A_626, %dma_start3A_627, %dma_start3A_628] : memref<2x1x64x256xf32, #tpu.memory_space<vmem>> -> memref<2x1x64x256xf32, #tpu.memory_space<vmem>>
      %dma_start3A_630 = arith.constant 18 : i32
      %dma_start3A_631 = arith.constant 0 : i32
      %dma_start3A_632 = arith.constant 0 : i32
      %dma_start3A_633 = arith.constant 0 : i32
      %dma_start3A_634 = tpu.memref_slice %arg3[%dma_start3A_630, %dma_start3A_631, %dma_start3A_632, %dma_start3A_633] : memref<32x1x64x256xf32, #tpu.memory_space<hbm>> -> memref<2x1x64x256xf32, #tpu.memory_space<hbm>>
      tpu.enqueue_dma source(%dma_start3A_634 : memref<2x1x64x256xf32, #tpu.memory_space<hbm>>) target(%dma_start3A_629 : memref<2x1x64x256xf32, #tpu.memory_space<vmem>>) target_semaphore(%arg11 : memref<!tpu.dma_semaphore, #tpu.memory_space<semaphore_mem>>)
      %dma_wait3A_635 = arith.constant 0 : i32
      %dma_wait3A_636 = arith.constant 0 : i32
      %dma_wait3A_637 = arith.constant 0 : i32
      %dma_wait3A_638 = arith.constant 0 : i32
      %dma_wait3A_639 = tpu.memref_slice %arg9[%dma_wait3A_635, %dma_wait3A_636, %dma_wait3A_637, %dma_wait3A_638] : memref<2x1x64x256xf32, #tpu.memory_space<vmem>> -> memref<2x1x64x256xf32, #tpu.memory_space<vmem>>
      %dma_wait3A_640 = arith.constant 14 : i32
      %dma_wait3A_641 = arith.constant 0 : i32
      %dma_wait3A_642 = arith.constant 0 : i32
      %dma_wait3A_643 = arith.constant 0 : i32
      %dma_wait3A_644 = tpu.memref_slice %arg3[%dma_wait3A_640, %dma_wait3A_641, %dma_wait3A_642, %dma_wait3A_643] : memref<32x1x64x256xf32, #tpu.memory_space<hbm>> -> memref<2x1x64x256xf32, #tpu.memory_space<hbm>>
      %dma_wait3A_645 = arith.constant 0 : i32
      %dma_wait3A_646 = arith.constant 0 : i32
      %dma_wait3A_647 = arith.constant 0 : i32
      %dma_wait3A_648 = arith.constant 0 : i32
      %dma_wait3A_649 = tpu.memref_slice %arg9[%dma_wait3A_645, %dma_wait3A_646, %dma_wait3A_647, %dma_wait3A_648] : memref<2x1x64x256xf32, #tpu.memory_space<vmem>> -> memref<2x1x64x256xf32, #tpu.memory_space<vmem>>
      %dma_wait3A_650 = arith.constant 14 : i32
      %dma_wait3A_651 = arith.constant 0 : i32
      %dma_wait3A_652 = arith.constant 0 : i32
      %dma_wait3A_653 = arith.constant 0 : i32
      %dma_wait3A_654 = tpu.memref_slice %arg3[%dma_wait3A_650, %dma_wait3A_651, %dma_wait3A_652, %dma_wait3A_653] : memref<32x1x64x256xf32, #tpu.memory_space<hbm>> -> memref<2x1x64x256xf32, #tpu.memory_space<hbm>>
      tpu.wait_dma2 semaphore(%arg12 : memref<!tpu.dma_semaphore, #tpu.memory_space<semaphore_mem>>) src(%dma_wait3A_654 : memref<2x1x64x256xf32, #tpu.memory_space<hbm>>) dst(%dma_wait3A_649 : memref<2x1x64x256xf32, #tpu.memory_space<vmem>>)
      %dma_start3A_655 = arith.constant 0 : i32
      %dma_start3A_656 = arith.constant 0 : i32
      %dma_start3A_657 = arith.constant 0 : i32
      %dma_start3A_658 = arith.constant 0 : i32
      %dma_start3A_659 = tpu.memref_slice %arg9[%dma_start3A_655, %dma_start3A_656, %dma_start3A_657, %dma_start3A_658] : memref<2x1x64x256xf32, #tpu.memory_space<vmem>> -> memref<2x1x64x256xf32, #tpu.memory_space<vmem>>
      %dma_start3A_660 = arith.constant 0 : i32
      %dma_start3A_661 = arith.constant 0 : i32
      %dma_start3A_662 = arith.constant 0 : i32
      %dma_start3A_663 = tpu.memref_slice %arg6[%add3A_28, %dma_start3A_660, %dma_start3A_661, %dma_start3A_662] : memref<1024x1x64x256xf32, #tpu.memory_space<hbm>> -> memref<2x1x64x256xf32, #tpu.memory_space<hbm>>
      %dma_start3A_664 = arith.constant 0 : i32
      %dma_start3A_665 = arith.constant 0 : i32
      %dma_start3A_666 = arith.constant 0 : i32
      %dma_start3A_667 = tpu.memref_slice %arg6[%add3A_28, %dma_start3A_664, %dma_start3A_665, %dma_start3A_666] : memref<1024x1x64x256xf32, #tpu.memory_space<hbm>> -> memref<2x1x64x256xf32, #tpu.memory_space<hbm>>
      %dma_start3A_668 = arith.constant 0 : i32
      %dma_start3A_669 = arith.constant 0 : i32
      %dma_start3A_670 = arith.constant 0 : i32
      %dma_start3A_671 = arith.constant 0 : i32
      %dma_start3A_672 = tpu.memref_slice %arg9[%dma_start3A_668, %dma_start3A_669, %dma_start3A_670, %dma_start3A_671] : memref<2x1x64x256xf32, #tpu.memory_space<vmem>> -> memref<2x1x64x256xf32, #tpu.memory_space<vmem>>
      tpu.enqueue_dma source(%dma_start3A_672 : memref<2x1x64x256xf32, #tpu.memory_space<vmem>>) target(%dma_start3A_667 : memref<2x1x64x256xf32, #tpu.memory_space<hbm>>) target_semaphore(%arg15 : memref<!tpu.dma_semaphore, #tpu.memory_space<semaphore_mem>>)
      %dma_wait3A_673 = arith.constant 0 : i32
      %dma_wait3A_674 = arith.constant 0 : i32
      %dma_wait3A_675 = arith.constant 0 : i32
      %dma_wait3A_676 = arith.constant 0 : i32
      %dma_wait3A_677 = tpu.memref_slice %arg9[%dma_wait3A_673, %dma_wait3A_674, %dma_wait3A_675, %dma_wait3A_676] : memref<2x1x64x256xf32, #tpu.memory_space<vmem>> -> memref<2x1x64x256xf32, #tpu.memory_space<vmem>>
      %dma_wait3A_678 = arith.constant 0 : i32
      %dma_wait3A_679 = arith.constant 0 : i32
      %dma_wait3A_680 = arith.constant 0 : i32
      %dma_wait3A_681 = tpu.memref_slice %arg6[%add3A_28, %dma_wait3A_678, %dma_wait3A_679, %dma_wait3A_680] : memref<1024x1x64x256xf32, #tpu.memory_space<hbm>> -> memref<2x1x64x256xf32, #tpu.memory_space<hbm>>
      %dma_wait3A_682 = arith.constant 0 : i32
      %dma_wait3A_683 = arith.constant 0 : i32
      %dma_wait3A_684 = arith.constant 0 : i32
      %dma_wait3A_685 = tpu.memref_slice %arg6[%add3A_28, %dma_wait3A_682, %dma_wait3A_683, %dma_wait3A_684] : memref<1024x1x64x256xf32, #tpu.memory_space<hbm>> -> memref<2x1x64x256xf32, #tpu.memory_space<hbm>>
      %dma_wait3A_686 = arith.constant 0 : i32
      %dma_wait3A_687 = arith.constant 0 : i32
      %dma_wait3A_688 = arith.constant 0 : i32
      %dma_wait3A_689 = arith.constant 0 : i32
      %dma_wait3A_690 = tpu.memref_slice %arg9[%dma_wait3A_686, %dma_wait3A_687, %dma_wait3A_688, %dma_wait3A_689] : memref<2x1x64x256xf32, #tpu.memory_space<vmem>> -> memref<2x1x64x256xf32, #tpu.memory_space<vmem>>
      tpu.wait_dma2 semaphore(%arg15 : memref<!tpu.dma_semaphore, #tpu.memory_space<semaphore_mem>>) src(%dma_wait3A_690 : memref<2x1x64x256xf32, #tpu.memory_space<vmem>>) dst(%dma_wait3A_685 : memref<2x1x64x256xf32, #tpu.memory_space<hbm>>)
      %dma_start3A_691 = arith.constant 0 : i32
      %dma_start3A_692 = arith.constant 0 : i32
      %dma_start3A_693 = arith.constant 0 : i32
      %dma_start3A_694 = arith.constant 0 : i32
      %dma_start3A_695 = tpu.memref_slice %arg9[%dma_start3A_691, %dma_start3A_692, %dma_start3A_693, %dma_start3A_694] : memref<2x1x64x256xf32, #tpu.memory_space<vmem>> -> memref<2x1x64x256xf32, #tpu.memory_space<vmem>>
      %dma_start3A_696 = arith.constant 20 : i32
      %dma_start3A_697 = arith.constant 0 : i32
      %dma_start3A_698 = arith.constant 0 : i32
      %dma_start3A_699 = arith.constant 0 : i32
      %dma_start3A_700 = tpu.memref_slice %arg3[%dma_start3A_696, %dma_start3A_697, %dma_start3A_698, %dma_start3A_699] : memref<32x1x64x256xf32, #tpu.memory_space<hbm>> -> memref<2x1x64x256xf32, #tpu.memory_space<hbm>>
      %dma_start3A_701 = arith.constant 0 : i32
      %dma_start3A_702 = arith.constant 0 : i32
      %dma_start3A_703 = arith.constant 0 : i32
      %dma_start3A_704 = arith.constant 0 : i32
      %dma_start3A_705 = tpu.memref_slice %arg9[%dma_start3A_701, %dma_start3A_702, %dma_start3A_703, %dma_start3A_704] : memref<2x1x64x256xf32, #tpu.memory_space<vmem>> -> memref<2x1x64x256xf32, #tpu.memory_space<vmem>>
      %dma_start3A_706 = arith.constant 20 : i32
      %dma_start3A_707 = arith.constant 0 : i32
      %dma_start3A_708 = arith.constant 0 : i32
      %dma_start3A_709 = arith.constant 0 : i32
      %dma_start3A_710 = tpu.memref_slice %arg3[%dma_start3A_706, %dma_start3A_707, %dma_start3A_708, %dma_start3A_709] : memref<32x1x64x256xf32, #tpu.memory_space<hbm>> -> memref<2x1x64x256xf32, #tpu.memory_space<hbm>>
      tpu.enqueue_dma source(%dma_start3A_710 : memref<2x1x64x256xf32, #tpu.memory_space<hbm>>) target(%dma_start3A_705 : memref<2x1x64x256xf32, #tpu.memory_space<vmem>>) target_semaphore(%arg12 : memref<!tpu.dma_semaphore, #tpu.memory_space<semaphore_mem>>)
      %dma_wait3A_711 = arith.constant 0 : i32
      %dma_wait3A_712 = arith.constant 0 : i32
      %dma_wait3A_713 = arith.constant 0 : i32
      %dma_wait3A_714 = arith.constant 0 : i32
      %dma_wait3A_715 = tpu.memref_slice %arg10[%dma_wait3A_711, %dma_wait3A_712, %dma_wait3A_713, %dma_wait3A_714] : memref<2x1x64x256xf32, #tpu.memory_space<vmem>> -> memref<2x1x64x256xf32, #tpu.memory_space<vmem>>
      %dma_wait3A_716 = arith.constant 16 : i32
      %dma_wait3A_717 = arith.constant 0 : i32
      %dma_wait3A_718 = arith.constant 0 : i32
      %dma_wait3A_719 = arith.constant 0 : i32
      %dma_wait3A_720 = tpu.memref_slice %arg3[%dma_wait3A_716, %dma_wait3A_717, %dma_wait3A_718, %dma_wait3A_719] : memref<32x1x64x256xf32, #tpu.memory_space<hbm>> -> memref<2x1x64x256xf32, #tpu.memory_space<hbm>>
      %dma_wait3A_721 = arith.constant 0 : i32
      %dma_wait3A_722 = arith.constant 0 : i32
      %dma_wait3A_723 = arith.constant 0 : i32
      %dma_wait3A_724 = arith.constant 0 : i32
      %dma_wait3A_725 = tpu.memref_slice %arg10[%dma_wait3A_721, %dma_wait3A_722, %dma_wait3A_723, %dma_wait3A_724] : memref<2x1x64x256xf32, #tpu.memory_space<vmem>> -> memref<2x1x64x256xf32, #tpu.memory_space<vmem>>
      %dma_wait3A_726 = arith.constant 16 : i32
      %dma_wait3A_727 = arith.constant 0 : i32
      %dma_wait3A_728 = arith.constant 0 : i32
      %dma_wait3A_729 = arith.constant 0 : i32
      %dma_wait3A_730 = tpu.memref_slice %arg3[%dma_wait3A_726, %dma_wait3A_727, %dma_wait3A_728, %dma_wait3A_729] : memref<32x1x64x256xf32, #tpu.memory_space<hbm>> -> memref<2x1x64x256xf32, #tpu.memory_space<hbm>>
      tpu.wait_dma2 semaphore(%arg13 : memref<!tpu.dma_semaphore, #tpu.memory_space<semaphore_mem>>) src(%dma_wait3A_730 : memref<2x1x64x256xf32, #tpu.memory_space<hbm>>) dst(%dma_wait3A_725 : memref<2x1x64x256xf32, #tpu.memory_space<vmem>>)
      %dma_start3A_731 = arith.constant 0 : i32
      %dma_start3A_732 = arith.constant 0 : i32
      %dma_start3A_733 = arith.constant 0 : i32
      %dma_start3A_734 = arith.constant 0 : i32
      %dma_start3A_735 = tpu.memref_slice %arg10[%dma_start3A_731, %dma_start3A_732, %dma_start3A_733, %dma_start3A_734] : memref<2x1x64x256xf32, #tpu.memory_space<vmem>> -> memref<2x1x64x256xf32, #tpu.memory_space<vmem>>
      %dma_start3A_736 = arith.constant 0 : i32
      %dma_start3A_737 = arith.constant 0 : i32
      %dma_start3A_738 = arith.constant 0 : i32
      %dma_start3A_739 = tpu.memref_slice %arg6[%add3A_30, %dma_start3A_736, %dma_start3A_737, %dma_start3A_738] : memref<1024x1x64x256xf32, #tpu.memory_space<hbm>> -> memref<2x1x64x256xf32, #tpu.memory_space<hbm>>
      %dma_start3A_740 = arith.constant 0 : i32
      %dma_start3A_741 = arith.constant 0 : i32
      %dma_start3A_742 = arith.constant 0 : i32
      %dma_start3A_743 = tpu.memref_slice %arg6[%add3A_30, %dma_start3A_740, %dma_start3A_741, %dma_start3A_742] : memref<1024x1x64x256xf32, #tpu.memory_space<hbm>> -> memref<2x1x64x256xf32, #tpu.memory_space<hbm>>
      %dma_start3A_744 = arith.constant 0 : i32
      %dma_start3A_745 = arith.constant 0 : i32
      %dma_start3A_746 = arith.constant 0 : i32
      %dma_start3A_747 = arith.constant 0 : i32
      %dma_start3A_748 = tpu.memref_slice %arg10[%dma_start3A_744, %dma_start3A_745, %dma_start3A_746, %dma_start3A_747] : memref<2x1x64x256xf32, #tpu.memory_space<vmem>> -> memref<2x1x64x256xf32, #tpu.memory_space<vmem>>
      tpu.enqueue_dma source(%dma_start3A_748 : memref<2x1x64x256xf32, #tpu.memory_space<vmem>>) target(%dma_start3A_743 : memref<2x1x64x256xf32, #tpu.memory_space<hbm>>) target_semaphore(%arg16 : memref<!tpu.dma_semaphore, #tpu.memory_space<semaphore_mem>>)
      %dma_wait3A_749 = arith.constant 0 : i32
      %dma_wait3A_750 = arith.constant 0 : i32
      %dma_wait3A_751 = arith.constant 0 : i32
      %dma_wait3A_752 = arith.constant 0 : i32
      %dma_wait3A_753 = tpu.memref_slice %arg10[%dma_wait3A_749, %dma_wait3A_750, %dma_wait3A_751, %dma_wait3A_752] : memref<2x1x64x256xf32, #tpu.memory_space<vmem>> -> memref<2x1x64x256xf32, #tpu.memory_space<vmem>>
      %dma_wait3A_754 = arith.constant 0 : i32
      %dma_wait3A_755 = arith.constant 0 : i32
      %dma_wait3A_756 = arith.constant 0 : i32
      %dma_wait3A_757 = tpu.memref_slice %arg6[%add3A_30, %dma_wait3A_754, %dma_wait3A_755, %dma_wait3A_756] : memref<1024x1x64x256xf32, #tpu.memory_space<hbm>> -> memref<2x1x64x256xf32, #tpu.memory_space<hbm>>
      %dma_wait3A_758 = arith.constant 0 : i32
      %dma_wait3A_759 = arith.constant 0 : i32
      %dma_wait3A_760 = arith.constant 0 : i32
      %dma_wait3A_761 = tpu.memref_slice %arg6[%add3A_30, %dma_wait3A_758, %dma_wait3A_759, %dma_wait3A_760] : memref<1024x1x64x256xf32, #tpu.memory_space<hbm>> -> memref<2x1x64x256xf32, #tpu.memory_space<hbm>>
      %dma_wait3A_762 = arith.constant 0 : i32
      %dma_wait3A_763 = arith.constant 0 : i32
      %dma_wait3A_764 = arith.constant 0 : i32
      %dma_wait3A_765 = arith.constant 0 : i32
      %dma_wait3A_766 = tpu.memref_slice %arg10[%dma_wait3A_762, %dma_wait3A_763, %dma_wait3A_764, %dma_wait3A_765] : memref<2x1x64x256xf32, #tpu.memory_space<vmem>> -> memref<2x1x64x256xf32, #tpu.memory_space<vmem>>
      tpu.wait_dma2 semaphore(%arg16 : memref<!tpu.dma_semaphore, #tpu.memory_space<semaphore_mem>>) src(%dma_wait3A_766 : memref<2x1x64x256xf32, #tpu.memory_space<vmem>>) dst(%dma_wait3A_761 : memref<2x1x64x256xf32, #tpu.memory_space<hbm>>)
      %dma_start3A_767 = arith.constant 0 : i32
      %dma_start3A_768 = arith.constant 0 : i32
      %dma_start3A_769 = arith.constant 0 : i32
      %dma_start3A_770 = arith.constant 0 : i32
      %dma_start3A_771 = tpu.memref_slice %arg10[%dma_start3A_767, %dma_start3A_768, %dma_start3A_769, %dma_start3A_770] : memref<2x1x64x256xf32, #tpu.memory_space<vmem>> -> memref<2x1x64x256xf32, #tpu.memory_space<vmem>>
      %dma_start3A_772 = arith.constant 22 : i32
      %dma_start3A_773 = arith.constant 0 : i32
      %dma_start3A_774 = arith.constant 0 : i32
      %dma_start3A_775 = arith.constant 0 : i32
      %dma_start3A_776 = tpu.memref_slice %arg3[%dma_start3A_772, %dma_start3A_773, %dma_start3A_774, %dma_start3A_775] : memref<32x1x64x256xf32, #tpu.memory_space<hbm>> -> memref<2x1x64x256xf32, #tpu.memory_space<hbm>>
      %dma_start3A_777 = arith.constant 0 : i32
      %dma_start3A_778 = arith.constant 0 : i32
      %dma_start3A_779 = arith.constant 0 : i32
      %dma_start3A_780 = arith.constant 0 : i32
      %dma_start3A_781 = tpu.memref_slice %arg10[%dma_start3A_777, %dma_start3A_778, %dma_start3A_779, %dma_start3A_780] : memref<2x1x64x256xf32, #tpu.memory_space<vmem>> -> memref<2x1x64x256xf32, #tpu.memory_space<vmem>>
      %dma_start3A_782 = arith.constant 22 : i32
      %dma_start3A_783 = arith.constant 0 : i32
      %dma_start3A_784 = arith.constant 0 : i32
      %dma_start3A_785 = arith.constant 0 : i32
      %dma_start3A_786 = tpu.memref_slice %arg3[%dma_start3A_782, %dma_start3A_783, %dma_start3A_784, %dma_start3A_785] : memref<32x1x64x256xf32, #tpu.memory_space<hbm>> -> memref<2x1x64x256xf32, #tpu.memory_space<hbm>>
      tpu.enqueue_dma source(%dma_start3A_786 : memref<2x1x64x256xf32, #tpu.memory_space<hbm>>) target(%dma_start3A_781 : memref<2x1x64x256xf32, #tpu.memory_space<vmem>>) target_semaphore(%arg13 : memref<!tpu.dma_semaphore, #tpu.memory_space<semaphore_mem>>)
      %dma_wait3A_787 = arith.constant 0 : i32
      %dma_wait3A_788 = arith.constant 0 : i32
      %dma_wait3A_789 = arith.constant 0 : i32
      %dma_wait3A_790 = arith.constant 0 : i32
      %dma_wait3A_791 = tpu.memref_slice %arg8[%dma_wait3A_787, %dma_wait3A_788, %dma_wait3A_789, %dma_wait3A_790] : memref<2x1x64x256xf32, #tpu.memory_space<vmem>> -> memref<2x1x64x256xf32, #tpu.memory_space<vmem>>
      %dma_wait3A_792 = arith.constant 18 : i32
      %dma_wait3A_793 = arith.constant 0 : i32
      %dma_wait3A_794 = arith.constant 0 : i32
      %dma_wait3A_795 = arith.constant 0 : i32
      %dma_wait3A_796 = tpu.memref_slice %arg3[%dma_wait3A_792, %dma_wait3A_793, %dma_wait3A_794, %dma_wait3A_795] : memref<32x1x64x256xf32, #tpu.memory_space<hbm>> -> memref<2x1x64x256xf32, #tpu.memory_space<hbm>>
      %dma_wait3A_797 = arith.constant 0 : i32
      %dma_wait3A_798 = arith.constant 0 : i32
      %dma_wait3A_799 = arith.constant 0 : i32
      %dma_wait3A_800 = arith.constant 0 : i32
      %dma_wait3A_801 = tpu.memref_slice %arg8[%dma_wait3A_797, %dma_wait3A_798, %dma_wait3A_799, %dma_wait3A_800] : memref<2x1x64x256xf32, #tpu.memory_space<vmem>> -> memref<2x1x64x256xf32, #tpu.memory_space<vmem>>
      %dma_wait3A_802 = arith.constant 18 : i32
      %dma_wait3A_803 = arith.constant 0 : i32
      %dma_wait3A_804 = arith.constant 0 : i32
      %dma_wait3A_805 = arith.constant 0 : i32
      %dma_wait3A_806 = tpu.memref_slice %arg3[%dma_wait3A_802, %dma_wait3A_803, %dma_wait3A_804, %dma_wait3A_805] : memref<32x1x64x256xf32, #tpu.memory_space<hbm>> -> memref<2x1x64x256xf32, #tpu.memory_space<hbm>>
      tpu.wait_dma2 semaphore(%arg11 : memref<!tpu.dma_semaphore, #tpu.memory_space<semaphore_mem>>) src(%dma_wait3A_806 : memref<2x1x64x256xf32, #tpu.memory_space<hbm>>) dst(%dma_wait3A_801 : memref<2x1x64x256xf32, #tpu.memory_space<vmem>>)
      %dma_start3A_807 = arith.constant 0 : i32
      %dma_start3A_808 = arith.constant 0 : i32
      %dma_start3A_809 = arith.constant 0 : i32
      %dma_start3A_810 = arith.constant 0 : i32
      %dma_start3A_811 = tpu.memref_slice %arg8[%dma_start3A_807, %dma_start3A_808, %dma_start3A_809, %dma_start3A_810] : memref<2x1x64x256xf32, #tpu.memory_space<vmem>> -> memref<2x1x64x256xf32, #tpu.memory_space<vmem>>
      %dma_start3A_812 = arith.constant 0 : i32
      %dma_start3A_813 = arith.constant 0 : i32
      %dma_start3A_814 = arith.constant 0 : i32
      %dma_start3A_815 = tpu.memref_slice %arg6[%add3A_32, %dma_start3A_812, %dma_start3A_813, %dma_start3A_814] : memref<1024x1x64x256xf32, #tpu.memory_space<hbm>> -> memref<2x1x64x256xf32, #tpu.memory_space<hbm>>
      %dma_start3A_816 = arith.constant 0 : i32
      %dma_start3A_817 = arith.constant 0 : i32
      %dma_start3A_818 = arith.constant 0 : i32
      %dma_start3A_819 = tpu.memref_slice %arg6[%add3A_32, %dma_start3A_816, %dma_start3A_817, %dma_start3A_818] : memref<1024x1x64x256xf32, #tpu.memory_space<hbm>> -> memref<2x1x64x256xf32, #tpu.memory_space<hbm>>
      %dma_start3A_820 = arith.constant 0 : i32
      %dma_start3A_821 = arith.constant 0 : i32
      %dma_start3A_822 = arith.constant 0 : i32
      %dma_start3A_823 = arith.constant 0 : i32
      %dma_start3A_824 = tpu.memref_slice %arg8[%dma_start3A_820, %dma_start3A_821, %dma_start3A_822, %dma_start3A_823] : memref<2x1x64x256xf32, #tpu.memory_space<vmem>> -> memref<2x1x64x256xf32, #tpu.memory_space<vmem>>
      tpu.enqueue_dma source(%dma_start3A_824 : memref<2x1x64x256xf32, #tpu.memory_space<vmem>>) target(%dma_start3A_819 : memref<2x1x64x256xf32, #tpu.memory_space<hbm>>) target_semaphore(%arg14 : memref<!tpu.dma_semaphore, #tpu.memory_space<semaphore_mem>>)
      %dma_wait3A_825 = arith.constant 0 : i32
      %dma_wait3A_826 = arith.constant 0 : i32
      %dma_wait3A_827 = arith.constant 0 : i32
      %dma_wait3A_828 = arith.constant 0 : i32
      %dma_wait3A_829 = tpu.memref_slice %arg8[%dma_wait3A_825, %dma_wait3A_826, %dma_wait3A_827, %dma_wait3A_828] : memref<2x1x64x256xf32, #tpu.memory_space<vmem>> -> memref<2x1x64x256xf32, #tpu.memory_space<vmem>>
      %dma_wait3A_830 = arith.constant 0 : i32
      %dma_wait3A_831 = arith.constant 0 : i32
      %dma_wait3A_832 = arith.constant 0 : i32
      %dma_wait3A_833 = tpu.memref_slice %arg6[%add3A_32, %dma_wait3A_830, %dma_wait3A_831, %dma_wait3A_832] : memref<1024x1x64x256xf32, #tpu.memory_space<hbm>> -> memref<2x1x64x256xf32, #tpu.memory_space<hbm>>
      %dma_wait3A_834 = arith.constant 0 : i32
      %dma_wait3A_835 = arith.constant 0 : i32
      %dma_wait3A_836 = arith.constant 0 : i32
      %dma_wait3A_837 = tpu.memref_slice %arg6[%add3A_32, %dma_wait3A_834, %dma_wait3A_835, %dma_wait3A_836] : memref<1024x1x64x256xf32, #tpu.memory_space<hbm>> -> memref<2x1x64x256xf32, #tpu.memory_space<hbm>>
      %dma_wait3A_838 = arith.constant 0 : i32
      %dma_wait3A_839 = arith.constant 0 : i32
      %dma_wait3A_840 = arith.constant 0 : i32
      %dma_wait3A_841 = arith.constant 0 : i32
      %dma_wait3A_842 = tpu.memref_slice %arg8[%dma_wait3A_838, %dma_wait3A_839, %dma_wait3A_840, %dma_wait3A_841] : memref<2x1x64x256xf32, #tpu.memory_space<vmem>> -> memref<2x1x64x256xf32, #tpu.memory_space<vmem>>
      tpu.wait_dma2 semaphore(%arg14 : memref<!tpu.dma_semaphore, #tpu.memory_space<semaphore_mem>>) src(%dma_wait3A_842 : memref<2x1x64x256xf32, #tpu.memory_space<vmem>>) dst(%dma_wait3A_837 : memref<2x1x64x256xf32, #tpu.memory_space<hbm>>)
      %dma_start3A_843 = arith.constant 0 : i32
      %dma_start3A_844 = arith.constant 0 : i32
      %dma_start3A_845 = arith.constant 0 : i32
      %dma_start3A_846 = arith.constant 0 : i32
      %dma_start3A_847 = tpu.memref_slice %arg8[%dma_start3A_843, %dma_start3A_844, %dma_start3A_845, %dma_start3A_846] : memref<2x1x64x256xf32, #tpu.memory_space<vmem>> -> memref<2x1x64x256xf32, #tpu.memory_space<vmem>>
      %dma_start3A_848 = arith.constant 24 : i32
      %dma_start3A_849 = arith.constant 0 : i32
      %dma_start3A_850 = arith.constant 0 : i32
      %dma_start3A_851 = arith.constant 0 : i32
      %dma_start3A_852 = tpu.memref_slice %arg3[%dma_start3A_848, %dma_start3A_849, %dma_start3A_850, %dma_start3A_851] : memref<32x1x64x256xf32, #tpu.memory_space<hbm>> -> memref<2x1x64x256xf32, #tpu.memory_space<hbm>>
      %dma_start3A_853 = arith.constant 0 : i32
      %dma_start3A_854 = arith.constant 0 : i32
      %dma_start3A_855 = arith.constant 0 : i32
      %dma_start3A_856 = arith.constant 0 : i32
      %dma_start3A_857 = tpu.memref_slice %arg8[%dma_start3A_853, %dma_start3A_854, %dma_start3A_855, %dma_start3A_856] : memref<2x1x64x256xf32, #tpu.memory_space<vmem>> -> memref<2x1x64x256xf32, #tpu.memory_space<vmem>>
      %dma_start3A_858 = arith.constant 24 : i32
      %dma_start3A_859 = arith.constant 0 : i32
      %dma_start3A_860 = arith.constant 0 : i32
      %dma_start3A_861 = arith.constant 0 : i32
      %dma_start3A_862 = tpu.memref_slice %arg3[%dma_start3A_858, %dma_start3A_859, %dma_start3A_860, %dma_start3A_861] : memref<32x1x64x256xf32, #tpu.memory_space<hbm>> -> memref<2x1x64x256xf32, #tpu.memory_space<hbm>>
      tpu.enqueue_dma source(%dma_start3A_862 : memref<2x1x64x256xf32, #tpu.memory_space<hbm>>) target(%dma_start3A_857 : memref<2x1x64x256xf32, #tpu.memory_space<vmem>>) target_semaphore(%arg11 : memref<!tpu.dma_semaphore, #tpu.memory_space<semaphore_mem>>)
      %dma_wait3A_863 = arith.constant 0 : i32
      %dma_wait3A_864 = arith.constant 0 : i32
      %dma_wait3A_865 = arith.constant 0 : i32
      %dma_wait3A_866 = arith.constant 0 : i32
      %dma_wait3A_867 = tpu.memref_slice %arg9[%dma_wait3A_863, %dma_wait3A_864, %dma_wait3A_865, %dma_wait3A_866] : memref<2x1x64x256xf32, #tpu.memory_space<vmem>> -> memref<2x1x64x256xf32, #tpu.memory_space<vmem>>
      %dma_wait3A_868 = arith.constant 20 : i32
      %dma_wait3A_869 = arith.constant 0 : i32
      %dma_wait3A_870 = arith.constant 0 : i32
      %dma_wait3A_871 = arith.constant 0 : i32
      %dma_wait3A_872 = tpu.memref_slice %arg3[%dma_wait3A_868, %dma_wait3A_869, %dma_wait3A_870, %dma_wait3A_871] : memref<32x1x64x256xf32, #tpu.memory_space<hbm>> -> memref<2x1x64x256xf32, #tpu.memory_space<hbm>>
      %dma_wait3A_873 = arith.constant 0 : i32
      %dma_wait3A_874 = arith.constant 0 : i32
      %dma_wait3A_875 = arith.constant 0 : i32
      %dma_wait3A_876 = arith.constant 0 : i32
      %dma_wait3A_877 = tpu.memref_slice %arg9[%dma_wait3A_873, %dma_wait3A_874, %dma_wait3A_875, %dma_wait3A_876] : memref<2x1x64x256xf32, #tpu.memory_space<vmem>> -> memref<2x1x64x256xf32, #tpu.memory_space<vmem>>
      %dma_wait3A_878 = arith.constant 20 : i32
      %dma_wait3A_879 = arith.constant 0 : i32
      %dma_wait3A_880 = arith.constant 0 : i32
      %dma_wait3A_881 = arith.constant 0 : i32
      %dma_wait3A_882 = tpu.memref_slice %arg3[%dma_wait3A_878, %dma_wait3A_879, %dma_wait3A_880, %dma_wait3A_881] : memref<32x1x64x256xf32, #tpu.memory_space<hbm>> -> memref<2x1x64x256xf32, #tpu.memory_space<hbm>>
      tpu.wait_dma2 semaphore(%arg12 : memref<!tpu.dma_semaphore, #tpu.memory_space<semaphore_mem>>) src(%dma_wait3A_882 : memref<2x1x64x256xf32, #tpu.memory_space<hbm>>) dst(%dma_wait3A_877 : memref<2x1x64x256xf32, #tpu.memory_space<vmem>>)
      %dma_start3A_883 = arith.constant 0 : i32
      %dma_start3A_884 = arith.constant 0 : i32
      %dma_start3A_885 = arith.constant 0 : i32
      %dma_start3A_886 = arith.constant 0 : i32
      %dma_start3A_887 = tpu.memref_slice %arg9[%dma_start3A_883, %dma_start3A_884, %dma_start3A_885, %dma_start3A_886] : memref<2x1x64x256xf32, #tpu.memory_space<vmem>> -> memref<2x1x64x256xf32, #tpu.memory_space<vmem>>
      %dma_start3A_888 = arith.constant 0 : i32
      %dma_start3A_889 = arith.constant 0 : i32
      %dma_start3A_890 = arith.constant 0 : i32
      %dma_start3A_891 = tpu.memref_slice %arg6[%add3A_34, %dma_start3A_888, %dma_start3A_889, %dma_start3A_890] : memref<1024x1x64x256xf32, #tpu.memory_space<hbm>> -> memref<2x1x64x256xf32, #tpu.memory_space<hbm>>
      %dma_start3A_892 = arith.constant 0 : i32
      %dma_start3A_893 = arith.constant 0 : i32
      %dma_start3A_894 = arith.constant 0 : i32
      %dma_start3A_895 = tpu.memref_slice %arg6[%add3A_34, %dma_start3A_892, %dma_start3A_893, %dma_start3A_894] : memref<1024x1x64x256xf32, #tpu.memory_space<hbm>> -> memref<2x1x64x256xf32, #tpu.memory_space<hbm>>
      %dma_start3A_896 = arith.constant 0 : i32
      %dma_start3A_897 = arith.constant 0 : i32
      %dma_start3A_898 = arith.constant 0 : i32
      %dma_start3A_899 = arith.constant 0 : i32
      %dma_start3A_900 = tpu.memref_slice %arg9[%dma_start3A_896, %dma_start3A_897, %dma_start3A_898, %dma_start3A_899] : memref<2x1x64x256xf32, #tpu.memory_space<vmem>> -> memref<2x1x64x256xf32, #tpu.memory_space<vmem>>
      tpu.enqueue_dma source(%dma_start3A_900 : memref<2x1x64x256xf32, #tpu.memory_space<vmem>>) target(%dma_start3A_895 : memref<2x1x64x256xf32, #tpu.memory_space<hbm>>) target_semaphore(%arg15 : memref<!tpu.dma_semaphore, #tpu.memory_space<semaphore_mem>>)
      %dma_wait3A_901 = arith.constant 0 : i32
      %dma_wait3A_902 = arith.constant 0 : i32
      %dma_wait3A_903 = arith.constant 0 : i32
      %dma_wait3A_904 = arith.constant 0 : i32
      %dma_wait3A_905 = tpu.memref_slice %arg9[%dma_wait3A_901, %dma_wait3A_902, %dma_wait3A_903, %dma_wait3A_904] : memref<2x1x64x256xf32, #tpu.memory_space<vmem>> -> memref<2x1x64x256xf32, #tpu.memory_space<vmem>>
      %dma_wait3A_906 = arith.constant 0 : i32
      %dma_wait3A_907 = arith.constant 0 : i32
      %dma_wait3A_908 = arith.constant 0 : i32
      %dma_wait3A_909 = tpu.memref_slice %arg6[%add3A_34, %dma_wait3A_906, %dma_wait3A_907, %dma_wait3A_908] : memref<1024x1x64x256xf32, #tpu.memory_space<hbm>> -> memref<2x1x64x256xf32, #tpu.memory_space<hbm>>
      %dma_wait3A_910 = arith.constant 0 : i32
      %dma_wait3A_911 = arith.constant 0 : i32
      %dma_wait3A_912 = arith.constant 0 : i32
      %dma_wait3A_913 = tpu.memref_slice %arg6[%add3A_34, %dma_wait3A_910, %dma_wait3A_911, %dma_wait3A_912] : memref<1024x1x64x256xf32, #tpu.memory_space<hbm>> -> memref<2x1x64x256xf32, #tpu.memory_space<hbm>>
      %dma_wait3A_914 = arith.constant 0 : i32
      %dma_wait3A_915 = arith.constant 0 : i32
      %dma_wait3A_916 = arith.constant 0 : i32
      %dma_wait3A_917 = arith.constant 0 : i32
      %dma_wait3A_918 = tpu.memref_slice %arg9[%dma_wait3A_914, %dma_wait3A_915, %dma_wait3A_916, %dma_wait3A_917] : memref<2x1x64x256xf32, #tpu.memory_space<vmem>> -> memref<2x1x64x256xf32, #tpu.memory_space<vmem>>
      tpu.wait_dma2 semaphore(%arg15 : memref<!tpu.dma_semaphore, #tpu.memory_space<semaphore_mem>>) src(%dma_wait3A_918 : memref<2x1x64x256xf32, #tpu.memory_space<vmem>>) dst(%dma_wait3A_913 : memref<2x1x64x256xf32, #tpu.memory_space<hbm>>)
      %dma_start3A_919 = arith.constant 0 : i32
      %dma_start3A_920 = arith.constant 0 : i32
      %dma_start3A_921 = arith.constant 0 : i32
      %dma_start3A_922 = arith.constant 0 : i32
      %dma_start3A_923 = tpu.memref_slice %arg9[%dma_start3A_919, %dma_start3A_920, %dma_start3A_921, %dma_start3A_922] : memref<2x1x64x256xf32, #tpu.memory_space<vmem>> -> memref<2x1x64x256xf32, #tpu.memory_space<vmem>>
      %dma_start3A_924 = arith.constant 26 : i32
      %dma_start3A_925 = arith.constant 0 : i32
      %dma_start3A_926 = arith.constant 0 : i32
      %dma_start3A_927 = arith.constant 0 : i32
      %dma_start3A_928 = tpu.memref_slice %arg3[%dma_start3A_924, %dma_start3A_925, %dma_start3A_926, %dma_start3A_927] : memref<32x1x64x256xf32, #tpu.memory_space<hbm>> -> memref<2x1x64x256xf32, #tpu.memory_space<hbm>>
      %dma_start3A_929 = arith.constant 0 : i32
      %dma_start3A_930 = arith.constant 0 : i32
      %dma_start3A_931 = arith.constant 0 : i32
      %dma_start3A_932 = arith.constant 0 : i32
      %dma_start3A_933 = tpu.memref_slice %arg9[%dma_start3A_929, %dma_start3A_930, %dma_start3A_931, %dma_start3A_932] : memref<2x1x64x256xf32, #tpu.memory_space<vmem>> -> memref<2x1x64x256xf32, #tpu.memory_space<vmem>>
      %dma_start3A_934 = arith.constant 26 : i32
      %dma_start3A_935 = arith.constant 0 : i32
      %dma_start3A_936 = arith.constant 0 : i32
      %dma_start3A_937 = arith.constant 0 : i32
      %dma_start3A_938 = tpu.memref_slice %arg3[%dma_start3A_934, %dma_start3A_935, %dma_start3A_936, %dma_start3A_937] : memref<32x1x64x256xf32, #tpu.memory_space<hbm>> -> memref<2x1x64x256xf32, #tpu.memory_space<hbm>>
      tpu.enqueue_dma source(%dma_start3A_938 : memref<2x1x64x256xf32, #tpu.memory_space<hbm>>) target(%dma_start3A_933 : memref<2x1x64x256xf32, #tpu.memory_space<vmem>>) target_semaphore(%arg12 : memref<!tpu.dma_semaphore, #tpu.memory_space<semaphore_mem>>)
      %dma_wait3A_939 = arith.constant 0 : i32
      %dma_wait3A_940 = arith.constant 0 : i32
      %dma_wait3A_941 = arith.constant 0 : i32
      %dma_wait3A_942 = arith.constant 0 : i32
      %dma_wait3A_943 = tpu.memref_slice %arg10[%dma_wait3A_939, %dma_wait3A_940, %dma_wait3A_941, %dma_wait3A_942] : memref<2x1x64x256xf32, #tpu.memory_space<vmem>> -> memref<2x1x64x256xf32, #tpu.memory_space<vmem>>
      %dma_wait3A_944 = arith.constant 22 : i32
      %dma_wait3A_945 = arith.constant 0 : i32
      %dma_wait3A_946 = arith.constant 0 : i32
      %dma_wait3A_947 = arith.constant 0 : i32
      %dma_wait3A_948 = tpu.memref_slice %arg3[%dma_wait3A_944, %dma_wait3A_945, %dma_wait3A_946, %dma_wait3A_947] : memref<32x1x64x256xf32, #tpu.memory_space<hbm>> -> memref<2x1x64x256xf32, #tpu.memory_space<hbm>>
      %dma_wait3A_949 = arith.constant 0 : i32
      %dma_wait3A_950 = arith.constant 0 : i32
      %dma_wait3A_951 = arith.constant 0 : i32
      %dma_wait3A_952 = arith.constant 0 : i32
      %dma_wait3A_953 = tpu.memref_slice %arg10[%dma_wait3A_949, %dma_wait3A_950, %dma_wait3A_951, %dma_wait3A_952] : memref<2x1x64x256xf32, #tpu.memory_space<vmem>> -> memref<2x1x64x256xf32, #tpu.memory_space<vmem>>
      %dma_wait3A_954 = arith.constant 22 : i32
      %dma_wait3A_955 = arith.constant 0 : i32
      %dma_wait3A_956 = arith.constant 0 : i32
      %dma_wait3A_957 = arith.constant 0 : i32
      %dma_wait3A_958 = tpu.memref_slice %arg3[%dma_wait3A_954, %dma_wait3A_955, %dma_wait3A_956, %dma_wait3A_957] : memref<32x1x64x256xf32, #tpu.memory_space<hbm>> -> memref<2x1x64x256xf32, #tpu.memory_space<hbm>>
      tpu.wait_dma2 semaphore(%arg13 : memref<!tpu.dma_semaphore, #tpu.memory_space<semaphore_mem>>) src(%dma_wait3A_958 : memref<2x1x64x256xf32, #tpu.memory_space<hbm>>) dst(%dma_wait3A_953 : memref<2x1x64x256xf32, #tpu.memory_space<vmem>>)
      %dma_start3A_959 = arith.constant 0 : i32
      %dma_start3A_960 = arith.constant 0 : i32
      %dma_start3A_961 = arith.constant 0 : i32
      %dma_start3A_962 = arith.constant 0 : i32
      %dma_start3A_963 = tpu.memref_slice %arg10[%dma_start3A_959, %dma_start3A_960, %dma_start3A_961, %dma_start3A_962] : memref<2x1x64x256xf32, #tpu.memory_space<vmem>> -> memref<2x1x64x256xf32, #tpu.memory_space<vmem>>
      %dma_start3A_964 = arith.constant 0 : i32
      %dma_start3A_965 = arith.constant 0 : i32
      %dma_start3A_966 = arith.constant 0 : i32
      %dma_start3A_967 = tpu.memref_slice %arg6[%add3A_36, %dma_start3A_964, %dma_start3A_965, %dma_start3A_966] : memref<1024x1x64x256xf32, #tpu.memory_space<hbm>> -> memref<2x1x64x256xf32, #tpu.memory_space<hbm>>
      %dma_start3A_968 = arith.constant 0 : i32
      %dma_start3A_969 = arith.constant 0 : i32
      %dma_start3A_970 = arith.constant 0 : i32
      %dma_start3A_971 = tpu.memref_slice %arg6[%add3A_36, %dma_start3A_968, %dma_start3A_969, %dma_start3A_970] : memref<1024x1x64x256xf32, #tpu.memory_space<hbm>> -> memref<2x1x64x256xf32, #tpu.memory_space<hbm>>
      %dma_start3A_972 = arith.constant 0 : i32
      %dma_start3A_973 = arith.constant 0 : i32
      %dma_start3A_974 = arith.constant 0 : i32
      %dma_start3A_975 = arith.constant 0 : i32
      %dma_start3A_976 = tpu.memref_slice %arg10[%dma_start3A_972, %dma_start3A_973, %dma_start3A_974, %dma_start3A_975] : memref<2x1x64x256xf32, #tpu.memory_space<vmem>> -> memref<2x1x64x256xf32, #tpu.memory_space<vmem>>
      tpu.enqueue_dma source(%dma_start3A_976 : memref<2x1x64x256xf32, #tpu.memory_space<vmem>>) target(%dma_start3A_971 : memref<2x1x64x256xf32, #tpu.memory_space<hbm>>) target_semaphore(%arg16 : memref<!tpu.dma_semaphore, #tpu.memory_space<semaphore_mem>>)
      %dma_wait3A_977 = arith.constant 0 : i32
      %dma_wait3A_978 = arith.constant 0 : i32
      %dma_wait3A_979 = arith.constant 0 : i32
      %dma_wait3A_980 = arith.constant 0 : i32
      %dma_wait3A_981 = tpu.memref_slice %arg10[%dma_wait3A_977, %dma_wait3A_978, %dma_wait3A_979, %dma_wait3A_980] : memref<2x1x64x256xf32, #tpu.memory_space<vmem>> -> memref<2x1x64x256xf32, #tpu.memory_space<vmem>>
      %dma_wait3A_982 = arith.constant 0 : i32
      %dma_wait3A_983 = arith.constant 0 : i32
      %dma_wait3A_984 = arith.constant 0 : i32
      %dma_wait3A_985 = tpu.memref_slice %arg6[%add3A_36, %dma_wait3A_982, %dma_wait3A_983, %dma_wait3A_984] : memref<1024x1x64x256xf32, #tpu.memory_space<hbm>> -> memref<2x1x64x256xf32, #tpu.memory_space<hbm>>
      %dma_wait3A_986 = arith.constant 0 : i32
      %dma_wait3A_987 = arith.constant 0 : i32
      %dma_wait3A_988 = arith.constant 0 : i32
      %dma_wait3A_989 = tpu.memref_slice %arg6[%add3A_36, %dma_wait3A_986, %dma_wait3A_987, %dma_wait3A_988] : memref<1024x1x64x256xf32, #tpu.memory_space<hbm>> -> memref<2x1x64x256xf32, #tpu.memory_space<hbm>>
      %dma_wait3A_990 = arith.constant 0 : i32
      %dma_wait3A_991 = arith.constant 0 : i32
      %dma_wait3A_992 = arith.constant 0 : i32
      %dma_wait3A_993 = arith.constant 0 : i32
      %dma_wait3A_994 = tpu.memref_slice %arg10[%dma_wait3A_990, %dma_wait3A_991, %dma_wait3A_992, %dma_wait3A_993] : memref<2x1x64x256xf32, #tpu.memory_space<vmem>> -> memref<2x1x64x256xf32, #tpu.memory_space<vmem>>
      tpu.wait_dma2 semaphore(%arg16 : memref<!tpu.dma_semaphore, #tpu.memory_space<semaphore_mem>>) src(%dma_wait3A_994 : memref<2x1x64x256xf32, #tpu.memory_space<vmem>>) dst(%dma_wait3A_989 : memref<2x1x64x256xf32, #tpu.memory_space<hbm>>)
      %dma_start3A_995 = arith.constant 0 : i32
      %dma_start3A_996 = arith.constant 0 : i32
      %dma_start3A_997 = arith.constant 0 : i32
      %dma_start3A_998 = arith.constant 0 : i32
      %dma_start3A_999 = tpu.memref_slice %arg10[%dma_start3A_995, %dma_start3A_996, %dma_start3A_997, %dma_start3A_998] : memref<2x1x64x256xf32, #tpu.memory_space<vmem>> -> memref<2x1x64x256xf32, #tpu.memory_space<vmem>>
      %dma_start3A_1000 = arith.constant 28 : i32
      %dma_start3A_1001 = arith.constant 0 : i32
      %dma_start3A_1002 = arith.constant 0 : i32
      %dma_start3A_1003 = arith.constant 0 : i32
      %dma_start3A_1004 = tpu.memref_slice %arg3[%dma_start3A_1000, %dma_start3A_1001, %dma_start3A_1002, %dma_start3A_1003] : memref<32x1x64x256xf32, #tpu.memory_space<hbm>> -> memref<2x1x64x256xf32, #tpu.memory_space<hbm>>
      %dma_start3A_1005 = arith.constant 0 : i32
      %dma_start3A_1006 = arith.constant 0 : i32
      %dma_start3A_1007 = arith.constant 0 : i32
      %dma_start3A_1008 = arith.constant 0 : i32
      %dma_start3A_1009 = tpu.memref_slice %arg10[%dma_start3A_1005, %dma_start3A_1006, %dma_start3A_1007, %dma_start3A_1008] : memref<2x1x64x256xf32, #tpu.memory_space<vmem>> -> memref<2x1x64x256xf32, #tpu.memory_space<vmem>>
      %dma_start3A_1010 = arith.constant 28 : i32
      %dma_start3A_1011 = arith.constant 0 : i32
      %dma_start3A_1012 = arith.constant 0 : i32
      %dma_start3A_1013 = arith.constant 0 : i32
      %dma_start3A_1014 = tpu.memref_slice %arg3[%dma_start3A_1010, %dma_start3A_1011, %dma_start3A_1012, %dma_start3A_1013] : memref<32x1x64x256xf32, #tpu.memory_space<hbm>> -> memref<2x1x64x256xf32, #tpu.memory_space<hbm>>
      tpu.enqueue_dma source(%dma_start3A_1014 : memref<2x1x64x256xf32, #tpu.memory_space<hbm>>) target(%dma_start3A_1009 : memref<2x1x64x256xf32, #tpu.memory_space<vmem>>) target_semaphore(%arg13 : memref<!tpu.dma_semaphore, #tpu.memory_space<semaphore_mem>>)
      %dma_wait3A_1015 = arith.constant 0 : i32
      %dma_wait3A_1016 = arith.constant 0 : i32
      %dma_wait3A_1017 = arith.constant 0 : i32
      %dma_wait3A_1018 = arith.constant 0 : i32
      %dma_wait3A_1019 = tpu.memref_slice %arg8[%dma_wait3A_1015, %dma_wait3A_1016, %dma_wait3A_1017, %dma_wait3A_1018] : memref<2x1x64x256xf32, #tpu.memory_space<vmem>> -> memref<2x1x64x256xf32, #tpu.memory_space<vmem>>
      %dma_wait3A_1020 = arith.constant 24 : i32
      %dma_wait3A_1021 = arith.constant 0 : i32
      %dma_wait3A_1022 = arith.constant 0 : i32
      %dma_wait3A_1023 = arith.constant 0 : i32
      %dma_wait3A_1024 = tpu.memref_slice %arg3[%dma_wait3A_1020, %dma_wait3A_1021, %dma_wait3A_1022, %dma_wait3A_1023] : memref<32x1x64x256xf32, #tpu.memory_space<hbm>> -> memref<2x1x64x256xf32, #tpu.memory_space<hbm>>
      %dma_wait3A_1025 = arith.constant 0 : i32
      %dma_wait3A_1026 = arith.constant 0 : i32
      %dma_wait3A_1027 = arith.constant 0 : i32
      %dma_wait3A_1028 = arith.constant 0 : i32
      %dma_wait3A_1029 = tpu.memref_slice %arg8[%dma_wait3A_1025, %dma_wait3A_1026, %dma_wait3A_1027, %dma_wait3A_1028] : memref<2x1x64x256xf32, #tpu.memory_space<vmem>> -> memref<2x1x64x256xf32, #tpu.memory_space<vmem>>
      %dma_wait3A_1030 = arith.constant 24 : i32
      %dma_wait3A_1031 = arith.constant 0 : i32
      %dma_wait3A_1032 = arith.constant 0 : i32
      %dma_wait3A_1033 = arith.constant 0 : i32
      %dma_wait3A_1034 = tpu.memref_slice %arg3[%dma_wait3A_1030, %dma_wait3A_1031, %dma_wait3A_1032, %dma_wait3A_1033] : memref<32x1x64x256xf32, #tpu.memory_space<hbm>> -> memref<2x1x64x256xf32, #tpu.memory_space<hbm>>
      tpu.wait_dma2 semaphore(%arg11 : memref<!tpu.dma_semaphore, #tpu.memory_space<semaphore_mem>>) src(%dma_wait3A_1034 : memref<2x1x64x256xf32, #tpu.memory_space<hbm>>) dst(%dma_wait3A_1029 : memref<2x1x64x256xf32, #tpu.memory_space<vmem>>)
      %dma_start3A_1035 = arith.constant 0 : i32
      %dma_start3A_1036 = arith.constant 0 : i32
      %dma_start3A_1037 = arith.constant 0 : i32
      %dma_start3A_1038 = arith.constant 0 : i32
      %dma_start3A_1039 = tpu.memref_slice %arg8[%dma_start3A_1035, %dma_start3A_1036, %dma_start3A_1037, %dma_start3A_1038] : memref<2x1x64x256xf32, #tpu.memory_space<vmem>> -> memref<2x1x64x256xf32, #tpu.memory_space<vmem>>
      %dma_start3A_1040 = arith.constant 0 : i32
      %dma_start3A_1041 = arith.constant 0 : i32
      %dma_start3A_1042 = arith.constant 0 : i32
      %dma_start3A_1043 = tpu.memref_slice %arg6[%add3A_38, %dma_start3A_1040, %dma_start3A_1041, %dma_start3A_1042] : memref<1024x1x64x256xf32, #tpu.memory_space<hbm>> -> memref<2x1x64x256xf32, #tpu.memory_space<hbm>>
      %dma_start3A_1044 = arith.constant 0 : i32
      %dma_start3A_1045 = arith.constant 0 : i32
      %dma_start3A_1046 = arith.constant 0 : i32
      %dma_start3A_1047 = tpu.memref_slice %arg6[%add3A_38, %dma_start3A_1044, %dma_start3A_1045, %dma_start3A_1046] : memref<1024x1x64x256xf32, #tpu.memory_space<hbm>> -> memref<2x1x64x256xf32, #tpu.memory_space<hbm>>
      %dma_start3A_1048 = arith.constant 0 : i32
      %dma_start3A_1049 = arith.constant 0 : i32
      %dma_start3A_1050 = arith.constant 0 : i32
      %dma_start3A_1051 = arith.constant 0 : i32
      %dma_start3A_1052 = tpu.memref_slice %arg8[%dma_start3A_1048, %dma_start3A_1049, %dma_start3A_1050, %dma_start3A_1051] : memref<2x1x64x256xf32, #tpu.memory_space<vmem>> -> memref<2x1x64x256xf32, #tpu.memory_space<vmem>>
      tpu.enqueue_dma source(%dma_start3A_1052 : memref<2x1x64x256xf32, #tpu.memory_space<vmem>>) target(%dma_start3A_1047 : memref<2x1x64x256xf32, #tpu.memory_space<hbm>>) target_semaphore(%arg14 : memref<!tpu.dma_semaphore, #tpu.memory_space<semaphore_mem>>)
      %dma_wait3A_1053 = arith.constant 0 : i32
      %dma_wait3A_1054 = arith.constant 0 : i32
      %dma_wait3A_1055 = arith.constant 0 : i32
      %dma_wait3A_1056 = arith.constant 0 : i32
      %dma_wait3A_1057 = tpu.memref_slice %arg8[%dma_wait3A_1053, %dma_wait3A_1054, %dma_wait3A_1055, %dma_wait3A_1056] : memref<2x1x64x256xf32, #tpu.memory_space<vmem>> -> memref<2x1x64x256xf32, #tpu.memory_space<vmem>>
      %dma_wait3A_1058 = arith.constant 0 : i32
      %dma_wait3A_1059 = arith.constant 0 : i32
      %dma_wait3A_1060 = arith.constant 0 : i32
      %dma_wait3A_1061 = tpu.memref_slice %arg6[%add3A_38, %dma_wait3A_1058, %dma_wait3A_1059, %dma_wait3A_1060] : memref<1024x1x64x256xf32, #tpu.memory_space<hbm>> -> memref<2x1x64x256xf32, #tpu.memory_space<hbm>>
      %dma_wait3A_1062 = arith.constant 0 : i32
      %dma_wait3A_1063 = arith.constant 0 : i32
      %dma_wait3A_1064 = arith.constant 0 : i32
      %dma_wait3A_1065 = tpu.memref_slice %arg6[%add3A_38, %dma_wait3A_1062, %dma_wait3A_1063, %dma_wait3A_1064] : memref<1024x1x64x256xf32, #tpu.memory_space<hbm>> -> memref<2x1x64x256xf32, #tpu.memory_space<hbm>>
      %dma_wait3A_1066 = arith.constant 0 : i32
      %dma_wait3A_1067 = arith.constant 0 : i32
      %dma_wait3A_1068 = arith.constant 0 : i32
      %dma_wait3A_1069 = arith.constant 0 : i32
      %dma_wait3A_1070 = tpu.memref_slice %arg8[%dma_wait3A_1066, %dma_wait3A_1067, %dma_wait3A_1068, %dma_wait3A_1069] : memref<2x1x64x256xf32, #tpu.memory_space<vmem>> -> memref<2x1x64x256xf32, #tpu.memory_space<vmem>>
      tpu.wait_dma2 semaphore(%arg14 : memref<!tpu.dma_semaphore, #tpu.memory_space<semaphore_mem>>) src(%dma_wait3A_1070 : memref<2x1x64x256xf32, #tpu.memory_space<vmem>>) dst(%dma_wait3A_1065 : memref<2x1x64x256xf32, #tpu.memory_space<hbm>>)
      %dma_start3A_1071 = arith.constant 0 : i32
      %dma_start3A_1072 = arith.constant 0 : i32
      %dma_start3A_1073 = arith.constant 0 : i32
      %dma_start3A_1074 = arith.constant 0 : i32
      %dma_start3A_1075 = tpu.memref_slice %arg8[%dma_start3A_1071, %dma_start3A_1072, %dma_start3A_1073, %dma_start3A_1074] : memref<2x1x64x256xf32, #tpu.memory_space<vmem>> -> memref<2x1x64x256xf32, #tpu.memory_space<vmem>>
      %dma_start3A_1076 = arith.constant 30 : i32
      %dma_start3A_1077 = arith.constant 0 : i32
      %dma_start3A_1078 = arith.constant 0 : i32
      %dma_start3A_1079 = arith.constant 0 : i32
      %dma_start3A_1080 = tpu.memref_slice %arg3[%dma_start3A_1076, %dma_start3A_1077, %dma_start3A_1078, %dma_start3A_1079] : memref<32x1x64x256xf32, #tpu.memory_space<hbm>> -> memref<2x1x64x256xf32, #tpu.memory_space<hbm>>
      %dma_start3A_1081 = arith.constant 0 : i32
      %dma_start3A_1082 = arith.constant 0 : i32
      %dma_start3A_1083 = arith.constant 0 : i32
      %dma_start3A_1084 = arith.constant 0 : i32
      %dma_start3A_1085 = tpu.memref_slice %arg8[%dma_start3A_1081, %dma_start3A_1082, %dma_start3A_1083, %dma_start3A_1084] : memref<2x1x64x256xf32, #tpu.memory_space<vmem>> -> memref<2x1x64x256xf32, #tpu.memory_space<vmem>>
      %dma_start3A_1086 = arith.constant 30 : i32
      %dma_start3A_1087 = arith.constant 0 : i32
      %dma_start3A_1088 = arith.constant 0 : i32
      %dma_start3A_1089 = arith.constant 0 : i32
      %dma_start3A_1090 = tpu.memref_slice %arg3[%dma_start3A_1086, %dma_start3A_1087, %dma_start3A_1088, %dma_start3A_1089] : memref<32x1x64x256xf32, #tpu.memory_space<hbm>> -> memref<2x1x64x256xf32, #tpu.memory_space<hbm>>
      tpu.enqueue_dma source(%dma_start3A_1090 : memref<2x1x64x256xf32, #tpu.memory_space<hbm>>) target(%dma_start3A_1085 : memref<2x1x64x256xf32, #tpu.memory_space<vmem>>) target_semaphore(%arg11 : memref<!tpu.dma_semaphore, #tpu.memory_space<semaphore_mem>>)
      %dma_wait3A_1091 = arith.constant 0 : i32
      %dma_wait3A_1092 = arith.constant 0 : i32
      %dma_wait3A_1093 = arith.constant 0 : i32
      %dma_wait3A_1094 = arith.constant 0 : i32
      %dma_wait3A_1095 = tpu.memref_slice %arg9[%dma_wait3A_1091, %dma_wait3A_1092, %dma_wait3A_1093, %dma_wait3A_1094] : memref<2x1x64x256xf32, #tpu.memory_space<vmem>> -> memref<2x1x64x256xf32, #tpu.memory_space<vmem>>
      %dma_wait3A_1096 = arith.constant 26 : i32
      %dma_wait3A_1097 = arith.constant 0 : i32
      %dma_wait3A_1098 = arith.constant 0 : i32
      %dma_wait3A_1099 = arith.constant 0 : i32
      %dma_wait3A_1100 = tpu.memref_slice %arg3[%dma_wait3A_1096, %dma_wait3A_1097, %dma_wait3A_1098, %dma_wait3A_1099] : memref<32x1x64x256xf32, #tpu.memory_space<hbm>> -> memref<2x1x64x256xf32, #tpu.memory_space<hbm>>
      %dma_wait3A_1101 = arith.constant 0 : i32
      %dma_wait3A_1102 = arith.constant 0 : i32
      %dma_wait3A_1103 = arith.constant 0 : i32
      %dma_wait3A_1104 = arith.constant 0 : i32
      %dma_wait3A_1105 = tpu.memref_slice %arg9[%dma_wait3A_1101, %dma_wait3A_1102, %dma_wait3A_1103, %dma_wait3A_1104] : memref<2x1x64x256xf32, #tpu.memory_space<vmem>> -> memref<2x1x64x256xf32, #tpu.memory_space<vmem>>
      %dma_wait3A_1106 = arith.constant 26 : i32
      %dma_wait3A_1107 = arith.constant 0 : i32
      %dma_wait3A_1108 = arith.constant 0 : i32
      %dma_wait3A_1109 = arith.constant 0 : i32
      %dma_wait3A_1110 = tpu.memref_slice %arg3[%dma_wait3A_1106, %dma_wait3A_1107, %dma_wait3A_1108, %dma_wait3A_1109] : memref<32x1x64x256xf32, #tpu.memory_space<hbm>> -> memref<2x1x64x256xf32, #tpu.memory_space<hbm>>
      tpu.wait_dma2 semaphore(%arg12 : memref<!tpu.dma_semaphore, #tpu.memory_space<semaphore_mem>>) src(%dma_wait3A_1110 : memref<2x1x64x256xf32, #tpu.memory_space<hbm>>) dst(%dma_wait3A_1105 : memref<2x1x64x256xf32, #tpu.memory_space<vmem>>)
      %dma_start3A_1111 = arith.constant 0 : i32
      %dma_start3A_1112 = arith.constant 0 : i32
      %dma_start3A_1113 = arith.constant 0 : i32
      %dma_start3A_1114 = arith.constant 0 : i32
      %dma_start3A_1115 = tpu.memref_slice %arg9[%dma_start3A_1111, %dma_start3A_1112, %dma_start3A_1113, %dma_start3A_1114] : memref<2x1x64x256xf32, #tpu.memory_space<vmem>> -> memref<2x1x64x256xf32, #tpu.memory_space<vmem>>
      %dma_start3A_1116 = arith.constant 0 : i32
      %dma_start3A_1117 = arith.constant 0 : i32
      %dma_start3A_1118 = arith.constant 0 : i32
      %dma_start3A_1119 = tpu.memref_slice %arg6[%add3A_40, %dma_start3A_1116, %dma_start3A_1117, %dma_start3A_1118] : memref<1024x1x64x256xf32, #tpu.memory_space<hbm>> -> memref<2x1x64x256xf32, #tpu.memory_space<hbm>>
      %dma_start3A_1120 = arith.constant 0 : i32
      %dma_start3A_1121 = arith.constant 0 : i32
      %dma_start3A_1122 = arith.constant 0 : i32
      %dma_start3A_1123 = tpu.memref_slice %arg6[%add3A_40, %dma_start3A_1120, %dma_start3A_1121, %dma_start3A_1122] : memref<1024x1x64x256xf32, #tpu.memory_space<hbm>> -> memref<2x1x64x256xf32, #tpu.memory_space<hbm>>
      %dma_start3A_1124 = arith.constant 0 : i32
      %dma_start3A_1125 = arith.constant 0 : i32
      %dma_start3A_1126 = arith.constant 0 : i32
      %dma_start3A_1127 = arith.constant 0 : i32
      %dma_start3A_1128 = tpu.memref_slice %arg9[%dma_start3A_1124, %dma_start3A_1125, %dma_start3A_1126, %dma_start3A_1127] : memref<2x1x64x256xf32, #tpu.memory_space<vmem>> -> memref<2x1x64x256xf32, #tpu.memory_space<vmem>>
      tpu.enqueue_dma source(%dma_start3A_1128 : memref<2x1x64x256xf32, #tpu.memory_space<vmem>>) target(%dma_start3A_1123 : memref<2x1x64x256xf32, #tpu.memory_space<hbm>>) target_semaphore(%arg15 : memref<!tpu.dma_semaphore, #tpu.memory_space<semaphore_mem>>)
      %dma_wait3A_1129 = arith.constant 0 : i32
      %dma_wait3A_1130 = arith.constant 0 : i32
      %dma_wait3A_1131 = arith.constant 0 : i32
      %dma_wait3A_1132 = arith.constant 0 : i32
      %dma_wait3A_1133 = tpu.memref_slice %arg9[%dma_wait3A_1129, %dma_wait3A_1130, %dma_wait3A_1131, %dma_wait3A_1132] : memref<2x1x64x256xf32, #tpu.memory_space<vmem>> -> memref<2x1x64x256xf32, #tpu.memory_space<vmem>>
      %dma_wait3A_1134 = arith.constant 0 : i32
      %dma_wait3A_1135 = arith.constant 0 : i32
      %dma_wait3A_1136 = arith.constant 0 : i32
      %dma_wait3A_1137 = tpu.memref_slice %arg6[%add3A_40, %dma_wait3A_1134, %dma_wait3A_1135, %dma_wait3A_1136] : memref<1024x1x64x256xf32, #tpu.memory_space<hbm>> -> memref<2x1x64x256xf32, #tpu.memory_space<hbm>>
      %dma_wait3A_1138 = arith.constant 0 : i32
      %dma_wait3A_1139 = arith.constant 0 : i32
      %dma_wait3A_1140 = arith.constant 0 : i32
      %dma_wait3A_1141 = tpu.memref_slice %arg6[%add3A_40, %dma_wait3A_1138, %dma_wait3A_1139, %dma_wait3A_1140] : memref<1024x1x64x256xf32, #tpu.memory_space<hbm>> -> memref<2x1x64x256xf32, #tpu.memory_space<hbm>>
      %dma_wait3A_1142 = arith.constant 0 : i32
      %dma_wait3A_1143 = arith.constant 0 : i32
      %dma_wait3A_1144 = arith.constant 0 : i32
      %dma_wait3A_1145 = arith.constant 0 : i32
      %dma_wait3A_1146 = tpu.memref_slice %arg9[%dma_wait3A_1142, %dma_wait3A_1143, %dma_wait3A_1144, %dma_wait3A_1145] : memref<2x1x64x256xf32, #tpu.memory_space<vmem>> -> memref<2x1x64x256xf32, #tpu.memory_space<vmem>>
      tpu.wait_dma2 semaphore(%arg15 : memref<!tpu.dma_semaphore, #tpu.memory_space<semaphore_mem>>) src(%dma_wait3A_1146 : memref<2x1x64x256xf32, #tpu.memory_space<vmem>>) dst(%dma_wait3A_1141 : memref<2x1x64x256xf32, #tpu.memory_space<hbm>>)
      %dma_start3A_1147 = arith.constant 0 : i32
      %dma_start3A_1148 = arith.constant 0 : i32
      %dma_start3A_1149 = arith.constant 0 : i32
      %dma_start3A_1150 = arith.constant 0 : i32
      %dma_start3A_1151 = tpu.memref_slice %arg9[%dma_start3A_1147, %dma_start3A_1148, %dma_start3A_1149, %dma_start3A_1150] : memref<2x1x64x256xf32, #tpu.memory_space<vmem>> -> memref<1x1x64x256xf32, #tpu.memory_space<vmem>>
      %dma_start3A_1152 = arith.constant 256 : i32
      %dma_start3A_1153 = tpu.memref_slice %arg7[%dma_start3A_1152] : memref<272xi32, #tpu.memory_space<vmem>> -> memref<1xi32, #tpu.memory_space<vmem>>
      %dma_start3A_1154 = arith.constant 0 : i32
      %dma_start3A_1155 = arith.constant 0 : i32
      %dma_start3A_1156 = arith.constant 0 : i32
      %dma_start3A_1157 = arith.constant 0 : i32
      %dma_start3A_1158 = tpu.memref_slice %arg2[%dma_start3A_1154, %dma_start3A_1155, %dma_start3A_1156, %dma_start3A_1157] : memref<1024x1x64x256xf32, #tpu.memory_space<hbm>> -> memref<1024x1x64x256xf32, #tpu.memory_space<hbm>>
      tpu.enqueue_indirect_dma source(%dma_start3A_1158 : memref<1024x1x64x256xf32, #tpu.memory_space<hbm>>) target(%dma_start3A_1151 : memref<1x1x64x256xf32, #tpu.memory_space<vmem>>) offsets(%dma_start3A_1153 : memref<1xi32, #tpu.memory_space<vmem>>) semaphore(%arg12 : memref<!tpu.dma_semaphore, #tpu.memory_space<semaphore_mem>>)
      %dma_wait3A_1159 = arith.constant 0 : i32
      %dma_wait3A_1160 = arith.constant 0 : i32
      %dma_wait3A_1161 = arith.constant 0 : i32
      %dma_wait3A_1162 = arith.constant 0 : i32
      %dma_wait3A_1163 = tpu.memref_slice %arg10[%dma_wait3A_1159, %dma_wait3A_1160, %dma_wait3A_1161, %dma_wait3A_1162] : memref<2x1x64x256xf32, #tpu.memory_space<vmem>> -> memref<2x1x64x256xf32, #tpu.memory_space<vmem>>
      %dma_wait3A_1164 = arith.constant 28 : i32
      %dma_wait3A_1165 = arith.constant 0 : i32
      %dma_wait3A_1166 = arith.constant 0 : i32
      %dma_wait3A_1167 = arith.constant 0 : i32
      %dma_wait3A_1168 = tpu.memref_slice %arg3[%dma_wait3A_1164, %dma_wait3A_1165, %dma_wait3A_1166, %dma_wait3A_1167] : memref<32x1x64x256xf32, #tpu.memory_space<hbm>> -> memref<2x1x64x256xf32, #tpu.memory_space<hbm>>
      %dma_wait3A_1169 = arith.constant 0 : i32
      %dma_wait3A_1170 = arith.constant 0 : i32
      %dma_wait3A_1171 = arith.constant 0 : i32
      %dma_wait3A_1172 = arith.constant 0 : i32
      %dma_wait3A_1173 = tpu.memref_slice %arg10[%dma_wait3A_1169, %dma_wait3A_1170, %dma_wait3A_1171, %dma_wait3A_1172] : memref<2x1x64x256xf32, #tpu.memory_space<vmem>> -> memref<2x1x64x256xf32, #tpu.memory_space<vmem>>
      %dma_wait3A_1174 = arith.constant 28 : i32
      %dma_wait3A_1175 = arith.constant 0 : i32
      %dma_wait3A_1176 = arith.constant 0 : i32
      %dma_wait3A_1177 = arith.constant 0 : i32
      %dma_wait3A_1178 = tpu.memref_slice %arg3[%dma_wait3A_1174, %dma_wait3A_1175, %dma_wait3A_1176, %dma_wait3A_1177] : memref<32x1x64x256xf32, #tpu.memory_space<hbm>> -> memref<2x1x64x256xf32, #tpu.memory_space<hbm>>
      tpu.wait_dma2 semaphore(%arg13 : memref<!tpu.dma_semaphore, #tpu.memory_space<semaphore_mem>>) src(%dma_wait3A_1178 : memref<2x1x64x256xf32, #tpu.memory_space<hbm>>) dst(%dma_wait3A_1173 : memref<2x1x64x256xf32, #tpu.memory_space<vmem>>)
      %dma_start3A_1179 = arith.constant 0 : i32
      %dma_start3A_1180 = arith.constant 0 : i32
      %dma_start3A_1181 = arith.constant 0 : i32
      %dma_start3A_1182 = arith.constant 0 : i32
      %dma_start3A_1183 = tpu.memref_slice %arg10[%dma_start3A_1179, %dma_start3A_1180, %dma_start3A_1181, %dma_start3A_1182] : memref<2x1x64x256xf32, #tpu.memory_space<vmem>> -> memref<2x1x64x256xf32, #tpu.memory_space<vmem>>
      %dma_start3A_1184 = arith.constant 0 : i32
      %dma_start3A_1185 = arith.constant 0 : i32
      %dma_start3A_1186 = arith.constant 0 : i32
      %dma_start3A_1187 = tpu.memref_slice %arg6[%add3A_42, %dma_start3A_1184, %dma_start3A_1185, %dma_start3A_1186] : memref<1024x1x64x256xf32, #tpu.memory_space<hbm>> -> memref<2x1x64x256xf32, #tpu.memory_space<hbm>>
      %dma_start3A_1188 = arith.constant 0 : i32
      %dma_start3A_1189 = arith.constant 0 : i32
      %dma_start3A_1190 = arith.constant 0 : i32
      %dma_start3A_1191 = tpu.memref_slice %arg6[%add3A_42, %dma_start3A_1188, %dma_start3A_1189, %dma_start3A_1190] : memref<1024x1x64x256xf32, #tpu.memory_space<hbm>> -> memref<2x1x64x256xf32, #tpu.memory_space<hbm>>
      %dma_start3A_1192 = arith.constant 0 : i32
      %dma_start3A_1193 = arith.constant 0 : i32
      %dma_start3A_1194 = arith.constant 0 : i32
      %dma_start3A_1195 = arith.constant 0 : i32
      %dma_start3A_1196 = tpu.memref_slice %arg10[%dma_start3A_1192, %dma_start3A_1193, %dma_start3A_1194, %dma_start3A_1195] : memref<2x1x64x256xf32, #tpu.memory_space<vmem>> -> memref<2x1x64x256xf32, #tpu.memory_space<vmem>>
      tpu.enqueue_dma source(%dma_start3A_1196 : memref<2x1x64x256xf32, #tpu.memory_space<vmem>>) target(%dma_start3A_1191 : memref<2x1x64x256xf32, #tpu.memory_space<hbm>>) target_semaphore(%arg16 : memref<!tpu.dma_semaphore, #tpu.memory_space<semaphore_mem>>)
      %dma_wait3A_1197 = arith.constant 0 : i32
      %dma_wait3A_1198 = arith.constant 0 : i32
      %dma_wait3A_1199 = arith.constant 0 : i32
      %dma_wait3A_1200 = arith.constant 0 : i32
      %dma_wait3A_1201 = tpu.memref_slice %arg8[%dma_wait3A_1197, %dma_wait3A_1198, %dma_wait3A_1199, %dma_wait3A_1200] : memref<2x1x64x256xf32, #tpu.memory_space<vmem>> -> memref<2x1x64x256xf32, #tpu.memory_space<vmem>>
      %dma_wait3A_1202 = arith.constant 30 : i32
      %dma_wait3A_1203 = arith.constant 0 : i32
      %dma_wait3A_1204 = arith.constant 0 : i32
      %dma_wait3A_1205 = arith.constant 0 : i32
      %dma_wait3A_1206 = tpu.memref_slice %arg3[%dma_wait3A_1202, %dma_wait3A_1203, %dma_wait3A_1204, %dma_wait3A_1205] : memref<32x1x64x256xf32, #tpu.memory_space<hbm>> -> memref<2x1x64x256xf32, #tpu.memory_space<hbm>>
      %dma_wait3A_1207 = arith.constant 0 : i32
      %dma_wait3A_1208 = arith.constant 0 : i32
      %dma_wait3A_1209 = arith.constant 0 : i32
      %dma_wait3A_1210 = arith.constant 0 : i32
      %dma_wait3A_1211 = tpu.memref_slice %arg8[%dma_wait3A_1207, %dma_wait3A_1208, %dma_wait3A_1209, %dma_wait3A_1210] : memref<2x1x64x256xf32, #tpu.memory_space<vmem>> -> memref<2x1x64x256xf32, #tpu.memory_space<vmem>>
      %dma_wait3A_1212 = arith.constant 30 : i32
      %dma_wait3A_1213 = arith.constant 0 : i32
      %dma_wait3A_1214 = arith.constant 0 : i32
      %dma_wait3A_1215 = arith.constant 0 : i32
      %dma_wait3A_1216 = tpu.memref_slice %arg3[%dma_wait3A_1212, %dma_wait3A_1213, %dma_wait3A_1214, %dma_wait3A_1215] : memref<32x1x64x256xf32, #tpu.memory_space<hbm>> -> memref<2x1x64x256xf32, #tpu.memory_space<hbm>>
      tpu.wait_dma2 semaphore(%arg11 : memref<!tpu.dma_semaphore, #tpu.memory_space<semaphore_mem>>) src(%dma_wait3A_1216 : memref<2x1x64x256xf32, #tpu.memory_space<hbm>>) dst(%dma_wait3A_1211 : memref<2x1x64x256xf32, #tpu.memory_space<vmem>>)
      %dma_start3A_1217 = arith.constant 0 : i32
      %dma_start3A_1218 = arith.constant 0 : i32
      %dma_start3A_1219 = arith.constant 0 : i32
      %dma_start3A_1220 = arith.constant 0 : i32
      %dma_start3A_1221 = tpu.memref_slice %arg8[%dma_start3A_1217, %dma_start3A_1218, %dma_start3A_1219, %dma_start3A_1220] : memref<2x1x64x256xf32, #tpu.memory_space<vmem>> -> memref<2x1x64x256xf32, #tpu.memory_space<vmem>>
      %dma_start3A_1222 = arith.constant 0 : i32
      %dma_start3A_1223 = arith.constant 0 : i32
      %dma_start3A_1224 = arith.constant 0 : i32
      %dma_start3A_1225 = tpu.memref_slice %arg6[%add3A_44, %dma_start3A_1222, %dma_start3A_1223, %dma_start3A_1224] : memref<1024x1x64x256xf32, #tpu.memory_space<hbm>> -> memref<2x1x64x256xf32, #tpu.memory_space<hbm>>
      %dma_start3A_1226 = arith.constant 0 : i32
      %dma_start3A_1227 = arith.constant 0 : i32
      %dma_start3A_1228 = arith.constant 0 : i32
      %dma_start3A_1229 = tpu.memref_slice %arg6[%add3A_44, %dma_start3A_1226, %dma_start3A_1227, %dma_start3A_1228] : memref<1024x1x64x256xf32, #tpu.memory_space<hbm>> -> memref<2x1x64x256xf32, #tpu.memory_space<hbm>>
      %dma_start3A_1230 = arith.constant 0 : i32
      %dma_start3A_1231 = arith.constant 0 : i32
      %dma_start3A_1232 = arith.constant 0 : i32
      %dma_start3A_1233 = arith.constant 0 : i32
      %dma_start3A_1234 = tpu.memref_slice %arg8[%dma_start3A_1230, %dma_start3A_1231, %dma_start3A_1232, %dma_start3A_1233] : memref<2x1x64x256xf32, #tpu.memory_space<vmem>> -> memref<2x1x64x256xf32, #tpu.memory_space<vmem>>
      tpu.enqueue_dma source(%dma_start3A_1234 : memref<2x1x64x256xf32, #tpu.memory_space<vmem>>) target(%dma_start3A_1229 : memref<2x1x64x256xf32, #tpu.memory_space<hbm>>) target_semaphore(%arg14 : memref<!tpu.dma_semaphore, #tpu.memory_space<semaphore_mem>>)
      %dma_wait3A_1235 = arith.constant 0 : i32
      %dma_wait3A_1236 = arith.constant 0 : i32
      %dma_wait3A_1237 = arith.constant 0 : i32
      %dma_wait3A_1238 = arith.constant 0 : i32
      %dma_wait3A_1239 = tpu.memref_slice %arg9[%dma_wait3A_1235, %dma_wait3A_1236, %dma_wait3A_1237, %dma_wait3A_1238] : memref<2x1x64x256xf32, #tpu.memory_space<vmem>> -> memref<1x1x64x256xf32, #tpu.memory_space<vmem>>
      %dma_wait3A_1240 = arith.constant 256 : i32
      %dma_wait3A_1241 = tpu.memref_slice %arg7[%dma_wait3A_1240] : memref<272xi32, #tpu.memory_space<vmem>> -> memref<1xi32, #tpu.memory_space<vmem>>
      %dma_wait3A_1242 = arith.constant 0 : i32
      %dma_wait3A_1243 = arith.constant 0 : i32
      %dma_wait3A_1244 = arith.constant 0 : i32
      %dma_wait3A_1245 = arith.constant 0 : i32
      %dma_wait3A_1246 = tpu.memref_slice %arg2[%dma_wait3A_1242, %dma_wait3A_1243, %dma_wait3A_1244, %dma_wait3A_1245] : memref<1024x1x64x256xf32, #tpu.memory_space<hbm>> -> memref<1024x1x64x256xf32, #tpu.memory_space<hbm>>
      tpu.wait_indirect_dma semaphore(%arg12 : memref<!tpu.dma_semaphore, #tpu.memory_space<semaphore_mem>>) src(%dma_wait3A_1246 : memref<1024x1x64x256xf32, #tpu.memory_space<hbm>>) dst(%dma_wait3A_1239 : memref<1x1x64x256xf32, #tpu.memory_space<vmem>>)
      %dma_start3A_1247 = arith.constant 0 : i32
      %dma_start3A_1248 = arith.constant 0 : i32
      %dma_start3A_1249 = arith.constant 0 : i32
      %dma_start3A_1250 = arith.constant 0 : i32
      %dma_start3A_1251 = tpu.memref_slice %arg9[%dma_start3A_1247, %dma_start3A_1248, %dma_start3A_1249, %dma_start3A_1250] : memref<2x1x64x256xf32, #tpu.memory_space<vmem>> -> memref<1x1x64x256xf32, #tpu.memory_space<vmem>>
      %dma_start3A_1252 = arith.constant 0 : i32
      %dma_start3A_1253 = arith.constant 0 : i32
      %dma_start3A_1254 = arith.constant 0 : i32
      %dma_start3A_1255 = tpu.memref_slice %arg5[%add3A, %dma_start3A_1252, %dma_start3A_1253, %dma_start3A_1254] : memref<32x1x64x256xf32, #tpu.memory_space<hbm>> -> memref<1x1x64x256xf32, #tpu.memory_space<hbm>>
      %dma_start3A_1256 = arith.constant 0 : i32
      %dma_start3A_1257 = arith.constant 0 : i32
      %dma_start3A_1258 = arith.constant 0 : i32
      %dma_start3A_1259 = tpu.memref_slice %arg5[%add3A, %dma_start3A_1256, %dma_start3A_1257, %dma_start3A_1258] : memref<32x1x64x256xf32, #tpu.memory_space<hbm>> -> memref<1x1x64x256xf32, #tpu.memory_space<hbm>>
      %dma_start3A_1260 = arith.constant 0 : i32
      %dma_start3A_1261 = arith.constant 0 : i32
      %dma_start3A_1262 = arith.constant 0 : i32
      %dma_start3A_1263 = arith.constant 0 : i32
      %dma_start3A_1264 = tpu.memref_slice %arg9[%dma_start3A_1260, %dma_start3A_1261, %dma_start3A_1262, %dma_start3A_1263] : memref<2x1x64x256xf32, #tpu.memory_space<vmem>> -> memref<1x1x64x256xf32, #tpu.memory_space<vmem>>
      tpu.enqueue_dma source(%dma_start3A_1264 : memref<1x1x64x256xf32, #tpu.memory_space<vmem>>) target(%dma_start3A_1259 : memref<1x1x64x256xf32, #tpu.memory_space<hbm>>) target_semaphore(%arg15 : memref<!tpu.dma_semaphore, #tpu.memory_space<semaphore_mem>>)
      %dma_wait3A_1265 = arith.constant 0 : i32
      %dma_wait3A_1266 = arith.constant 0 : i32
      %dma_wait3A_1267 = arith.constant 0 : i32
      %dma_wait3A_1268 = arith.constant 0 : i32
      %dma_wait3A_1269 = tpu.memref_slice %arg10[%dma_wait3A_1265, %dma_wait3A_1266, %dma_wait3A_1267, %dma_wait3A_1268] : memref<2x1x64x256xf32, #tpu.memory_space<vmem>> -> memref<2x1x64x256xf32, #tpu.memory_space<vmem>>
      %dma_wait3A_1270 = arith.constant 0 : i32
      %dma_wait3A_1271 = arith.constant 0 : i32
      %dma_wait3A_1272 = arith.constant 0 : i32
      %dma_wait3A_1273 = tpu.memref_slice %arg6[%add3A_42, %dma_wait3A_1270, %dma_wait3A_1271, %dma_wait3A_1272] : memref<1024x1x64x256xf32, #tpu.memory_space<hbm>> -> memref<2x1x64x256xf32, #tpu.memory_space<hbm>>
      %dma_wait3A_1274 = arith.constant 0 : i32
      %dma_wait3A_1275 = arith.constant 0 : i32
      %dma_wait3A_1276 = arith.constant 0 : i32
      %dma_wait3A_1277 = tpu.memref_slice %arg6[%add3A_42, %dma_wait3A_1274, %dma_wait3A_1275, %dma_wait3A_1276] : memref<1024x1x64x256xf32, #tpu.memory_space<hbm>> -> memref<2x1x64x256xf32, #tpu.memory_space<hbm>>
      %dma_wait3A_1278 = arith.constant 0 : i32
      %dma_wait3A_1279 = arith.constant 0 : i32
      %dma_wait3A_1280 = arith.constant 0 : i32
      %dma_wait3A_1281 = arith.constant 0 : i32
      %dma_wait3A_1282 = tpu.memref_slice %arg10[%dma_wait3A_1278, %dma_wait3A_1279, %dma_wait3A_1280, %dma_wait3A_1281] : memref<2x1x64x256xf32, #tpu.memory_space<vmem>> -> memref<2x1x64x256xf32, #tpu.memory_space<vmem>>
      tpu.wait_dma2 semaphore(%arg16 : memref<!tpu.dma_semaphore, #tpu.memory_space<semaphore_mem>>) src(%dma_wait3A_1282 : memref<2x1x64x256xf32, #tpu.memory_space<vmem>>) dst(%dma_wait3A_1277 : memref<2x1x64x256xf32, #tpu.memory_space<hbm>>)
      %dma_wait3A_1283 = arith.constant 0 : i32
      %dma_wait3A_1284 = arith.constant 0 : i32
      %dma_wait3A_1285 = arith.constant 0 : i32
      %dma_wait3A_1286 = arith.constant 0 : i32
      %dma_wait3A_1287 = tpu.memref_slice %arg8[%dma_wait3A_1283, %dma_wait3A_1284, %dma_wait3A_1285, %dma_wait3A_1286] : memref<2x1x64x256xf32, #tpu.memory_space<vmem>> -> memref<2x1x64x256xf32, #tpu.memory_space<vmem>>
      %dma_wait3A_1288 = arith.constant 0 : i32
      %dma_wait3A_1289 = arith.constant 0 : i32
      %dma_wait3A_1290 = arith.constant 0 : i32
      %dma_wait3A_1291 = tpu.memref_slice %arg6[%add3A_44, %dma_wait3A_1288, %dma_wait3A_1289, %dma_wait3A_1290] : memref<1024x1x64x256xf32, #tpu.memory_space<hbm>> -> memref<2x1x64x256xf32, #tpu.memory_space<hbm>>
      %dma_wait3A_1292 = arith.constant 0 : i32
      %dma_wait3A_1293 = arith.constant 0 : i32
      %dma_wait3A_1294 = arith.constant 0 : i32
      %dma_wait3A_1295 = tpu.memref_slice %arg6[%add3A_44, %dma_wait3A_1292, %dma_wait3A_1293, %dma_wait3A_1294] : memref<1024x1x64x256xf32, #tpu.memory_space<hbm>> -> memref<2x1x64x256xf32, #tpu.memory_space<hbm>>
      %dma_wait3A_1296 = arith.constant 0 : i32
      %dma_wait3A_1297 = arith.constant 0 : i32
      %dma_wait3A_1298 = arith.constant 0 : i32
      %dma_wait3A_1299 = arith.constant 0 : i32
      %dma_wait3A_1300 = tpu.memref_slice %arg8[%dma_wait3A_1296, %dma_wait3A_1297, %dma_wait3A_1298, %dma_wait3A_1299] : memref<2x1x64x256xf32, #tpu.memory_space<vmem>> -> memref<2x1x64x256xf32, #tpu.memory_space<vmem>>
      tpu.wait_dma2 semaphore(%arg14 : memref<!tpu.dma_semaphore, #tpu.memory_space<semaphore_mem>>) src(%dma_wait3A_1300 : memref<2x1x64x256xf32, #tpu.memory_space<vmem>>) dst(%dma_wait3A_1295 : memref<2x1x64x256xf32, #tpu.memory_space<hbm>>)
      %dma_wait3A_1301 = arith.constant 0 : i32
      %dma_wait3A_1302 = arith.constant 0 : i32
      %dma_wait3A_1303 = arith.constant 0 : i32
      %dma_wait3A_1304 = arith.constant 0 : i32
      %dma_wait3A_1305 = tpu.memref_slice %arg9[%dma_wait3A_1301, %dma_wait3A_1302, %dma_wait3A_1303, %dma_wait3A_1304] : memref<2x1x64x256xf32, #tpu.memory_space<vmem>> -> memref<1x1x64x256xf32, #tpu.memory_space<vmem>>
      %dma_wait3A_1306 = arith.constant 0 : i32
      %dma_wait3A_1307 = arith.constant 0 : i32
      %dma_wait3A_1308 = arith.constant 0 : i32
      %dma_wait3A_1309 = tpu.memref_slice %arg5[%add3A, %dma_wait3A_1306, %dma_wait3A_1307, %dma_wait3A_1308] : memref<32x1x64x256xf32, #tpu.memory_space<hbm>> -> memref<1x1x64x256xf32, #tpu.memory_space<hbm>>
      %dma_wait3A_1310 = arith.constant 0 : i32
      %dma_wait3A_1311 = arith.constant 0 : i32
      %dma_wait3A_1312 = arith.constant 0 : i32
      %dma_wait3A_1313 = tpu.memref_slice %arg5[%add3A, %dma_wait3A_1310, %dma_wait3A_1311, %dma_wait3A_1312] : memref<32x1x64x256xf32, #tpu.memory_space<hbm>> -> memref<1x1x64x256xf32, #tpu.memory_space<hbm>>
      %dma_wait3A_1314 = arith.constant 0 : i32
      %dma_wait3A_1315 = arith.constant 0 : i32
      %dma_wait3A_1316 = arith.constant 0 : i32
      %dma_wait3A_1317 = arith.constant 0 : i32
      %dma_wait3A_1318 = tpu.memref_slice %arg9[%dma_wait3A_1314, %dma_wait3A_1315, %dma_wait3A_1316, %dma_wait3A_1317] : memref<2x1x64x256xf32, #tpu.memory_space<vmem>> -> memref<1x1x64x256xf32, #tpu.memory_space<vmem>>
      tpu.wait_dma2 semaphore(%arg15 : memref<!tpu.dma_semaphore, #tpu.memory_space<semaphore_mem>>) src(%dma_wait3A_1318 : memref<1x1x64x256xf32, #tpu.memory_space<vmem>>) dst(%dma_wait3A_1313 : memref<1x1x64x256xf32, #tpu.memory_space<hbm>>)
    } else {
    }
    %ne3A = arith.constant 0 : i32
    %ne3A_9 = arith.cmpi ne, %add3A, %ne3A : i32
    %convert_element_type3A_10 = arith.extui %ne3A_9 : i1 to i32
    %cond3A_11 = arith.constant 0 : i32
    %cond3A_12 = arith.cmpi ne, %convert_element_type3A_10, %cond3A_11 : i32
    scf.if %cond3A_12 {
      %add3A_13 = arith.constant 0 : i32
      %add3A_14 = arith.addi %mul3A_2, %add3A_13 : i32
      %add3A_15 = arith.constant 2 : i32
      %add3A_16 = arith.addi %mul3A_2, %add3A_15 : i32
      %add3A_17 = arith.constant 4 : i32
      %add3A_18 = arith.addi %mul3A_2, %add3A_17 : i32
      %add3A_19 = arith.constant 6 : i32
      %add3A_20 = arith.addi %mul3A_2, %add3A_19 : i32
      %add3A_21 = arith.constant 8 : i32
      %add3A_22 = arith.addi %mul3A_2, %add3A_21 : i32
      %add3A_23 = arith.constant 10 : i32
      %add3A_24 = arith.addi %mul3A_2, %add3A_23 : i32
      %add3A_25 = arith.constant 12 : i32
      %add3A_26 = arith.addi %mul3A_2, %add3A_25 : i32
      %add3A_27 = arith.constant 14 : i32
      %add3A_28 = arith.addi %mul3A_2, %add3A_27 : i32
      %add3A_29 = arith.constant 16 : i32
      %add3A_30 = arith.addi %mul3A_2, %add3A_29 : i32
      %add3A_31 = arith.constant 18 : i32
      %add3A_32 = arith.addi %mul3A_2, %add3A_31 : i32
      %add3A_33 = arith.constant 20 : i32
      %add3A_34 = arith.addi %mul3A_2, %add3A_33 : i32
      %add3A_35 = arith.constant 22 : i32
      %add3A_36 = arith.addi %mul3A_2, %add3A_35 : i32
      %add3A_37 = arith.constant 24 : i32
      %add3A_38 = arith.addi %mul3A_2, %add3A_37 : i32
      %add3A_39 = arith.constant 26 : i32
      %add3A_40 = arith.addi %mul3A_2, %add3A_39 : i32
      %add3A_41 = arith.constant 28 : i32
      %add3A_42 = arith.addi %mul3A_2, %add3A_41 : i32
      %add3A_43 = arith.constant 30 : i32
      %add3A_44 = arith.addi %mul3A_2, %add3A_43 : i32
      %dma_start3A = arith.constant 0 : i32
      %dma_start3A_45 = arith.constant 0 : i32
      %dma_start3A_46 = arith.constant 0 : i32
      %dma_start3A_47 = arith.constant 0 : i32
      %dma_start3A_48 = tpu.memref_slice %arg8[%dma_start3A, %dma_start3A_45, %dma_start3A_46, %dma_start3A_47] : memref<2x1x64x256xf32, #tpu.memory_space<vmem>> -> memref<2x1x64x256xf32, #tpu.memory_space<vmem>>
      %dma_start3A_49 = arith.constant 0 : i32
      %dma_start3A_50 = tpu.memref_slice %arg7[%dma_start3A_49] : memref<272xi32, #tpu.memory_space<vmem>> -> memref<2xi32, #tpu.memory_space<vmem>>
      %dma_start3A_51 = arith.constant 0 : i32
      %dma_start3A_52 = arith.constant 0 : i32
      %dma_start3A_53 = arith.constant 0 : i32
      %dma_start3A_54 = arith.constant 0 : i32
      %dma_start3A_55 = tpu.memref_slice %arg2[%dma_start3A_51, %dma_start3A_52, %dma_start3A_53, %dma_start3A_54] : memref<1024x1x64x256xf32, #tpu.memory_space<hbm>> -> memref<1024x1x64x256xf32, #tpu.memory_space<hbm>>
      tpu.enqueue_indirect_dma source(%dma_start3A_55 : memref<1024x1x64x256xf32, #tpu.memory_space<hbm>>) target(%dma_start3A_48 : memref<2x1x64x256xf32, #tpu.memory_space<vmem>>) offsets(%dma_start3A_50 : memref<2xi32, #tpu.memory_space<vmem>>) semaphore(%arg11 : memref<!tpu.dma_semaphore, #tpu.memory_space<semaphore_mem>>)
      %dma_start3A_56 = arith.constant 0 : i32
      %dma_start3A_57 = arith.constant 0 : i32
      %dma_start3A_58 = arith.constant 0 : i32
      %dma_start3A_59 = arith.constant 0 : i32
      %dma_start3A_60 = tpu.memref_slice %arg9[%dma_start3A_56, %dma_start3A_57, %dma_start3A_58, %dma_start3A_59] : memref<2x1x64x256xf32, #tpu.memory_space<vmem>> -> memref<2x1x64x256xf32, #tpu.memory_space<vmem>>
      %dma_start3A_61 = arith.constant 16 : i32
      %dma_start3A_62 = tpu.memref_slice %arg7[%dma_start3A_61] : memref<272xi32, #tpu.memory_space<vmem>> -> memref<2xi32, #tpu.memory_space<vmem>>
      %dma_start3A_63 = arith.constant 0 : i32
      %dma_start3A_64 = arith.constant 0 : i32
      %dma_start3A_65 = arith.constant 0 : i32
      %dma_start3A_66 = arith.constant 0 : i32
      %dma_start3A_67 = tpu.memref_slice %arg2[%dma_start3A_63, %dma_start3A_64, %dma_start3A_65, %dma_start3A_66] : memref<1024x1x64x256xf32, #tpu.memory_space<hbm>> -> memref<1024x1x64x256xf32, #tpu.memory_space<hbm>>
      tpu.enqueue_indirect_dma source(%dma_start3A_67 : memref<1024x1x64x256xf32, #tpu.memory_space<hbm>>) target(%dma_start3A_60 : memref<2x1x64x256xf32, #tpu.memory_space<vmem>>) offsets(%dma_start3A_62 : memref<2xi32, #tpu.memory_space<vmem>>) semaphore(%arg12 : memref<!tpu.dma_semaphore, #tpu.memory_space<semaphore_mem>>)
      %dma_start3A_68 = arith.constant 0 : i32
      %dma_start3A_69 = arith.constant 0 : i32
      %dma_start3A_70 = arith.constant 0 : i32
      %dma_start3A_71 = arith.constant 0 : i32
      %dma_start3A_72 = tpu.memref_slice %arg10[%dma_start3A_68, %dma_start3A_69, %dma_start3A_70, %dma_start3A_71] : memref<2x1x64x256xf32, #tpu.memory_space<vmem>> -> memref<2x1x64x256xf32, #tpu.memory_space<vmem>>
      %dma_start3A_73 = arith.constant 32 : i32
      %dma_start3A_74 = tpu.memref_slice %arg7[%dma_start3A_73] : memref<272xi32, #tpu.memory_space<vmem>> -> memref<2xi32, #tpu.memory_space<vmem>>
      %dma_start3A_75 = arith.constant 0 : i32
      %dma_start3A_76 = arith.constant 0 : i32
      %dma_start3A_77 = arith.constant 0 : i32
      %dma_start3A_78 = arith.constant 0 : i32
      %dma_start3A_79 = tpu.memref_slice %arg2[%dma_start3A_75, %dma_start3A_76, %dma_start3A_77, %dma_start3A_78] : memref<1024x1x64x256xf32, #tpu.memory_space<hbm>> -> memref<1024x1x64x256xf32, #tpu.memory_space<hbm>>
      tpu.enqueue_indirect_dma source(%dma_start3A_79 : memref<1024x1x64x256xf32, #tpu.memory_space<hbm>>) target(%dma_start3A_72 : memref<2x1x64x256xf32, #tpu.memory_space<vmem>>) offsets(%dma_start3A_74 : memref<2xi32, #tpu.memory_space<vmem>>) semaphore(%arg13 : memref<!tpu.dma_semaphore, #tpu.memory_space<semaphore_mem>>)
      %dma_wait3A = arith.constant 0 : i32
      %dma_wait3A_80 = arith.constant 0 : i32
      %dma_wait3A_81 = arith.constant 0 : i32
      %dma_wait3A_82 = arith.constant 0 : i32
      %dma_wait3A_83 = tpu.memref_slice %arg8[%dma_wait3A, %dma_wait3A_80, %dma_wait3A_81, %dma_wait3A_82] : memref<2x1x64x256xf32, #tpu.memory_space<vmem>> -> memref<2x1x64x256xf32, #tpu.memory_space<vmem>>
      %dma_wait3A_84 = arith.constant 0 : i32
      %dma_wait3A_85 = tpu.memref_slice %arg7[%dma_wait3A_84] : memref<272xi32, #tpu.memory_space<vmem>> -> memref<2xi32, #tpu.memory_space<vmem>>
      %dma_wait3A_86 = arith.constant 0 : i32
      %dma_wait3A_87 = arith.constant 0 : i32
      %dma_wait3A_88 = arith.constant 0 : i32
      %dma_wait3A_89 = arith.constant 0 : i32
      %dma_wait3A_90 = tpu.memref_slice %arg2[%dma_wait3A_86, %dma_wait3A_87, %dma_wait3A_88, %dma_wait3A_89] : memref<1024x1x64x256xf32, #tpu.memory_space<hbm>> -> memref<1024x1x64x256xf32, #tpu.memory_space<hbm>>
      tpu.wait_indirect_dma semaphore(%arg11 : memref<!tpu.dma_semaphore, #tpu.memory_space<semaphore_mem>>) src(%dma_wait3A_90 : memref<1024x1x64x256xf32, #tpu.memory_space<hbm>>) dst(%dma_wait3A_83 : memref<2x1x64x256xf32, #tpu.memory_space<vmem>>)
      %dma_start3A_91 = arith.constant 0 : i32
      %dma_start3A_92 = arith.constant 0 : i32
      %dma_start3A_93 = arith.constant 0 : i32
      %dma_start3A_94 = arith.constant 0 : i32
      %dma_start3A_95 = tpu.memref_slice %arg8[%dma_start3A_91, %dma_start3A_92, %dma_start3A_93, %dma_start3A_94] : memref<2x1x64x256xf32, #tpu.memory_space<vmem>> -> memref<2x1x64x256xf32, #tpu.memory_space<vmem>>
      %dma_start3A_96 = arith.constant 0 : i32
      %dma_start3A_97 = arith.constant 0 : i32
      %dma_start3A_98 = arith.constant 0 : i32
      %dma_start3A_99 = tpu.memref_slice %arg6[%add3A_14, %dma_start3A_96, %dma_start3A_97, %dma_start3A_98] : memref<1024x1x64x256xf32, #tpu.memory_space<hbm>> -> memref<2x1x64x256xf32, #tpu.memory_space<hbm>>
      %dma_start3A_100 = arith.constant 0 : i32
      %dma_start3A_101 = arith.constant 0 : i32
      %dma_start3A_102 = arith.constant 0 : i32
      %dma_start3A_103 = tpu.memref_slice %arg6[%add3A_14, %dma_start3A_100, %dma_start3A_101, %dma_start3A_102] : memref<1024x1x64x256xf32, #tpu.memory_space<hbm>> -> memref<2x1x64x256xf32, #tpu.memory_space<hbm>>
      %dma_start3A_104 = arith.constant 0 : i32
      %dma_start3A_105 = arith.constant 0 : i32
      %dma_start3A_106 = arith.constant 0 : i32
      %dma_start3A_107 = arith.constant 0 : i32
      %dma_start3A_108 = tpu.memref_slice %arg8[%dma_start3A_104, %dma_start3A_105, %dma_start3A_106, %dma_start3A_107] : memref<2x1x64x256xf32, #tpu.memory_space<vmem>> -> memref<2x1x64x256xf32, #tpu.memory_space<vmem>>
      tpu.enqueue_dma source(%dma_start3A_108 : memref<2x1x64x256xf32, #tpu.memory_space<vmem>>) target(%dma_start3A_103 : memref<2x1x64x256xf32, #tpu.memory_space<hbm>>) target_semaphore(%arg14 : memref<!tpu.dma_semaphore, #tpu.memory_space<semaphore_mem>>)
      %dma_wait3A_109 = arith.constant 0 : i32
      %dma_wait3A_110 = arith.constant 0 : i32
      %dma_wait3A_111 = arith.constant 0 : i32
      %dma_wait3A_112 = arith.constant 0 : i32
      %dma_wait3A_113 = tpu.memref_slice %arg8[%dma_wait3A_109, %dma_wait3A_110, %dma_wait3A_111, %dma_wait3A_112] : memref<2x1x64x256xf32, #tpu.memory_space<vmem>> -> memref<2x1x64x256xf32, #tpu.memory_space<vmem>>
      %dma_wait3A_114 = arith.constant 0 : i32
      %dma_wait3A_115 = arith.constant 0 : i32
      %dma_wait3A_116 = arith.constant 0 : i32
      %dma_wait3A_117 = tpu.memref_slice %arg6[%add3A_14, %dma_wait3A_114, %dma_wait3A_115, %dma_wait3A_116] : memref<1024x1x64x256xf32, #tpu.memory_space<hbm>> -> memref<2x1x64x256xf32, #tpu.memory_space<hbm>>
      %dma_wait3A_118 = arith.constant 0 : i32
      %dma_wait3A_119 = arith.constant 0 : i32
      %dma_wait3A_120 = arith.constant 0 : i32
      %dma_wait3A_121 = tpu.memref_slice %arg6[%add3A_14, %dma_wait3A_118, %dma_wait3A_119, %dma_wait3A_120] : memref<1024x1x64x256xf32, #tpu.memory_space<hbm>> -> memref<2x1x64x256xf32, #tpu.memory_space<hbm>>
      %dma_wait3A_122 = arith.constant 0 : i32
      %dma_wait3A_123 = arith.constant 0 : i32
      %dma_wait3A_124 = arith.constant 0 : i32
      %dma_wait3A_125 = arith.constant 0 : i32
      %dma_wait3A_126 = tpu.memref_slice %arg8[%dma_wait3A_122, %dma_wait3A_123, %dma_wait3A_124, %dma_wait3A_125] : memref<2x1x64x256xf32, #tpu.memory_space<vmem>> -> memref<2x1x64x256xf32, #tpu.memory_space<vmem>>
      tpu.wait_dma2 semaphore(%arg14 : memref<!tpu.dma_semaphore, #tpu.memory_space<semaphore_mem>>) src(%dma_wait3A_126 : memref<2x1x64x256xf32, #tpu.memory_space<vmem>>) dst(%dma_wait3A_121 : memref<2x1x64x256xf32, #tpu.memory_space<hbm>>)
      %dma_start3A_127 = arith.constant 0 : i32
      %dma_start3A_128 = arith.constant 0 : i32
      %dma_start3A_129 = arith.constant 0 : i32
      %dma_start3A_130 = arith.constant 0 : i32
      %dma_start3A_131 = tpu.memref_slice %arg8[%dma_start3A_127, %dma_start3A_128, %dma_start3A_129, %dma_start3A_130] : memref<2x1x64x256xf32, #tpu.memory_space<vmem>> -> memref<2x1x64x256xf32, #tpu.memory_space<vmem>>
      %dma_start3A_132 = arith.constant 48 : i32
      %dma_start3A_133 = tpu.memref_slice %arg7[%dma_start3A_132] : memref<272xi32, #tpu.memory_space<vmem>> -> memref<2xi32, #tpu.memory_space<vmem>>
      %dma_start3A_134 = arith.constant 0 : i32
      %dma_start3A_135 = arith.constant 0 : i32
      %dma_start3A_136 = arith.constant 0 : i32
      %dma_start3A_137 = arith.constant 0 : i32
      %dma_start3A_138 = tpu.memref_slice %arg2[%dma_start3A_134, %dma_start3A_135, %dma_start3A_136, %dma_start3A_137] : memref<1024x1x64x256xf32, #tpu.memory_space<hbm>> -> memref<1024x1x64x256xf32, #tpu.memory_space<hbm>>
      tpu.enqueue_indirect_dma source(%dma_start3A_138 : memref<1024x1x64x256xf32, #tpu.memory_space<hbm>>) target(%dma_start3A_131 : memref<2x1x64x256xf32, #tpu.memory_space<vmem>>) offsets(%dma_start3A_133 : memref<2xi32, #tpu.memory_space<vmem>>) semaphore(%arg11 : memref<!tpu.dma_semaphore, #tpu.memory_space<semaphore_mem>>)
      %dma_wait3A_139 = arith.constant 0 : i32
      %dma_wait3A_140 = arith.constant 0 : i32
      %dma_wait3A_141 = arith.constant 0 : i32
      %dma_wait3A_142 = arith.constant 0 : i32
      %dma_wait3A_143 = tpu.memref_slice %arg9[%dma_wait3A_139, %dma_wait3A_140, %dma_wait3A_141, %dma_wait3A_142] : memref<2x1x64x256xf32, #tpu.memory_space<vmem>> -> memref<2x1x64x256xf32, #tpu.memory_space<vmem>>
      %dma_wait3A_144 = arith.constant 16 : i32
      %dma_wait3A_145 = tpu.memref_slice %arg7[%dma_wait3A_144] : memref<272xi32, #tpu.memory_space<vmem>> -> memref<2xi32, #tpu.memory_space<vmem>>
      %dma_wait3A_146 = arith.constant 0 : i32
      %dma_wait3A_147 = arith.constant 0 : i32
      %dma_wait3A_148 = arith.constant 0 : i32
      %dma_wait3A_149 = arith.constant 0 : i32
      %dma_wait3A_150 = tpu.memref_slice %arg2[%dma_wait3A_146, %dma_wait3A_147, %dma_wait3A_148, %dma_wait3A_149] : memref<1024x1x64x256xf32, #tpu.memory_space<hbm>> -> memref<1024x1x64x256xf32, #tpu.memory_space<hbm>>
      tpu.wait_indirect_dma semaphore(%arg12 : memref<!tpu.dma_semaphore, #tpu.memory_space<semaphore_mem>>) src(%dma_wait3A_150 : memref<1024x1x64x256xf32, #tpu.memory_space<hbm>>) dst(%dma_wait3A_143 : memref<2x1x64x256xf32, #tpu.memory_space<vmem>>)
      %dma_start3A_151 = arith.constant 0 : i32
      %dma_start3A_152 = arith.constant 0 : i32
      %dma_start3A_153 = arith.constant 0 : i32
      %dma_start3A_154 = arith.constant 0 : i32
      %dma_start3A_155 = tpu.memref_slice %arg9[%dma_start3A_151, %dma_start3A_152, %dma_start3A_153, %dma_start3A_154] : memref<2x1x64x256xf32, #tpu.memory_space<vmem>> -> memref<2x1x64x256xf32, #tpu.memory_space<vmem>>
      %dma_start3A_156 = arith.constant 0 : i32
      %dma_start3A_157 = arith.constant 0 : i32
      %dma_start3A_158 = arith.constant 0 : i32
      %dma_start3A_159 = tpu.memref_slice %arg6[%add3A_16, %dma_start3A_156, %dma_start3A_157, %dma_start3A_158] : memref<1024x1x64x256xf32, #tpu.memory_space<hbm>> -> memref<2x1x64x256xf32, #tpu.memory_space<hbm>>
      %dma_start3A_160 = arith.constant 0 : i32
      %dma_start3A_161 = arith.constant 0 : i32
      %dma_start3A_162 = arith.constant 0 : i32
      %dma_start3A_163 = tpu.memref_slice %arg6[%add3A_16, %dma_start3A_160, %dma_start3A_161, %dma_start3A_162] : memref<1024x1x64x256xf32, #tpu.memory_space<hbm>> -> memref<2x1x64x256xf32, #tpu.memory_space<hbm>>
      %dma_start3A_164 = arith.constant 0 : i32
      %dma_start3A_165 = arith.constant 0 : i32
      %dma_start3A_166 = arith.constant 0 : i32
      %dma_start3A_167 = arith.constant 0 : i32
      %dma_start3A_168 = tpu.memref_slice %arg9[%dma_start3A_164, %dma_start3A_165, %dma_start3A_166, %dma_start3A_167] : memref<2x1x64x256xf32, #tpu.memory_space<vmem>> -> memref<2x1x64x256xf32, #tpu.memory_space<vmem>>
      tpu.enqueue_dma source(%dma_start3A_168 : memref<2x1x64x256xf32, #tpu.memory_space<vmem>>) target(%dma_start3A_163 : memref<2x1x64x256xf32, #tpu.memory_space<hbm>>) target_semaphore(%arg15 : memref<!tpu.dma_semaphore, #tpu.memory_space<semaphore_mem>>)
      %dma_wait3A_169 = arith.constant 0 : i32
      %dma_wait3A_170 = arith.constant 0 : i32
      %dma_wait3A_171 = arith.constant 0 : i32
      %dma_wait3A_172 = arith.constant 0 : i32
      %dma_wait3A_173 = tpu.memref_slice %arg9[%dma_wait3A_169, %dma_wait3A_170, %dma_wait3A_171, %dma_wait3A_172] : memref<2x1x64x256xf32, #tpu.memory_space<vmem>> -> memref<2x1x64x256xf32, #tpu.memory_space<vmem>>
      %dma_wait3A_174 = arith.constant 0 : i32
      %dma_wait3A_175 = arith.constant 0 : i32
      %dma_wait3A_176 = arith.constant 0 : i32
      %dma_wait3A_177 = tpu.memref_slice %arg6[%add3A_16, %dma_wait3A_174, %dma_wait3A_175, %dma_wait3A_176] : memref<1024x1x64x256xf32, #tpu.memory_space<hbm>> -> memref<2x1x64x256xf32, #tpu.memory_space<hbm>>
      %dma_wait3A_178 = arith.constant 0 : i32
      %dma_wait3A_179 = arith.constant 0 : i32
      %dma_wait3A_180 = arith.constant 0 : i32
      %dma_wait3A_181 = tpu.memref_slice %arg6[%add3A_16, %dma_wait3A_178, %dma_wait3A_179, %dma_wait3A_180] : memref<1024x1x64x256xf32, #tpu.memory_space<hbm>> -> memref<2x1x64x256xf32, #tpu.memory_space<hbm>>
      %dma_wait3A_182 = arith.constant 0 : i32
      %dma_wait3A_183 = arith.constant 0 : i32
      %dma_wait3A_184 = arith.constant 0 : i32
      %dma_wait3A_185 = arith.constant 0 : i32
      %dma_wait3A_186 = tpu.memref_slice %arg9[%dma_wait3A_182, %dma_wait3A_183, %dma_wait3A_184, %dma_wait3A_185] : memref<2x1x64x256xf32, #tpu.memory_space<vmem>> -> memref<2x1x64x256xf32, #tpu.memory_space<vmem>>
      tpu.wait_dma2 semaphore(%arg15 : memref<!tpu.dma_semaphore, #tpu.memory_space<semaphore_mem>>) src(%dma_wait3A_186 : memref<2x1x64x256xf32, #tpu.memory_space<vmem>>) dst(%dma_wait3A_181 : memref<2x1x64x256xf32, #tpu.memory_space<hbm>>)
      %dma_start3A_187 = arith.constant 0 : i32
      %dma_start3A_188 = arith.constant 0 : i32
      %dma_start3A_189 = arith.constant 0 : i32
      %dma_start3A_190 = arith.constant 0 : i32
      %dma_start3A_191 = tpu.memref_slice %arg9[%dma_start3A_187, %dma_start3A_188, %dma_start3A_189, %dma_start3A_190] : memref<2x1x64x256xf32, #tpu.memory_space<vmem>> -> memref<2x1x64x256xf32, #tpu.memory_space<vmem>>
      %dma_start3A_192 = arith.constant 64 : i32
      %dma_start3A_193 = tpu.memref_slice %arg7[%dma_start3A_192] : memref<272xi32, #tpu.memory_space<vmem>> -> memref<2xi32, #tpu.memory_space<vmem>>
      %dma_start3A_194 = arith.constant 0 : i32
      %dma_start3A_195 = arith.constant 0 : i32
      %dma_start3A_196 = arith.constant 0 : i32
      %dma_start3A_197 = arith.constant 0 : i32
      %dma_start3A_198 = tpu.memref_slice %arg2[%dma_start3A_194, %dma_start3A_195, %dma_start3A_196, %dma_start3A_197] : memref<1024x1x64x256xf32, #tpu.memory_space<hbm>> -> memref<1024x1x64x256xf32, #tpu.memory_space<hbm>>
      tpu.enqueue_indirect_dma source(%dma_start3A_198 : memref<1024x1x64x256xf32, #tpu.memory_space<hbm>>) target(%dma_start3A_191 : memref<2x1x64x256xf32, #tpu.memory_space<vmem>>) offsets(%dma_start3A_193 : memref<2xi32, #tpu.memory_space<vmem>>) semaphore(%arg12 : memref<!tpu.dma_semaphore, #tpu.memory_space<semaphore_mem>>)
      %dma_wait3A_199 = arith.constant 0 : i32
      %dma_wait3A_200 = arith.constant 0 : i32
      %dma_wait3A_201 = arith.constant 0 : i32
      %dma_wait3A_202 = arith.constant 0 : i32
      %dma_wait3A_203 = tpu.memref_slice %arg10[%dma_wait3A_199, %dma_wait3A_200, %dma_wait3A_201, %dma_wait3A_202] : memref<2x1x64x256xf32, #tpu.memory_space<vmem>> -> memref<2x1x64x256xf32, #tpu.memory_space<vmem>>
      %dma_wait3A_204 = arith.constant 32 : i32
      %dma_wait3A_205 = tpu.memref_slice %arg7[%dma_wait3A_204] : memref<272xi32, #tpu.memory_space<vmem>> -> memref<2xi32, #tpu.memory_space<vmem>>
      %dma_wait3A_206 = arith.constant 0 : i32
      %dma_wait3A_207 = arith.constant 0 : i32
      %dma_wait3A_208 = arith.constant 0 : i32
      %dma_wait3A_209 = arith.constant 0 : i32
      %dma_wait3A_210 = tpu.memref_slice %arg2[%dma_wait3A_206, %dma_wait3A_207, %dma_wait3A_208, %dma_wait3A_209] : memref<1024x1x64x256xf32, #tpu.memory_space<hbm>> -> memref<1024x1x64x256xf32, #tpu.memory_space<hbm>>
      tpu.wait_indirect_dma semaphore(%arg13 : memref<!tpu.dma_semaphore, #tpu.memory_space<semaphore_mem>>) src(%dma_wait3A_210 : memref<1024x1x64x256xf32, #tpu.memory_space<hbm>>) dst(%dma_wait3A_203 : memref<2x1x64x256xf32, #tpu.memory_space<vmem>>)
      %dma_start3A_211 = arith.constant 0 : i32
      %dma_start3A_212 = arith.constant 0 : i32
      %dma_start3A_213 = arith.constant 0 : i32
      %dma_start3A_214 = arith.constant 0 : i32
      %dma_start3A_215 = tpu.memref_slice %arg10[%dma_start3A_211, %dma_start3A_212, %dma_start3A_213, %dma_start3A_214] : memref<2x1x64x256xf32, #tpu.memory_space<vmem>> -> memref<2x1x64x256xf32, #tpu.memory_space<vmem>>
      %dma_start3A_216 = arith.constant 0 : i32
      %dma_start3A_217 = arith.constant 0 : i32
      %dma_start3A_218 = arith.constant 0 : i32
      %dma_start3A_219 = tpu.memref_slice %arg6[%add3A_18, %dma_start3A_216, %dma_start3A_217, %dma_start3A_218] : memref<1024x1x64x256xf32, #tpu.memory_space<hbm>> -> memref<2x1x64x256xf32, #tpu.memory_space<hbm>>
      %dma_start3A_220 = arith.constant 0 : i32
      %dma_start3A_221 = arith.constant 0 : i32
      %dma_start3A_222 = arith.constant 0 : i32
      %dma_start3A_223 = tpu.memref_slice %arg6[%add3A_18, %dma_start3A_220, %dma_start3A_221, %dma_start3A_222] : memref<1024x1x64x256xf32, #tpu.memory_space<hbm>> -> memref<2x1x64x256xf32, #tpu.memory_space<hbm>>
      %dma_start3A_224 = arith.constant 0 : i32
      %dma_start3A_225 = arith.constant 0 : i32
      %dma_start3A_226 = arith.constant 0 : i32
      %dma_start3A_227 = arith.constant 0 : i32
      %dma_start3A_228 = tpu.memref_slice %arg10[%dma_start3A_224, %dma_start3A_225, %dma_start3A_226, %dma_start3A_227] : memref<2x1x64x256xf32, #tpu.memory_space<vmem>> -> memref<2x1x64x256xf32, #tpu.memory_space<vmem>>
      tpu.enqueue_dma source(%dma_start3A_228 : memref<2x1x64x256xf32, #tpu.memory_space<vmem>>) target(%dma_start3A_223 : memref<2x1x64x256xf32, #tpu.memory_space<hbm>>) target_semaphore(%arg16 : memref<!tpu.dma_semaphore, #tpu.memory_space<semaphore_mem>>)
      %dma_wait3A_229 = arith.constant 0 : i32
      %dma_wait3A_230 = arith.constant 0 : i32
      %dma_wait3A_231 = arith.constant 0 : i32
      %dma_wait3A_232 = arith.constant 0 : i32
      %dma_wait3A_233 = tpu.memref_slice %arg10[%dma_wait3A_229, %dma_wait3A_230, %dma_wait3A_231, %dma_wait3A_232] : memref<2x1x64x256xf32, #tpu.memory_space<vmem>> -> memref<2x1x64x256xf32, #tpu.memory_space<vmem>>
      %dma_wait3A_234 = arith.constant 0 : i32
      %dma_wait3A_235 = arith.constant 0 : i32
      %dma_wait3A_236 = arith.constant 0 : i32
      %dma_wait3A_237 = tpu.memref_slice %arg6[%add3A_18, %dma_wait3A_234, %dma_wait3A_235, %dma_wait3A_236] : memref<1024x1x64x256xf32, #tpu.memory_space<hbm>> -> memref<2x1x64x256xf32, #tpu.memory_space<hbm>>
      %dma_wait3A_238 = arith.constant 0 : i32
      %dma_wait3A_239 = arith.constant 0 : i32
      %dma_wait3A_240 = arith.constant 0 : i32
      %dma_wait3A_241 = tpu.memref_slice %arg6[%add3A_18, %dma_wait3A_238, %dma_wait3A_239, %dma_wait3A_240] : memref<1024x1x64x256xf32, #tpu.memory_space<hbm>> -> memref<2x1x64x256xf32, #tpu.memory_space<hbm>>
      %dma_wait3A_242 = arith.constant 0 : i32
      %dma_wait3A_243 = arith.constant 0 : i32
      %dma_wait3A_244 = arith.constant 0 : i32
      %dma_wait3A_245 = arith.constant 0 : i32
      %dma_wait3A_246 = tpu.memref_slice %arg10[%dma_wait3A_242, %dma_wait3A_243, %dma_wait3A_244, %dma_wait3A_245] : memref<2x1x64x256xf32, #tpu.memory_space<vmem>> -> memref<2x1x64x256xf32, #tpu.memory_space<vmem>>
      tpu.wait_dma2 semaphore(%arg16 : memref<!tpu.dma_semaphore, #tpu.memory_space<semaphore_mem>>) src(%dma_wait3A_246 : memref<2x1x64x256xf32, #tpu.memory_space<vmem>>) dst(%dma_wait3A_241 : memref<2x1x64x256xf32, #tpu.memory_space<hbm>>)
      %dma_start3A_247 = arith.constant 0 : i32
      %dma_start3A_248 = arith.constant 0 : i32
      %dma_start3A_249 = arith.constant 0 : i32
      %dma_start3A_250 = arith.constant 0 : i32
      %dma_start3A_251 = tpu.memref_slice %arg10[%dma_start3A_247, %dma_start3A_248, %dma_start3A_249, %dma_start3A_250] : memref<2x1x64x256xf32, #tpu.memory_space<vmem>> -> memref<2x1x64x256xf32, #tpu.memory_space<vmem>>
      %dma_start3A_252 = arith.constant 80 : i32
      %dma_start3A_253 = tpu.memref_slice %arg7[%dma_start3A_252] : memref<272xi32, #tpu.memory_space<vmem>> -> memref<2xi32, #tpu.memory_space<vmem>>
      %dma_start3A_254 = arith.constant 0 : i32
      %dma_start3A_255 = arith.constant 0 : i32
      %dma_start3A_256 = arith.constant 0 : i32
      %dma_start3A_257 = arith.constant 0 : i32
      %dma_start3A_258 = tpu.memref_slice %arg2[%dma_start3A_254, %dma_start3A_255, %dma_start3A_256, %dma_start3A_257] : memref<1024x1x64x256xf32, #tpu.memory_space<hbm>> -> memref<1024x1x64x256xf32, #tpu.memory_space<hbm>>
      tpu.enqueue_indirect_dma source(%dma_start3A_258 : memref<1024x1x64x256xf32, #tpu.memory_space<hbm>>) target(%dma_start3A_251 : memref<2x1x64x256xf32, #tpu.memory_space<vmem>>) offsets(%dma_start3A_253 : memref<2xi32, #tpu.memory_space<vmem>>) semaphore(%arg13 : memref<!tpu.dma_semaphore, #tpu.memory_space<semaphore_mem>>)
      %dma_wait3A_259 = arith.constant 0 : i32
      %dma_wait3A_260 = arith.constant 0 : i32
      %dma_wait3A_261 = arith.constant 0 : i32
      %dma_wait3A_262 = arith.constant 0 : i32
      %dma_wait3A_263 = tpu.memref_slice %arg8[%dma_wait3A_259, %dma_wait3A_260, %dma_wait3A_261, %dma_wait3A_262] : memref<2x1x64x256xf32, #tpu.memory_space<vmem>> -> memref<2x1x64x256xf32, #tpu.memory_space<vmem>>
      %dma_wait3A_264 = arith.constant 48 : i32
      %dma_wait3A_265 = tpu.memref_slice %arg7[%dma_wait3A_264] : memref<272xi32, #tpu.memory_space<vmem>> -> memref<2xi32, #tpu.memory_space<vmem>>
      %dma_wait3A_266 = arith.constant 0 : i32
      %dma_wait3A_267 = arith.constant 0 : i32
      %dma_wait3A_268 = arith.constant 0 : i32
      %dma_wait3A_269 = arith.constant 0 : i32
      %dma_wait3A_270 = tpu.memref_slice %arg2[%dma_wait3A_266, %dma_wait3A_267, %dma_wait3A_268, %dma_wait3A_269] : memref<1024x1x64x256xf32, #tpu.memory_space<hbm>> -> memref<1024x1x64x256xf32, #tpu.memory_space<hbm>>
      tpu.wait_indirect_dma semaphore(%arg11 : memref<!tpu.dma_semaphore, #tpu.memory_space<semaphore_mem>>) src(%dma_wait3A_270 : memref<1024x1x64x256xf32, #tpu.memory_space<hbm>>) dst(%dma_wait3A_263 : memref<2x1x64x256xf32, #tpu.memory_space<vmem>>)
      %dma_start3A_271 = arith.constant 0 : i32
      %dma_start3A_272 = arith.constant 0 : i32
      %dma_start3A_273 = arith.constant 0 : i32
      %dma_start3A_274 = arith.constant 0 : i32
      %dma_start3A_275 = tpu.memref_slice %arg8[%dma_start3A_271, %dma_start3A_272, %dma_start3A_273, %dma_start3A_274] : memref<2x1x64x256xf32, #tpu.memory_space<vmem>> -> memref<2x1x64x256xf32, #tpu.memory_space<vmem>>
      %dma_start3A_276 = arith.constant 0 : i32
      %dma_start3A_277 = arith.constant 0 : i32
      %dma_start3A_278 = arith.constant 0 : i32
      %dma_start3A_279 = tpu.memref_slice %arg6[%add3A_20, %dma_start3A_276, %dma_start3A_277, %dma_start3A_278] : memref<1024x1x64x256xf32, #tpu.memory_space<hbm>> -> memref<2x1x64x256xf32, #tpu.memory_space<hbm>>
      %dma_start3A_280 = arith.constant 0 : i32
      %dma_start3A_281 = arith.constant 0 : i32
      %dma_start3A_282 = arith.constant 0 : i32
      %dma_start3A_283 = tpu.memref_slice %arg6[%add3A_20, %dma_start3A_280, %dma_start3A_281, %dma_start3A_282] : memref<1024x1x64x256xf32, #tpu.memory_space<hbm>> -> memref<2x1x64x256xf32, #tpu.memory_space<hbm>>
      %dma_start3A_284 = arith.constant 0 : i32
      %dma_start3A_285 = arith.constant 0 : i32
      %dma_start3A_286 = arith.constant 0 : i32
      %dma_start3A_287 = arith.constant 0 : i32
      %dma_start3A_288 = tpu.memref_slice %arg8[%dma_start3A_284, %dma_start3A_285, %dma_start3A_286, %dma_start3A_287] : memref<2x1x64x256xf32, #tpu.memory_space<vmem>> -> memref<2x1x64x256xf32, #tpu.memory_space<vmem>>
      tpu.enqueue_dma source(%dma_start3A_288 : memref<2x1x64x256xf32, #tpu.memory_space<vmem>>) target(%dma_start3A_283 : memref<2x1x64x256xf32, #tpu.memory_space<hbm>>) target_semaphore(%arg14 : memref<!tpu.dma_semaphore, #tpu.memory_space<semaphore_mem>>)
      %dma_wait3A_289 = arith.constant 0 : i32
      %dma_wait3A_290 = arith.constant 0 : i32
      %dma_wait3A_291 = arith.constant 0 : i32
      %dma_wait3A_292 = arith.constant 0 : i32
      %dma_wait3A_293 = tpu.memref_slice %arg8[%dma_wait3A_289, %dma_wait3A_290, %dma_wait3A_291, %dma_wait3A_292] : memref<2x1x64x256xf32, #tpu.memory_space<vmem>> -> memref<2x1x64x256xf32, #tpu.memory_space<vmem>>
      %dma_wait3A_294 = arith.constant 0 : i32
      %dma_wait3A_295 = arith.constant 0 : i32
      %dma_wait3A_296 = arith.constant 0 : i32
      %dma_wait3A_297 = tpu.memref_slice %arg6[%add3A_20, %dma_wait3A_294, %dma_wait3A_295, %dma_wait3A_296] : memref<1024x1x64x256xf32, #tpu.memory_space<hbm>> -> memref<2x1x64x256xf32, #tpu.memory_space<hbm>>
      %dma_wait3A_298 = arith.constant 0 : i32
      %dma_wait3A_299 = arith.constant 0 : i32
      %dma_wait3A_300 = arith.constant 0 : i32
      %dma_wait3A_301 = tpu.memref_slice %arg6[%add3A_20, %dma_wait3A_298, %dma_wait3A_299, %dma_wait3A_300] : memref<1024x1x64x256xf32, #tpu.memory_space<hbm>> -> memref<2x1x64x256xf32, #tpu.memory_space<hbm>>
      %dma_wait3A_302 = arith.constant 0 : i32
      %dma_wait3A_303 = arith.constant 0 : i32
      %dma_wait3A_304 = arith.constant 0 : i32
      %dma_wait3A_305 = arith.constant 0 : i32
      %dma_wait3A_306 = tpu.memref_slice %arg8[%dma_wait3A_302, %dma_wait3A_303, %dma_wait3A_304, %dma_wait3A_305] : memref<2x1x64x256xf32, #tpu.memory_space<vmem>> -> memref<2x1x64x256xf32, #tpu.memory_space<vmem>>
      tpu.wait_dma2 semaphore(%arg14 : memref<!tpu.dma_semaphore, #tpu.memory_space<semaphore_mem>>) src(%dma_wait3A_306 : memref<2x1x64x256xf32, #tpu.memory_space<vmem>>) dst(%dma_wait3A_301 : memref<2x1x64x256xf32, #tpu.memory_space<hbm>>)
      %dma_start3A_307 = arith.constant 0 : i32
      %dma_start3A_308 = arith.constant 0 : i32
      %dma_start3A_309 = arith.constant 0 : i32
      %dma_start3A_310 = arith.constant 0 : i32
      %dma_start3A_311 = tpu.memref_slice %arg8[%dma_start3A_307, %dma_start3A_308, %dma_start3A_309, %dma_start3A_310] : memref<2x1x64x256xf32, #tpu.memory_space<vmem>> -> memref<2x1x64x256xf32, #tpu.memory_space<vmem>>
      %dma_start3A_312 = arith.constant 96 : i32
      %dma_start3A_313 = tpu.memref_slice %arg7[%dma_start3A_312] : memref<272xi32, #tpu.memory_space<vmem>> -> memref<2xi32, #tpu.memory_space<vmem>>
      %dma_start3A_314 = arith.constant 0 : i32
      %dma_start3A_315 = arith.constant 0 : i32
      %dma_start3A_316 = arith.constant 0 : i32
      %dma_start3A_317 = arith.constant 0 : i32
      %dma_start3A_318 = tpu.memref_slice %arg2[%dma_start3A_314, %dma_start3A_315, %dma_start3A_316, %dma_start3A_317] : memref<1024x1x64x256xf32, #tpu.memory_space<hbm>> -> memref<1024x1x64x256xf32, #tpu.memory_space<hbm>>
      tpu.enqueue_indirect_dma source(%dma_start3A_318 : memref<1024x1x64x256xf32, #tpu.memory_space<hbm>>) target(%dma_start3A_311 : memref<2x1x64x256xf32, #tpu.memory_space<vmem>>) offsets(%dma_start3A_313 : memref<2xi32, #tpu.memory_space<vmem>>) semaphore(%arg11 : memref<!tpu.dma_semaphore, #tpu.memory_space<semaphore_mem>>)
      %dma_wait3A_319 = arith.constant 0 : i32
      %dma_wait3A_320 = arith.constant 0 : i32
      %dma_wait3A_321 = arith.constant 0 : i32
      %dma_wait3A_322 = arith.constant 0 : i32
      %dma_wait3A_323 = tpu.memref_slice %arg9[%dma_wait3A_319, %dma_wait3A_320, %dma_wait3A_321, %dma_wait3A_322] : memref<2x1x64x256xf32, #tpu.memory_space<vmem>> -> memref<2x1x64x256xf32, #tpu.memory_space<vmem>>
      %dma_wait3A_324 = arith.constant 64 : i32
      %dma_wait3A_325 = tpu.memref_slice %arg7[%dma_wait3A_324] : memref<272xi32, #tpu.memory_space<vmem>> -> memref<2xi32, #tpu.memory_space<vmem>>
      %dma_wait3A_326 = arith.constant 0 : i32
      %dma_wait3A_327 = arith.constant 0 : i32
      %dma_wait3A_328 = arith.constant 0 : i32
      %dma_wait3A_329 = arith.constant 0 : i32
      %dma_wait3A_330 = tpu.memref_slice %arg2[%dma_wait3A_326, %dma_wait3A_327, %dma_wait3A_328, %dma_wait3A_329] : memref<1024x1x64x256xf32, #tpu.memory_space<hbm>> -> memref<1024x1x64x256xf32, #tpu.memory_space<hbm>>
      tpu.wait_indirect_dma semaphore(%arg12 : memref<!tpu.dma_semaphore, #tpu.memory_space<semaphore_mem>>) src(%dma_wait3A_330 : memref<1024x1x64x256xf32, #tpu.memory_space<hbm>>) dst(%dma_wait3A_323 : memref<2x1x64x256xf32, #tpu.memory_space<vmem>>)
      %dma_start3A_331 = arith.constant 0 : i32
      %dma_start3A_332 = arith.constant 0 : i32
      %dma_start3A_333 = arith.constant 0 : i32
      %dma_start3A_334 = arith.constant 0 : i32
      %dma_start3A_335 = tpu.memref_slice %arg9[%dma_start3A_331, %dma_start3A_332, %dma_start3A_333, %dma_start3A_334] : memref<2x1x64x256xf32, #tpu.memory_space<vmem>> -> memref<2x1x64x256xf32, #tpu.memory_space<vmem>>
      %dma_start3A_336 = arith.constant 0 : i32
      %dma_start3A_337 = arith.constant 0 : i32
      %dma_start3A_338 = arith.constant 0 : i32
      %dma_start3A_339 = tpu.memref_slice %arg6[%add3A_22, %dma_start3A_336, %dma_start3A_337, %dma_start3A_338] : memref<1024x1x64x256xf32, #tpu.memory_space<hbm>> -> memref<2x1x64x256xf32, #tpu.memory_space<hbm>>
      %dma_start3A_340 = arith.constant 0 : i32
      %dma_start3A_341 = arith.constant 0 : i32
      %dma_start3A_342 = arith.constant 0 : i32
      %dma_start3A_343 = tpu.memref_slice %arg6[%add3A_22, %dma_start3A_340, %dma_start3A_341, %dma_start3A_342] : memref<1024x1x64x256xf32, #tpu.memory_space<hbm>> -> memref<2x1x64x256xf32, #tpu.memory_space<hbm>>
      %dma_start3A_344 = arith.constant 0 : i32
      %dma_start3A_345 = arith.constant 0 : i32
      %dma_start3A_346 = arith.constant 0 : i32
      %dma_start3A_347 = arith.constant 0 : i32
      %dma_start3A_348 = tpu.memref_slice %arg9[%dma_start3A_344, %dma_start3A_345, %dma_start3A_346, %dma_start3A_347] : memref<2x1x64x256xf32, #tpu.memory_space<vmem>> -> memref<2x1x64x256xf32, #tpu.memory_space<vmem>>
      tpu.enqueue_dma source(%dma_start3A_348 : memref<2x1x64x256xf32, #tpu.memory_space<vmem>>) target(%dma_start3A_343 : memref<2x1x64x256xf32, #tpu.memory_space<hbm>>) target_semaphore(%arg15 : memref<!tpu.dma_semaphore, #tpu.memory_space<semaphore_mem>>)
      %dma_wait3A_349 = arith.constant 0 : i32
      %dma_wait3A_350 = arith.constant 0 : i32
      %dma_wait3A_351 = arith.constant 0 : i32
      %dma_wait3A_352 = arith.constant 0 : i32
      %dma_wait3A_353 = tpu.memref_slice %arg9[%dma_wait3A_349, %dma_wait3A_350, %dma_wait3A_351, %dma_wait3A_352] : memref<2x1x64x256xf32, #tpu.memory_space<vmem>> -> memref<2x1x64x256xf32, #tpu.memory_space<vmem>>
      %dma_wait3A_354 = arith.constant 0 : i32
      %dma_wait3A_355 = arith.constant 0 : i32
      %dma_wait3A_356 = arith.constant 0 : i32
      %dma_wait3A_357 = tpu.memref_slice %arg6[%add3A_22, %dma_wait3A_354, %dma_wait3A_355, %dma_wait3A_356] : memref<1024x1x64x256xf32, #tpu.memory_space<hbm>> -> memref<2x1x64x256xf32, #tpu.memory_space<hbm>>
      %dma_wait3A_358 = arith.constant 0 : i32
      %dma_wait3A_359 = arith.constant 0 : i32
      %dma_wait3A_360 = arith.constant 0 : i32
      %dma_wait3A_361 = tpu.memref_slice %arg6[%add3A_22, %dma_wait3A_358, %dma_wait3A_359, %dma_wait3A_360] : memref<1024x1x64x256xf32, #tpu.memory_space<hbm>> -> memref<2x1x64x256xf32, #tpu.memory_space<hbm>>
      %dma_wait3A_362 = arith.constant 0 : i32
      %dma_wait3A_363 = arith.constant 0 : i32
      %dma_wait3A_364 = arith.constant 0 : i32
      %dma_wait3A_365 = arith.constant 0 : i32
      %dma_wait3A_366 = tpu.memref_slice %arg9[%dma_wait3A_362, %dma_wait3A_363, %dma_wait3A_364, %dma_wait3A_365] : memref<2x1x64x256xf32, #tpu.memory_space<vmem>> -> memref<2x1x64x256xf32, #tpu.memory_space<vmem>>
      tpu.wait_dma2 semaphore(%arg15 : memref<!tpu.dma_semaphore, #tpu.memory_space<semaphore_mem>>) src(%dma_wait3A_366 : memref<2x1x64x256xf32, #tpu.memory_space<vmem>>) dst(%dma_wait3A_361 : memref<2x1x64x256xf32, #tpu.memory_space<hbm>>)
      %dma_start3A_367 = arith.constant 0 : i32
      %dma_start3A_368 = arith.constant 0 : i32
      %dma_start3A_369 = arith.constant 0 : i32
      %dma_start3A_370 = arith.constant 0 : i32
      %dma_start3A_371 = tpu.memref_slice %arg9[%dma_start3A_367, %dma_start3A_368, %dma_start3A_369, %dma_start3A_370] : memref<2x1x64x256xf32, #tpu.memory_space<vmem>> -> memref<2x1x64x256xf32, #tpu.memory_space<vmem>>
      %dma_start3A_372 = arith.constant 112 : i32
      %dma_start3A_373 = tpu.memref_slice %arg7[%dma_start3A_372] : memref<272xi32, #tpu.memory_space<vmem>> -> memref<2xi32, #tpu.memory_space<vmem>>
      %dma_start3A_374 = arith.constant 0 : i32
      %dma_start3A_375 = arith.constant 0 : i32
      %dma_start3A_376 = arith.constant 0 : i32
      %dma_start3A_377 = arith.constant 0 : i32
      %dma_start3A_378 = tpu.memref_slice %arg2[%dma_start3A_374, %dma_start3A_375, %dma_start3A_376, %dma_start3A_377] : memref<1024x1x64x256xf32, #tpu.memory_space<hbm>> -> memref<1024x1x64x256xf32, #tpu.memory_space<hbm>>
      tpu.enqueue_indirect_dma source(%dma_start3A_378 : memref<1024x1x64x256xf32, #tpu.memory_space<hbm>>) target(%dma_start3A_371 : memref<2x1x64x256xf32, #tpu.memory_space<vmem>>) offsets(%dma_start3A_373 : memref<2xi32, #tpu.memory_space<vmem>>) semaphore(%arg12 : memref<!tpu.dma_semaphore, #tpu.memory_space<semaphore_mem>>)
      %dma_wait3A_379 = arith.constant 0 : i32
      %dma_wait3A_380 = arith.constant 0 : i32
      %dma_wait3A_381 = arith.constant 0 : i32
      %dma_wait3A_382 = arith.constant 0 : i32
      %dma_wait3A_383 = tpu.memref_slice %arg10[%dma_wait3A_379, %dma_wait3A_380, %dma_wait3A_381, %dma_wait3A_382] : memref<2x1x64x256xf32, #tpu.memory_space<vmem>> -> memref<2x1x64x256xf32, #tpu.memory_space<vmem>>
      %dma_wait3A_384 = arith.constant 80 : i32
      %dma_wait3A_385 = tpu.memref_slice %arg7[%dma_wait3A_384] : memref<272xi32, #tpu.memory_space<vmem>> -> memref<2xi32, #tpu.memory_space<vmem>>
      %dma_wait3A_386 = arith.constant 0 : i32
      %dma_wait3A_387 = arith.constant 0 : i32
      %dma_wait3A_388 = arith.constant 0 : i32
      %dma_wait3A_389 = arith.constant 0 : i32
      %dma_wait3A_390 = tpu.memref_slice %arg2[%dma_wait3A_386, %dma_wait3A_387, %dma_wait3A_388, %dma_wait3A_389] : memref<1024x1x64x256xf32, #tpu.memory_space<hbm>> -> memref<1024x1x64x256xf32, #tpu.memory_space<hbm>>
      tpu.wait_indirect_dma semaphore(%arg13 : memref<!tpu.dma_semaphore, #tpu.memory_space<semaphore_mem>>) src(%dma_wait3A_390 : memref<1024x1x64x256xf32, #tpu.memory_space<hbm>>) dst(%dma_wait3A_383 : memref<2x1x64x256xf32, #tpu.memory_space<vmem>>)
      %dma_start3A_391 = arith.constant 0 : i32
      %dma_start3A_392 = arith.constant 0 : i32
      %dma_start3A_393 = arith.constant 0 : i32
      %dma_start3A_394 = arith.constant 0 : i32
      %dma_start3A_395 = tpu.memref_slice %arg10[%dma_start3A_391, %dma_start3A_392, %dma_start3A_393, %dma_start3A_394] : memref<2x1x64x256xf32, #tpu.memory_space<vmem>> -> memref<2x1x64x256xf32, #tpu.memory_space<vmem>>
      %dma_start3A_396 = arith.constant 0 : i32
      %dma_start3A_397 = arith.constant 0 : i32
      %dma_start3A_398 = arith.constant 0 : i32
      %dma_start3A_399 = tpu.memref_slice %arg6[%add3A_24, %dma_start3A_396, %dma_start3A_397, %dma_start3A_398] : memref<1024x1x64x256xf32, #tpu.memory_space<hbm>> -> memref<2x1x64x256xf32, #tpu.memory_space<hbm>>
      %dma_start3A_400 = arith.constant 0 : i32
      %dma_start3A_401 = arith.constant 0 : i32
      %dma_start3A_402 = arith.constant 0 : i32
      %dma_start3A_403 = tpu.memref_slice %arg6[%add3A_24, %dma_start3A_400, %dma_start3A_401, %dma_start3A_402] : memref<1024x1x64x256xf32, #tpu.memory_space<hbm>> -> memref<2x1x64x256xf32, #tpu.memory_space<hbm>>
      %dma_start3A_404 = arith.constant 0 : i32
      %dma_start3A_405 = arith.constant 0 : i32
      %dma_start3A_406 = arith.constant 0 : i32
      %dma_start3A_407 = arith.constant 0 : i32
      %dma_start3A_408 = tpu.memref_slice %arg10[%dma_start3A_404, %dma_start3A_405, %dma_start3A_406, %dma_start3A_407] : memref<2x1x64x256xf32, #tpu.memory_space<vmem>> -> memref<2x1x64x256xf32, #tpu.memory_space<vmem>>
      tpu.enqueue_dma source(%dma_start3A_408 : memref<2x1x64x256xf32, #tpu.memory_space<vmem>>) target(%dma_start3A_403 : memref<2x1x64x256xf32, #tpu.memory_space<hbm>>) target_semaphore(%arg16 : memref<!tpu.dma_semaphore, #tpu.memory_space<semaphore_mem>>)
      %dma_wait3A_409 = arith.constant 0 : i32
      %dma_wait3A_410 = arith.constant 0 : i32
      %dma_wait3A_411 = arith.constant 0 : i32
      %dma_wait3A_412 = arith.constant 0 : i32
      %dma_wait3A_413 = tpu.memref_slice %arg10[%dma_wait3A_409, %dma_wait3A_410, %dma_wait3A_411, %dma_wait3A_412] : memref<2x1x64x256xf32, #tpu.memory_space<vmem>> -> memref<2x1x64x256xf32, #tpu.memory_space<vmem>>
      %dma_wait3A_414 = arith.constant 0 : i32
      %dma_wait3A_415 = arith.constant 0 : i32
      %dma_wait3A_416 = arith.constant 0 : i32
      %dma_wait3A_417 = tpu.memref_slice %arg6[%add3A_24, %dma_wait3A_414, %dma_wait3A_415, %dma_wait3A_416] : memref<1024x1x64x256xf32, #tpu.memory_space<hbm>> -> memref<2x1x64x256xf32, #tpu.memory_space<hbm>>
      %dma_wait3A_418 = arith.constant 0 : i32
      %dma_wait3A_419 = arith.constant 0 : i32
      %dma_wait3A_420 = arith.constant 0 : i32
      %dma_wait3A_421 = tpu.memref_slice %arg6[%add3A_24, %dma_wait3A_418, %dma_wait3A_419, %dma_wait3A_420] : memref<1024x1x64x256xf32, #tpu.memory_space<hbm>> -> memref<2x1x64x256xf32, #tpu.memory_space<hbm>>
      %dma_wait3A_422 = arith.constant 0 : i32
      %dma_wait3A_423 = arith.constant 0 : i32
      %dma_wait3A_424 = arith.constant 0 : i32
      %dma_wait3A_425 = arith.constant 0 : i32
      %dma_wait3A_426 = tpu.memref_slice %arg10[%dma_wait3A_422, %dma_wait3A_423, %dma_wait3A_424, %dma_wait3A_425] : memref<2x1x64x256xf32, #tpu.memory_space<vmem>> -> memref<2x1x64x256xf32, #tpu.memory_space<vmem>>
      tpu.wait_dma2 semaphore(%arg16 : memref<!tpu.dma_semaphore, #tpu.memory_space<semaphore_mem>>) src(%dma_wait3A_426 : memref<2x1x64x256xf32, #tpu.memory_space<vmem>>) dst(%dma_wait3A_421 : memref<2x1x64x256xf32, #tpu.memory_space<hbm>>)
      %dma_start3A_427 = arith.constant 0 : i32
      %dma_start3A_428 = arith.constant 0 : i32
      %dma_start3A_429 = arith.constant 0 : i32
      %dma_start3A_430 = arith.constant 0 : i32
      %dma_start3A_431 = tpu.memref_slice %arg10[%dma_start3A_427, %dma_start3A_428, %dma_start3A_429, %dma_start3A_430] : memref<2x1x64x256xf32, #tpu.memory_space<vmem>> -> memref<2x1x64x256xf32, #tpu.memory_space<vmem>>
      %dma_start3A_432 = arith.constant 128 : i32
      %dma_start3A_433 = tpu.memref_slice %arg7[%dma_start3A_432] : memref<272xi32, #tpu.memory_space<vmem>> -> memref<2xi32, #tpu.memory_space<vmem>>
      %dma_start3A_434 = arith.constant 0 : i32
      %dma_start3A_435 = arith.constant 0 : i32
      %dma_start3A_436 = arith.constant 0 : i32
      %dma_start3A_437 = arith.constant 0 : i32
      %dma_start3A_438 = tpu.memref_slice %arg2[%dma_start3A_434, %dma_start3A_435, %dma_start3A_436, %dma_start3A_437] : memref<1024x1x64x256xf32, #tpu.memory_space<hbm>> -> memref<1024x1x64x256xf32, #tpu.memory_space<hbm>>
      tpu.enqueue_indirect_dma source(%dma_start3A_438 : memref<1024x1x64x256xf32, #tpu.memory_space<hbm>>) target(%dma_start3A_431 : memref<2x1x64x256xf32, #tpu.memory_space<vmem>>) offsets(%dma_start3A_433 : memref<2xi32, #tpu.memory_space<vmem>>) semaphore(%arg13 : memref<!tpu.dma_semaphore, #tpu.memory_space<semaphore_mem>>)
      %dma_wait3A_439 = arith.constant 0 : i32
      %dma_wait3A_440 = arith.constant 0 : i32
      %dma_wait3A_441 = arith.constant 0 : i32
      %dma_wait3A_442 = arith.constant 0 : i32
      %dma_wait3A_443 = tpu.memref_slice %arg8[%dma_wait3A_439, %dma_wait3A_440, %dma_wait3A_441, %dma_wait3A_442] : memref<2x1x64x256xf32, #tpu.memory_space<vmem>> -> memref<2x1x64x256xf32, #tpu.memory_space<vmem>>
      %dma_wait3A_444 = arith.constant 96 : i32
      %dma_wait3A_445 = tpu.memref_slice %arg7[%dma_wait3A_444] : memref<272xi32, #tpu.memory_space<vmem>> -> memref<2xi32, #tpu.memory_space<vmem>>
      %dma_wait3A_446 = arith.constant 0 : i32
      %dma_wait3A_447 = arith.constant 0 : i32
      %dma_wait3A_448 = arith.constant 0 : i32
      %dma_wait3A_449 = arith.constant 0 : i32
      %dma_wait3A_450 = tpu.memref_slice %arg2[%dma_wait3A_446, %dma_wait3A_447, %dma_wait3A_448, %dma_wait3A_449] : memref<1024x1x64x256xf32, #tpu.memory_space<hbm>> -> memref<1024x1x64x256xf32, #tpu.memory_space<hbm>>
      tpu.wait_indirect_dma semaphore(%arg11 : memref<!tpu.dma_semaphore, #tpu.memory_space<semaphore_mem>>) src(%dma_wait3A_450 : memref<1024x1x64x256xf32, #tpu.memory_space<hbm>>) dst(%dma_wait3A_443 : memref<2x1x64x256xf32, #tpu.memory_space<vmem>>)
      %dma_start3A_451 = arith.constant 0 : i32
      %dma_start3A_452 = arith.constant 0 : i32
      %dma_start3A_453 = arith.constant 0 : i32
      %dma_start3A_454 = arith.constant 0 : i32
      %dma_start3A_455 = tpu.memref_slice %arg8[%dma_start3A_451, %dma_start3A_452, %dma_start3A_453, %dma_start3A_454] : memref<2x1x64x256xf32, #tpu.memory_space<vmem>> -> memref<2x1x64x256xf32, #tpu.memory_space<vmem>>
      %dma_start3A_456 = arith.constant 0 : i32
      %dma_start3A_457 = arith.constant 0 : i32
      %dma_start3A_458 = arith.constant 0 : i32
      %dma_start3A_459 = tpu.memref_slice %arg6[%add3A_26, %dma_start3A_456, %dma_start3A_457, %dma_start3A_458] : memref<1024x1x64x256xf32, #tpu.memory_space<hbm>> -> memref<2x1x64x256xf32, #tpu.memory_space<hbm>>
      %dma_start3A_460 = arith.constant 0 : i32
      %dma_start3A_461 = arith.constant 0 : i32
      %dma_start3A_462 = arith.constant 0 : i32
      %dma_start3A_463 = tpu.memref_slice %arg6[%add3A_26, %dma_start3A_460, %dma_start3A_461, %dma_start3A_462] : memref<1024x1x64x256xf32, #tpu.memory_space<hbm>> -> memref<2x1x64x256xf32, #tpu.memory_space<hbm>>
      %dma_start3A_464 = arith.constant 0 : i32
      %dma_start3A_465 = arith.constant 0 : i32
      %dma_start3A_466 = arith.constant 0 : i32
      %dma_start3A_467 = arith.constant 0 : i32
      %dma_start3A_468 = tpu.memref_slice %arg8[%dma_start3A_464, %dma_start3A_465, %dma_start3A_466, %dma_start3A_467] : memref<2x1x64x256xf32, #tpu.memory_space<vmem>> -> memref<2x1x64x256xf32, #tpu.memory_space<vmem>>
      tpu.enqueue_dma source(%dma_start3A_468 : memref<2x1x64x256xf32, #tpu.memory_space<vmem>>) target(%dma_start3A_463 : memref<2x1x64x256xf32, #tpu.memory_space<hbm>>) target_semaphore(%arg14 : memref<!tpu.dma_semaphore, #tpu.memory_space<semaphore_mem>>)
      %dma_wait3A_469 = arith.constant 0 : i32
      %dma_wait3A_470 = arith.constant 0 : i32
      %dma_wait3A_471 = arith.constant 0 : i32
      %dma_wait3A_472 = arith.constant 0 : i32
      %dma_wait3A_473 = tpu.memref_slice %arg8[%dma_wait3A_469, %dma_wait3A_470, %dma_wait3A_471, %dma_wait3A_472] : memref<2x1x64x256xf32, #tpu.memory_space<vmem>> -> memref<2x1x64x256xf32, #tpu.memory_space<vmem>>
      %dma_wait3A_474 = arith.constant 0 : i32
      %dma_wait3A_475 = arith.constant 0 : i32
      %dma_wait3A_476 = arith.constant 0 : i32
      %dma_wait3A_477 = tpu.memref_slice %arg6[%add3A_26, %dma_wait3A_474, %dma_wait3A_475, %dma_wait3A_476] : memref<1024x1x64x256xf32, #tpu.memory_space<hbm>> -> memref<2x1x64x256xf32, #tpu.memory_space<hbm>>
      %dma_wait3A_478 = arith.constant 0 : i32
      %dma_wait3A_479 = arith.constant 0 : i32
      %dma_wait3A_480 = arith.constant 0 : i32
      %dma_wait3A_481 = tpu.memref_slice %arg6[%add3A_26, %dma_wait3A_478, %dma_wait3A_479, %dma_wait3A_480] : memref<1024x1x64x256xf32, #tpu.memory_space<hbm>> -> memref<2x1x64x256xf32, #tpu.memory_space<hbm>>
      %dma_wait3A_482 = arith.constant 0 : i32
      %dma_wait3A_483 = arith.constant 0 : i32
      %dma_wait3A_484 = arith.constant 0 : i32
      %dma_wait3A_485 = arith.constant 0 : i32
      %dma_wait3A_486 = tpu.memref_slice %arg8[%dma_wait3A_482, %dma_wait3A_483, %dma_wait3A_484, %dma_wait3A_485] : memref<2x1x64x256xf32, #tpu.memory_space<vmem>> -> memref<2x1x64x256xf32, #tpu.memory_space<vmem>>
      tpu.wait_dma2 semaphore(%arg14 : memref<!tpu.dma_semaphore, #tpu.memory_space<semaphore_mem>>) src(%dma_wait3A_486 : memref<2x1x64x256xf32, #tpu.memory_space<vmem>>) dst(%dma_wait3A_481 : memref<2x1x64x256xf32, #tpu.memory_space<hbm>>)
      %dma_start3A_487 = arith.constant 0 : i32
      %dma_start3A_488 = arith.constant 0 : i32
      %dma_start3A_489 = arith.constant 0 : i32
      %dma_start3A_490 = arith.constant 0 : i32
      %dma_start3A_491 = tpu.memref_slice %arg8[%dma_start3A_487, %dma_start3A_488, %dma_start3A_489, %dma_start3A_490] : memref<2x1x64x256xf32, #tpu.memory_space<vmem>> -> memref<2x1x64x256xf32, #tpu.memory_space<vmem>>
      %dma_start3A_492 = arith.constant 144 : i32
      %dma_start3A_493 = tpu.memref_slice %arg7[%dma_start3A_492] : memref<272xi32, #tpu.memory_space<vmem>> -> memref<2xi32, #tpu.memory_space<vmem>>
      %dma_start3A_494 = arith.constant 0 : i32
      %dma_start3A_495 = arith.constant 0 : i32
      %dma_start3A_496 = arith.constant 0 : i32
      %dma_start3A_497 = arith.constant 0 : i32
      %dma_start3A_498 = tpu.memref_slice %arg2[%dma_start3A_494, %dma_start3A_495, %dma_start3A_496, %dma_start3A_497] : memref<1024x1x64x256xf32, #tpu.memory_space<hbm>> -> memref<1024x1x64x256xf32, #tpu.memory_space<hbm>>
      tpu.enqueue_indirect_dma source(%dma_start3A_498 : memref<1024x1x64x256xf32, #tpu.memory_space<hbm>>) target(%dma_start3A_491 : memref<2x1x64x256xf32, #tpu.memory_space<vmem>>) offsets(%dma_start3A_493 : memref<2xi32, #tpu.memory_space<vmem>>) semaphore(%arg11 : memref<!tpu.dma_semaphore, #tpu.memory_space<semaphore_mem>>)
      %dma_wait3A_499 = arith.constant 0 : i32
      %dma_wait3A_500 = arith.constant 0 : i32
      %dma_wait3A_501 = arith.constant 0 : i32
      %dma_wait3A_502 = arith.constant 0 : i32
      %dma_wait3A_503 = tpu.memref_slice %arg9[%dma_wait3A_499, %dma_wait3A_500, %dma_wait3A_501, %dma_wait3A_502] : memref<2x1x64x256xf32, #tpu.memory_space<vmem>> -> memref<2x1x64x256xf32, #tpu.memory_space<vmem>>
      %dma_wait3A_504 = arith.constant 112 : i32
      %dma_wait3A_505 = tpu.memref_slice %arg7[%dma_wait3A_504] : memref<272xi32, #tpu.memory_space<vmem>> -> memref<2xi32, #tpu.memory_space<vmem>>
      %dma_wait3A_506 = arith.constant 0 : i32
      %dma_wait3A_507 = arith.constant 0 : i32
      %dma_wait3A_508 = arith.constant 0 : i32
      %dma_wait3A_509 = arith.constant 0 : i32
      %dma_wait3A_510 = tpu.memref_slice %arg2[%dma_wait3A_506, %dma_wait3A_507, %dma_wait3A_508, %dma_wait3A_509] : memref<1024x1x64x256xf32, #tpu.memory_space<hbm>> -> memref<1024x1x64x256xf32, #tpu.memory_space<hbm>>
      tpu.wait_indirect_dma semaphore(%arg12 : memref<!tpu.dma_semaphore, #tpu.memory_space<semaphore_mem>>) src(%dma_wait3A_510 : memref<1024x1x64x256xf32, #tpu.memory_space<hbm>>) dst(%dma_wait3A_503 : memref<2x1x64x256xf32, #tpu.memory_space<vmem>>)
      %dma_start3A_511 = arith.constant 0 : i32
      %dma_start3A_512 = arith.constant 0 : i32
      %dma_start3A_513 = arith.constant 0 : i32
      %dma_start3A_514 = arith.constant 0 : i32
      %dma_start3A_515 = tpu.memref_slice %arg9[%dma_start3A_511, %dma_start3A_512, %dma_start3A_513, %dma_start3A_514] : memref<2x1x64x256xf32, #tpu.memory_space<vmem>> -> memref<2x1x64x256xf32, #tpu.memory_space<vmem>>
      %dma_start3A_516 = arith.constant 0 : i32
      %dma_start3A_517 = arith.constant 0 : i32
      %dma_start3A_518 = arith.constant 0 : i32
      %dma_start3A_519 = tpu.memref_slice %arg6[%add3A_28, %dma_start3A_516, %dma_start3A_517, %dma_start3A_518] : memref<1024x1x64x256xf32, #tpu.memory_space<hbm>> -> memref<2x1x64x256xf32, #tpu.memory_space<hbm>>
      %dma_start3A_520 = arith.constant 0 : i32
      %dma_start3A_521 = arith.constant 0 : i32
      %dma_start3A_522 = arith.constant 0 : i32
      %dma_start3A_523 = tpu.memref_slice %arg6[%add3A_28, %dma_start3A_520, %dma_start3A_521, %dma_start3A_522] : memref<1024x1x64x256xf32, #tpu.memory_space<hbm>> -> memref<2x1x64x256xf32, #tpu.memory_space<hbm>>
      %dma_start3A_524 = arith.constant 0 : i32
      %dma_start3A_525 = arith.constant 0 : i32
      %dma_start3A_526 = arith.constant 0 : i32
      %dma_start3A_527 = arith.constant 0 : i32
      %dma_start3A_528 = tpu.memref_slice %arg9[%dma_start3A_524, %dma_start3A_525, %dma_start3A_526, %dma_start3A_527] : memref<2x1x64x256xf32, #tpu.memory_space<vmem>> -> memref<2x1x64x256xf32, #tpu.memory_space<vmem>>
      tpu.enqueue_dma source(%dma_start3A_528 : memref<2x1x64x256xf32, #tpu.memory_space<vmem>>) target(%dma_start3A_523 : memref<2x1x64x256xf32, #tpu.memory_space<hbm>>) target_semaphore(%arg15 : memref<!tpu.dma_semaphore, #tpu.memory_space<semaphore_mem>>)
      %dma_wait3A_529 = arith.constant 0 : i32
      %dma_wait3A_530 = arith.constant 0 : i32
      %dma_wait3A_531 = arith.constant 0 : i32
      %dma_wait3A_532 = arith.constant 0 : i32
      %dma_wait3A_533 = tpu.memref_slice %arg9[%dma_wait3A_529, %dma_wait3A_530, %dma_wait3A_531, %dma_wait3A_532] : memref<2x1x64x256xf32, #tpu.memory_space<vmem>> -> memref<2x1x64x256xf32, #tpu.memory_space<vmem>>
      %dma_wait3A_534 = arith.constant 0 : i32
      %dma_wait3A_535 = arith.constant 0 : i32
      %dma_wait3A_536 = arith.constant 0 : i32
      %dma_wait3A_537 = tpu.memref_slice %arg6[%add3A_28, %dma_wait3A_534, %dma_wait3A_535, %dma_wait3A_536] : memref<1024x1x64x256xf32, #tpu.memory_space<hbm>> -> memref<2x1x64x256xf32, #tpu.memory_space<hbm>>
      %dma_wait3A_538 = arith.constant 0 : i32
      %dma_wait3A_539 = arith.constant 0 : i32
      %dma_wait3A_540 = arith.constant 0 : i32
      %dma_wait3A_541 = tpu.memref_slice %arg6[%add3A_28, %dma_wait3A_538, %dma_wait3A_539, %dma_wait3A_540] : memref<1024x1x64x256xf32, #tpu.memory_space<hbm>> -> memref<2x1x64x256xf32, #tpu.memory_space<hbm>>
      %dma_wait3A_542 = arith.constant 0 : i32
      %dma_wait3A_543 = arith.constant 0 : i32
      %dma_wait3A_544 = arith.constant 0 : i32
      %dma_wait3A_545 = arith.constant 0 : i32
      %dma_wait3A_546 = tpu.memref_slice %arg9[%dma_wait3A_542, %dma_wait3A_543, %dma_wait3A_544, %dma_wait3A_545] : memref<2x1x64x256xf32, #tpu.memory_space<vmem>> -> memref<2x1x64x256xf32, #tpu.memory_space<vmem>>
      tpu.wait_dma2 semaphore(%arg15 : memref<!tpu.dma_semaphore, #tpu.memory_space<semaphore_mem>>) src(%dma_wait3A_546 : memref<2x1x64x256xf32, #tpu.memory_space<vmem>>) dst(%dma_wait3A_541 : memref<2x1x64x256xf32, #tpu.memory_space<hbm>>)
      %dma_start3A_547 = arith.constant 0 : i32
      %dma_start3A_548 = arith.constant 0 : i32
      %dma_start3A_549 = arith.constant 0 : i32
      %dma_start3A_550 = arith.constant 0 : i32
      %dma_start3A_551 = tpu.memref_slice %arg9[%dma_start3A_547, %dma_start3A_548, %dma_start3A_549, %dma_start3A_550] : memref<2x1x64x256xf32, #tpu.memory_space<vmem>> -> memref<2x1x64x256xf32, #tpu.memory_space<vmem>>
      %dma_start3A_552 = arith.constant 160 : i32
      %dma_start3A_553 = tpu.memref_slice %arg7[%dma_start3A_552] : memref<272xi32, #tpu.memory_space<vmem>> -> memref<2xi32, #tpu.memory_space<vmem>>
      %dma_start3A_554 = arith.constant 0 : i32
      %dma_start3A_555 = arith.constant 0 : i32
      %dma_start3A_556 = arith.constant 0 : i32
      %dma_start3A_557 = arith.constant 0 : i32
      %dma_start3A_558 = tpu.memref_slice %arg2[%dma_start3A_554, %dma_start3A_555, %dma_start3A_556, %dma_start3A_557] : memref<1024x1x64x256xf32, #tpu.memory_space<hbm>> -> memref<1024x1x64x256xf32, #tpu.memory_space<hbm>>
      tpu.enqueue_indirect_dma source(%dma_start3A_558 : memref<1024x1x64x256xf32, #tpu.memory_space<hbm>>) target(%dma_start3A_551 : memref<2x1x64x256xf32, #tpu.memory_space<vmem>>) offsets(%dma_start3A_553 : memref<2xi32, #tpu.memory_space<vmem>>) semaphore(%arg12 : memref<!tpu.dma_semaphore, #tpu.memory_space<semaphore_mem>>)
      %dma_wait3A_559 = arith.constant 0 : i32
      %dma_wait3A_560 = arith.constant 0 : i32
      %dma_wait3A_561 = arith.constant 0 : i32
      %dma_wait3A_562 = arith.constant 0 : i32
      %dma_wait3A_563 = tpu.memref_slice %arg10[%dma_wait3A_559, %dma_wait3A_560, %dma_wait3A_561, %dma_wait3A_562] : memref<2x1x64x256xf32, #tpu.memory_space<vmem>> -> memref<2x1x64x256xf32, #tpu.memory_space<vmem>>
      %dma_wait3A_564 = arith.constant 128 : i32
      %dma_wait3A_565 = tpu.memref_slice %arg7[%dma_wait3A_564] : memref<272xi32, #tpu.memory_space<vmem>> -> memref<2xi32, #tpu.memory_space<vmem>>
      %dma_wait3A_566 = arith.constant 0 : i32
      %dma_wait3A_567 = arith.constant 0 : i32
      %dma_wait3A_568 = arith.constant 0 : i32
      %dma_wait3A_569 = arith.constant 0 : i32
      %dma_wait3A_570 = tpu.memref_slice %arg2[%dma_wait3A_566, %dma_wait3A_567, %dma_wait3A_568, %dma_wait3A_569] : memref<1024x1x64x256xf32, #tpu.memory_space<hbm>> -> memref<1024x1x64x256xf32, #tpu.memory_space<hbm>>
      tpu.wait_indirect_dma semaphore(%arg13 : memref<!tpu.dma_semaphore, #tpu.memory_space<semaphore_mem>>) src(%dma_wait3A_570 : memref<1024x1x64x256xf32, #tpu.memory_space<hbm>>) dst(%dma_wait3A_563 : memref<2x1x64x256xf32, #tpu.memory_space<vmem>>)
      %dma_start3A_571 = arith.constant 0 : i32
      %dma_start3A_572 = arith.constant 0 : i32
      %dma_start3A_573 = arith.constant 0 : i32
      %dma_start3A_574 = arith.constant 0 : i32
      %dma_start3A_575 = tpu.memref_slice %arg10[%dma_start3A_571, %dma_start3A_572, %dma_start3A_573, %dma_start3A_574] : memref<2x1x64x256xf32, #tpu.memory_space<vmem>> -> memref<2x1x64x256xf32, #tpu.memory_space<vmem>>
      %dma_start3A_576 = arith.constant 0 : i32
      %dma_start3A_577 = arith.constant 0 : i32
      %dma_start3A_578 = arith.constant 0 : i32
      %dma_start3A_579 = tpu.memref_slice %arg6[%add3A_30, %dma_start3A_576, %dma_start3A_577, %dma_start3A_578] : memref<1024x1x64x256xf32, #tpu.memory_space<hbm>> -> memref<2x1x64x256xf32, #tpu.memory_space<hbm>>
      %dma_start3A_580 = arith.constant 0 : i32
      %dma_start3A_581 = arith.constant 0 : i32
      %dma_start3A_582 = arith.constant 0 : i32
      %dma_start3A_583 = tpu.memref_slice %arg6[%add3A_30, %dma_start3A_580, %dma_start3A_581, %dma_start3A_582] : memref<1024x1x64x256xf32, #tpu.memory_space<hbm>> -> memref<2x1x64x256xf32, #tpu.memory_space<hbm>>
      %dma_start3A_584 = arith.constant 0 : i32
      %dma_start3A_585 = arith.constant 0 : i32
      %dma_start3A_586 = arith.constant 0 : i32
      %dma_start3A_587 = arith.constant 0 : i32
      %dma_start3A_588 = tpu.memref_slice %arg10[%dma_start3A_584, %dma_start3A_585, %dma_start3A_586, %dma_start3A_587] : memref<2x1x64x256xf32, #tpu.memory_space<vmem>> -> memref<2x1x64x256xf32, #tpu.memory_space<vmem>>
      tpu.enqueue_dma source(%dma_start3A_588 : memref<2x1x64x256xf32, #tpu.memory_space<vmem>>) target(%dma_start3A_583 : memref<2x1x64x256xf32, #tpu.memory_space<hbm>>) target_semaphore(%arg16 : memref<!tpu.dma_semaphore, #tpu.memory_space<semaphore_mem>>)
      %dma_wait3A_589 = arith.constant 0 : i32
      %dma_wait3A_590 = arith.constant 0 : i32
      %dma_wait3A_591 = arith.constant 0 : i32
      %dma_wait3A_592 = arith.constant 0 : i32
      %dma_wait3A_593 = tpu.memref_slice %arg10[%dma_wait3A_589, %dma_wait3A_590, %dma_wait3A_591, %dma_wait3A_592] : memref<2x1x64x256xf32, #tpu.memory_space<vmem>> -> memref<2x1x64x256xf32, #tpu.memory_space<vmem>>
      %dma_wait3A_594 = arith.constant 0 : i32
      %dma_wait3A_595 = arith.constant 0 : i32
      %dma_wait3A_596 = arith.constant 0 : i32
      %dma_wait3A_597 = tpu.memref_slice %arg6[%add3A_30, %dma_wait3A_594, %dma_wait3A_595, %dma_wait3A_596] : memref<1024x1x64x256xf32, #tpu.memory_space<hbm>> -> memref<2x1x64x256xf32, #tpu.memory_space<hbm>>
      %dma_wait3A_598 = arith.constant 0 : i32
      %dma_wait3A_599 = arith.constant 0 : i32
      %dma_wait3A_600 = arith.constant 0 : i32
      %dma_wait3A_601 = tpu.memref_slice %arg6[%add3A_30, %dma_wait3A_598, %dma_wait3A_599, %dma_wait3A_600] : memref<1024x1x64x256xf32, #tpu.memory_space<hbm>> -> memref<2x1x64x256xf32, #tpu.memory_space<hbm>>
      %dma_wait3A_602 = arith.constant 0 : i32
      %dma_wait3A_603 = arith.constant 0 : i32
      %dma_wait3A_604 = arith.constant 0 : i32
      %dma_wait3A_605 = arith.constant 0 : i32
      %dma_wait3A_606 = tpu.memref_slice %arg10[%dma_wait3A_602, %dma_wait3A_603, %dma_wait3A_604, %dma_wait3A_605] : memref<2x1x64x256xf32, #tpu.memory_space<vmem>> -> memref<2x1x64x256xf32, #tpu.memory_space<vmem>>
      tpu.wait_dma2 semaphore(%arg16 : memref<!tpu.dma_semaphore, #tpu.memory_space<semaphore_mem>>) src(%dma_wait3A_606 : memref<2x1x64x256xf32, #tpu.memory_space<vmem>>) dst(%dma_wait3A_601 : memref<2x1x64x256xf32, #tpu.memory_space<hbm>>)
      %dma_start3A_607 = arith.constant 0 : i32
      %dma_start3A_608 = arith.constant 0 : i32
      %dma_start3A_609 = arith.constant 0 : i32
      %dma_start3A_610 = arith.constant 0 : i32
      %dma_start3A_611 = tpu.memref_slice %arg10[%dma_start3A_607, %dma_start3A_608, %dma_start3A_609, %dma_start3A_610] : memref<2x1x64x256xf32, #tpu.memory_space<vmem>> -> memref<2x1x64x256xf32, #tpu.memory_space<vmem>>
      %dma_start3A_612 = arith.constant 176 : i32
      %dma_start3A_613 = tpu.memref_slice %arg7[%dma_start3A_612] : memref<272xi32, #tpu.memory_space<vmem>> -> memref<2xi32, #tpu.memory_space<vmem>>
      %dma_start3A_614 = arith.constant 0 : i32
      %dma_start3A_615 = arith.constant 0 : i32
      %dma_start3A_616 = arith.constant 0 : i32
      %dma_start3A_617 = arith.constant 0 : i32
      %dma_start3A_618 = tpu.memref_slice %arg2[%dma_start3A_614, %dma_start3A_615, %dma_start3A_616, %dma_start3A_617] : memref<1024x1x64x256xf32, #tpu.memory_space<hbm>> -> memref<1024x1x64x256xf32, #tpu.memory_space<hbm>>
      tpu.enqueue_indirect_dma source(%dma_start3A_618 : memref<1024x1x64x256xf32, #tpu.memory_space<hbm>>) target(%dma_start3A_611 : memref<2x1x64x256xf32, #tpu.memory_space<vmem>>) offsets(%dma_start3A_613 : memref<2xi32, #tpu.memory_space<vmem>>) semaphore(%arg13 : memref<!tpu.dma_semaphore, #tpu.memory_space<semaphore_mem>>)
      %dma_wait3A_619 = arith.constant 0 : i32
      %dma_wait3A_620 = arith.constant 0 : i32
      %dma_wait3A_621 = arith.constant 0 : i32
      %dma_wait3A_622 = arith.constant 0 : i32
      %dma_wait3A_623 = tpu.memref_slice %arg8[%dma_wait3A_619, %dma_wait3A_620, %dma_wait3A_621, %dma_wait3A_622] : memref<2x1x64x256xf32, #tpu.memory_space<vmem>> -> memref<2x1x64x256xf32, #tpu.memory_space<vmem>>
      %dma_wait3A_624 = arith.constant 144 : i32
      %dma_wait3A_625 = tpu.memref_slice %arg7[%dma_wait3A_624] : memref<272xi32, #tpu.memory_space<vmem>> -> memref<2xi32, #tpu.memory_space<vmem>>
      %dma_wait3A_626 = arith.constant 0 : i32
      %dma_wait3A_627 = arith.constant 0 : i32
      %dma_wait3A_628 = arith.constant 0 : i32
      %dma_wait3A_629 = arith.constant 0 : i32
      %dma_wait3A_630 = tpu.memref_slice %arg2[%dma_wait3A_626, %dma_wait3A_627, %dma_wait3A_628, %dma_wait3A_629] : memref<1024x1x64x256xf32, #tpu.memory_space<hbm>> -> memref<1024x1x64x256xf32, #tpu.memory_space<hbm>>
      tpu.wait_indirect_dma semaphore(%arg11 : memref<!tpu.dma_semaphore, #tpu.memory_space<semaphore_mem>>) src(%dma_wait3A_630 : memref<1024x1x64x256xf32, #tpu.memory_space<hbm>>) dst(%dma_wait3A_623 : memref<2x1x64x256xf32, #tpu.memory_space<vmem>>)
      %dma_start3A_631 = arith.constant 0 : i32
      %dma_start3A_632 = arith.constant 0 : i32
      %dma_start3A_633 = arith.constant 0 : i32
      %dma_start3A_634 = arith.constant 0 : i32
      %dma_start3A_635 = tpu.memref_slice %arg8[%dma_start3A_631, %dma_start3A_632, %dma_start3A_633, %dma_start3A_634] : memref<2x1x64x256xf32, #tpu.memory_space<vmem>> -> memref<2x1x64x256xf32, #tpu.memory_space<vmem>>
      %dma_start3A_636 = arith.constant 0 : i32
      %dma_start3A_637 = arith.constant 0 : i32
      %dma_start3A_638 = arith.constant 0 : i32
      %dma_start3A_639 = tpu.memref_slice %arg6[%add3A_32, %dma_start3A_636, %dma_start3A_637, %dma_start3A_638] : memref<1024x1x64x256xf32, #tpu.memory_space<hbm>> -> memref<2x1x64x256xf32, #tpu.memory_space<hbm>>
      %dma_start3A_640 = arith.constant 0 : i32
      %dma_start3A_641 = arith.constant 0 : i32
      %dma_start3A_642 = arith.constant 0 : i32
      %dma_start3A_643 = tpu.memref_slice %arg6[%add3A_32, %dma_start3A_640, %dma_start3A_641, %dma_start3A_642] : memref<1024x1x64x256xf32, #tpu.memory_space<hbm>> -> memref<2x1x64x256xf32, #tpu.memory_space<hbm>>
      %dma_start3A_644 = arith.constant 0 : i32
      %dma_start3A_645 = arith.constant 0 : i32
      %dma_start3A_646 = arith.constant 0 : i32
      %dma_start3A_647 = arith.constant 0 : i32
      %dma_start3A_648 = tpu.memref_slice %arg8[%dma_start3A_644, %dma_start3A_645, %dma_start3A_646, %dma_start3A_647] : memref<2x1x64x256xf32, #tpu.memory_space<vmem>> -> memref<2x1x64x256xf32, #tpu.memory_space<vmem>>
      tpu.enqueue_dma source(%dma_start3A_648 : memref<2x1x64x256xf32, #tpu.memory_space<vmem>>) target(%dma_start3A_643 : memref<2x1x64x256xf32, #tpu.memory_space<hbm>>) target_semaphore(%arg14 : memref<!tpu.dma_semaphore, #tpu.memory_space<semaphore_mem>>)
      %dma_wait3A_649 = arith.constant 0 : i32
      %dma_wait3A_650 = arith.constant 0 : i32
      %dma_wait3A_651 = arith.constant 0 : i32
      %dma_wait3A_652 = arith.constant 0 : i32
      %dma_wait3A_653 = tpu.memref_slice %arg8[%dma_wait3A_649, %dma_wait3A_650, %dma_wait3A_651, %dma_wait3A_652] : memref<2x1x64x256xf32, #tpu.memory_space<vmem>> -> memref<2x1x64x256xf32, #tpu.memory_space<vmem>>
      %dma_wait3A_654 = arith.constant 0 : i32
      %dma_wait3A_655 = arith.constant 0 : i32
      %dma_wait3A_656 = arith.constant 0 : i32
      %dma_wait3A_657 = tpu.memref_slice %arg6[%add3A_32, %dma_wait3A_654, %dma_wait3A_655, %dma_wait3A_656] : memref<1024x1x64x256xf32, #tpu.memory_space<hbm>> -> memref<2x1x64x256xf32, #tpu.memory_space<hbm>>
      %dma_wait3A_658 = arith.constant 0 : i32
      %dma_wait3A_659 = arith.constant 0 : i32
      %dma_wait3A_660 = arith.constant 0 : i32
      %dma_wait3A_661 = tpu.memref_slice %arg6[%add3A_32, %dma_wait3A_658, %dma_wait3A_659, %dma_wait3A_660] : memref<1024x1x64x256xf32, #tpu.memory_space<hbm>> -> memref<2x1x64x256xf32, #tpu.memory_space<hbm>>
      %dma_wait3A_662 = arith.constant 0 : i32
      %dma_wait3A_663 = arith.constant 0 : i32
      %dma_wait3A_664 = arith.constant 0 : i32
      %dma_wait3A_665 = arith.constant 0 : i32
      %dma_wait3A_666 = tpu.memref_slice %arg8[%dma_wait3A_662, %dma_wait3A_663, %dma_wait3A_664, %dma_wait3A_665] : memref<2x1x64x256xf32, #tpu.memory_space<vmem>> -> memref<2x1x64x256xf32, #tpu.memory_space<vmem>>
      tpu.wait_dma2 semaphore(%arg14 : memref<!tpu.dma_semaphore, #tpu.memory_space<semaphore_mem>>) src(%dma_wait3A_666 : memref<2x1x64x256xf32, #tpu.memory_space<vmem>>) dst(%dma_wait3A_661 : memref<2x1x64x256xf32, #tpu.memory_space<hbm>>)
      %dma_start3A_667 = arith.constant 0 : i32
      %dma_start3A_668 = arith.constant 0 : i32
      %dma_start3A_669 = arith.constant 0 : i32
      %dma_start3A_670 = arith.constant 0 : i32
      %dma_start3A_671 = tpu.memref_slice %arg8[%dma_start3A_667, %dma_start3A_668, %dma_start3A_669, %dma_start3A_670] : memref<2x1x64x256xf32, #tpu.memory_space<vmem>> -> memref<2x1x64x256xf32, #tpu.memory_space<vmem>>
      %dma_start3A_672 = arith.constant 192 : i32
      %dma_start3A_673 = tpu.memref_slice %arg7[%dma_start3A_672] : memref<272xi32, #tpu.memory_space<vmem>> -> memref<2xi32, #tpu.memory_space<vmem>>
      %dma_start3A_674 = arith.constant 0 : i32
      %dma_start3A_675 = arith.constant 0 : i32
      %dma_start3A_676 = arith.constant 0 : i32
      %dma_start3A_677 = arith.constant 0 : i32
      %dma_start3A_678 = tpu.memref_slice %arg2[%dma_start3A_674, %dma_start3A_675, %dma_start3A_676, %dma_start3A_677] : memref<1024x1x64x256xf32, #tpu.memory_space<hbm>> -> memref<1024x1x64x256xf32, #tpu.memory_space<hbm>>
      tpu.enqueue_indirect_dma source(%dma_start3A_678 : memref<1024x1x64x256xf32, #tpu.memory_space<hbm>>) target(%dma_start3A_671 : memref<2x1x64x256xf32, #tpu.memory_space<vmem>>) offsets(%dma_start3A_673 : memref<2xi32, #tpu.memory_space<vmem>>) semaphore(%arg11 : memref<!tpu.dma_semaphore, #tpu.memory_space<semaphore_mem>>)
      %dma_wait3A_679 = arith.constant 0 : i32
      %dma_wait3A_680 = arith.constant 0 : i32
      %dma_wait3A_681 = arith.constant 0 : i32
      %dma_wait3A_682 = arith.constant 0 : i32
      %dma_wait3A_683 = tpu.memref_slice %arg9[%dma_wait3A_679, %dma_wait3A_680, %dma_wait3A_681, %dma_wait3A_682] : memref<2x1x64x256xf32, #tpu.memory_space<vmem>> -> memref<2x1x64x256xf32, #tpu.memory_space<vmem>>
      %dma_wait3A_684 = arith.constant 160 : i32
      %dma_wait3A_685 = tpu.memref_slice %arg7[%dma_wait3A_684] : memref<272xi32, #tpu.memory_space<vmem>> -> memref<2xi32, #tpu.memory_space<vmem>>
      %dma_wait3A_686 = arith.constant 0 : i32
      %dma_wait3A_687 = arith.constant 0 : i32
      %dma_wait3A_688 = arith.constant 0 : i32
      %dma_wait3A_689 = arith.constant 0 : i32
      %dma_wait3A_690 = tpu.memref_slice %arg2[%dma_wait3A_686, %dma_wait3A_687, %dma_wait3A_688, %dma_wait3A_689] : memref<1024x1x64x256xf32, #tpu.memory_space<hbm>> -> memref<1024x1x64x256xf32, #tpu.memory_space<hbm>>
      tpu.wait_indirect_dma semaphore(%arg12 : memref<!tpu.dma_semaphore, #tpu.memory_space<semaphore_mem>>) src(%dma_wait3A_690 : memref<1024x1x64x256xf32, #tpu.memory_space<hbm>>) dst(%dma_wait3A_683 : memref<2x1x64x256xf32, #tpu.memory_space<vmem>>)
      %dma_start3A_691 = arith.constant 0 : i32
      %dma_start3A_692 = arith.constant 0 : i32
      %dma_start3A_693 = arith.constant 0 : i32
      %dma_start3A_694 = arith.constant 0 : i32
      %dma_start3A_695 = tpu.memref_slice %arg9[%dma_start3A_691, %dma_start3A_692, %dma_start3A_693, %dma_start3A_694] : memref<2x1x64x256xf32, #tpu.memory_space<vmem>> -> memref<2x1x64x256xf32, #tpu.memory_space<vmem>>
      %dma_start3A_696 = arith.constant 0 : i32
      %dma_start3A_697 = arith.constant 0 : i32
      %dma_start3A_698 = arith.constant 0 : i32
      %dma_start3A_699 = tpu.memref_slice %arg6[%add3A_34, %dma_start3A_696, %dma_start3A_697, %dma_start3A_698] : memref<1024x1x64x256xf32, #tpu.memory_space<hbm>> -> memref<2x1x64x256xf32, #tpu.memory_space<hbm>>
      %dma_start3A_700 = arith.constant 0 : i32
      %dma_start3A_701 = arith.constant 0 : i32
      %dma_start3A_702 = arith.constant 0 : i32
      %dma_start3A_703 = tpu.memref_slice %arg6[%add3A_34, %dma_start3A_700, %dma_start3A_701, %dma_start3A_702] : memref<1024x1x64x256xf32, #tpu.memory_space<hbm>> -> memref<2x1x64x256xf32, #tpu.memory_space<hbm>>
      %dma_start3A_704 = arith.constant 0 : i32
      %dma_start3A_705 = arith.constant 0 : i32
      %dma_start3A_706 = arith.constant 0 : i32
      %dma_start3A_707 = arith.constant 0 : i32
      %dma_start3A_708 = tpu.memref_slice %arg9[%dma_start3A_704, %dma_start3A_705, %dma_start3A_706, %dma_start3A_707] : memref<2x1x64x256xf32, #tpu.memory_space<vmem>> -> memref<2x1x64x256xf32, #tpu.memory_space<vmem>>
      tpu.enqueue_dma source(%dma_start3A_708 : memref<2x1x64x256xf32, #tpu.memory_space<vmem>>) target(%dma_start3A_703 : memref<2x1x64x256xf32, #tpu.memory_space<hbm>>) target_semaphore(%arg15 : memref<!tpu.dma_semaphore, #tpu.memory_space<semaphore_mem>>)
      %dma_wait3A_709 = arith.constant 0 : i32
      %dma_wait3A_710 = arith.constant 0 : i32
      %dma_wait3A_711 = arith.constant 0 : i32
      %dma_wait3A_712 = arith.constant 0 : i32
      %dma_wait3A_713 = tpu.memref_slice %arg9[%dma_wait3A_709, %dma_wait3A_710, %dma_wait3A_711, %dma_wait3A_712] : memref<2x1x64x256xf32, #tpu.memory_space<vmem>> -> memref<2x1x64x256xf32, #tpu.memory_space<vmem>>
      %dma_wait3A_714 = arith.constant 0 : i32
      %dma_wait3A_715 = arith.constant 0 : i32
      %dma_wait3A_716 = arith.constant 0 : i32
      %dma_wait3A_717 = tpu.memref_slice %arg6[%add3A_34, %dma_wait3A_714, %dma_wait3A_715, %dma_wait3A_716] : memref<1024x1x64x256xf32, #tpu.memory_space<hbm>> -> memref<2x1x64x256xf32, #tpu.memory_space<hbm>>
      %dma_wait3A_718 = arith.constant 0 : i32
      %dma_wait3A_719 = arith.constant 0 : i32
      %dma_wait3A_720 = arith.constant 0 : i32
      %dma_wait3A_721 = tpu.memref_slice %arg6[%add3A_34, %dma_wait3A_718, %dma_wait3A_719, %dma_wait3A_720] : memref<1024x1x64x256xf32, #tpu.memory_space<hbm>> -> memref<2x1x64x256xf32, #tpu.memory_space<hbm>>
      %dma_wait3A_722 = arith.constant 0 : i32
      %dma_wait3A_723 = arith.constant 0 : i32
      %dma_wait3A_724 = arith.constant 0 : i32
      %dma_wait3A_725 = arith.constant 0 : i32
      %dma_wait3A_726 = tpu.memref_slice %arg9[%dma_wait3A_722, %dma_wait3A_723, %dma_wait3A_724, %dma_wait3A_725] : memref<2x1x64x256xf32, #tpu.memory_space<vmem>> -> memref<2x1x64x256xf32, #tpu.memory_space<vmem>>
      tpu.wait_dma2 semaphore(%arg15 : memref<!tpu.dma_semaphore, #tpu.memory_space<semaphore_mem>>) src(%dma_wait3A_726 : memref<2x1x64x256xf32, #tpu.memory_space<vmem>>) dst(%dma_wait3A_721 : memref<2x1x64x256xf32, #tpu.memory_space<hbm>>)
      %dma_start3A_727 = arith.constant 0 : i32
      %dma_start3A_728 = arith.constant 0 : i32
      %dma_start3A_729 = arith.constant 0 : i32
      %dma_start3A_730 = arith.constant 0 : i32
      %dma_start3A_731 = tpu.memref_slice %arg9[%dma_start3A_727, %dma_start3A_728, %dma_start3A_729, %dma_start3A_730] : memref<2x1x64x256xf32, #tpu.memory_space<vmem>> -> memref<2x1x64x256xf32, #tpu.memory_space<vmem>>
      %dma_start3A_732 = arith.constant 208 : i32
      %dma_start3A_733 = tpu.memref_slice %arg7[%dma_start3A_732] : memref<272xi32, #tpu.memory_space<vmem>> -> memref<2xi32, #tpu.memory_space<vmem>>
      %dma_start3A_734 = arith.constant 0 : i32
      %dma_start3A_735 = arith.constant 0 : i32
      %dma_start3A_736 = arith.constant 0 : i32
      %dma_start3A_737 = arith.constant 0 : i32
      %dma_start3A_738 = tpu.memref_slice %arg2[%dma_start3A_734, %dma_start3A_735, %dma_start3A_736, %dma_start3A_737] : memref<1024x1x64x256xf32, #tpu.memory_space<hbm>> -> memref<1024x1x64x256xf32, #tpu.memory_space<hbm>>
      tpu.enqueue_indirect_dma source(%dma_start3A_738 : memref<1024x1x64x256xf32, #tpu.memory_space<hbm>>) target(%dma_start3A_731 : memref<2x1x64x256xf32, #tpu.memory_space<vmem>>) offsets(%dma_start3A_733 : memref<2xi32, #tpu.memory_space<vmem>>) semaphore(%arg12 : memref<!tpu.dma_semaphore, #tpu.memory_space<semaphore_mem>>)
      %dma_wait3A_739 = arith.constant 0 : i32
      %dma_wait3A_740 = arith.constant 0 : i32
      %dma_wait3A_741 = arith.constant 0 : i32
      %dma_wait3A_742 = arith.constant 0 : i32
      %dma_wait3A_743 = tpu.memref_slice %arg10[%dma_wait3A_739, %dma_wait3A_740, %dma_wait3A_741, %dma_wait3A_742] : memref<2x1x64x256xf32, #tpu.memory_space<vmem>> -> memref<2x1x64x256xf32, #tpu.memory_space<vmem>>
      %dma_wait3A_744 = arith.constant 176 : i32
      %dma_wait3A_745 = tpu.memref_slice %arg7[%dma_wait3A_744] : memref<272xi32, #tpu.memory_space<vmem>> -> memref<2xi32, #tpu.memory_space<vmem>>
      %dma_wait3A_746 = arith.constant 0 : i32
      %dma_wait3A_747 = arith.constant 0 : i32
      %dma_wait3A_748 = arith.constant 0 : i32
      %dma_wait3A_749 = arith.constant 0 : i32
      %dma_wait3A_750 = tpu.memref_slice %arg2[%dma_wait3A_746, %dma_wait3A_747, %dma_wait3A_748, %dma_wait3A_749] : memref<1024x1x64x256xf32, #tpu.memory_space<hbm>> -> memref<1024x1x64x256xf32, #tpu.memory_space<hbm>>
      tpu.wait_indirect_dma semaphore(%arg13 : memref<!tpu.dma_semaphore, #tpu.memory_space<semaphore_mem>>) src(%dma_wait3A_750 : memref<1024x1x64x256xf32, #tpu.memory_space<hbm>>) dst(%dma_wait3A_743 : memref<2x1x64x256xf32, #tpu.memory_space<vmem>>)
      %dma_start3A_751 = arith.constant 0 : i32
      %dma_start3A_752 = arith.constant 0 : i32
      %dma_start3A_753 = arith.constant 0 : i32
      %dma_start3A_754 = arith.constant 0 : i32
      %dma_start3A_755 = tpu.memref_slice %arg10[%dma_start3A_751, %dma_start3A_752, %dma_start3A_753, %dma_start3A_754] : memref<2x1x64x256xf32, #tpu.memory_space<vmem>> -> memref<2x1x64x256xf32, #tpu.memory_space<vmem>>
      %dma_start3A_756 = arith.constant 0 : i32
      %dma_start3A_757 = arith.constant 0 : i32
      %dma_start3A_758 = arith.constant 0 : i32
      %dma_start3A_759 = tpu.memref_slice %arg6[%add3A_36, %dma_start3A_756, %dma_start3A_757, %dma_start3A_758] : memref<1024x1x64x256xf32, #tpu.memory_space<hbm>> -> memref<2x1x64x256xf32, #tpu.memory_space<hbm>>
      %dma_start3A_760 = arith.constant 0 : i32
      %dma_start3A_761 = arith.constant 0 : i32
      %dma_start3A_762 = arith.constant 0 : i32
      %dma_start3A_763 = tpu.memref_slice %arg6[%add3A_36, %dma_start3A_760, %dma_start3A_761, %dma_start3A_762] : memref<1024x1x64x256xf32, #tpu.memory_space<hbm>> -> memref<2x1x64x256xf32, #tpu.memory_space<hbm>>
      %dma_start3A_764 = arith.constant 0 : i32
      %dma_start3A_765 = arith.constant 0 : i32
      %dma_start3A_766 = arith.constant 0 : i32
      %dma_start3A_767 = arith.constant 0 : i32
      %dma_start3A_768 = tpu.memref_slice %arg10[%dma_start3A_764, %dma_start3A_765, %dma_start3A_766, %dma_start3A_767] : memref<2x1x64x256xf32, #tpu.memory_space<vmem>> -> memref<2x1x64x256xf32, #tpu.memory_space<vmem>>
      tpu.enqueue_dma source(%dma_start3A_768 : memref<2x1x64x256xf32, #tpu.memory_space<vmem>>) target(%dma_start3A_763 : memref<2x1x64x256xf32, #tpu.memory_space<hbm>>) target_semaphore(%arg16 : memref<!tpu.dma_semaphore, #tpu.memory_space<semaphore_mem>>)
      %dma_wait3A_769 = arith.constant 0 : i32
      %dma_wait3A_770 = arith.constant 0 : i32
      %dma_wait3A_771 = arith.constant 0 : i32
      %dma_wait3A_772 = arith.constant 0 : i32
      %dma_wait3A_773 = tpu.memref_slice %arg10[%dma_wait3A_769, %dma_wait3A_770, %dma_wait3A_771, %dma_wait3A_772] : memref<2x1x64x256xf32, #tpu.memory_space<vmem>> -> memref<2x1x64x256xf32, #tpu.memory_space<vmem>>
      %dma_wait3A_774 = arith.constant 0 : i32
      %dma_wait3A_775 = arith.constant 0 : i32
      %dma_wait3A_776 = arith.constant 0 : i32
      %dma_wait3A_777 = tpu.memref_slice %arg6[%add3A_36, %dma_wait3A_774, %dma_wait3A_775, %dma_wait3A_776] : memref<1024x1x64x256xf32, #tpu.memory_space<hbm>> -> memref<2x1x64x256xf32, #tpu.memory_space<hbm>>
      %dma_wait3A_778 = arith.constant 0 : i32
      %dma_wait3A_779 = arith.constant 0 : i32
      %dma_wait3A_780 = arith.constant 0 : i32
      %dma_wait3A_781 = tpu.memref_slice %arg6[%add3A_36, %dma_wait3A_778, %dma_wait3A_779, %dma_wait3A_780] : memref<1024x1x64x256xf32, #tpu.memory_space<hbm>> -> memref<2x1x64x256xf32, #tpu.memory_space<hbm>>
      %dma_wait3A_782 = arith.constant 0 : i32
      %dma_wait3A_783 = arith.constant 0 : i32
      %dma_wait3A_784 = arith.constant 0 : i32
      %dma_wait3A_785 = arith.constant 0 : i32
      %dma_wait3A_786 = tpu.memref_slice %arg10[%dma_wait3A_782, %dma_wait3A_783, %dma_wait3A_784, %dma_wait3A_785] : memref<2x1x64x256xf32, #tpu.memory_space<vmem>> -> memref<2x1x64x256xf32, #tpu.memory_space<vmem>>
      tpu.wait_dma2 semaphore(%arg16 : memref<!tpu.dma_semaphore, #tpu.memory_space<semaphore_mem>>) src(%dma_wait3A_786 : memref<2x1x64x256xf32, #tpu.memory_space<vmem>>) dst(%dma_wait3A_781 : memref<2x1x64x256xf32, #tpu.memory_space<hbm>>)
      %dma_start3A_787 = arith.constant 0 : i32
      %dma_start3A_788 = arith.constant 0 : i32
      %dma_start3A_789 = arith.constant 0 : i32
      %dma_start3A_790 = arith.constant 0 : i32
      %dma_start3A_791 = tpu.memref_slice %arg10[%dma_start3A_787, %dma_start3A_788, %dma_start3A_789, %dma_start3A_790] : memref<2x1x64x256xf32, #tpu.memory_space<vmem>> -> memref<2x1x64x256xf32, #tpu.memory_space<vmem>>
      %dma_start3A_792 = arith.constant 224 : i32
      %dma_start3A_793 = tpu.memref_slice %arg7[%dma_start3A_792] : memref<272xi32, #tpu.memory_space<vmem>> -> memref<2xi32, #tpu.memory_space<vmem>>
      %dma_start3A_794 = arith.constant 0 : i32
      %dma_start3A_795 = arith.constant 0 : i32
      %dma_start3A_796 = arith.constant 0 : i32
      %dma_start3A_797 = arith.constant 0 : i32
      %dma_start3A_798 = tpu.memref_slice %arg2[%dma_start3A_794, %dma_start3A_795, %dma_start3A_796, %dma_start3A_797] : memref<1024x1x64x256xf32, #tpu.memory_space<hbm>> -> memref<1024x1x64x256xf32, #tpu.memory_space<hbm>>
      tpu.enqueue_indirect_dma source(%dma_start3A_798 : memref<1024x1x64x256xf32, #tpu.memory_space<hbm>>) target(%dma_start3A_791 : memref<2x1x64x256xf32, #tpu.memory_space<vmem>>) offsets(%dma_start3A_793 : memref<2xi32, #tpu.memory_space<vmem>>) semaphore(%arg13 : memref<!tpu.dma_semaphore, #tpu.memory_space<semaphore_mem>>)
      %dma_wait3A_799 = arith.constant 0 : i32
      %dma_wait3A_800 = arith.constant 0 : i32
      %dma_wait3A_801 = arith.constant 0 : i32
      %dma_wait3A_802 = arith.constant 0 : i32
      %dma_wait3A_803 = tpu.memref_slice %arg8[%dma_wait3A_799, %dma_wait3A_800, %dma_wait3A_801, %dma_wait3A_802] : memref<2x1x64x256xf32, #tpu.memory_space<vmem>> -> memref<2x1x64x256xf32, #tpu.memory_space<vmem>>
      %dma_wait3A_804 = arith.constant 192 : i32
      %dma_wait3A_805 = tpu.memref_slice %arg7[%dma_wait3A_804] : memref<272xi32, #tpu.memory_space<vmem>> -> memref<2xi32, #tpu.memory_space<vmem>>
      %dma_wait3A_806 = arith.constant 0 : i32
      %dma_wait3A_807 = arith.constant 0 : i32
      %dma_wait3A_808 = arith.constant 0 : i32
      %dma_wait3A_809 = arith.constant 0 : i32
      %dma_wait3A_810 = tpu.memref_slice %arg2[%dma_wait3A_806, %dma_wait3A_807, %dma_wait3A_808, %dma_wait3A_809] : memref<1024x1x64x256xf32, #tpu.memory_space<hbm>> -> memref<1024x1x64x256xf32, #tpu.memory_space<hbm>>
      tpu.wait_indirect_dma semaphore(%arg11 : memref<!tpu.dma_semaphore, #tpu.memory_space<semaphore_mem>>) src(%dma_wait3A_810 : memref<1024x1x64x256xf32, #tpu.memory_space<hbm>>) dst(%dma_wait3A_803 : memref<2x1x64x256xf32, #tpu.memory_space<vmem>>)
      %dma_start3A_811 = arith.constant 0 : i32
      %dma_start3A_812 = arith.constant 0 : i32
      %dma_start3A_813 = arith.constant 0 : i32
      %dma_start3A_814 = arith.constant 0 : i32
      %dma_start3A_815 = tpu.memref_slice %arg8[%dma_start3A_811, %dma_start3A_812, %dma_start3A_813, %dma_start3A_814] : memref<2x1x64x256xf32, #tpu.memory_space<vmem>> -> memref<2x1x64x256xf32, #tpu.memory_space<vmem>>
      %dma_start3A_816 = arith.constant 0 : i32
      %dma_start3A_817 = arith.constant 0 : i32
      %dma_start3A_818 = arith.constant 0 : i32
      %dma_start3A_819 = tpu.memref_slice %arg6[%add3A_38, %dma_start3A_816, %dma_start3A_817, %dma_start3A_818] : memref<1024x1x64x256xf32, #tpu.memory_space<hbm>> -> memref<2x1x64x256xf32, #tpu.memory_space<hbm>>
      %dma_start3A_820 = arith.constant 0 : i32
      %dma_start3A_821 = arith.constant 0 : i32
      %dma_start3A_822 = arith.constant 0 : i32
      %dma_start3A_823 = tpu.memref_slice %arg6[%add3A_38, %dma_start3A_820, %dma_start3A_821, %dma_start3A_822] : memref<1024x1x64x256xf32, #tpu.memory_space<hbm>> -> memref<2x1x64x256xf32, #tpu.memory_space<hbm>>
      %dma_start3A_824 = arith.constant 0 : i32
      %dma_start3A_825 = arith.constant 0 : i32
      %dma_start3A_826 = arith.constant 0 : i32
      %dma_start3A_827 = arith.constant 0 : i32
      %dma_start3A_828 = tpu.memref_slice %arg8[%dma_start3A_824, %dma_start3A_825, %dma_start3A_826, %dma_start3A_827] : memref<2x1x64x256xf32, #tpu.memory_space<vmem>> -> memref<2x1x64x256xf32, #tpu.memory_space<vmem>>
      tpu.enqueue_dma source(%dma_start3A_828 : memref<2x1x64x256xf32, #tpu.memory_space<vmem>>) target(%dma_start3A_823 : memref<2x1x64x256xf32, #tpu.memory_space<hbm>>) target_semaphore(%arg14 : memref<!tpu.dma_semaphore, #tpu.memory_space<semaphore_mem>>)
      %dma_wait3A_829 = arith.constant 0 : i32
      %dma_wait3A_830 = arith.constant 0 : i32
      %dma_wait3A_831 = arith.constant 0 : i32
      %dma_wait3A_832 = arith.constant 0 : i32
      %dma_wait3A_833 = tpu.memref_slice %arg8[%dma_wait3A_829, %dma_wait3A_830, %dma_wait3A_831, %dma_wait3A_832] : memref<2x1x64x256xf32, #tpu.memory_space<vmem>> -> memref<2x1x64x256xf32, #tpu.memory_space<vmem>>
      %dma_wait3A_834 = arith.constant 0 : i32
      %dma_wait3A_835 = arith.constant 0 : i32
      %dma_wait3A_836 = arith.constant 0 : i32
      %dma_wait3A_837 = tpu.memref_slice %arg6[%add3A_38, %dma_wait3A_834, %dma_wait3A_835, %dma_wait3A_836] : memref<1024x1x64x256xf32, #tpu.memory_space<hbm>> -> memref<2x1x64x256xf32, #tpu.memory_space<hbm>>
      %dma_wait3A_838 = arith.constant 0 : i32
      %dma_wait3A_839 = arith.constant 0 : i32
      %dma_wait3A_840 = arith.constant 0 : i32
      %dma_wait3A_841 = tpu.memref_slice %arg6[%add3A_38, %dma_wait3A_838, %dma_wait3A_839, %dma_wait3A_840] : memref<1024x1x64x256xf32, #tpu.memory_space<hbm>> -> memref<2x1x64x256xf32, #tpu.memory_space<hbm>>
      %dma_wait3A_842 = arith.constant 0 : i32
      %dma_wait3A_843 = arith.constant 0 : i32
      %dma_wait3A_844 = arith.constant 0 : i32
      %dma_wait3A_845 = arith.constant 0 : i32
      %dma_wait3A_846 = tpu.memref_slice %arg8[%dma_wait3A_842, %dma_wait3A_843, %dma_wait3A_844, %dma_wait3A_845] : memref<2x1x64x256xf32, #tpu.memory_space<vmem>> -> memref<2x1x64x256xf32, #tpu.memory_space<vmem>>
      tpu.wait_dma2 semaphore(%arg14 : memref<!tpu.dma_semaphore, #tpu.memory_space<semaphore_mem>>) src(%dma_wait3A_846 : memref<2x1x64x256xf32, #tpu.memory_space<vmem>>) dst(%dma_wait3A_841 : memref<2x1x64x256xf32, #tpu.memory_space<hbm>>)
      %dma_start3A_847 = arith.constant 0 : i32
      %dma_start3A_848 = arith.constant 0 : i32
      %dma_start3A_849 = arith.constant 0 : i32
      %dma_start3A_850 = arith.constant 0 : i32
      %dma_start3A_851 = tpu.memref_slice %arg8[%dma_start3A_847, %dma_start3A_848, %dma_start3A_849, %dma_start3A_850] : memref<2x1x64x256xf32, #tpu.memory_space<vmem>> -> memref<2x1x64x256xf32, #tpu.memory_space<vmem>>
      %dma_start3A_852 = arith.constant 240 : i32
      %dma_start3A_853 = tpu.memref_slice %arg7[%dma_start3A_852] : memref<272xi32, #tpu.memory_space<vmem>> -> memref<2xi32, #tpu.memory_space<vmem>>
      %dma_start3A_854 = arith.constant 0 : i32
      %dma_start3A_855 = arith.constant 0 : i32
      %dma_start3A_856 = arith.constant 0 : i32
      %dma_start3A_857 = arith.constant 0 : i32
      %dma_start3A_858 = tpu.memref_slice %arg2[%dma_start3A_854, %dma_start3A_855, %dma_start3A_856, %dma_start3A_857] : memref<1024x1x64x256xf32, #tpu.memory_space<hbm>> -> memref<1024x1x64x256xf32, #tpu.memory_space<hbm>>
      tpu.enqueue_indirect_dma source(%dma_start3A_858 : memref<1024x1x64x256xf32, #tpu.memory_space<hbm>>) target(%dma_start3A_851 : memref<2x1x64x256xf32, #tpu.memory_space<vmem>>) offsets(%dma_start3A_853 : memref<2xi32, #tpu.memory_space<vmem>>) semaphore(%arg11 : memref<!tpu.dma_semaphore, #tpu.memory_space<semaphore_mem>>)
      %dma_wait3A_859 = arith.constant 0 : i32
      %dma_wait3A_860 = arith.constant 0 : i32
      %dma_wait3A_861 = arith.constant 0 : i32
      %dma_wait3A_862 = arith.constant 0 : i32
      %dma_wait3A_863 = tpu.memref_slice %arg9[%dma_wait3A_859, %dma_wait3A_860, %dma_wait3A_861, %dma_wait3A_862] : memref<2x1x64x256xf32, #tpu.memory_space<vmem>> -> memref<2x1x64x256xf32, #tpu.memory_space<vmem>>
      %dma_wait3A_864 = arith.constant 208 : i32
      %dma_wait3A_865 = tpu.memref_slice %arg7[%dma_wait3A_864] : memref<272xi32, #tpu.memory_space<vmem>> -> memref<2xi32, #tpu.memory_space<vmem>>
      %dma_wait3A_866 = arith.constant 0 : i32
      %dma_wait3A_867 = arith.constant 0 : i32
      %dma_wait3A_868 = arith.constant 0 : i32
      %dma_wait3A_869 = arith.constant 0 : i32
      %dma_wait3A_870 = tpu.memref_slice %arg2[%dma_wait3A_866, %dma_wait3A_867, %dma_wait3A_868, %dma_wait3A_869] : memref<1024x1x64x256xf32, #tpu.memory_space<hbm>> -> memref<1024x1x64x256xf32, #tpu.memory_space<hbm>>
      tpu.wait_indirect_dma semaphore(%arg12 : memref<!tpu.dma_semaphore, #tpu.memory_space<semaphore_mem>>) src(%dma_wait3A_870 : memref<1024x1x64x256xf32, #tpu.memory_space<hbm>>) dst(%dma_wait3A_863 : memref<2x1x64x256xf32, #tpu.memory_space<vmem>>)
      %dma_start3A_871 = arith.constant 0 : i32
      %dma_start3A_872 = arith.constant 0 : i32
      %dma_start3A_873 = arith.constant 0 : i32
      %dma_start3A_874 = arith.constant 0 : i32
      %dma_start3A_875 = tpu.memref_slice %arg9[%dma_start3A_871, %dma_start3A_872, %dma_start3A_873, %dma_start3A_874] : memref<2x1x64x256xf32, #tpu.memory_space<vmem>> -> memref<2x1x64x256xf32, #tpu.memory_space<vmem>>
      %dma_start3A_876 = arith.constant 0 : i32
      %dma_start3A_877 = arith.constant 0 : i32
      %dma_start3A_878 = arith.constant 0 : i32
      %dma_start3A_879 = tpu.memref_slice %arg6[%add3A_40, %dma_start3A_876, %dma_start3A_877, %dma_start3A_878] : memref<1024x1x64x256xf32, #tpu.memory_space<hbm>> -> memref<2x1x64x256xf32, #tpu.memory_space<hbm>>
      %dma_start3A_880 = arith.constant 0 : i32
      %dma_start3A_881 = arith.constant 0 : i32
      %dma_start3A_882 = arith.constant 0 : i32
      %dma_start3A_883 = tpu.memref_slice %arg6[%add3A_40, %dma_start3A_880, %dma_start3A_881, %dma_start3A_882] : memref<1024x1x64x256xf32, #tpu.memory_space<hbm>> -> memref<2x1x64x256xf32, #tpu.memory_space<hbm>>
      %dma_start3A_884 = arith.constant 0 : i32
      %dma_start3A_885 = arith.constant 0 : i32
      %dma_start3A_886 = arith.constant 0 : i32
      %dma_start3A_887 = arith.constant 0 : i32
      %dma_start3A_888 = tpu.memref_slice %arg9[%dma_start3A_884, %dma_start3A_885, %dma_start3A_886, %dma_start3A_887] : memref<2x1x64x256xf32, #tpu.memory_space<vmem>> -> memref<2x1x64x256xf32, #tpu.memory_space<vmem>>
      tpu.enqueue_dma source(%dma_start3A_888 : memref<2x1x64x256xf32, #tpu.memory_space<vmem>>) target(%dma_start3A_883 : memref<2x1x64x256xf32, #tpu.memory_space<hbm>>) target_semaphore(%arg15 : memref<!tpu.dma_semaphore, #tpu.memory_space<semaphore_mem>>)
      %dma_wait3A_889 = arith.constant 0 : i32
      %dma_wait3A_890 = arith.constant 0 : i32
      %dma_wait3A_891 = arith.constant 0 : i32
      %dma_wait3A_892 = arith.constant 0 : i32
      %dma_wait3A_893 = tpu.memref_slice %arg9[%dma_wait3A_889, %dma_wait3A_890, %dma_wait3A_891, %dma_wait3A_892] : memref<2x1x64x256xf32, #tpu.memory_space<vmem>> -> memref<2x1x64x256xf32, #tpu.memory_space<vmem>>
      %dma_wait3A_894 = arith.constant 0 : i32
      %dma_wait3A_895 = arith.constant 0 : i32
      %dma_wait3A_896 = arith.constant 0 : i32
      %dma_wait3A_897 = tpu.memref_slice %arg6[%add3A_40, %dma_wait3A_894, %dma_wait3A_895, %dma_wait3A_896] : memref<1024x1x64x256xf32, #tpu.memory_space<hbm>> -> memref<2x1x64x256xf32, #tpu.memory_space<hbm>>
      %dma_wait3A_898 = arith.constant 0 : i32
      %dma_wait3A_899 = arith.constant 0 : i32
      %dma_wait3A_900 = arith.constant 0 : i32
      %dma_wait3A_901 = tpu.memref_slice %arg6[%add3A_40, %dma_wait3A_898, %dma_wait3A_899, %dma_wait3A_900] : memref<1024x1x64x256xf32, #tpu.memory_space<hbm>> -> memref<2x1x64x256xf32, #tpu.memory_space<hbm>>
      %dma_wait3A_902 = arith.constant 0 : i32
      %dma_wait3A_903 = arith.constant 0 : i32
      %dma_wait3A_904 = arith.constant 0 : i32
      %dma_wait3A_905 = arith.constant 0 : i32
      %dma_wait3A_906 = tpu.memref_slice %arg9[%dma_wait3A_902, %dma_wait3A_903, %dma_wait3A_904, %dma_wait3A_905] : memref<2x1x64x256xf32, #tpu.memory_space<vmem>> -> memref<2x1x64x256xf32, #tpu.memory_space<vmem>>
      tpu.wait_dma2 semaphore(%arg15 : memref<!tpu.dma_semaphore, #tpu.memory_space<semaphore_mem>>) src(%dma_wait3A_906 : memref<2x1x64x256xf32, #tpu.memory_space<vmem>>) dst(%dma_wait3A_901 : memref<2x1x64x256xf32, #tpu.memory_space<hbm>>)
      %dma_start3A_907 = arith.constant 0 : i32
      %dma_start3A_908 = arith.constant 0 : i32
      %dma_start3A_909 = arith.constant 0 : i32
      %dma_start3A_910 = arith.constant 0 : i32
      %dma_start3A_911 = tpu.memref_slice %arg9[%dma_start3A_907, %dma_start3A_908, %dma_start3A_909, %dma_start3A_910] : memref<2x1x64x256xf32, #tpu.memory_space<vmem>> -> memref<1x1x64x256xf32, #tpu.memory_space<vmem>>
      %dma_start3A_912 = arith.constant 256 : i32
      %dma_start3A_913 = tpu.memref_slice %arg7[%dma_start3A_912] : memref<272xi32, #tpu.memory_space<vmem>> -> memref<1xi32, #tpu.memory_space<vmem>>
      %dma_start3A_914 = arith.constant 0 : i32
      %dma_start3A_915 = arith.constant 0 : i32
      %dma_start3A_916 = arith.constant 0 : i32
      %dma_start3A_917 = arith.constant 0 : i32
      %dma_start3A_918 = tpu.memref_slice %arg2[%dma_start3A_914, %dma_start3A_915, %dma_start3A_916, %dma_start3A_917] : memref<1024x1x64x256xf32, #tpu.memory_space<hbm>> -> memref<1024x1x64x256xf32, #tpu.memory_space<hbm>>
      tpu.enqueue_indirect_dma source(%dma_start3A_918 : memref<1024x1x64x256xf32, #tpu.memory_space<hbm>>) target(%dma_start3A_911 : memref<1x1x64x256xf32, #tpu.memory_space<vmem>>) offsets(%dma_start3A_913 : memref<1xi32, #tpu.memory_space<vmem>>) semaphore(%arg12 : memref<!tpu.dma_semaphore, #tpu.memory_space<semaphore_mem>>)
      %dma_wait3A_919 = arith.constant 0 : i32
      %dma_wait3A_920 = arith.constant 0 : i32
      %dma_wait3A_921 = arith.constant 0 : i32
      %dma_wait3A_922 = arith.constant 0 : i32
      %dma_wait3A_923 = tpu.memref_slice %arg10[%dma_wait3A_919, %dma_wait3A_920, %dma_wait3A_921, %dma_wait3A_922] : memref<2x1x64x256xf32, #tpu.memory_space<vmem>> -> memref<2x1x64x256xf32, #tpu.memory_space<vmem>>
      %dma_wait3A_924 = arith.constant 224 : i32
      %dma_wait3A_925 = tpu.memref_slice %arg7[%dma_wait3A_924] : memref<272xi32, #tpu.memory_space<vmem>> -> memref<2xi32, #tpu.memory_space<vmem>>
      %dma_wait3A_926 = arith.constant 0 : i32
      %dma_wait3A_927 = arith.constant 0 : i32
      %dma_wait3A_928 = arith.constant 0 : i32
      %dma_wait3A_929 = arith.constant 0 : i32
      %dma_wait3A_930 = tpu.memref_slice %arg2[%dma_wait3A_926, %dma_wait3A_927, %dma_wait3A_928, %dma_wait3A_929] : memref<1024x1x64x256xf32, #tpu.memory_space<hbm>> -> memref<1024x1x64x256xf32, #tpu.memory_space<hbm>>
      tpu.wait_indirect_dma semaphore(%arg13 : memref<!tpu.dma_semaphore, #tpu.memory_space<semaphore_mem>>) src(%dma_wait3A_930 : memref<1024x1x64x256xf32, #tpu.memory_space<hbm>>) dst(%dma_wait3A_923 : memref<2x1x64x256xf32, #tpu.memory_space<vmem>>)
      %dma_start3A_931 = arith.constant 0 : i32
      %dma_start3A_932 = arith.constant 0 : i32
      %dma_start3A_933 = arith.constant 0 : i32
      %dma_start3A_934 = arith.constant 0 : i32
      %dma_start3A_935 = tpu.memref_slice %arg10[%dma_start3A_931, %dma_start3A_932, %dma_start3A_933, %dma_start3A_934] : memref<2x1x64x256xf32, #tpu.memory_space<vmem>> -> memref<2x1x64x256xf32, #tpu.memory_space<vmem>>
      %dma_start3A_936 = arith.constant 0 : i32
      %dma_start3A_937 = arith.constant 0 : i32
      %dma_start3A_938 = arith.constant 0 : i32
      %dma_start3A_939 = tpu.memref_slice %arg6[%add3A_42, %dma_start3A_936, %dma_start3A_937, %dma_start3A_938] : memref<1024x1x64x256xf32, #tpu.memory_space<hbm>> -> memref<2x1x64x256xf32, #tpu.memory_space<hbm>>
      %dma_start3A_940 = arith.constant 0 : i32
      %dma_start3A_941 = arith.constant 0 : i32
      %dma_start3A_942 = arith.constant 0 : i32
      %dma_start3A_943 = tpu.memref_slice %arg6[%add3A_42, %dma_start3A_940, %dma_start3A_941, %dma_start3A_942] : memref<1024x1x64x256xf32, #tpu.memory_space<hbm>> -> memref<2x1x64x256xf32, #tpu.memory_space<hbm>>
      %dma_start3A_944 = arith.constant 0 : i32
      %dma_start3A_945 = arith.constant 0 : i32
      %dma_start3A_946 = arith.constant 0 : i32
      %dma_start3A_947 = arith.constant 0 : i32
      %dma_start3A_948 = tpu.memref_slice %arg10[%dma_start3A_944, %dma_start3A_945, %dma_start3A_946, %dma_start3A_947] : memref<2x1x64x256xf32, #tpu.memory_space<vmem>> -> memref<2x1x64x256xf32, #tpu.memory_space<vmem>>
      tpu.enqueue_dma source(%dma_start3A_948 : memref<2x1x64x256xf32, #tpu.memory_space<vmem>>) target(%dma_start3A_943 : memref<2x1x64x256xf32, #tpu.memory_space<hbm>>) target_semaphore(%arg16 : memref<!tpu.dma_semaphore, #tpu.memory_space<semaphore_mem>>)
      %dma_wait3A_949 = arith.constant 0 : i32
      %dma_wait3A_950 = arith.constant 0 : i32
      %dma_wait3A_951 = arith.constant 0 : i32
      %dma_wait3A_952 = arith.constant 0 : i32
      %dma_wait3A_953 = tpu.memref_slice %arg8[%dma_wait3A_949, %dma_wait3A_950, %dma_wait3A_951, %dma_wait3A_952] : memref<2x1x64x256xf32, #tpu.memory_space<vmem>> -> memref<2x1x64x256xf32, #tpu.memory_space<vmem>>
      %dma_wait3A_954 = arith.constant 240 : i32
      %dma_wait3A_955 = tpu.memref_slice %arg7[%dma_wait3A_954] : memref<272xi32, #tpu.memory_space<vmem>> -> memref<2xi32, #tpu.memory_space<vmem>>
      %dma_wait3A_956 = arith.constant 0 : i32
      %dma_wait3A_957 = arith.constant 0 : i32
      %dma_wait3A_958 = arith.constant 0 : i32
      %dma_wait3A_959 = arith.constant 0 : i32
      %dma_wait3A_960 = tpu.memref_slice %arg2[%dma_wait3A_956, %dma_wait3A_957, %dma_wait3A_958, %dma_wait3A_959] : memref<1024x1x64x256xf32, #tpu.memory_space<hbm>> -> memref<1024x1x64x256xf32, #tpu.memory_space<hbm>>
      tpu.wait_indirect_dma semaphore(%arg11 : memref<!tpu.dma_semaphore, #tpu.memory_space<semaphore_mem>>) src(%dma_wait3A_960 : memref<1024x1x64x256xf32, #tpu.memory_space<hbm>>) dst(%dma_wait3A_953 : memref<2x1x64x256xf32, #tpu.memory_space<vmem>>)
      %dma_start3A_961 = arith.constant 0 : i32
      %dma_start3A_962 = arith.constant 0 : i32
      %dma_start3A_963 = arith.constant 0 : i32
      %dma_start3A_964 = arith.constant 0 : i32
      %dma_start3A_965 = tpu.memref_slice %arg8[%dma_start3A_961, %dma_start3A_962, %dma_start3A_963, %dma_start3A_964] : memref<2x1x64x256xf32, #tpu.memory_space<vmem>> -> memref<2x1x64x256xf32, #tpu.memory_space<vmem>>
      %dma_start3A_966 = arith.constant 0 : i32
      %dma_start3A_967 = arith.constant 0 : i32
      %dma_start3A_968 = arith.constant 0 : i32
      %dma_start3A_969 = tpu.memref_slice %arg6[%add3A_44, %dma_start3A_966, %dma_start3A_967, %dma_start3A_968] : memref<1024x1x64x256xf32, #tpu.memory_space<hbm>> -> memref<2x1x64x256xf32, #tpu.memory_space<hbm>>
      %dma_start3A_970 = arith.constant 0 : i32
      %dma_start3A_971 = arith.constant 0 : i32
      %dma_start3A_972 = arith.constant 0 : i32
      %dma_start3A_973 = tpu.memref_slice %arg6[%add3A_44, %dma_start3A_970, %dma_start3A_971, %dma_start3A_972] : memref<1024x1x64x256xf32, #tpu.memory_space<hbm>> -> memref<2x1x64x256xf32, #tpu.memory_space<hbm>>
      %dma_start3A_974 = arith.constant 0 : i32
      %dma_start3A_975 = arith.constant 0 : i32
      %dma_start3A_976 = arith.constant 0 : i32
      %dma_start3A_977 = arith.constant 0 : i32
      %dma_start3A_978 = tpu.memref_slice %arg8[%dma_start3A_974, %dma_start3A_975, %dma_start3A_976, %dma_start3A_977] : memref<2x1x64x256xf32, #tpu.memory_space<vmem>> -> memref<2x1x64x256xf32, #tpu.memory_space<vmem>>
      tpu.enqueue_dma source(%dma_start3A_978 : memref<2x1x64x256xf32, #tpu.memory_space<vmem>>) target(%dma_start3A_973 : memref<2x1x64x256xf32, #tpu.memory_space<hbm>>) target_semaphore(%arg14 : memref<!tpu.dma_semaphore, #tpu.memory_space<semaphore_mem>>)
      %dma_wait3A_979 = arith.constant 0 : i32
      %dma_wait3A_980 = arith.constant 0 : i32
      %dma_wait3A_981 = arith.constant 0 : i32
      %dma_wait3A_982 = arith.constant 0 : i32
      %dma_wait3A_983 = tpu.memref_slice %arg9[%dma_wait3A_979, %dma_wait3A_980, %dma_wait3A_981, %dma_wait3A_982] : memref<2x1x64x256xf32, #tpu.memory_space<vmem>> -> memref<1x1x64x256xf32, #tpu.memory_space<vmem>>
      %dma_wait3A_984 = arith.constant 256 : i32
      %dma_wait3A_985 = tpu.memref_slice %arg7[%dma_wait3A_984] : memref<272xi32, #tpu.memory_space<vmem>> -> memref<1xi32, #tpu.memory_space<vmem>>
      %dma_wait3A_986 = arith.constant 0 : i32
      %dma_wait3A_987 = arith.constant 0 : i32
      %dma_wait3A_988 = arith.constant 0 : i32
      %dma_wait3A_989 = arith.constant 0 : i32
      %dma_wait3A_990 = tpu.memref_slice %arg2[%dma_wait3A_986, %dma_wait3A_987, %dma_wait3A_988, %dma_wait3A_989] : memref<1024x1x64x256xf32, #tpu.memory_space<hbm>> -> memref<1024x1x64x256xf32, #tpu.memory_space<hbm>>
      tpu.wait_indirect_dma semaphore(%arg12 : memref<!tpu.dma_semaphore, #tpu.memory_space<semaphore_mem>>) src(%dma_wait3A_990 : memref<1024x1x64x256xf32, #tpu.memory_space<hbm>>) dst(%dma_wait3A_983 : memref<1x1x64x256xf32, #tpu.memory_space<vmem>>)
      %dma_start3A_991 = arith.constant 0 : i32
      %dma_start3A_992 = arith.constant 0 : i32
      %dma_start3A_993 = arith.constant 0 : i32
      %dma_start3A_994 = arith.constant 0 : i32
      %dma_start3A_995 = tpu.memref_slice %arg9[%dma_start3A_991, %dma_start3A_992, %dma_start3A_993, %dma_start3A_994] : memref<2x1x64x256xf32, #tpu.memory_space<vmem>> -> memref<1x1x64x256xf32, #tpu.memory_space<vmem>>
      %dma_start3A_996 = arith.constant 0 : i32
      %dma_start3A_997 = arith.constant 0 : i32
      %dma_start3A_998 = arith.constant 0 : i32
      %dma_start3A_999 = tpu.memref_slice %arg5[%add3A, %dma_start3A_996, %dma_start3A_997, %dma_start3A_998] : memref<32x1x64x256xf32, #tpu.memory_space<hbm>> -> memref<1x1x64x256xf32, #tpu.memory_space<hbm>>
      %dma_start3A_1000 = arith.constant 0 : i32
      %dma_start3A_1001 = arith.constant 0 : i32
      %dma_start3A_1002 = arith.constant 0 : i32
      %dma_start3A_1003 = tpu.memref_slice %arg5[%add3A, %dma_start3A_1000, %dma_start3A_1001, %dma_start3A_1002] : memref<32x1x64x256xf32, #tpu.memory_space<hbm>> -> memref<1x1x64x256xf32, #tpu.memory_space<hbm>>
      %dma_start3A_1004 = arith.constant 0 : i32
      %dma_start3A_1005 = arith.constant 0 : i32
      %dma_start3A_1006 = arith.constant 0 : i32
      %dma_start3A_1007 = arith.constant 0 : i32
      %dma_start3A_1008 = tpu.memref_slice %arg9[%dma_start3A_1004, %dma_start3A_1005, %dma_start3A_1006, %dma_start3A_1007] : memref<2x1x64x256xf32, #tpu.memory_space<vmem>> -> memref<1x1x64x256xf32, #tpu.memory_space<vmem>>
      tpu.enqueue_dma source(%dma_start3A_1008 : memref<1x1x64x256xf32, #tpu.memory_space<vmem>>) target(%dma_start3A_1003 : memref<1x1x64x256xf32, #tpu.memory_space<hbm>>) target_semaphore(%arg15 : memref<!tpu.dma_semaphore, #tpu.memory_space<semaphore_mem>>)
      %dma_wait3A_1009 = arith.constant 0 : i32
      %dma_wait3A_1010 = arith.constant 0 : i32
      %dma_wait3A_1011 = arith.constant 0 : i32
      %dma_wait3A_1012 = arith.constant 0 : i32
      %dma_wait3A_1013 = tpu.memref_slice %arg10[%dma_wait3A_1009, %dma_wait3A_1010, %dma_wait3A_1011, %dma_wait3A_1012] : memref<2x1x64x256xf32, #tpu.memory_space<vmem>> -> memref<2x1x64x256xf32, #tpu.memory_space<vmem>>
      %dma_wait3A_1014 = arith.constant 0 : i32
      %dma_wait3A_1015 = arith.constant 0 : i32
      %dma_wait3A_1016 = arith.constant 0 : i32
      %dma_wait3A_1017 = tpu.memref_slice %arg6[%add3A_42, %dma_wait3A_1014, %dma_wait3A_1015, %dma_wait3A_1016] : memref<1024x1x64x256xf32, #tpu.memory_space<hbm>> -> memref<2x1x64x256xf32, #tpu.memory_space<hbm>>
      %dma_wait3A_1018 = arith.constant 0 : i32
      %dma_wait3A_1019 = arith.constant 0 : i32
      %dma_wait3A_1020 = arith.constant 0 : i32
      %dma_wait3A_1021 = tpu.memref_slice %arg6[%add3A_42, %dma_wait3A_1018, %dma_wait3A_1019, %dma_wait3A_1020] : memref<1024x1x64x256xf32, #tpu.memory_space<hbm>> -> memref<2x1x64x256xf32, #tpu.memory_space<hbm>>
      %dma_wait3A_1022 = arith.constant 0 : i32
      %dma_wait3A_1023 = arith.constant 0 : i32
      %dma_wait3A_1024 = arith.constant 0 : i32
      %dma_wait3A_1025 = arith.constant 0 : i32
      %dma_wait3A_1026 = tpu.memref_slice %arg10[%dma_wait3A_1022, %dma_wait3A_1023, %dma_wait3A_1024, %dma_wait3A_1025] : memref<2x1x64x256xf32, #tpu.memory_space<vmem>> -> memref<2x1x64x256xf32, #tpu.memory_space<vmem>>
      tpu.wait_dma2 semaphore(%arg16 : memref<!tpu.dma_semaphore, #tpu.memory_space<semaphore_mem>>) src(%dma_wait3A_1026 : memref<2x1x64x256xf32, #tpu.memory_space<vmem>>) dst(%dma_wait3A_1021 : memref<2x1x64x256xf32, #tpu.memory_space<hbm>>)
      %dma_wait3A_1027 = arith.constant 0 : i32
      %dma_wait3A_1028 = arith.constant 0 : i32
      %dma_wait3A_1029 = arith.constant 0 : i32
      %dma_wait3A_1030 = arith.constant 0 : i32
      %dma_wait3A_1031 = tpu.memref_slice %arg8[%dma_wait3A_1027, %dma_wait3A_1028, %dma_wait3A_1029, %dma_wait3A_1030] : memref<2x1x64x256xf32, #tpu.memory_space<vmem>> -> memref<2x1x64x256xf32, #tpu.memory_space<vmem>>
      %dma_wait3A_1032 = arith.constant 0 : i32
      %dma_wait3A_1033 = arith.constant 0 : i32
      %dma_wait3A_1034 = arith.constant 0 : i32
      %dma_wait3A_1035 = tpu.memref_slice %arg6[%add3A_44, %dma_wait3A_1032, %dma_wait3A_1033, %dma_wait3A_1034] : memref<1024x1x64x256xf32, #tpu.memory_space<hbm>> -> memref<2x1x64x256xf32, #tpu.memory_space<hbm>>
      %dma_wait3A_1036 = arith.constant 0 : i32
      %dma_wait3A_1037 = arith.constant 0 : i32
      %dma_wait3A_1038 = arith.constant 0 : i32
      %dma_wait3A_1039 = tpu.memref_slice %arg6[%add3A_44, %dma_wait3A_1036, %dma_wait3A_1037, %dma_wait3A_1038] : memref<1024x1x64x256xf32, #tpu.memory_space<hbm>> -> memref<2x1x64x256xf32, #tpu.memory_space<hbm>>
      %dma_wait3A_1040 = arith.constant 0 : i32
      %dma_wait3A_1041 = arith.constant 0 : i32
      %dma_wait3A_1042 = arith.constant 0 : i32
      %dma_wait3A_1043 = arith.constant 0 : i32
      %dma_wait3A_1044 = tpu.memref_slice %arg8[%dma_wait3A_1040, %dma_wait3A_1041, %dma_wait3A_1042, %dma_wait3A_1043] : memref<2x1x64x256xf32, #tpu.memory_space<vmem>> -> memref<2x1x64x256xf32, #tpu.memory_space<vmem>>
      tpu.wait_dma2 semaphore(%arg14 : memref<!tpu.dma_semaphore, #tpu.memory_space<semaphore_mem>>) src(%dma_wait3A_1044 : memref<2x1x64x256xf32, #tpu.memory_space<vmem>>) dst(%dma_wait3A_1039 : memref<2x1x64x256xf32, #tpu.memory_space<hbm>>)
      %dma_wait3A_1045 = arith.constant 0 : i32
      %dma_wait3A_1046 = arith.constant 0 : i32
      %dma_wait3A_1047 = arith.constant 0 : i32
      %dma_wait3A_1048 = arith.constant 0 : i32
      %dma_wait3A_1049 = tpu.memref_slice %arg9[%dma_wait3A_1045, %dma_wait3A_1046, %dma_wait3A_1047, %dma_wait3A_1048] : memref<2x1x64x256xf32, #tpu.memory_space<vmem>> -> memref<1x1x64x256xf32, #tpu.memory_space<vmem>>
      %dma_wait3A_1050 = arith.constant 0 : i32
      %dma_wait3A_1051 = arith.constant 0 : i32
      %dma_wait3A_1052 = arith.constant 0 : i32
      %dma_wait3A_1053 = tpu.memref_slice %arg5[%add3A, %dma_wait3A_1050, %dma_wait3A_1051, %dma_wait3A_1052] : memref<32x1x64x256xf32, #tpu.memory_space<hbm>> -> memref<1x1x64x256xf32, #tpu.memory_space<hbm>>
      %dma_wait3A_1054 = arith.constant 0 : i32
      %dma_wait3A_1055 = arith.constant 0 : i32
      %dma_wait3A_1056 = arith.constant 0 : i32
      %dma_wait3A_1057 = tpu.memref_slice %arg5[%add3A, %dma_wait3A_1054, %dma_wait3A_1055, %dma_wait3A_1056] : memref<32x1x64x256xf32, #tpu.memory_space<hbm>> -> memref<1x1x64x256xf32, #tpu.memory_space<hbm>>
      %dma_wait3A_1058 = arith.constant 0 : i32
      %dma_wait3A_1059 = arith.constant 0 : i32
      %dma_wait3A_1060 = arith.constant 0 : i32
      %dma_wait3A_1061 = arith.constant 0 : i32
      %dma_wait3A_1062 = tpu.memref_slice %arg9[%dma_wait3A_1058, %dma_wait3A_1059, %dma_wait3A_1060, %dma_wait3A_1061] : memref<2x1x64x256xf32, #tpu.memory_space<vmem>> -> memref<1x1x64x256xf32, #tpu.memory_space<vmem>>
      tpu.wait_dma2 semaphore(%arg15 : memref<!tpu.dma_semaphore, #tpu.memory_space<semaphore_mem>>) src(%dma_wait3A_1062 : memref<1x1x64x256xf32, #tpu.memory_space<vmem>>) dst(%dma_wait3A_1057 : memref<1x1x64x256xf32, #tpu.memory_space<hbm>>)
    } else {
    }
    return
  }
}

module attributes {stable_mosaic.version = 14 : i64} {
  func.func @_tc_body(%arg0: i32, %arg1: memref<1024xi32, #tpu.memory_space<smem>>, %arg2: memref<1x1x64x256xf32, #tpu.memory_space<vmem>>, %arg3: memref<1x1x64x256xf32, #tpu.memory_space<vmem>>, %arg4: memref<1x1x64x256xf32, #tpu.memory_space<vmem>>, %arg5: memref<1x1x64x256xf32, #tpu.memory_space<vmem>>, %arg6: memref<1x1x64x256xf32, #tpu.memory_space<vmem>>, %arg7: memref<1x1x64x256xf32, #tpu.memory_space<vmem>>, %arg8: memref<1x1x64x256xf32, #tpu.memory_space<vmem>>, %arg9: memref<1x1x64x256xf32, #tpu.memory_space<vmem>>, %arg10: memref<1x1x64x256xf32, #tpu.memory_space<vmem>>, %arg11: memref<1x1x64x256xf32, #tpu.memory_space<vmem>>, %arg12: memref<1x1x64x256xf32, #tpu.memory_space<vmem>>, %arg13: memref<1x1x64x256xf32, #tpu.memory_space<vmem>>, %arg14: memref<1x1x64x256xf32, #tpu.memory_space<vmem>>, %arg15: memref<1x1x64x256xf32, #tpu.memory_space<vmem>>, %arg16: memref<1x1x64x256xf32, #tpu.memory_space<vmem>>, %arg17: memref<1x1x64x256xf32, #tpu.memory_space<vmem>>, %arg18: memref<1x1x64x256xf32, #tpu.memory_space<vmem>>, %arg19: memref<1x1x64x256xf32, #tpu.memory_space<vmem>>, %arg20: memref<1x1x64x256xf32, #tpu.memory_space<vmem>>, %arg21: memref<1x1x64x256xf32, #tpu.memory_space<vmem>>, %arg22: memref<1x1x64x256xf32, #tpu.memory_space<vmem>>, %arg23: memref<1x1x64x256xf32, #tpu.memory_space<vmem>>, %arg24: memref<1x1x64x256xf32, #tpu.memory_space<vmem>>, %arg25: memref<1x1x64x256xf32, #tpu.memory_space<vmem>>, %arg26: memref<1x1x64x256xf32, #tpu.memory_space<vmem>>, %arg27: memref<1x1x64x256xf32, #tpu.memory_space<vmem>>, %arg28: memref<1x1x64x256xf32, #tpu.memory_space<vmem>>, %arg29: memref<1x1x64x256xf32, #tpu.memory_space<vmem>>, %arg30: memref<1x1x64x256xf32, #tpu.memory_space<vmem>>, %arg31: memref<1x1x64x256xf32, #tpu.memory_space<vmem>>, %arg32: memref<1x1x64x256xf32, #tpu.memory_space<vmem>>, %arg33: memref<1x1x64x256xf32, #tpu.memory_space<vmem>>, %arg34: memref<32x1x64x256xf32, #tpu.memory_space<vmem>>, %arg35: memref<32x1x64x256xf32, #tpu.memory_space<vmem>>, %arg36: memref<32x1x64x256xf32, #tpu.memory_space<vmem>>) attributes {dimension_semantics = [#tpu.dimension_semantics<arbitrary>], iteration_bounds = array<i64: 32>, scalar_prefetch = 1 : i64, scratch_operands = 0 : i64, tpu.core_type = #tpu.core_type<tc>, window_params = [{transform_indices = @transform_0, window_bounds = array<i64: 1, 1, 64, 256>}, {transform_indices = @transform_1, window_bounds = array<i64: 1, 1, 64, 256>}, {transform_indices = @transform_2, window_bounds = array<i64: 1, 1, 64, 256>}, {transform_indices = @transform_3, window_bounds = array<i64: 1, 1, 64, 256>}, {transform_indices = @transform_4, window_bounds = array<i64: 1, 1, 64, 256>}, {transform_indices = @transform_5, window_bounds = array<i64: 1, 1, 64, 256>}, {transform_indices = @transform_6, window_bounds = array<i64: 1, 1, 64, 256>}, {transform_indices = @transform_7, window_bounds = array<i64: 1, 1, 64, 256>}, {transform_indices = @transform_8, window_bounds = array<i64: 1, 1, 64, 256>}, {transform_indices = @transform_9, window_bounds = array<i64: 1, 1, 64, 256>}, {transform_indices = @transform_10, window_bounds = array<i64: 1, 1, 64, 256>}, {transform_indices = @transform_11, window_bounds = array<i64: 1, 1, 64, 256>}, {transform_indices = @transform_12, window_bounds = array<i64: 1, 1, 64, 256>}, {transform_indices = @transform_13, window_bounds = array<i64: 1, 1, 64, 256>}, {transform_indices = @transform_14, window_bounds = array<i64: 1, 1, 64, 256>}, {transform_indices = @transform_15, window_bounds = array<i64: 1, 1, 64, 256>}, {transform_indices = @transform_16, window_bounds = array<i64: 1, 1, 64, 256>}, {transform_indices = @transform_17, window_bounds = array<i64: 1, 1, 64, 256>}, {transform_indices = @transform_18, window_bounds = array<i64: 1, 1, 64, 256>}, {transform_indices = @transform_19, window_bounds = array<i64: 1, 1, 64, 256>}, {transform_indices = @transform_20, window_bounds = array<i64: 1, 1, 64, 256>}, {transform_indices = @transform_21, window_bounds = array<i64: 1, 1, 64, 256>}, {transform_indices = @transform_22, window_bounds = array<i64: 1, 1, 64, 256>}, {transform_indices = @transform_23, window_bounds = array<i64: 1, 1, 64, 256>}, {transform_indices = @transform_24, window_bounds = array<i64: 1, 1, 64, 256>}, {transform_indices = @transform_25, window_bounds = array<i64: 1, 1, 64, 256>}, {transform_indices = @transform_26, window_bounds = array<i64: 1, 1, 64, 256>}, {transform_indices = @transform_27, window_bounds = array<i64: 1, 1, 64, 256>}, {transform_indices = @transform_28, window_bounds = array<i64: 1, 1, 64, 256>}, {transform_indices = @transform_29, window_bounds = array<i64: 1, 1, 64, 256>}, {transform_indices = @transform_30, window_bounds = array<i64: 1, 1, 64, 256>}, {transform_indices = @transform_31, window_bounds = array<i64: 1, 1, 64, 256>}, {transform_indices = @transform_32, window_bounds = array<i64: 32, 1, 64, 256>}, {transform_indices = @transform_33, window_bounds = array<i64: 32, 1, 64, 256>}, {transform_indices = @transform_34, window_bounds = array<i64: 32, 1, 64, 256>}]} {
    %mul3A = arith.constant 32 : i32
    %mul3A_0 = arith.muli %arg0, %mul3A : i32
    %add3A = arith.constant 0 : i32
    %add3A_1 = arith.addi %mul3A_0, %add3A : i32
    %lt3A = arith.constant 32 : i32
    %lt3A_2 = arith.cmpi slt, %add3A_1, %lt3A : i32
    %convert_element_type3A = arith.extui %lt3A_2 : i1 to i32
    %cond3A = arith.constant 0 : i32
    %cond3A_3 = arith.cmpi ne, %convert_element_type3A, %cond3A : i32
    scf.if %cond3A_3 {
      %get3A = arith.constant 0 : index
      %get3A_442 = arith.constant 0 : index
      %get3A_443 = arith.constant 0 : index
      %get3A_444 = arith.constant 0 : index
      %get3A_445 = vector.load %arg2[%get3A, %get3A_442, %get3A_443, %get3A_444] : memref<1x1x64x256xf32, #tpu.memory_space<vmem>>, vector<1x1x64x256xf32>
      %swap3A = arith.constant 0 : index
      %swap3A_446 = arith.constant 0 : index
      %swap3A_447 = arith.constant 0 : index
      %swap3A_448 = arith.constant 0 : index
      %swap3A_449 = vector.load %arg36[%swap3A, %swap3A_446, %swap3A_447, %swap3A_448] : memref<32x1x64x256xf32, #tpu.memory_space<vmem>>, vector<1x1x64x256xf32>
      tpu.vector_store %arg36[%swap3A, %swap3A_446, %swap3A_447, %swap3A_448], %get3A_445 {strides = array<i32>} : memref<32x1x64x256xf32, #tpu.memory_space<vmem>>, vector<1x1x64x256xf32>,
      %get3A_450 = arith.constant 0 : index
      %get3A_451 = arith.constant 0 : index
      %get3A_452 = arith.constant 0 : index
      %get3A_453 = arith.constant 0 : index
      %get3A_454 = vector.load %arg34[%get3A_450, %get3A_451, %get3A_452, %get3A_453] : memref<32x1x64x256xf32, #tpu.memory_space<vmem>>, vector<1x1x64x256xf32>
      %swap3A_455 = arith.constant 0 : index
      %swap3A_456 = arith.constant 0 : index
      %swap3A_457 = arith.constant 0 : index
      %swap3A_458 = arith.constant 0 : index
      %swap3A_459 = vector.load %arg35[%swap3A_455, %swap3A_456, %swap3A_457, %swap3A_458] : memref<32x1x64x256xf32, #tpu.memory_space<vmem>>, vector<1x1x64x256xf32>
      tpu.vector_store %arg35[%swap3A_455, %swap3A_456, %swap3A_457, %swap3A_458], %get3A_454 {strides = array<i32>} : memref<32x1x64x256xf32, #tpu.memory_space<vmem>>, vector<1x1x64x256xf32>,
    } else {
    }
    %ge3A = arith.constant 32 : i32
    %ge3A_4 = arith.cmpi sge, %add3A_1, %ge3A : i32
    %convert_element_type3A_5 = arith.extui %ge3A_4 : i1 to i32
    %cond3A_6 = arith.constant 0 : i32
    %cond3A_7 = arith.cmpi ne, %convert_element_type3A_5, %cond3A_6 : i32
    scf.if %cond3A_7 {
      %get3A = arith.constant 0 : index
      %get3A_442 = arith.constant 0 : index
      %get3A_443 = arith.constant 0 : index
      %get3A_444 = arith.constant 0 : index
      %get3A_445 = vector.load %arg2[%get3A, %get3A_442, %get3A_443, %get3A_444] : memref<1x1x64x256xf32, #tpu.memory_space<vmem>>, vector<1x1x64x256xf32>
      %swap3A = arith.constant 0 : index
      %swap3A_446 = arith.constant 0 : index
      %swap3A_447 = arith.constant 0 : index
      %swap3A_448 = arith.constant 0 : index
      %swap3A_449 = vector.load %arg35[%swap3A, %swap3A_446, %swap3A_447, %swap3A_448] : memref<32x1x64x256xf32, #tpu.memory_space<vmem>>, vector<1x1x64x256xf32>
      tpu.vector_store %arg35[%swap3A, %swap3A_446, %swap3A_447, %swap3A_448], %get3A_445 {strides = array<i32>} : memref<32x1x64x256xf32, #tpu.memory_space<vmem>>, vector<1x1x64x256xf32>,
    } else {
    }
    %mul3A_8 = arith.constant 32 : i32
    %mul3A_9 = arith.muli %arg0, %mul3A_8 : i32
    %add3A_10 = arith.constant 1 : i32
    %add3A_11 = arith.addi %mul3A_9, %add3A_10 : i32
    %lt3A_12 = arith.constant 32 : i32
    %lt3A_13 = arith.cmpi slt, %add3A_11, %lt3A_12 : i32
    %convert_element_type3A_14 = arith.extui %lt3A_13 : i1 to i32
    %cond3A_15 = arith.constant 0 : i32
    %cond3A_16 = arith.cmpi ne, %convert_element_type3A_14, %cond3A_15 : i32
    scf.if %cond3A_16 {
      %get3A = arith.constant 0 : index
      %get3A_442 = arith.constant 0 : index
      %get3A_443 = arith.constant 0 : index
      %get3A_444 = arith.constant 0 : index
      %get3A_445 = vector.load %arg3[%get3A, %get3A_442, %get3A_443, %get3A_444] : memref<1x1x64x256xf32, #tpu.memory_space<vmem>>, vector<1x1x64x256xf32>
      %swap3A = arith.constant 1 : index
      %swap3A_446 = arith.constant 0 : index
      %swap3A_447 = arith.constant 0 : index
      %swap3A_448 = arith.constant 0 : index
      %swap3A_449 = vector.load %arg36[%swap3A, %swap3A_446, %swap3A_447, %swap3A_448] : memref<32x1x64x256xf32, #tpu.memory_space<vmem>>, vector<1x1x64x256xf32>
      tpu.vector_store %arg36[%swap3A, %swap3A_446, %swap3A_447, %swap3A_448], %get3A_445 {strides = array<i32>} : memref<32x1x64x256xf32, #tpu.memory_space<vmem>>, vector<1x1x64x256xf32>,
      %get3A_450 = arith.constant 1 : index
      %get3A_451 = arith.constant 0 : index
      %get3A_452 = arith.constant 0 : index
      %get3A_453 = arith.constant 0 : index
      %get3A_454 = vector.load %arg34[%get3A_450, %get3A_451, %get3A_452, %get3A_453] : memref<32x1x64x256xf32, #tpu.memory_space<vmem>>, vector<1x1x64x256xf32>
      %swap3A_455 = arith.constant 1 : index
      %swap3A_456 = arith.constant 0 : index
      %swap3A_457 = arith.constant 0 : index
      %swap3A_458 = arith.constant 0 : index
      %swap3A_459 = vector.load %arg35[%swap3A_455, %swap3A_456, %swap3A_457, %swap3A_458] : memref<32x1x64x256xf32, #tpu.memory_space<vmem>>, vector<1x1x64x256xf32>
      tpu.vector_store %arg35[%swap3A_455, %swap3A_456, %swap3A_457, %swap3A_458], %get3A_454 {strides = array<i32>} : memref<32x1x64x256xf32, #tpu.memory_space<vmem>>, vector<1x1x64x256xf32>,
    } else {
    }
    %ge3A_17 = arith.constant 32 : i32
    %ge3A_18 = arith.cmpi sge, %add3A_11, %ge3A_17 : i32
    %convert_element_type3A_19 = arith.extui %ge3A_18 : i1 to i32
    %cond3A_20 = arith.constant 0 : i32
    %cond3A_21 = arith.cmpi ne, %convert_element_type3A_19, %cond3A_20 : i32
    scf.if %cond3A_21 {
      %get3A = arith.constant 0 : index
      %get3A_442 = arith.constant 0 : index
      %get3A_443 = arith.constant 0 : index
      %get3A_444 = arith.constant 0 : index
      %get3A_445 = vector.load %arg3[%get3A, %get3A_442, %get3A_443, %get3A_444] : memref<1x1x64x256xf32, #tpu.memory_space<vmem>>, vector<1x1x64x256xf32>
      %swap3A = arith.constant 1 : index
      %swap3A_446 = arith.constant 0 : index
      %swap3A_447 = arith.constant 0 : index
      %swap3A_448 = arith.constant 0 : index
      %swap3A_449 = vector.load %arg35[%swap3A, %swap3A_446, %swap3A_447, %swap3A_448] : memref<32x1x64x256xf32, #tpu.memory_space<vmem>>, vector<1x1x64x256xf32>
      tpu.vector_store %arg35[%swap3A, %swap3A_446, %swap3A_447, %swap3A_448], %get3A_445 {strides = array<i32>} : memref<32x1x64x256xf32, #tpu.memory_space<vmem>>, vector<1x1x64x256xf32>,
    } else {
    }
    %mul3A_22 = arith.constant 32 : i32
    %mul3A_23 = arith.muli %arg0, %mul3A_22 : i32
    %add3A_24 = arith.constant 2 : i32
    %add3A_25 = arith.addi %mul3A_23, %add3A_24 : i32
    %lt3A_26 = arith.constant 32 : i32
    %lt3A_27 = arith.cmpi slt, %add3A_25, %lt3A_26 : i32
    %convert_element_type3A_28 = arith.extui %lt3A_27 : i1 to i32
    %cond3A_29 = arith.constant 0 : i32
    %cond3A_30 = arith.cmpi ne, %convert_element_type3A_28, %cond3A_29 : i32
    scf.if %cond3A_30 {
      %get3A = arith.constant 0 : index
      %get3A_442 = arith.constant 0 : index
      %get3A_443 = arith.constant 0 : index
      %get3A_444 = arith.constant 0 : index
      %get3A_445 = vector.load %arg4[%get3A, %get3A_442, %get3A_443, %get3A_444] : memref<1x1x64x256xf32, #tpu.memory_space<vmem>>, vector<1x1x64x256xf32>
      %swap3A = arith.constant 2 : index
      %swap3A_446 = arith.constant 0 : index
      %swap3A_447 = arith.constant 0 : index
      %swap3A_448 = arith.constant 0 : index
      %swap3A_449 = vector.load %arg36[%swap3A, %swap3A_446, %swap3A_447, %swap3A_448] : memref<32x1x64x256xf32, #tpu.memory_space<vmem>>, vector<1x1x64x256xf32>
      tpu.vector_store %arg36[%swap3A, %swap3A_446, %swap3A_447, %swap3A_448], %get3A_445 {strides = array<i32>} : memref<32x1x64x256xf32, #tpu.memory_space<vmem>>, vector<1x1x64x256xf32>,
      %get3A_450 = arith.constant 2 : index
      %get3A_451 = arith.constant 0 : index
      %get3A_452 = arith.constant 0 : index
      %get3A_453 = arith.constant 0 : index
      %get3A_454 = vector.load %arg34[%get3A_450, %get3A_451, %get3A_452, %get3A_453] : memref<32x1x64x256xf32, #tpu.memory_space<vmem>>, vector<1x1x64x256xf32>
      %swap3A_455 = arith.constant 2 : index
      %swap3A_456 = arith.constant 0 : index
      %swap3A_457 = arith.constant 0 : index
      %swap3A_458 = arith.constant 0 : index
      %swap3A_459 = vector.load %arg35[%swap3A_455, %swap3A_456, %swap3A_457, %swap3A_458] : memref<32x1x64x256xf32, #tpu.memory_space<vmem>>, vector<1x1x64x256xf32>
      tpu.vector_store %arg35[%swap3A_455, %swap3A_456, %swap3A_457, %swap3A_458], %get3A_454 {strides = array<i32>} : memref<32x1x64x256xf32, #tpu.memory_space<vmem>>, vector<1x1x64x256xf32>,
    } else {
    }
    %ge3A_31 = arith.constant 32 : i32
    %ge3A_32 = arith.cmpi sge, %add3A_25, %ge3A_31 : i32
    %convert_element_type3A_33 = arith.extui %ge3A_32 : i1 to i32
    %cond3A_34 = arith.constant 0 : i32
    %cond3A_35 = arith.cmpi ne, %convert_element_type3A_33, %cond3A_34 : i32
    scf.if %cond3A_35 {
      %get3A = arith.constant 0 : index
      %get3A_442 = arith.constant 0 : index
      %get3A_443 = arith.constant 0 : index
      %get3A_444 = arith.constant 0 : index
      %get3A_445 = vector.load %arg4[%get3A, %get3A_442, %get3A_443, %get3A_444] : memref<1x1x64x256xf32, #tpu.memory_space<vmem>>, vector<1x1x64x256xf32>
      %swap3A = arith.constant 2 : index
      %swap3A_446 = arith.constant 0 : index
      %swap3A_447 = arith.constant 0 : index
      %swap3A_448 = arith.constant 0 : index
      %swap3A_449 = vector.load %arg35[%swap3A, %swap3A_446, %swap3A_447, %swap3A_448] : memref<32x1x64x256xf32, #tpu.memory_space<vmem>>, vector<1x1x64x256xf32>
      tpu.vector_store %arg35[%swap3A, %swap3A_446, %swap3A_447, %swap3A_448], %get3A_445 {strides = array<i32>} : memref<32x1x64x256xf32, #tpu.memory_space<vmem>>, vector<1x1x64x256xf32>,
    } else {
    }
    %mul3A_36 = arith.constant 32 : i32
    %mul3A_37 = arith.muli %arg0, %mul3A_36 : i32
    %add3A_38 = arith.constant 3 : i32
    %add3A_39 = arith.addi %mul3A_37, %add3A_38 : i32
    %lt3A_40 = arith.constant 32 : i32
    %lt3A_41 = arith.cmpi slt, %add3A_39, %lt3A_40 : i32
    %convert_element_type3A_42 = arith.extui %lt3A_41 : i1 to i32
    %cond3A_43 = arith.constant 0 : i32
    %cond3A_44 = arith.cmpi ne, %convert_element_type3A_42, %cond3A_43 : i32
    scf.if %cond3A_44 {
      %get3A = arith.constant 0 : index
      %get3A_442 = arith.constant 0 : index
      %get3A_443 = arith.constant 0 : index
      %get3A_444 = arith.constant 0 : index
      %get3A_445 = vector.load %arg5[%get3A, %get3A_442, %get3A_443, %get3A_444] : memref<1x1x64x256xf32, #tpu.memory_space<vmem>>, vector<1x1x64x256xf32>
      %swap3A = arith.constant 3 : index
      %swap3A_446 = arith.constant 0 : index
      %swap3A_447 = arith.constant 0 : index
      %swap3A_448 = arith.constant 0 : index
      %swap3A_449 = vector.load %arg36[%swap3A, %swap3A_446, %swap3A_447, %swap3A_448] : memref<32x1x64x256xf32, #tpu.memory_space<vmem>>, vector<1x1x64x256xf32>
      tpu.vector_store %arg36[%swap3A, %swap3A_446, %swap3A_447, %swap3A_448], %get3A_445 {strides = array<i32>} : memref<32x1x64x256xf32, #tpu.memory_space<vmem>>, vector<1x1x64x256xf32>,
      %get3A_450 = arith.constant 3 : index
      %get3A_451 = arith.constant 0 : index
      %get3A_452 = arith.constant 0 : index
      %get3A_453 = arith.constant 0 : index
      %get3A_454 = vector.load %arg34[%get3A_450, %get3A_451, %get3A_452, %get3A_453] : memref<32x1x64x256xf32, #tpu.memory_space<vmem>>, vector<1x1x64x256xf32>
      %swap3A_455 = arith.constant 3 : index
      %swap3A_456 = arith.constant 0 : index
      %swap3A_457 = arith.constant 0 : index
      %swap3A_458 = arith.constant 0 : index
      %swap3A_459 = vector.load %arg35[%swap3A_455, %swap3A_456, %swap3A_457, %swap3A_458] : memref<32x1x64x256xf32, #tpu.memory_space<vmem>>, vector<1x1x64x256xf32>
      tpu.vector_store %arg35[%swap3A_455, %swap3A_456, %swap3A_457, %swap3A_458], %get3A_454 {strides = array<i32>} : memref<32x1x64x256xf32, #tpu.memory_space<vmem>>, vector<1x1x64x256xf32>,
    } else {
    }
    %ge3A_45 = arith.constant 32 : i32
    %ge3A_46 = arith.cmpi sge, %add3A_39, %ge3A_45 : i32
    %convert_element_type3A_47 = arith.extui %ge3A_46 : i1 to i32
    %cond3A_48 = arith.constant 0 : i32
    %cond3A_49 = arith.cmpi ne, %convert_element_type3A_47, %cond3A_48 : i32
    scf.if %cond3A_49 {
      %get3A = arith.constant 0 : index
      %get3A_442 = arith.constant 0 : index
      %get3A_443 = arith.constant 0 : index
      %get3A_444 = arith.constant 0 : index
      %get3A_445 = vector.load %arg5[%get3A, %get3A_442, %get3A_443, %get3A_444] : memref<1x1x64x256xf32, #tpu.memory_space<vmem>>, vector<1x1x64x256xf32>
      %swap3A = arith.constant 3 : index
      %swap3A_446 = arith.constant 0 : index
      %swap3A_447 = arith.constant 0 : index
      %swap3A_448 = arith.constant 0 : index
      %swap3A_449 = vector.load %arg35[%swap3A, %swap3A_446, %swap3A_447, %swap3A_448] : memref<32x1x64x256xf32, #tpu.memory_space<vmem>>, vector<1x1x64x256xf32>
      tpu.vector_store %arg35[%swap3A, %swap3A_446, %swap3A_447, %swap3A_448], %get3A_445 {strides = array<i32>} : memref<32x1x64x256xf32, #tpu.memory_space<vmem>>, vector<1x1x64x256xf32>,
    } else {
    }
    %mul3A_50 = arith.constant 32 : i32
    %mul3A_51 = arith.muli %arg0, %mul3A_50 : i32
    %add3A_52 = arith.constant 4 : i32
    %add3A_53 = arith.addi %mul3A_51, %add3A_52 : i32
    %lt3A_54 = arith.constant 32 : i32
    %lt3A_55 = arith.cmpi slt, %add3A_53, %lt3A_54 : i32
    %convert_element_type3A_56 = arith.extui %lt3A_55 : i1 to i32
    %cond3A_57 = arith.constant 0 : i32
    %cond3A_58 = arith.cmpi ne, %convert_element_type3A_56, %cond3A_57 : i32
    scf.if %cond3A_58 {
      %get3A = arith.constant 0 : index
      %get3A_442 = arith.constant 0 : index
      %get3A_443 = arith.constant 0 : index
      %get3A_444 = arith.constant 0 : index
      %get3A_445 = vector.load %arg6[%get3A, %get3A_442, %get3A_443, %get3A_444] : memref<1x1x64x256xf32, #tpu.memory_space<vmem>>, vector<1x1x64x256xf32>
      %swap3A = arith.constant 4 : index
      %swap3A_446 = arith.constant 0 : index
      %swap3A_447 = arith.constant 0 : index
      %swap3A_448 = arith.constant 0 : index
      %swap3A_449 = vector.load %arg36[%swap3A, %swap3A_446, %swap3A_447, %swap3A_448] : memref<32x1x64x256xf32, #tpu.memory_space<vmem>>, vector<1x1x64x256xf32>
      tpu.vector_store %arg36[%swap3A, %swap3A_446, %swap3A_447, %swap3A_448], %get3A_445 {strides = array<i32>} : memref<32x1x64x256xf32, #tpu.memory_space<vmem>>, vector<1x1x64x256xf32>,
      %get3A_450 = arith.constant 4 : index
      %get3A_451 = arith.constant 0 : index
      %get3A_452 = arith.constant 0 : index
      %get3A_453 = arith.constant 0 : index
      %get3A_454 = vector.load %arg34[%get3A_450, %get3A_451, %get3A_452, %get3A_453] : memref<32x1x64x256xf32, #tpu.memory_space<vmem>>, vector<1x1x64x256xf32>
      %swap3A_455 = arith.constant 4 : index
      %swap3A_456 = arith.constant 0 : index
      %swap3A_457 = arith.constant 0 : index
      %swap3A_458 = arith.constant 0 : index
      %swap3A_459 = vector.load %arg35[%swap3A_455, %swap3A_456, %swap3A_457, %swap3A_458] : memref<32x1x64x256xf32, #tpu.memory_space<vmem>>, vector<1x1x64x256xf32>
      tpu.vector_store %arg35[%swap3A_455, %swap3A_456, %swap3A_457, %swap3A_458], %get3A_454 {strides = array<i32>} : memref<32x1x64x256xf32, #tpu.memory_space<vmem>>, vector<1x1x64x256xf32>,
    } else {
    }
    %ge3A_59 = arith.constant 32 : i32
    %ge3A_60 = arith.cmpi sge, %add3A_53, %ge3A_59 : i32
    %convert_element_type3A_61 = arith.extui %ge3A_60 : i1 to i32
    %cond3A_62 = arith.constant 0 : i32
    %cond3A_63 = arith.cmpi ne, %convert_element_type3A_61, %cond3A_62 : i32
    scf.if %cond3A_63 {
      %get3A = arith.constant 0 : index
      %get3A_442 = arith.constant 0 : index
      %get3A_443 = arith.constant 0 : index
      %get3A_444 = arith.constant 0 : index
      %get3A_445 = vector.load %arg6[%get3A, %get3A_442, %get3A_443, %get3A_444] : memref<1x1x64x256xf32, #tpu.memory_space<vmem>>, vector<1x1x64x256xf32>
      %swap3A = arith.constant 4 : index
      %swap3A_446 = arith.constant 0 : index
      %swap3A_447 = arith.constant 0 : index
      %swap3A_448 = arith.constant 0 : index
      %swap3A_449 = vector.load %arg35[%swap3A, %swap3A_446, %swap3A_447, %swap3A_448] : memref<32x1x64x256xf32, #tpu.memory_space<vmem>>, vector<1x1x64x256xf32>
      tpu.vector_store %arg35[%swap3A, %swap3A_446, %swap3A_447, %swap3A_448], %get3A_445 {strides = array<i32>} : memref<32x1x64x256xf32, #tpu.memory_space<vmem>>, vector<1x1x64x256xf32>,
    } else {
    }
    %mul3A_64 = arith.constant 32 : i32
    %mul3A_65 = arith.muli %arg0, %mul3A_64 : i32
    %add3A_66 = arith.constant 5 : i32
    %add3A_67 = arith.addi %mul3A_65, %add3A_66 : i32
    %lt3A_68 = arith.constant 32 : i32
    %lt3A_69 = arith.cmpi slt, %add3A_67, %lt3A_68 : i32
    %convert_element_type3A_70 = arith.extui %lt3A_69 : i1 to i32
    %cond3A_71 = arith.constant 0 : i32
    %cond3A_72 = arith.cmpi ne, %convert_element_type3A_70, %cond3A_71 : i32
    scf.if %cond3A_72 {
      %get3A = arith.constant 0 : index
      %get3A_442 = arith.constant 0 : index
      %get3A_443 = arith.constant 0 : index
      %get3A_444 = arith.constant 0 : index
      %get3A_445 = vector.load %arg7[%get3A, %get3A_442, %get3A_443, %get3A_444] : memref<1x1x64x256xf32, #tpu.memory_space<vmem>>, vector<1x1x64x256xf32>
      %swap3A = arith.constant 5 : index
      %swap3A_446 = arith.constant 0 : index
      %swap3A_447 = arith.constant 0 : index
      %swap3A_448 = arith.constant 0 : index
      %swap3A_449 = vector.load %arg36[%swap3A, %swap3A_446, %swap3A_447, %swap3A_448] : memref<32x1x64x256xf32, #tpu.memory_space<vmem>>, vector<1x1x64x256xf32>
      tpu.vector_store %arg36[%swap3A, %swap3A_446, %swap3A_447, %swap3A_448], %get3A_445 {strides = array<i32>} : memref<32x1x64x256xf32, #tpu.memory_space<vmem>>, vector<1x1x64x256xf32>,
      %get3A_450 = arith.constant 5 : index
      %get3A_451 = arith.constant 0 : index
      %get3A_452 = arith.constant 0 : index
      %get3A_453 = arith.constant 0 : index
      %get3A_454 = vector.load %arg34[%get3A_450, %get3A_451, %get3A_452, %get3A_453] : memref<32x1x64x256xf32, #tpu.memory_space<vmem>>, vector<1x1x64x256xf32>
      %swap3A_455 = arith.constant 5 : index
      %swap3A_456 = arith.constant 0 : index
      %swap3A_457 = arith.constant 0 : index
      %swap3A_458 = arith.constant 0 : index
      %swap3A_459 = vector.load %arg35[%swap3A_455, %swap3A_456, %swap3A_457, %swap3A_458] : memref<32x1x64x256xf32, #tpu.memory_space<vmem>>, vector<1x1x64x256xf32>
      tpu.vector_store %arg35[%swap3A_455, %swap3A_456, %swap3A_457, %swap3A_458], %get3A_454 {strides = array<i32>} : memref<32x1x64x256xf32, #tpu.memory_space<vmem>>, vector<1x1x64x256xf32>,
    } else {
    }
    %ge3A_73 = arith.constant 32 : i32
    %ge3A_74 = arith.cmpi sge, %add3A_67, %ge3A_73 : i32
    %convert_element_type3A_75 = arith.extui %ge3A_74 : i1 to i32
    %cond3A_76 = arith.constant 0 : i32
    %cond3A_77 = arith.cmpi ne, %convert_element_type3A_75, %cond3A_76 : i32
    scf.if %cond3A_77 {
      %get3A = arith.constant 0 : index
      %get3A_442 = arith.constant 0 : index
      %get3A_443 = arith.constant 0 : index
      %get3A_444 = arith.constant 0 : index
      %get3A_445 = vector.load %arg7[%get3A, %get3A_442, %get3A_443, %get3A_444] : memref<1x1x64x256xf32, #tpu.memory_space<vmem>>, vector<1x1x64x256xf32>
      %swap3A = arith.constant 5 : index
      %swap3A_446 = arith.constant 0 : index
      %swap3A_447 = arith.constant 0 : index
      %swap3A_448 = arith.constant 0 : index
      %swap3A_449 = vector.load %arg35[%swap3A, %swap3A_446, %swap3A_447, %swap3A_448] : memref<32x1x64x256xf32, #tpu.memory_space<vmem>>, vector<1x1x64x256xf32>
      tpu.vector_store %arg35[%swap3A, %swap3A_446, %swap3A_447, %swap3A_448], %get3A_445 {strides = array<i32>} : memref<32x1x64x256xf32, #tpu.memory_space<vmem>>, vector<1x1x64x256xf32>,
    } else {
    }
    %mul3A_78 = arith.constant 32 : i32
    %mul3A_79 = arith.muli %arg0, %mul3A_78 : i32
    %add3A_80 = arith.constant 6 : i32
    %add3A_81 = arith.addi %mul3A_79, %add3A_80 : i32
    %lt3A_82 = arith.constant 32 : i32
    %lt3A_83 = arith.cmpi slt, %add3A_81, %lt3A_82 : i32
    %convert_element_type3A_84 = arith.extui %lt3A_83 : i1 to i32
    %cond3A_85 = arith.constant 0 : i32
    %cond3A_86 = arith.cmpi ne, %convert_element_type3A_84, %cond3A_85 : i32
    scf.if %cond3A_86 {
      %get3A = arith.constant 0 : index
      %get3A_442 = arith.constant 0 : index
      %get3A_443 = arith.constant 0 : index
      %get3A_444 = arith.constant 0 : index
      %get3A_445 = vector.load %arg8[%get3A, %get3A_442, %get3A_443, %get3A_444] : memref<1x1x64x256xf32, #tpu.memory_space<vmem>>, vector<1x1x64x256xf32>
      %swap3A = arith.constant 6 : index
      %swap3A_446 = arith.constant 0 : index
      %swap3A_447 = arith.constant 0 : index
      %swap3A_448 = arith.constant 0 : index
      %swap3A_449 = vector.load %arg36[%swap3A, %swap3A_446, %swap3A_447, %swap3A_448] : memref<32x1x64x256xf32, #tpu.memory_space<vmem>>, vector<1x1x64x256xf32>
      tpu.vector_store %arg36[%swap3A, %swap3A_446, %swap3A_447, %swap3A_448], %get3A_445 {strides = array<i32>} : memref<32x1x64x256xf32, #tpu.memory_space<vmem>>, vector<1x1x64x256xf32>,
      %get3A_450 = arith.constant 6 : index
      %get3A_451 = arith.constant 0 : index
      %get3A_452 = arith.constant 0 : index
      %get3A_453 = arith.constant 0 : index
      %get3A_454 = vector.load %arg34[%get3A_450, %get3A_451, %get3A_452, %get3A_453] : memref<32x1x64x256xf32, #tpu.memory_space<vmem>>, vector<1x1x64x256xf32>
      %swap3A_455 = arith.constant 6 : index
      %swap3A_456 = arith.constant 0 : index
      %swap3A_457 = arith.constant 0 : index
      %swap3A_458 = arith.constant 0 : index
      %swap3A_459 = vector.load %arg35[%swap3A_455, %swap3A_456, %swap3A_457, %swap3A_458] : memref<32x1x64x256xf32, #tpu.memory_space<vmem>>, vector<1x1x64x256xf32>
      tpu.vector_store %arg35[%swap3A_455, %swap3A_456, %swap3A_457, %swap3A_458], %get3A_454 {strides = array<i32>} : memref<32x1x64x256xf32, #tpu.memory_space<vmem>>, vector<1x1x64x256xf32>,
    } else {
    }
    %ge3A_87 = arith.constant 32 : i32
    %ge3A_88 = arith.cmpi sge, %add3A_81, %ge3A_87 : i32
    %convert_element_type3A_89 = arith.extui %ge3A_88 : i1 to i32
    %cond3A_90 = arith.constant 0 : i32
    %cond3A_91 = arith.cmpi ne, %convert_element_type3A_89, %cond3A_90 : i32
    scf.if %cond3A_91 {
      %get3A = arith.constant 0 : index
      %get3A_442 = arith.constant 0 : index
      %get3A_443 = arith.constant 0 : index
      %get3A_444 = arith.constant 0 : index
      %get3A_445 = vector.load %arg8[%get3A, %get3A_442, %get3A_443, %get3A_444] : memref<1x1x64x256xf32, #tpu.memory_space<vmem>>, vector<1x1x64x256xf32>
      %swap3A = arith.constant 6 : index
      %swap3A_446 = arith.constant 0 : index
      %swap3A_447 = arith.constant 0 : index
      %swap3A_448 = arith.constant 0 : index
      %swap3A_449 = vector.load %arg35[%swap3A, %swap3A_446, %swap3A_447, %swap3A_448] : memref<32x1x64x256xf32, #tpu.memory_space<vmem>>, vector<1x1x64x256xf32>
      tpu.vector_store %arg35[%swap3A, %swap3A_446, %swap3A_447, %swap3A_448], %get3A_445 {strides = array<i32>} : memref<32x1x64x256xf32, #tpu.memory_space<vmem>>, vector<1x1x64x256xf32>,
    } else {
    }
    %mul3A_92 = arith.constant 32 : i32
    %mul3A_93 = arith.muli %arg0, %mul3A_92 : i32
    %add3A_94 = arith.constant 7 : i32
    %add3A_95 = arith.addi %mul3A_93, %add3A_94 : i32
    %lt3A_96 = arith.constant 32 : i32
    %lt3A_97 = arith.cmpi slt, %add3A_95, %lt3A_96 : i32
    %convert_element_type3A_98 = arith.extui %lt3A_97 : i1 to i32
    %cond3A_99 = arith.constant 0 : i32
    %cond3A_100 = arith.cmpi ne, %convert_element_type3A_98, %cond3A_99 : i32
    scf.if %cond3A_100 {
      %get3A = arith.constant 0 : index
      %get3A_442 = arith.constant 0 : index
      %get3A_443 = arith.constant 0 : index
      %get3A_444 = arith.constant 0 : index
      %get3A_445 = vector.load %arg9[%get3A, %get3A_442, %get3A_443, %get3A_444] : memref<1x1x64x256xf32, #tpu.memory_space<vmem>>, vector<1x1x64x256xf32>
      %swap3A = arith.constant 7 : index
      %swap3A_446 = arith.constant 0 : index
      %swap3A_447 = arith.constant 0 : index
      %swap3A_448 = arith.constant 0 : index
      %swap3A_449 = vector.load %arg36[%swap3A, %swap3A_446, %swap3A_447, %swap3A_448] : memref<32x1x64x256xf32, #tpu.memory_space<vmem>>, vector<1x1x64x256xf32>
      tpu.vector_store %arg36[%swap3A, %swap3A_446, %swap3A_447, %swap3A_448], %get3A_445 {strides = array<i32>} : memref<32x1x64x256xf32, #tpu.memory_space<vmem>>, vector<1x1x64x256xf32>,
      %get3A_450 = arith.constant 7 : index
      %get3A_451 = arith.constant 0 : index
      %get3A_452 = arith.constant 0 : index
      %get3A_453 = arith.constant 0 : index
      %get3A_454 = vector.load %arg34[%get3A_450, %get3A_451, %get3A_452, %get3A_453] : memref<32x1x64x256xf32, #tpu.memory_space<vmem>>, vector<1x1x64x256xf32>
      %swap3A_455 = arith.constant 7 : index
      %swap3A_456 = arith.constant 0 : index
      %swap3A_457 = arith.constant 0 : index
      %swap3A_458 = arith.constant 0 : index
      %swap3A_459 = vector.load %arg35[%swap3A_455, %swap3A_456, %swap3A_457, %swap3A_458] : memref<32x1x64x256xf32, #tpu.memory_space<vmem>>, vector<1x1x64x256xf32>
      tpu.vector_store %arg35[%swap3A_455, %swap3A_456, %swap3A_457, %swap3A_458], %get3A_454 {strides = array<i32>} : memref<32x1x64x256xf32, #tpu.memory_space<vmem>>, vector<1x1x64x256xf32>,
    } else {
    }
    %ge3A_101 = arith.constant 32 : i32
    %ge3A_102 = arith.cmpi sge, %add3A_95, %ge3A_101 : i32
    %convert_element_type3A_103 = arith.extui %ge3A_102 : i1 to i32
    %cond3A_104 = arith.constant 0 : i32
    %cond3A_105 = arith.cmpi ne, %convert_element_type3A_103, %cond3A_104 : i32
    scf.if %cond3A_105 {
      %get3A = arith.constant 0 : index
      %get3A_442 = arith.constant 0 : index
      %get3A_443 = arith.constant 0 : index
      %get3A_444 = arith.constant 0 : index
      %get3A_445 = vector.load %arg9[%get3A, %get3A_442, %get3A_443, %get3A_444] : memref<1x1x64x256xf32, #tpu.memory_space<vmem>>, vector<1x1x64x256xf32>
      %swap3A = arith.constant 7 : index
      %swap3A_446 = arith.constant 0 : index
      %swap3A_447 = arith.constant 0 : index
      %swap3A_448 = arith.constant 0 : index
      %swap3A_449 = vector.load %arg35[%swap3A, %swap3A_446, %swap3A_447, %swap3A_448] : memref<32x1x64x256xf32, #tpu.memory_space<vmem>>, vector<1x1x64x256xf32>
      tpu.vector_store %arg35[%swap3A, %swap3A_446, %swap3A_447, %swap3A_448], %get3A_445 {strides = array<i32>} : memref<32x1x64x256xf32, #tpu.memory_space<vmem>>, vector<1x1x64x256xf32>,
    } else {
    }
    %mul3A_106 = arith.constant 32 : i32
    %mul3A_107 = arith.muli %arg0, %mul3A_106 : i32
    %add3A_108 = arith.constant 8 : i32
    %add3A_109 = arith.addi %mul3A_107, %add3A_108 : i32
    %lt3A_110 = arith.constant 32 : i32
    %lt3A_111 = arith.cmpi slt, %add3A_109, %lt3A_110 : i32
    %convert_element_type3A_112 = arith.extui %lt3A_111 : i1 to i32
    %cond3A_113 = arith.constant 0 : i32
    %cond3A_114 = arith.cmpi ne, %convert_element_type3A_112, %cond3A_113 : i32
    scf.if %cond3A_114 {
      %get3A = arith.constant 0 : index
      %get3A_442 = arith.constant 0 : index
      %get3A_443 = arith.constant 0 : index
      %get3A_444 = arith.constant 0 : index
      %get3A_445 = vector.load %arg10[%get3A, %get3A_442, %get3A_443, %get3A_444] : memref<1x1x64x256xf32, #tpu.memory_space<vmem>>, vector<1x1x64x256xf32>
      %swap3A = arith.constant 8 : index
      %swap3A_446 = arith.constant 0 : index
      %swap3A_447 = arith.constant 0 : index
      %swap3A_448 = arith.constant 0 : index
      %swap3A_449 = vector.load %arg36[%swap3A, %swap3A_446, %swap3A_447, %swap3A_448] : memref<32x1x64x256xf32, #tpu.memory_space<vmem>>, vector<1x1x64x256xf32>
      tpu.vector_store %arg36[%swap3A, %swap3A_446, %swap3A_447, %swap3A_448], %get3A_445 {strides = array<i32>} : memref<32x1x64x256xf32, #tpu.memory_space<vmem>>, vector<1x1x64x256xf32>,
      %get3A_450 = arith.constant 8 : index
      %get3A_451 = arith.constant 0 : index
      %get3A_452 = arith.constant 0 : index
      %get3A_453 = arith.constant 0 : index
      %get3A_454 = vector.load %arg34[%get3A_450, %get3A_451, %get3A_452, %get3A_453] : memref<32x1x64x256xf32, #tpu.memory_space<vmem>>, vector<1x1x64x256xf32>
      %swap3A_455 = arith.constant 8 : index
      %swap3A_456 = arith.constant 0 : index
      %swap3A_457 = arith.constant 0 : index
      %swap3A_458 = arith.constant 0 : index
      %swap3A_459 = vector.load %arg35[%swap3A_455, %swap3A_456, %swap3A_457, %swap3A_458] : memref<32x1x64x256xf32, #tpu.memory_space<vmem>>, vector<1x1x64x256xf32>
      tpu.vector_store %arg35[%swap3A_455, %swap3A_456, %swap3A_457, %swap3A_458], %get3A_454 {strides = array<i32>} : memref<32x1x64x256xf32, #tpu.memory_space<vmem>>, vector<1x1x64x256xf32>,
    } else {
    }
    %ge3A_115 = arith.constant 32 : i32
    %ge3A_116 = arith.cmpi sge, %add3A_109, %ge3A_115 : i32
    %convert_element_type3A_117 = arith.extui %ge3A_116 : i1 to i32
    %cond3A_118 = arith.constant 0 : i32
    %cond3A_119 = arith.cmpi ne, %convert_element_type3A_117, %cond3A_118 : i32
    scf.if %cond3A_119 {
      %get3A = arith.constant 0 : index
      %get3A_442 = arith.constant 0 : index
      %get3A_443 = arith.constant 0 : index
      %get3A_444 = arith.constant 0 : index
      %get3A_445 = vector.load %arg10[%get3A, %get3A_442, %get3A_443, %get3A_444] : memref<1x1x64x256xf32, #tpu.memory_space<vmem>>, vector<1x1x64x256xf32>
      %swap3A = arith.constant 8 : index
      %swap3A_446 = arith.constant 0 : index
      %swap3A_447 = arith.constant 0 : index
      %swap3A_448 = arith.constant 0 : index
      %swap3A_449 = vector.load %arg35[%swap3A, %swap3A_446, %swap3A_447, %swap3A_448] : memref<32x1x64x256xf32, #tpu.memory_space<vmem>>, vector<1x1x64x256xf32>
      tpu.vector_store %arg35[%swap3A, %swap3A_446, %swap3A_447, %swap3A_448], %get3A_445 {strides = array<i32>} : memref<32x1x64x256xf32, #tpu.memory_space<vmem>>, vector<1x1x64x256xf32>,
    } else {
    }
    %mul3A_120 = arith.constant 32 : i32
    %mul3A_121 = arith.muli %arg0, %mul3A_120 : i32
    %add3A_122 = arith.constant 9 : i32
    %add3A_123 = arith.addi %mul3A_121, %add3A_122 : i32
    %lt3A_124 = arith.constant 32 : i32
    %lt3A_125 = arith.cmpi slt, %add3A_123, %lt3A_124 : i32
    %convert_element_type3A_126 = arith.extui %lt3A_125 : i1 to i32
    %cond3A_127 = arith.constant 0 : i32
    %cond3A_128 = arith.cmpi ne, %convert_element_type3A_126, %cond3A_127 : i32
    scf.if %cond3A_128 {
      %get3A = arith.constant 0 : index
      %get3A_442 = arith.constant 0 : index
      %get3A_443 = arith.constant 0 : index
      %get3A_444 = arith.constant 0 : index
      %get3A_445 = vector.load %arg11[%get3A, %get3A_442, %get3A_443, %get3A_444] : memref<1x1x64x256xf32, #tpu.memory_space<vmem>>, vector<1x1x64x256xf32>
      %swap3A = arith.constant 9 : index
      %swap3A_446 = arith.constant 0 : index
      %swap3A_447 = arith.constant 0 : index
      %swap3A_448 = arith.constant 0 : index
      %swap3A_449 = vector.load %arg36[%swap3A, %swap3A_446, %swap3A_447, %swap3A_448] : memref<32x1x64x256xf32, #tpu.memory_space<vmem>>, vector<1x1x64x256xf32>
      tpu.vector_store %arg36[%swap3A, %swap3A_446, %swap3A_447, %swap3A_448], %get3A_445 {strides = array<i32>} : memref<32x1x64x256xf32, #tpu.memory_space<vmem>>, vector<1x1x64x256xf32>,
      %get3A_450 = arith.constant 9 : index
      %get3A_451 = arith.constant 0 : index
      %get3A_452 = arith.constant 0 : index
      %get3A_453 = arith.constant 0 : index
      %get3A_454 = vector.load %arg34[%get3A_450, %get3A_451, %get3A_452, %get3A_453] : memref<32x1x64x256xf32, #tpu.memory_space<vmem>>, vector<1x1x64x256xf32>
      %swap3A_455 = arith.constant 9 : index
      %swap3A_456 = arith.constant 0 : index
      %swap3A_457 = arith.constant 0 : index
      %swap3A_458 = arith.constant 0 : index
      %swap3A_459 = vector.load %arg35[%swap3A_455, %swap3A_456, %swap3A_457, %swap3A_458] : memref<32x1x64x256xf32, #tpu.memory_space<vmem>>, vector<1x1x64x256xf32>
      tpu.vector_store %arg35[%swap3A_455, %swap3A_456, %swap3A_457, %swap3A_458], %get3A_454 {strides = array<i32>} : memref<32x1x64x256xf32, #tpu.memory_space<vmem>>, vector<1x1x64x256xf32>,
    } else {
    }
    %ge3A_129 = arith.constant 32 : i32
    %ge3A_130 = arith.cmpi sge, %add3A_123, %ge3A_129 : i32
    %convert_element_type3A_131 = arith.extui %ge3A_130 : i1 to i32
    %cond3A_132 = arith.constant 0 : i32
    %cond3A_133 = arith.cmpi ne, %convert_element_type3A_131, %cond3A_132 : i32
    scf.if %cond3A_133 {
      %get3A = arith.constant 0 : index
      %get3A_442 = arith.constant 0 : index
      %get3A_443 = arith.constant 0 : index
      %get3A_444 = arith.constant 0 : index
      %get3A_445 = vector.load %arg11[%get3A, %get3A_442, %get3A_443, %get3A_444] : memref<1x1x64x256xf32, #tpu.memory_space<vmem>>, vector<1x1x64x256xf32>
      %swap3A = arith.constant 9 : index
      %swap3A_446 = arith.constant 0 : index
      %swap3A_447 = arith.constant 0 : index
      %swap3A_448 = arith.constant 0 : index
      %swap3A_449 = vector.load %arg35[%swap3A, %swap3A_446, %swap3A_447, %swap3A_448] : memref<32x1x64x256xf32, #tpu.memory_space<vmem>>, vector<1x1x64x256xf32>
      tpu.vector_store %arg35[%swap3A, %swap3A_446, %swap3A_447, %swap3A_448], %get3A_445 {strides = array<i32>} : memref<32x1x64x256xf32, #tpu.memory_space<vmem>>, vector<1x1x64x256xf32>,
    } else {
    }
    %mul3A_134 = arith.constant 32 : i32
    %mul3A_135 = arith.muli %arg0, %mul3A_134 : i32
    %add3A_136 = arith.constant 10 : i32
    %add3A_137 = arith.addi %mul3A_135, %add3A_136 : i32
    %lt3A_138 = arith.constant 32 : i32
    %lt3A_139 = arith.cmpi slt, %add3A_137, %lt3A_138 : i32
    %convert_element_type3A_140 = arith.extui %lt3A_139 : i1 to i32
    %cond3A_141 = arith.constant 0 : i32
    %cond3A_142 = arith.cmpi ne, %convert_element_type3A_140, %cond3A_141 : i32
    scf.if %cond3A_142 {
      %get3A = arith.constant 0 : index
      %get3A_442 = arith.constant 0 : index
      %get3A_443 = arith.constant 0 : index
      %get3A_444 = arith.constant 0 : index
      %get3A_445 = vector.load %arg12[%get3A, %get3A_442, %get3A_443, %get3A_444] : memref<1x1x64x256xf32, #tpu.memory_space<vmem>>, vector<1x1x64x256xf32>
      %swap3A = arith.constant 10 : index
      %swap3A_446 = arith.constant 0 : index
      %swap3A_447 = arith.constant 0 : index
      %swap3A_448 = arith.constant 0 : index
      %swap3A_449 = vector.load %arg36[%swap3A, %swap3A_446, %swap3A_447, %swap3A_448] : memref<32x1x64x256xf32, #tpu.memory_space<vmem>>, vector<1x1x64x256xf32>
      tpu.vector_store %arg36[%swap3A, %swap3A_446, %swap3A_447, %swap3A_448], %get3A_445 {strides = array<i32>} : memref<32x1x64x256xf32, #tpu.memory_space<vmem>>, vector<1x1x64x256xf32>,
      %get3A_450 = arith.constant 10 : index
      %get3A_451 = arith.constant 0 : index
      %get3A_452 = arith.constant 0 : index
      %get3A_453 = arith.constant 0 : index
      %get3A_454 = vector.load %arg34[%get3A_450, %get3A_451, %get3A_452, %get3A_453] : memref<32x1x64x256xf32, #tpu.memory_space<vmem>>, vector<1x1x64x256xf32>
      %swap3A_455 = arith.constant 10 : index
      %swap3A_456 = arith.constant 0 : index
      %swap3A_457 = arith.constant 0 : index
      %swap3A_458 = arith.constant 0 : index
      %swap3A_459 = vector.load %arg35[%swap3A_455, %swap3A_456, %swap3A_457, %swap3A_458] : memref<32x1x64x256xf32, #tpu.memory_space<vmem>>, vector<1x1x64x256xf32>
      tpu.vector_store %arg35[%swap3A_455, %swap3A_456, %swap3A_457, %swap3A_458], %get3A_454 {strides = array<i32>} : memref<32x1x64x256xf32, #tpu.memory_space<vmem>>, vector<1x1x64x256xf32>,
    } else {
    }
    %ge3A_143 = arith.constant 32 : i32
    %ge3A_144 = arith.cmpi sge, %add3A_137, %ge3A_143 : i32
    %convert_element_type3A_145 = arith.extui %ge3A_144 : i1 to i32
    %cond3A_146 = arith.constant 0 : i32
    %cond3A_147 = arith.cmpi ne, %convert_element_type3A_145, %cond3A_146 : i32
    scf.if %cond3A_147 {
      %get3A = arith.constant 0 : index
      %get3A_442 = arith.constant 0 : index
      %get3A_443 = arith.constant 0 : index
      %get3A_444 = arith.constant 0 : index
      %get3A_445 = vector.load %arg12[%get3A, %get3A_442, %get3A_443, %get3A_444] : memref<1x1x64x256xf32, #tpu.memory_space<vmem>>, vector<1x1x64x256xf32>
      %swap3A = arith.constant 10 : index
      %swap3A_446 = arith.constant 0 : index
      %swap3A_447 = arith.constant 0 : index
      %swap3A_448 = arith.constant 0 : index
      %swap3A_449 = vector.load %arg35[%swap3A, %swap3A_446, %swap3A_447, %swap3A_448] : memref<32x1x64x256xf32, #tpu.memory_space<vmem>>, vector<1x1x64x256xf32>
      tpu.vector_store %arg35[%swap3A, %swap3A_446, %swap3A_447, %swap3A_448], %get3A_445 {strides = array<i32>} : memref<32x1x64x256xf32, #tpu.memory_space<vmem>>, vector<1x1x64x256xf32>,
    } else {
    }
    %mul3A_148 = arith.constant 32 : i32
    %mul3A_149 = arith.muli %arg0, %mul3A_148 : i32
    %add3A_150 = arith.constant 11 : i32
    %add3A_151 = arith.addi %mul3A_149, %add3A_150 : i32
    %lt3A_152 = arith.constant 32 : i32
    %lt3A_153 = arith.cmpi slt, %add3A_151, %lt3A_152 : i32
    %convert_element_type3A_154 = arith.extui %lt3A_153 : i1 to i32
    %cond3A_155 = arith.constant 0 : i32
    %cond3A_156 = arith.cmpi ne, %convert_element_type3A_154, %cond3A_155 : i32
    scf.if %cond3A_156 {
      %get3A = arith.constant 0 : index
      %get3A_442 = arith.constant 0 : index
      %get3A_443 = arith.constant 0 : index
      %get3A_444 = arith.constant 0 : index
      %get3A_445 = vector.load %arg13[%get3A, %get3A_442, %get3A_443, %get3A_444] : memref<1x1x64x256xf32, #tpu.memory_space<vmem>>, vector<1x1x64x256xf32>
      %swap3A = arith.constant 11 : index
      %swap3A_446 = arith.constant 0 : index
      %swap3A_447 = arith.constant 0 : index
      %swap3A_448 = arith.constant 0 : index
      %swap3A_449 = vector.load %arg36[%swap3A, %swap3A_446, %swap3A_447, %swap3A_448] : memref<32x1x64x256xf32, #tpu.memory_space<vmem>>, vector<1x1x64x256xf32>
      tpu.vector_store %arg36[%swap3A, %swap3A_446, %swap3A_447, %swap3A_448], %get3A_445 {strides = array<i32>} : memref<32x1x64x256xf32, #tpu.memory_space<vmem>>, vector<1x1x64x256xf32>,
      %get3A_450 = arith.constant 11 : index
      %get3A_451 = arith.constant 0 : index
      %get3A_452 = arith.constant 0 : index
      %get3A_453 = arith.constant 0 : index
      %get3A_454 = vector.load %arg34[%get3A_450, %get3A_451, %get3A_452, %get3A_453] : memref<32x1x64x256xf32, #tpu.memory_space<vmem>>, vector<1x1x64x256xf32>
      %swap3A_455 = arith.constant 11 : index
      %swap3A_456 = arith.constant 0 : index
      %swap3A_457 = arith.constant 0 : index
      %swap3A_458 = arith.constant 0 : index
      %swap3A_459 = vector.load %arg35[%swap3A_455, %swap3A_456, %swap3A_457, %swap3A_458] : memref<32x1x64x256xf32, #tpu.memory_space<vmem>>, vector<1x1x64x256xf32>
      tpu.vector_store %arg35[%swap3A_455, %swap3A_456, %swap3A_457, %swap3A_458], %get3A_454 {strides = array<i32>} : memref<32x1x64x256xf32, #tpu.memory_space<vmem>>, vector<1x1x64x256xf32>,
    } else {
    }
    %ge3A_157 = arith.constant 32 : i32
    %ge3A_158 = arith.cmpi sge, %add3A_151, %ge3A_157 : i32
    %convert_element_type3A_159 = arith.extui %ge3A_158 : i1 to i32
    %cond3A_160 = arith.constant 0 : i32
    %cond3A_161 = arith.cmpi ne, %convert_element_type3A_159, %cond3A_160 : i32
    scf.if %cond3A_161 {
      %get3A = arith.constant 0 : index
      %get3A_442 = arith.constant 0 : index
      %get3A_443 = arith.constant 0 : index
      %get3A_444 = arith.constant 0 : index
      %get3A_445 = vector.load %arg13[%get3A, %get3A_442, %get3A_443, %get3A_444] : memref<1x1x64x256xf32, #tpu.memory_space<vmem>>, vector<1x1x64x256xf32>
      %swap3A = arith.constant 11 : index
      %swap3A_446 = arith.constant 0 : index
      %swap3A_447 = arith.constant 0 : index
      %swap3A_448 = arith.constant 0 : index
      %swap3A_449 = vector.load %arg35[%swap3A, %swap3A_446, %swap3A_447, %swap3A_448] : memref<32x1x64x256xf32, #tpu.memory_space<vmem>>, vector<1x1x64x256xf32>
      tpu.vector_store %arg35[%swap3A, %swap3A_446, %swap3A_447, %swap3A_448], %get3A_445 {strides = array<i32>} : memref<32x1x64x256xf32, #tpu.memory_space<vmem>>, vector<1x1x64x256xf32>,
    } else {
    }
    %mul3A_162 = arith.constant 32 : i32
    %mul3A_163 = arith.muli %arg0, %mul3A_162 : i32
    %add3A_164 = arith.constant 12 : i32
    %add3A_165 = arith.addi %mul3A_163, %add3A_164 : i32
    %lt3A_166 = arith.constant 32 : i32
    %lt3A_167 = arith.cmpi slt, %add3A_165, %lt3A_166 : i32
    %convert_element_type3A_168 = arith.extui %lt3A_167 : i1 to i32
    %cond3A_169 = arith.constant 0 : i32
    %cond3A_170 = arith.cmpi ne, %convert_element_type3A_168, %cond3A_169 : i32
    scf.if %cond3A_170 {
      %get3A = arith.constant 0 : index
      %get3A_442 = arith.constant 0 : index
      %get3A_443 = arith.constant 0 : index
      %get3A_444 = arith.constant 0 : index
      %get3A_445 = vector.load %arg14[%get3A, %get3A_442, %get3A_443, %get3A_444] : memref<1x1x64x256xf32, #tpu.memory_space<vmem>>, vector<1x1x64x256xf32>
      %swap3A = arith.constant 12 : index
      %swap3A_446 = arith.constant 0 : index
      %swap3A_447 = arith.constant 0 : index
      %swap3A_448 = arith.constant 0 : index
      %swap3A_449 = vector.load %arg36[%swap3A, %swap3A_446, %swap3A_447, %swap3A_448] : memref<32x1x64x256xf32, #tpu.memory_space<vmem>>, vector<1x1x64x256xf32>
      tpu.vector_store %arg36[%swap3A, %swap3A_446, %swap3A_447, %swap3A_448], %get3A_445 {strides = array<i32>} : memref<32x1x64x256xf32, #tpu.memory_space<vmem>>, vector<1x1x64x256xf32>,
      %get3A_450 = arith.constant 12 : index
      %get3A_451 = arith.constant 0 : index
      %get3A_452 = arith.constant 0 : index
      %get3A_453 = arith.constant 0 : index
      %get3A_454 = vector.load %arg34[%get3A_450, %get3A_451, %get3A_452, %get3A_453] : memref<32x1x64x256xf32, #tpu.memory_space<vmem>>, vector<1x1x64x256xf32>
      %swap3A_455 = arith.constant 12 : index
      %swap3A_456 = arith.constant 0 : index
      %swap3A_457 = arith.constant 0 : index
      %swap3A_458 = arith.constant 0 : index
      %swap3A_459 = vector.load %arg35[%swap3A_455, %swap3A_456, %swap3A_457, %swap3A_458] : memref<32x1x64x256xf32, #tpu.memory_space<vmem>>, vector<1x1x64x256xf32>
      tpu.vector_store %arg35[%swap3A_455, %swap3A_456, %swap3A_457, %swap3A_458], %get3A_454 {strides = array<i32>} : memref<32x1x64x256xf32, #tpu.memory_space<vmem>>, vector<1x1x64x256xf32>,
    } else {
    }
    %ge3A_171 = arith.constant 32 : i32
    %ge3A_172 = arith.cmpi sge, %add3A_165, %ge3A_171 : i32
    %convert_element_type3A_173 = arith.extui %ge3A_172 : i1 to i32
    %cond3A_174 = arith.constant 0 : i32
    %cond3A_175 = arith.cmpi ne, %convert_element_type3A_173, %cond3A_174 : i32
    scf.if %cond3A_175 {
      %get3A = arith.constant 0 : index
      %get3A_442 = arith.constant 0 : index
      %get3A_443 = arith.constant 0 : index
      %get3A_444 = arith.constant 0 : index
      %get3A_445 = vector.load %arg14[%get3A, %get3A_442, %get3A_443, %get3A_444] : memref<1x1x64x256xf32, #tpu.memory_space<vmem>>, vector<1x1x64x256xf32>
      %swap3A = arith.constant 12 : index
      %swap3A_446 = arith.constant 0 : index
      %swap3A_447 = arith.constant 0 : index
      %swap3A_448 = arith.constant 0 : index
      %swap3A_449 = vector.load %arg35[%swap3A, %swap3A_446, %swap3A_447, %swap3A_448] : memref<32x1x64x256xf32, #tpu.memory_space<vmem>>, vector<1x1x64x256xf32>
      tpu.vector_store %arg35[%swap3A, %swap3A_446, %swap3A_447, %swap3A_448], %get3A_445 {strides = array<i32>} : memref<32x1x64x256xf32, #tpu.memory_space<vmem>>, vector<1x1x64x256xf32>,
    } else {
    }
    %mul3A_176 = arith.constant 32 : i32
    %mul3A_177 = arith.muli %arg0, %mul3A_176 : i32
    %add3A_178 = arith.constant 13 : i32
    %add3A_179 = arith.addi %mul3A_177, %add3A_178 : i32
    %lt3A_180 = arith.constant 32 : i32
    %lt3A_181 = arith.cmpi slt, %add3A_179, %lt3A_180 : i32
    %convert_element_type3A_182 = arith.extui %lt3A_181 : i1 to i32
    %cond3A_183 = arith.constant 0 : i32
    %cond3A_184 = arith.cmpi ne, %convert_element_type3A_182, %cond3A_183 : i32
    scf.if %cond3A_184 {
      %get3A = arith.constant 0 : index
      %get3A_442 = arith.constant 0 : index
      %get3A_443 = arith.constant 0 : index
      %get3A_444 = arith.constant 0 : index
      %get3A_445 = vector.load %arg15[%get3A, %get3A_442, %get3A_443, %get3A_444] : memref<1x1x64x256xf32, #tpu.memory_space<vmem>>, vector<1x1x64x256xf32>
      %swap3A = arith.constant 13 : index
      %swap3A_446 = arith.constant 0 : index
      %swap3A_447 = arith.constant 0 : index
      %swap3A_448 = arith.constant 0 : index
      %swap3A_449 = vector.load %arg36[%swap3A, %swap3A_446, %swap3A_447, %swap3A_448] : memref<32x1x64x256xf32, #tpu.memory_space<vmem>>, vector<1x1x64x256xf32>
      tpu.vector_store %arg36[%swap3A, %swap3A_446, %swap3A_447, %swap3A_448], %get3A_445 {strides = array<i32>} : memref<32x1x64x256xf32, #tpu.memory_space<vmem>>, vector<1x1x64x256xf32>,
      %get3A_450 = arith.constant 13 : index
      %get3A_451 = arith.constant 0 : index
      %get3A_452 = arith.constant 0 : index
      %get3A_453 = arith.constant 0 : index
      %get3A_454 = vector.load %arg34[%get3A_450, %get3A_451, %get3A_452, %get3A_453] : memref<32x1x64x256xf32, #tpu.memory_space<vmem>>, vector<1x1x64x256xf32>
      %swap3A_455 = arith.constant 13 : index
      %swap3A_456 = arith.constant 0 : index
      %swap3A_457 = arith.constant 0 : index
      %swap3A_458 = arith.constant 0 : index
      %swap3A_459 = vector.load %arg35[%swap3A_455, %swap3A_456, %swap3A_457, %swap3A_458] : memref<32x1x64x256xf32, #tpu.memory_space<vmem>>, vector<1x1x64x256xf32>
      tpu.vector_store %arg35[%swap3A_455, %swap3A_456, %swap3A_457, %swap3A_458], %get3A_454 {strides = array<i32>} : memref<32x1x64x256xf32, #tpu.memory_space<vmem>>, vector<1x1x64x256xf32>,
    } else {
    }
    %ge3A_185 = arith.constant 32 : i32
    %ge3A_186 = arith.cmpi sge, %add3A_179, %ge3A_185 : i32
    %convert_element_type3A_187 = arith.extui %ge3A_186 : i1 to i32
    %cond3A_188 = arith.constant 0 : i32
    %cond3A_189 = arith.cmpi ne, %convert_element_type3A_187, %cond3A_188 : i32
    scf.if %cond3A_189 {
      %get3A = arith.constant 0 : index
      %get3A_442 = arith.constant 0 : index
      %get3A_443 = arith.constant 0 : index
      %get3A_444 = arith.constant 0 : index
      %get3A_445 = vector.load %arg15[%get3A, %get3A_442, %get3A_443, %get3A_444] : memref<1x1x64x256xf32, #tpu.memory_space<vmem>>, vector<1x1x64x256xf32>
      %swap3A = arith.constant 13 : index
      %swap3A_446 = arith.constant 0 : index
      %swap3A_447 = arith.constant 0 : index
      %swap3A_448 = arith.constant 0 : index
      %swap3A_449 = vector.load %arg35[%swap3A, %swap3A_446, %swap3A_447, %swap3A_448] : memref<32x1x64x256xf32, #tpu.memory_space<vmem>>, vector<1x1x64x256xf32>
      tpu.vector_store %arg35[%swap3A, %swap3A_446, %swap3A_447, %swap3A_448], %get3A_445 {strides = array<i32>} : memref<32x1x64x256xf32, #tpu.memory_space<vmem>>, vector<1x1x64x256xf32>,
    } else {
    }
    %mul3A_190 = arith.constant 32 : i32
    %mul3A_191 = arith.muli %arg0, %mul3A_190 : i32
    %add3A_192 = arith.constant 14 : i32
    %add3A_193 = arith.addi %mul3A_191, %add3A_192 : i32
    %lt3A_194 = arith.constant 32 : i32
    %lt3A_195 = arith.cmpi slt, %add3A_193, %lt3A_194 : i32
    %convert_element_type3A_196 = arith.extui %lt3A_195 : i1 to i32
    %cond3A_197 = arith.constant 0 : i32
    %cond3A_198 = arith.cmpi ne, %convert_element_type3A_196, %cond3A_197 : i32
    scf.if %cond3A_198 {
      %get3A = arith.constant 0 : index
      %get3A_442 = arith.constant 0 : index
      %get3A_443 = arith.constant 0 : index
      %get3A_444 = arith.constant 0 : index
      %get3A_445 = vector.load %arg16[%get3A, %get3A_442, %get3A_443, %get3A_444] : memref<1x1x64x256xf32, #tpu.memory_space<vmem>>, vector<1x1x64x256xf32>
      %swap3A = arith.constant 14 : index
      %swap3A_446 = arith.constant 0 : index
      %swap3A_447 = arith.constant 0 : index
      %swap3A_448 = arith.constant 0 : index
      %swap3A_449 = vector.load %arg36[%swap3A, %swap3A_446, %swap3A_447, %swap3A_448] : memref<32x1x64x256xf32, #tpu.memory_space<vmem>>, vector<1x1x64x256xf32>
      tpu.vector_store %arg36[%swap3A, %swap3A_446, %swap3A_447, %swap3A_448], %get3A_445 {strides = array<i32>} : memref<32x1x64x256xf32, #tpu.memory_space<vmem>>, vector<1x1x64x256xf32>,
      %get3A_450 = arith.constant 14 : index
      %get3A_451 = arith.constant 0 : index
      %get3A_452 = arith.constant 0 : index
      %get3A_453 = arith.constant 0 : index
      %get3A_454 = vector.load %arg34[%get3A_450, %get3A_451, %get3A_452, %get3A_453] : memref<32x1x64x256xf32, #tpu.memory_space<vmem>>, vector<1x1x64x256xf32>
      %swap3A_455 = arith.constant 14 : index
      %swap3A_456 = arith.constant 0 : index
      %swap3A_457 = arith.constant 0 : index
      %swap3A_458 = arith.constant 0 : index
      %swap3A_459 = vector.load %arg35[%swap3A_455, %swap3A_456, %swap3A_457, %swap3A_458] : memref<32x1x64x256xf32, #tpu.memory_space<vmem>>, vector<1x1x64x256xf32>
      tpu.vector_store %arg35[%swap3A_455, %swap3A_456, %swap3A_457, %swap3A_458], %get3A_454 {strides = array<i32>} : memref<32x1x64x256xf32, #tpu.memory_space<vmem>>, vector<1x1x64x256xf32>,
    } else {
    }
    %ge3A_199 = arith.constant 32 : i32
    %ge3A_200 = arith.cmpi sge, %add3A_193, %ge3A_199 : i32
    %convert_element_type3A_201 = arith.extui %ge3A_200 : i1 to i32
    %cond3A_202 = arith.constant 0 : i32
    %cond3A_203 = arith.cmpi ne, %convert_element_type3A_201, %cond3A_202 : i32
    scf.if %cond3A_203 {
      %get3A = arith.constant 0 : index
      %get3A_442 = arith.constant 0 : index
      %get3A_443 = arith.constant 0 : index
      %get3A_444 = arith.constant 0 : index
      %get3A_445 = vector.load %arg16[%get3A, %get3A_442, %get3A_443, %get3A_444] : memref<1x1x64x256xf32, #tpu.memory_space<vmem>>, vector<1x1x64x256xf32>
      %swap3A = arith.constant 14 : index
      %swap3A_446 = arith.constant 0 : index
      %swap3A_447 = arith.constant 0 : index
      %swap3A_448 = arith.constant 0 : index
      %swap3A_449 = vector.load %arg35[%swap3A, %swap3A_446, %swap3A_447, %swap3A_448] : memref<32x1x64x256xf32, #tpu.memory_space<vmem>>, vector<1x1x64x256xf32>
      tpu.vector_store %arg35[%swap3A, %swap3A_446, %swap3A_447, %swap3A_448], %get3A_445 {strides = array<i32>} : memref<32x1x64x256xf32, #tpu.memory_space<vmem>>, vector<1x1x64x256xf32>,
    } else {
    }
    %mul3A_204 = arith.constant 32 : i32
    %mul3A_205 = arith.muli %arg0, %mul3A_204 : i32
    %add3A_206 = arith.constant 15 : i32
    %add3A_207 = arith.addi %mul3A_205, %add3A_206 : i32
    %lt3A_208 = arith.constant 32 : i32
    %lt3A_209 = arith.cmpi slt, %add3A_207, %lt3A_208 : i32
    %convert_element_type3A_210 = arith.extui %lt3A_209 : i1 to i32
    %cond3A_211 = arith.constant 0 : i32
    %cond3A_212 = arith.cmpi ne, %convert_element_type3A_210, %cond3A_211 : i32
    scf.if %cond3A_212 {
      %get3A = arith.constant 0 : index
      %get3A_442 = arith.constant 0 : index
      %get3A_443 = arith.constant 0 : index
      %get3A_444 = arith.constant 0 : index
      %get3A_445 = vector.load %arg17[%get3A, %get3A_442, %get3A_443, %get3A_444] : memref<1x1x64x256xf32, #tpu.memory_space<vmem>>, vector<1x1x64x256xf32>
      %swap3A = arith.constant 15 : index
      %swap3A_446 = arith.constant 0 : index
      %swap3A_447 = arith.constant 0 : index
      %swap3A_448 = arith.constant 0 : index
      %swap3A_449 = vector.load %arg36[%swap3A, %swap3A_446, %swap3A_447, %swap3A_448] : memref<32x1x64x256xf32, #tpu.memory_space<vmem>>, vector<1x1x64x256xf32>
      tpu.vector_store %arg36[%swap3A, %swap3A_446, %swap3A_447, %swap3A_448], %get3A_445 {strides = array<i32>} : memref<32x1x64x256xf32, #tpu.memory_space<vmem>>, vector<1x1x64x256xf32>,
      %get3A_450 = arith.constant 15 : index
      %get3A_451 = arith.constant 0 : index
      %get3A_452 = arith.constant 0 : index
      %get3A_453 = arith.constant 0 : index
      %get3A_454 = vector.load %arg34[%get3A_450, %get3A_451, %get3A_452, %get3A_453] : memref<32x1x64x256xf32, #tpu.memory_space<vmem>>, vector<1x1x64x256xf32>
      %swap3A_455 = arith.constant 15 : index
      %swap3A_456 = arith.constant 0 : index
      %swap3A_457 = arith.constant 0 : index
      %swap3A_458 = arith.constant 0 : index
      %swap3A_459 = vector.load %arg35[%swap3A_455, %swap3A_456, %swap3A_457, %swap3A_458] : memref<32x1x64x256xf32, #tpu.memory_space<vmem>>, vector<1x1x64x256xf32>
      tpu.vector_store %arg35[%swap3A_455, %swap3A_456, %swap3A_457, %swap3A_458], %get3A_454 {strides = array<i32>} : memref<32x1x64x256xf32, #tpu.memory_space<vmem>>, vector<1x1x64x256xf32>,
    } else {
    }
    %ge3A_213 = arith.constant 32 : i32
    %ge3A_214 = arith.cmpi sge, %add3A_207, %ge3A_213 : i32
    %convert_element_type3A_215 = arith.extui %ge3A_214 : i1 to i32
    %cond3A_216 = arith.constant 0 : i32
    %cond3A_217 = arith.cmpi ne, %convert_element_type3A_215, %cond3A_216 : i32
    scf.if %cond3A_217 {
      %get3A = arith.constant 0 : index
      %get3A_442 = arith.constant 0 : index
      %get3A_443 = arith.constant 0 : index
      %get3A_444 = arith.constant 0 : index
      %get3A_445 = vector.load %arg17[%get3A, %get3A_442, %get3A_443, %get3A_444] : memref<1x1x64x256xf32, #tpu.memory_space<vmem>>, vector<1x1x64x256xf32>
      %swap3A = arith.constant 15 : index
      %swap3A_446 = arith.constant 0 : index
      %swap3A_447 = arith.constant 0 : index
      %swap3A_448 = arith.constant 0 : index
      %swap3A_449 = vector.load %arg35[%swap3A, %swap3A_446, %swap3A_447, %swap3A_448] : memref<32x1x64x256xf32, #tpu.memory_space<vmem>>, vector<1x1x64x256xf32>
      tpu.vector_store %arg35[%swap3A, %swap3A_446, %swap3A_447, %swap3A_448], %get3A_445 {strides = array<i32>} : memref<32x1x64x256xf32, #tpu.memory_space<vmem>>, vector<1x1x64x256xf32>,
    } else {
    }
    %mul3A_218 = arith.constant 32 : i32
    %mul3A_219 = arith.muli %arg0, %mul3A_218 : i32
    %add3A_220 = arith.constant 16 : i32
    %add3A_221 = arith.addi %mul3A_219, %add3A_220 : i32
    %lt3A_222 = arith.constant 32 : i32
    %lt3A_223 = arith.cmpi slt, %add3A_221, %lt3A_222 : i32
    %convert_element_type3A_224 = arith.extui %lt3A_223 : i1 to i32
    %cond3A_225 = arith.constant 0 : i32
    %cond3A_226 = arith.cmpi ne, %convert_element_type3A_224, %cond3A_225 : i32
    scf.if %cond3A_226 {
      %get3A = arith.constant 0 : index
      %get3A_442 = arith.constant 0 : index
      %get3A_443 = arith.constant 0 : index
      %get3A_444 = arith.constant 0 : index
      %get3A_445 = vector.load %arg18[%get3A, %get3A_442, %get3A_443, %get3A_444] : memref<1x1x64x256xf32, #tpu.memory_space<vmem>>, vector<1x1x64x256xf32>
      %swap3A = arith.constant 16 : index
      %swap3A_446 = arith.constant 0 : index
      %swap3A_447 = arith.constant 0 : index
      %swap3A_448 = arith.constant 0 : index
      %swap3A_449 = vector.load %arg36[%swap3A, %swap3A_446, %swap3A_447, %swap3A_448] : memref<32x1x64x256xf32, #tpu.memory_space<vmem>>, vector<1x1x64x256xf32>
      tpu.vector_store %arg36[%swap3A, %swap3A_446, %swap3A_447, %swap3A_448], %get3A_445 {strides = array<i32>} : memref<32x1x64x256xf32, #tpu.memory_space<vmem>>, vector<1x1x64x256xf32>,
      %get3A_450 = arith.constant 16 : index
      %get3A_451 = arith.constant 0 : index
      %get3A_452 = arith.constant 0 : index
      %get3A_453 = arith.constant 0 : index
      %get3A_454 = vector.load %arg34[%get3A_450, %get3A_451, %get3A_452, %get3A_453] : memref<32x1x64x256xf32, #tpu.memory_space<vmem>>, vector<1x1x64x256xf32>
      %swap3A_455 = arith.constant 16 : index
      %swap3A_456 = arith.constant 0 : index
      %swap3A_457 = arith.constant 0 : index
      %swap3A_458 = arith.constant 0 : index
      %swap3A_459 = vector.load %arg35[%swap3A_455, %swap3A_456, %swap3A_457, %swap3A_458] : memref<32x1x64x256xf32, #tpu.memory_space<vmem>>, vector<1x1x64x256xf32>
      tpu.vector_store %arg35[%swap3A_455, %swap3A_456, %swap3A_457, %swap3A_458], %get3A_454 {strides = array<i32>} : memref<32x1x64x256xf32, #tpu.memory_space<vmem>>, vector<1x1x64x256xf32>,
    } else {
    }
    %ge3A_227 = arith.constant 32 : i32
    %ge3A_228 = arith.cmpi sge, %add3A_221, %ge3A_227 : i32
    %convert_element_type3A_229 = arith.extui %ge3A_228 : i1 to i32
    %cond3A_230 = arith.constant 0 : i32
    %cond3A_231 = arith.cmpi ne, %convert_element_type3A_229, %cond3A_230 : i32
    scf.if %cond3A_231 {
      %get3A = arith.constant 0 : index
      %get3A_442 = arith.constant 0 : index
      %get3A_443 = arith.constant 0 : index
      %get3A_444 = arith.constant 0 : index
      %get3A_445 = vector.load %arg18[%get3A, %get3A_442, %get3A_443, %get3A_444] : memref<1x1x64x256xf32, #tpu.memory_space<vmem>>, vector<1x1x64x256xf32>
      %swap3A = arith.constant 16 : index
      %swap3A_446 = arith.constant 0 : index
      %swap3A_447 = arith.constant 0 : index
      %swap3A_448 = arith.constant 0 : index
      %swap3A_449 = vector.load %arg35[%swap3A, %swap3A_446, %swap3A_447, %swap3A_448] : memref<32x1x64x256xf32, #tpu.memory_space<vmem>>, vector<1x1x64x256xf32>
      tpu.vector_store %arg35[%swap3A, %swap3A_446, %swap3A_447, %swap3A_448], %get3A_445 {strides = array<i32>} : memref<32x1x64x256xf32, #tpu.memory_space<vmem>>, vector<1x1x64x256xf32>,
    } else {
    }
    %mul3A_232 = arith.constant 32 : i32
    %mul3A_233 = arith.muli %arg0, %mul3A_232 : i32
    %add3A_234 = arith.constant 17 : i32
    %add3A_235 = arith.addi %mul3A_233, %add3A_234 : i32
    %lt3A_236 = arith.constant 32 : i32
    %lt3A_237 = arith.cmpi slt, %add3A_235, %lt3A_236 : i32
    %convert_element_type3A_238 = arith.extui %lt3A_237 : i1 to i32
    %cond3A_239 = arith.constant 0 : i32
    %cond3A_240 = arith.cmpi ne, %convert_element_type3A_238, %cond3A_239 : i32
    scf.if %cond3A_240 {
      %get3A = arith.constant 0 : index
      %get3A_442 = arith.constant 0 : index
      %get3A_443 = arith.constant 0 : index
      %get3A_444 = arith.constant 0 : index
      %get3A_445 = vector.load %arg19[%get3A, %get3A_442, %get3A_443, %get3A_444] : memref<1x1x64x256xf32, #tpu.memory_space<vmem>>, vector<1x1x64x256xf32>
      %swap3A = arith.constant 17 : index
      %swap3A_446 = arith.constant 0 : index
      %swap3A_447 = arith.constant 0 : index
      %swap3A_448 = arith.constant 0 : index
      %swap3A_449 = vector.load %arg36[%swap3A, %swap3A_446, %swap3A_447, %swap3A_448] : memref<32x1x64x256xf32, #tpu.memory_space<vmem>>, vector<1x1x64x256xf32>
      tpu.vector_store %arg36[%swap3A, %swap3A_446, %swap3A_447, %swap3A_448], %get3A_445 {strides = array<i32>} : memref<32x1x64x256xf32, #tpu.memory_space<vmem>>, vector<1x1x64x256xf32>,
      %get3A_450 = arith.constant 17 : index
      %get3A_451 = arith.constant 0 : index
      %get3A_452 = arith.constant 0 : index
      %get3A_453 = arith.constant 0 : index
      %get3A_454 = vector.load %arg34[%get3A_450, %get3A_451, %get3A_452, %get3A_453] : memref<32x1x64x256xf32, #tpu.memory_space<vmem>>, vector<1x1x64x256xf32>
      %swap3A_455 = arith.constant 17 : index
      %swap3A_456 = arith.constant 0 : index
      %swap3A_457 = arith.constant 0 : index
      %swap3A_458 = arith.constant 0 : index
      %swap3A_459 = vector.load %arg35[%swap3A_455, %swap3A_456, %swap3A_457, %swap3A_458] : memref<32x1x64x256xf32, #tpu.memory_space<vmem>>, vector<1x1x64x256xf32>
      tpu.vector_store %arg35[%swap3A_455, %swap3A_456, %swap3A_457, %swap3A_458], %get3A_454 {strides = array<i32>} : memref<32x1x64x256xf32, #tpu.memory_space<vmem>>, vector<1x1x64x256xf32>,
    } else {
    }
    %ge3A_241 = arith.constant 32 : i32
    %ge3A_242 = arith.cmpi sge, %add3A_235, %ge3A_241 : i32
    %convert_element_type3A_243 = arith.extui %ge3A_242 : i1 to i32
    %cond3A_244 = arith.constant 0 : i32
    %cond3A_245 = arith.cmpi ne, %convert_element_type3A_243, %cond3A_244 : i32
    scf.if %cond3A_245 {
      %get3A = arith.constant 0 : index
      %get3A_442 = arith.constant 0 : index
      %get3A_443 = arith.constant 0 : index
      %get3A_444 = arith.constant 0 : index
      %get3A_445 = vector.load %arg19[%get3A, %get3A_442, %get3A_443, %get3A_444] : memref<1x1x64x256xf32, #tpu.memory_space<vmem>>, vector<1x1x64x256xf32>
      %swap3A = arith.constant 17 : index
      %swap3A_446 = arith.constant 0 : index
      %swap3A_447 = arith.constant 0 : index
      %swap3A_448 = arith.constant 0 : index
      %swap3A_449 = vector.load %arg35[%swap3A, %swap3A_446, %swap3A_447, %swap3A_448] : memref<32x1x64x256xf32, #tpu.memory_space<vmem>>, vector<1x1x64x256xf32>
      tpu.vector_store %arg35[%swap3A, %swap3A_446, %swap3A_447, %swap3A_448], %get3A_445 {strides = array<i32>} : memref<32x1x64x256xf32, #tpu.memory_space<vmem>>, vector<1x1x64x256xf32>,
    } else {
    }
    %mul3A_246 = arith.constant 32 : i32
    %mul3A_247 = arith.muli %arg0, %mul3A_246 : i32
    %add3A_248 = arith.constant 18 : i32
    %add3A_249 = arith.addi %mul3A_247, %add3A_248 : i32
    %lt3A_250 = arith.constant 32 : i32
    %lt3A_251 = arith.cmpi slt, %add3A_249, %lt3A_250 : i32
    %convert_element_type3A_252 = arith.extui %lt3A_251 : i1 to i32
    %cond3A_253 = arith.constant 0 : i32
    %cond3A_254 = arith.cmpi ne, %convert_element_type3A_252, %cond3A_253 : i32
    scf.if %cond3A_254 {
      %get3A = arith.constant 0 : index
      %get3A_442 = arith.constant 0 : index
      %get3A_443 = arith.constant 0 : index
      %get3A_444 = arith.constant 0 : index
      %get3A_445 = vector.load %arg20[%get3A, %get3A_442, %get3A_443, %get3A_444] : memref<1x1x64x256xf32, #tpu.memory_space<vmem>>, vector<1x1x64x256xf32>
      %swap3A = arith.constant 18 : index
      %swap3A_446 = arith.constant 0 : index
      %swap3A_447 = arith.constant 0 : index
      %swap3A_448 = arith.constant 0 : index
      %swap3A_449 = vector.load %arg36[%swap3A, %swap3A_446, %swap3A_447, %swap3A_448] : memref<32x1x64x256xf32, #tpu.memory_space<vmem>>, vector<1x1x64x256xf32>
      tpu.vector_store %arg36[%swap3A, %swap3A_446, %swap3A_447, %swap3A_448], %get3A_445 {strides = array<i32>} : memref<32x1x64x256xf32, #tpu.memory_space<vmem>>, vector<1x1x64x256xf32>,
      %get3A_450 = arith.constant 18 : index
      %get3A_451 = arith.constant 0 : index
      %get3A_452 = arith.constant 0 : index
      %get3A_453 = arith.constant 0 : index
      %get3A_454 = vector.load %arg34[%get3A_450, %get3A_451, %get3A_452, %get3A_453] : memref<32x1x64x256xf32, #tpu.memory_space<vmem>>, vector<1x1x64x256xf32>
      %swap3A_455 = arith.constant 18 : index
      %swap3A_456 = arith.constant 0 : index
      %swap3A_457 = arith.constant 0 : index
      %swap3A_458 = arith.constant 0 : index
      %swap3A_459 = vector.load %arg35[%swap3A_455, %swap3A_456, %swap3A_457, %swap3A_458] : memref<32x1x64x256xf32, #tpu.memory_space<vmem>>, vector<1x1x64x256xf32>
      tpu.vector_store %arg35[%swap3A_455, %swap3A_456, %swap3A_457, %swap3A_458], %get3A_454 {strides = array<i32>} : memref<32x1x64x256xf32, #tpu.memory_space<vmem>>, vector<1x1x64x256xf32>,
    } else {
    }
    %ge3A_255 = arith.constant 32 : i32
    %ge3A_256 = arith.cmpi sge, %add3A_249, %ge3A_255 : i32
    %convert_element_type3A_257 = arith.extui %ge3A_256 : i1 to i32
    %cond3A_258 = arith.constant 0 : i32
    %cond3A_259 = arith.cmpi ne, %convert_element_type3A_257, %cond3A_258 : i32
    scf.if %cond3A_259 {
      %get3A = arith.constant 0 : index
      %get3A_442 = arith.constant 0 : index
      %get3A_443 = arith.constant 0 : index
      %get3A_444 = arith.constant 0 : index
      %get3A_445 = vector.load %arg20[%get3A, %get3A_442, %get3A_443, %get3A_444] : memref<1x1x64x256xf32, #tpu.memory_space<vmem>>, vector<1x1x64x256xf32>
      %swap3A = arith.constant 18 : index
      %swap3A_446 = arith.constant 0 : index
      %swap3A_447 = arith.constant 0 : index
      %swap3A_448 = arith.constant 0 : index
      %swap3A_449 = vector.load %arg35[%swap3A, %swap3A_446, %swap3A_447, %swap3A_448] : memref<32x1x64x256xf32, #tpu.memory_space<vmem>>, vector<1x1x64x256xf32>
      tpu.vector_store %arg35[%swap3A, %swap3A_446, %swap3A_447, %swap3A_448], %get3A_445 {strides = array<i32>} : memref<32x1x64x256xf32, #tpu.memory_space<vmem>>, vector<1x1x64x256xf32>,
    } else {
    }
    %mul3A_260 = arith.constant 32 : i32
    %mul3A_261 = arith.muli %arg0, %mul3A_260 : i32
    %add3A_262 = arith.constant 19 : i32
    %add3A_263 = arith.addi %mul3A_261, %add3A_262 : i32
    %lt3A_264 = arith.constant 32 : i32
    %lt3A_265 = arith.cmpi slt, %add3A_263, %lt3A_264 : i32
    %convert_element_type3A_266 = arith.extui %lt3A_265 : i1 to i32
    %cond3A_267 = arith.constant 0 : i32
    %cond3A_268 = arith.cmpi ne, %convert_element_type3A_266, %cond3A_267 : i32
    scf.if %cond3A_268 {
      %get3A = arith.constant 0 : index
      %get3A_442 = arith.constant 0 : index
      %get3A_443 = arith.constant 0 : index
      %get3A_444 = arith.constant 0 : index
      %get3A_445 = vector.load %arg21[%get3A, %get3A_442, %get3A_443, %get3A_444] : memref<1x1x64x256xf32, #tpu.memory_space<vmem>>, vector<1x1x64x256xf32>
      %swap3A = arith.constant 19 : index
      %swap3A_446 = arith.constant 0 : index
      %swap3A_447 = arith.constant 0 : index
      %swap3A_448 = arith.constant 0 : index
      %swap3A_449 = vector.load %arg36[%swap3A, %swap3A_446, %swap3A_447, %swap3A_448] : memref<32x1x64x256xf32, #tpu.memory_space<vmem>>, vector<1x1x64x256xf32>
      tpu.vector_store %arg36[%swap3A, %swap3A_446, %swap3A_447, %swap3A_448], %get3A_445 {strides = array<i32>} : memref<32x1x64x256xf32, #tpu.memory_space<vmem>>, vector<1x1x64x256xf32>,
      %get3A_450 = arith.constant 19 : index
      %get3A_451 = arith.constant 0 : index
      %get3A_452 = arith.constant 0 : index
      %get3A_453 = arith.constant 0 : index
      %get3A_454 = vector.load %arg34[%get3A_450, %get3A_451, %get3A_452, %get3A_453] : memref<32x1x64x256xf32, #tpu.memory_space<vmem>>, vector<1x1x64x256xf32>
      %swap3A_455 = arith.constant 19 : index
      %swap3A_456 = arith.constant 0 : index
      %swap3A_457 = arith.constant 0 : index
      %swap3A_458 = arith.constant 0 : index
      %swap3A_459 = vector.load %arg35[%swap3A_455, %swap3A_456, %swap3A_457, %swap3A_458] : memref<32x1x64x256xf32, #tpu.memory_space<vmem>>, vector<1x1x64x256xf32>
      tpu.vector_store %arg35[%swap3A_455, %swap3A_456, %swap3A_457, %swap3A_458], %get3A_454 {strides = array<i32>} : memref<32x1x64x256xf32, #tpu.memory_space<vmem>>, vector<1x1x64x256xf32>,
    } else {
    }
    %ge3A_269 = arith.constant 32 : i32
    %ge3A_270 = arith.cmpi sge, %add3A_263, %ge3A_269 : i32
    %convert_element_type3A_271 = arith.extui %ge3A_270 : i1 to i32
    %cond3A_272 = arith.constant 0 : i32
    %cond3A_273 = arith.cmpi ne, %convert_element_type3A_271, %cond3A_272 : i32
    scf.if %cond3A_273 {
      %get3A = arith.constant 0 : index
      %get3A_442 = arith.constant 0 : index
      %get3A_443 = arith.constant 0 : index
      %get3A_444 = arith.constant 0 : index
      %get3A_445 = vector.load %arg21[%get3A, %get3A_442, %get3A_443, %get3A_444] : memref<1x1x64x256xf32, #tpu.memory_space<vmem>>, vector<1x1x64x256xf32>
      %swap3A = arith.constant 19 : index
      %swap3A_446 = arith.constant 0 : index
      %swap3A_447 = arith.constant 0 : index
      %swap3A_448 = arith.constant 0 : index
      %swap3A_449 = vector.load %arg35[%swap3A, %swap3A_446, %swap3A_447, %swap3A_448] : memref<32x1x64x256xf32, #tpu.memory_space<vmem>>, vector<1x1x64x256xf32>
      tpu.vector_store %arg35[%swap3A, %swap3A_446, %swap3A_447, %swap3A_448], %get3A_445 {strides = array<i32>} : memref<32x1x64x256xf32, #tpu.memory_space<vmem>>, vector<1x1x64x256xf32>,
    } else {
    }
    %mul3A_274 = arith.constant 32 : i32
    %mul3A_275 = arith.muli %arg0, %mul3A_274 : i32
    %add3A_276 = arith.constant 20 : i32
    %add3A_277 = arith.addi %mul3A_275, %add3A_276 : i32
    %lt3A_278 = arith.constant 32 : i32
    %lt3A_279 = arith.cmpi slt, %add3A_277, %lt3A_278 : i32
    %convert_element_type3A_280 = arith.extui %lt3A_279 : i1 to i32
    %cond3A_281 = arith.constant 0 : i32
    %cond3A_282 = arith.cmpi ne, %convert_element_type3A_280, %cond3A_281 : i32
    scf.if %cond3A_282 {
      %get3A = arith.constant 0 : index
      %get3A_442 = arith.constant 0 : index
      %get3A_443 = arith.constant 0 : index
      %get3A_444 = arith.constant 0 : index
      %get3A_445 = vector.load %arg22[%get3A, %get3A_442, %get3A_443, %get3A_444] : memref<1x1x64x256xf32, #tpu.memory_space<vmem>>, vector<1x1x64x256xf32>
      %swap3A = arith.constant 20 : index
      %swap3A_446 = arith.constant 0 : index
      %swap3A_447 = arith.constant 0 : index
      %swap3A_448 = arith.constant 0 : index
      %swap3A_449 = vector.load %arg36[%swap3A, %swap3A_446, %swap3A_447, %swap3A_448] : memref<32x1x64x256xf32, #tpu.memory_space<vmem>>, vector<1x1x64x256xf32>
      tpu.vector_store %arg36[%swap3A, %swap3A_446, %swap3A_447, %swap3A_448], %get3A_445 {strides = array<i32>} : memref<32x1x64x256xf32, #tpu.memory_space<vmem>>, vector<1x1x64x256xf32>,
      %get3A_450 = arith.constant 20 : index
      %get3A_451 = arith.constant 0 : index
      %get3A_452 = arith.constant 0 : index
      %get3A_453 = arith.constant 0 : index
      %get3A_454 = vector.load %arg34[%get3A_450, %get3A_451, %get3A_452, %get3A_453] : memref<32x1x64x256xf32, #tpu.memory_space<vmem>>, vector<1x1x64x256xf32>
      %swap3A_455 = arith.constant 20 : index
      %swap3A_456 = arith.constant 0 : index
      %swap3A_457 = arith.constant 0 : index
      %swap3A_458 = arith.constant 0 : index
      %swap3A_459 = vector.load %arg35[%swap3A_455, %swap3A_456, %swap3A_457, %swap3A_458] : memref<32x1x64x256xf32, #tpu.memory_space<vmem>>, vector<1x1x64x256xf32>
      tpu.vector_store %arg35[%swap3A_455, %swap3A_456, %swap3A_457, %swap3A_458], %get3A_454 {strides = array<i32>} : memref<32x1x64x256xf32, #tpu.memory_space<vmem>>, vector<1x1x64x256xf32>,
    } else {
    }
    %ge3A_283 = arith.constant 32 : i32
    %ge3A_284 = arith.cmpi sge, %add3A_277, %ge3A_283 : i32
    %convert_element_type3A_285 = arith.extui %ge3A_284 : i1 to i32
    %cond3A_286 = arith.constant 0 : i32
    %cond3A_287 = arith.cmpi ne, %convert_element_type3A_285, %cond3A_286 : i32
    scf.if %cond3A_287 {
      %get3A = arith.constant 0 : index
      %get3A_442 = arith.constant 0 : index
      %get3A_443 = arith.constant 0 : index
      %get3A_444 = arith.constant 0 : index
      %get3A_445 = vector.load %arg22[%get3A, %get3A_442, %get3A_443, %get3A_444] : memref<1x1x64x256xf32, #tpu.memory_space<vmem>>, vector<1x1x64x256xf32>
      %swap3A = arith.constant 20 : index
      %swap3A_446 = arith.constant 0 : index
      %swap3A_447 = arith.constant 0 : index
      %swap3A_448 = arith.constant 0 : index
      %swap3A_449 = vector.load %arg35[%swap3A, %swap3A_446, %swap3A_447, %swap3A_448] : memref<32x1x64x256xf32, #tpu.memory_space<vmem>>, vector<1x1x64x256xf32>
      tpu.vector_store %arg35[%swap3A, %swap3A_446, %swap3A_447, %swap3A_448], %get3A_445 {strides = array<i32>} : memref<32x1x64x256xf32, #tpu.memory_space<vmem>>, vector<1x1x64x256xf32>,
    } else {
    }
    %mul3A_288 = arith.constant 32 : i32
    %mul3A_289 = arith.muli %arg0, %mul3A_288 : i32
    %add3A_290 = arith.constant 21 : i32
    %add3A_291 = arith.addi %mul3A_289, %add3A_290 : i32
    %lt3A_292 = arith.constant 32 : i32
    %lt3A_293 = arith.cmpi slt, %add3A_291, %lt3A_292 : i32
    %convert_element_type3A_294 = arith.extui %lt3A_293 : i1 to i32
    %cond3A_295 = arith.constant 0 : i32
    %cond3A_296 = arith.cmpi ne, %convert_element_type3A_294, %cond3A_295 : i32
    scf.if %cond3A_296 {
      %get3A = arith.constant 0 : index
      %get3A_442 = arith.constant 0 : index
      %get3A_443 = arith.constant 0 : index
      %get3A_444 = arith.constant 0 : index
      %get3A_445 = vector.load %arg23[%get3A, %get3A_442, %get3A_443, %get3A_444] : memref<1x1x64x256xf32, #tpu.memory_space<vmem>>, vector<1x1x64x256xf32>
      %swap3A = arith.constant 21 : index
      %swap3A_446 = arith.constant 0 : index
      %swap3A_447 = arith.constant 0 : index
      %swap3A_448 = arith.constant 0 : index
      %swap3A_449 = vector.load %arg36[%swap3A, %swap3A_446, %swap3A_447, %swap3A_448] : memref<32x1x64x256xf32, #tpu.memory_space<vmem>>, vector<1x1x64x256xf32>
      tpu.vector_store %arg36[%swap3A, %swap3A_446, %swap3A_447, %swap3A_448], %get3A_445 {strides = array<i32>} : memref<32x1x64x256xf32, #tpu.memory_space<vmem>>, vector<1x1x64x256xf32>,
      %get3A_450 = arith.constant 21 : index
      %get3A_451 = arith.constant 0 : index
      %get3A_452 = arith.constant 0 : index
      %get3A_453 = arith.constant 0 : index
      %get3A_454 = vector.load %arg34[%get3A_450, %get3A_451, %get3A_452, %get3A_453] : memref<32x1x64x256xf32, #tpu.memory_space<vmem>>, vector<1x1x64x256xf32>
      %swap3A_455 = arith.constant 21 : index
      %swap3A_456 = arith.constant 0 : index
      %swap3A_457 = arith.constant 0 : index
      %swap3A_458 = arith.constant 0 : index
      %swap3A_459 = vector.load %arg35[%swap3A_455, %swap3A_456, %swap3A_457, %swap3A_458] : memref<32x1x64x256xf32, #tpu.memory_space<vmem>>, vector<1x1x64x256xf32>
      tpu.vector_store %arg35[%swap3A_455, %swap3A_456, %swap3A_457, %swap3A_458], %get3A_454 {strides = array<i32>} : memref<32x1x64x256xf32, #tpu.memory_space<vmem>>, vector<1x1x64x256xf32>,
    } else {
    }
    %ge3A_297 = arith.constant 32 : i32
    %ge3A_298 = arith.cmpi sge, %add3A_291, %ge3A_297 : i32
    %convert_element_type3A_299 = arith.extui %ge3A_298 : i1 to i32
    %cond3A_300 = arith.constant 0 : i32
    %cond3A_301 = arith.cmpi ne, %convert_element_type3A_299, %cond3A_300 : i32
    scf.if %cond3A_301 {
      %get3A = arith.constant 0 : index
      %get3A_442 = arith.constant 0 : index
      %get3A_443 = arith.constant 0 : index
      %get3A_444 = arith.constant 0 : index
      %get3A_445 = vector.load %arg23[%get3A, %get3A_442, %get3A_443, %get3A_444] : memref<1x1x64x256xf32, #tpu.memory_space<vmem>>, vector<1x1x64x256xf32>
      %swap3A = arith.constant 21 : index
      %swap3A_446 = arith.constant 0 : index
      %swap3A_447 = arith.constant 0 : index
      %swap3A_448 = arith.constant 0 : index
      %swap3A_449 = vector.load %arg35[%swap3A, %swap3A_446, %swap3A_447, %swap3A_448] : memref<32x1x64x256xf32, #tpu.memory_space<vmem>>, vector<1x1x64x256xf32>
      tpu.vector_store %arg35[%swap3A, %swap3A_446, %swap3A_447, %swap3A_448], %get3A_445 {strides = array<i32>} : memref<32x1x64x256xf32, #tpu.memory_space<vmem>>, vector<1x1x64x256xf32>,
    } else {
    }
    %mul3A_302 = arith.constant 32 : i32
    %mul3A_303 = arith.muli %arg0, %mul3A_302 : i32
    %add3A_304 = arith.constant 22 : i32
    %add3A_305 = arith.addi %mul3A_303, %add3A_304 : i32
    %lt3A_306 = arith.constant 32 : i32
    %lt3A_307 = arith.cmpi slt, %add3A_305, %lt3A_306 : i32
    %convert_element_type3A_308 = arith.extui %lt3A_307 : i1 to i32
    %cond3A_309 = arith.constant 0 : i32
    %cond3A_310 = arith.cmpi ne, %convert_element_type3A_308, %cond3A_309 : i32
    scf.if %cond3A_310 {
      %get3A = arith.constant 0 : index
      %get3A_442 = arith.constant 0 : index
      %get3A_443 = arith.constant 0 : index
      %get3A_444 = arith.constant 0 : index
      %get3A_445 = vector.load %arg24[%get3A, %get3A_442, %get3A_443, %get3A_444] : memref<1x1x64x256xf32, #tpu.memory_space<vmem>>, vector<1x1x64x256xf32>
      %swap3A = arith.constant 22 : index
      %swap3A_446 = arith.constant 0 : index
      %swap3A_447 = arith.constant 0 : index
      %swap3A_448 = arith.constant 0 : index
      %swap3A_449 = vector.load %arg36[%swap3A, %swap3A_446, %swap3A_447, %swap3A_448] : memref<32x1x64x256xf32, #tpu.memory_space<vmem>>, vector<1x1x64x256xf32>
      tpu.vector_store %arg36[%swap3A, %swap3A_446, %swap3A_447, %swap3A_448], %get3A_445 {strides = array<i32>} : memref<32x1x64x256xf32, #tpu.memory_space<vmem>>, vector<1x1x64x256xf32>,
      %get3A_450 = arith.constant 22 : index
      %get3A_451 = arith.constant 0 : index
      %get3A_452 = arith.constant 0 : index
      %get3A_453 = arith.constant 0 : index
      %get3A_454 = vector.load %arg34[%get3A_450, %get3A_451, %get3A_452, %get3A_453] : memref<32x1x64x256xf32, #tpu.memory_space<vmem>>, vector<1x1x64x256xf32>
      %swap3A_455 = arith.constant 22 : index
      %swap3A_456 = arith.constant 0 : index
      %swap3A_457 = arith.constant 0 : index
      %swap3A_458 = arith.constant 0 : index
      %swap3A_459 = vector.load %arg35[%swap3A_455, %swap3A_456, %swap3A_457, %swap3A_458] : memref<32x1x64x256xf32, #tpu.memory_space<vmem>>, vector<1x1x64x256xf32>
      tpu.vector_store %arg35[%swap3A_455, %swap3A_456, %swap3A_457, %swap3A_458], %get3A_454 {strides = array<i32>} : memref<32x1x64x256xf32, #tpu.memory_space<vmem>>, vector<1x1x64x256xf32>,
    } else {
    }
    %ge3A_311 = arith.constant 32 : i32
    %ge3A_312 = arith.cmpi sge, %add3A_305, %ge3A_311 : i32
    %convert_element_type3A_313 = arith.extui %ge3A_312 : i1 to i32
    %cond3A_314 = arith.constant 0 : i32
    %cond3A_315 = arith.cmpi ne, %convert_element_type3A_313, %cond3A_314 : i32
    scf.if %cond3A_315 {
      %get3A = arith.constant 0 : index
      %get3A_442 = arith.constant 0 : index
      %get3A_443 = arith.constant 0 : index
      %get3A_444 = arith.constant 0 : index
      %get3A_445 = vector.load %arg24[%get3A, %get3A_442, %get3A_443, %get3A_444] : memref<1x1x64x256xf32, #tpu.memory_space<vmem>>, vector<1x1x64x256xf32>
      %swap3A = arith.constant 22 : index
      %swap3A_446 = arith.constant 0 : index
      %swap3A_447 = arith.constant 0 : index
      %swap3A_448 = arith.constant 0 : index
      %swap3A_449 = vector.load %arg35[%swap3A, %swap3A_446, %swap3A_447, %swap3A_448] : memref<32x1x64x256xf32, #tpu.memory_space<vmem>>, vector<1x1x64x256xf32>
      tpu.vector_store %arg35[%swap3A, %swap3A_446, %swap3A_447, %swap3A_448], %get3A_445 {strides = array<i32>} : memref<32x1x64x256xf32, #tpu.memory_space<vmem>>, vector<1x1x64x256xf32>,
    } else {
    }
    %mul3A_316 = arith.constant 32 : i32
    %mul3A_317 = arith.muli %arg0, %mul3A_316 : i32
    %add3A_318 = arith.constant 23 : i32
    %add3A_319 = arith.addi %mul3A_317, %add3A_318 : i32
    %lt3A_320 = arith.constant 32 : i32
    %lt3A_321 = arith.cmpi slt, %add3A_319, %lt3A_320 : i32
    %convert_element_type3A_322 = arith.extui %lt3A_321 : i1 to i32
    %cond3A_323 = arith.constant 0 : i32
    %cond3A_324 = arith.cmpi ne, %convert_element_type3A_322, %cond3A_323 : i32
    scf.if %cond3A_324 {
      %get3A = arith.constant 0 : index
      %get3A_442 = arith.constant 0 : index
      %get3A_443 = arith.constant 0 : index
      %get3A_444 = arith.constant 0 : index
      %get3A_445 = vector.load %arg25[%get3A, %get3A_442, %get3A_443, %get3A_444] : memref<1x1x64x256xf32, #tpu.memory_space<vmem>>, vector<1x1x64x256xf32>
      %swap3A = arith.constant 23 : index
      %swap3A_446 = arith.constant 0 : index
      %swap3A_447 = arith.constant 0 : index
      %swap3A_448 = arith.constant 0 : index
      %swap3A_449 = vector.load %arg36[%swap3A, %swap3A_446, %swap3A_447, %swap3A_448] : memref<32x1x64x256xf32, #tpu.memory_space<vmem>>, vector<1x1x64x256xf32>
      tpu.vector_store %arg36[%swap3A, %swap3A_446, %swap3A_447, %swap3A_448], %get3A_445 {strides = array<i32>} : memref<32x1x64x256xf32, #tpu.memory_space<vmem>>, vector<1x1x64x256xf32>,
      %get3A_450 = arith.constant 23 : index
      %get3A_451 = arith.constant 0 : index
      %get3A_452 = arith.constant 0 : index
      %get3A_453 = arith.constant 0 : index
      %get3A_454 = vector.load %arg34[%get3A_450, %get3A_451, %get3A_452, %get3A_453] : memref<32x1x64x256xf32, #tpu.memory_space<vmem>>, vector<1x1x64x256xf32>
      %swap3A_455 = arith.constant 23 : index
      %swap3A_456 = arith.constant 0 : index
      %swap3A_457 = arith.constant 0 : index
      %swap3A_458 = arith.constant 0 : index
      %swap3A_459 = vector.load %arg35[%swap3A_455, %swap3A_456, %swap3A_457, %swap3A_458] : memref<32x1x64x256xf32, #tpu.memory_space<vmem>>, vector<1x1x64x256xf32>
      tpu.vector_store %arg35[%swap3A_455, %swap3A_456, %swap3A_457, %swap3A_458], %get3A_454 {strides = array<i32>} : memref<32x1x64x256xf32, #tpu.memory_space<vmem>>, vector<1x1x64x256xf32>,
    } else {
    }
    %ge3A_325 = arith.constant 32 : i32
    %ge3A_326 = arith.cmpi sge, %add3A_319, %ge3A_325 : i32
    %convert_element_type3A_327 = arith.extui %ge3A_326 : i1 to i32
    %cond3A_328 = arith.constant 0 : i32
    %cond3A_329 = arith.cmpi ne, %convert_element_type3A_327, %cond3A_328 : i32
    scf.if %cond3A_329 {
      %get3A = arith.constant 0 : index
      %get3A_442 = arith.constant 0 : index
      %get3A_443 = arith.constant 0 : index
      %get3A_444 = arith.constant 0 : index
      %get3A_445 = vector.load %arg25[%get3A, %get3A_442, %get3A_443, %get3A_444] : memref<1x1x64x256xf32, #tpu.memory_space<vmem>>, vector<1x1x64x256xf32>
      %swap3A = arith.constant 23 : index
      %swap3A_446 = arith.constant 0 : index
      %swap3A_447 = arith.constant 0 : index
      %swap3A_448 = arith.constant 0 : index
      %swap3A_449 = vector.load %arg35[%swap3A, %swap3A_446, %swap3A_447, %swap3A_448] : memref<32x1x64x256xf32, #tpu.memory_space<vmem>>, vector<1x1x64x256xf32>
      tpu.vector_store %arg35[%swap3A, %swap3A_446, %swap3A_447, %swap3A_448], %get3A_445 {strides = array<i32>} : memref<32x1x64x256xf32, #tpu.memory_space<vmem>>, vector<1x1x64x256xf32>,
    } else {
    }
    %mul3A_330 = arith.constant 32 : i32
    %mul3A_331 = arith.muli %arg0, %mul3A_330 : i32
    %add3A_332 = arith.constant 24 : i32
    %add3A_333 = arith.addi %mul3A_331, %add3A_332 : i32
    %lt3A_334 = arith.constant 32 : i32
    %lt3A_335 = arith.cmpi slt, %add3A_333, %lt3A_334 : i32
    %convert_element_type3A_336 = arith.extui %lt3A_335 : i1 to i32
    %cond3A_337 = arith.constant 0 : i32
    %cond3A_338 = arith.cmpi ne, %convert_element_type3A_336, %cond3A_337 : i32
    scf.if %cond3A_338 {
      %get3A = arith.constant 0 : index
      %get3A_442 = arith.constant 0 : index
      %get3A_443 = arith.constant 0 : index
      %get3A_444 = arith.constant 0 : index
      %get3A_445 = vector.load %arg26[%get3A, %get3A_442, %get3A_443, %get3A_444] : memref<1x1x64x256xf32, #tpu.memory_space<vmem>>, vector<1x1x64x256xf32>
      %swap3A = arith.constant 24 : index
      %swap3A_446 = arith.constant 0 : index
      %swap3A_447 = arith.constant 0 : index
      %swap3A_448 = arith.constant 0 : index
      %swap3A_449 = vector.load %arg36[%swap3A, %swap3A_446, %swap3A_447, %swap3A_448] : memref<32x1x64x256xf32, #tpu.memory_space<vmem>>, vector<1x1x64x256xf32>
      tpu.vector_store %arg36[%swap3A, %swap3A_446, %swap3A_447, %swap3A_448], %get3A_445 {strides = array<i32>} : memref<32x1x64x256xf32, #tpu.memory_space<vmem>>, vector<1x1x64x256xf32>,
      %get3A_450 = arith.constant 24 : index
      %get3A_451 = arith.constant 0 : index
      %get3A_452 = arith.constant 0 : index
      %get3A_453 = arith.constant 0 : index
      %get3A_454 = vector.load %arg34[%get3A_450, %get3A_451, %get3A_452, %get3A_453] : memref<32x1x64x256xf32, #tpu.memory_space<vmem>>, vector<1x1x64x256xf32>
      %swap3A_455 = arith.constant 24 : index
      %swap3A_456 = arith.constant 0 : index
      %swap3A_457 = arith.constant 0 : index
      %swap3A_458 = arith.constant 0 : index
      %swap3A_459 = vector.load %arg35[%swap3A_455, %swap3A_456, %swap3A_457, %swap3A_458] : memref<32x1x64x256xf32, #tpu.memory_space<vmem>>, vector<1x1x64x256xf32>
      tpu.vector_store %arg35[%swap3A_455, %swap3A_456, %swap3A_457, %swap3A_458], %get3A_454 {strides = array<i32>} : memref<32x1x64x256xf32, #tpu.memory_space<vmem>>, vector<1x1x64x256xf32>,
    } else {
    }
    %ge3A_339 = arith.constant 32 : i32
    %ge3A_340 = arith.cmpi sge, %add3A_333, %ge3A_339 : i32
    %convert_element_type3A_341 = arith.extui %ge3A_340 : i1 to i32
    %cond3A_342 = arith.constant 0 : i32
    %cond3A_343 = arith.cmpi ne, %convert_element_type3A_341, %cond3A_342 : i32
    scf.if %cond3A_343 {
      %get3A = arith.constant 0 : index
      %get3A_442 = arith.constant 0 : index
      %get3A_443 = arith.constant 0 : index
      %get3A_444 = arith.constant 0 : index
      %get3A_445 = vector.load %arg26[%get3A, %get3A_442, %get3A_443, %get3A_444] : memref<1x1x64x256xf32, #tpu.memory_space<vmem>>, vector<1x1x64x256xf32>
      %swap3A = arith.constant 24 : index
      %swap3A_446 = arith.constant 0 : index
      %swap3A_447 = arith.constant 0 : index
      %swap3A_448 = arith.constant 0 : index
      %swap3A_449 = vector.load %arg35[%swap3A, %swap3A_446, %swap3A_447, %swap3A_448] : memref<32x1x64x256xf32, #tpu.memory_space<vmem>>, vector<1x1x64x256xf32>
      tpu.vector_store %arg35[%swap3A, %swap3A_446, %swap3A_447, %swap3A_448], %get3A_445 {strides = array<i32>} : memref<32x1x64x256xf32, #tpu.memory_space<vmem>>, vector<1x1x64x256xf32>,
    } else {
    }
    %mul3A_344 = arith.constant 32 : i32
    %mul3A_345 = arith.muli %arg0, %mul3A_344 : i32
    %add3A_346 = arith.constant 25 : i32
    %add3A_347 = arith.addi %mul3A_345, %add3A_346 : i32
    %lt3A_348 = arith.constant 32 : i32
    %lt3A_349 = arith.cmpi slt, %add3A_347, %lt3A_348 : i32
    %convert_element_type3A_350 = arith.extui %lt3A_349 : i1 to i32
    %cond3A_351 = arith.constant 0 : i32
    %cond3A_352 = arith.cmpi ne, %convert_element_type3A_350, %cond3A_351 : i32
    scf.if %cond3A_352 {
      %get3A = arith.constant 0 : index
      %get3A_442 = arith.constant 0 : index
      %get3A_443 = arith.constant 0 : index
      %get3A_444 = arith.constant 0 : index
      %get3A_445 = vector.load %arg27[%get3A, %get3A_442, %get3A_443, %get3A_444] : memref<1x1x64x256xf32, #tpu.memory_space<vmem>>, vector<1x1x64x256xf32>
      %swap3A = arith.constant 25 : index
      %swap3A_446 = arith.constant 0 : index
      %swap3A_447 = arith.constant 0 : index
      %swap3A_448 = arith.constant 0 : index
      %swap3A_449 = vector.load %arg36[%swap3A, %swap3A_446, %swap3A_447, %swap3A_448] : memref<32x1x64x256xf32, #tpu.memory_space<vmem>>, vector<1x1x64x256xf32>
      tpu.vector_store %arg36[%swap3A, %swap3A_446, %swap3A_447, %swap3A_448], %get3A_445 {strides = array<i32>} : memref<32x1x64x256xf32, #tpu.memory_space<vmem>>, vector<1x1x64x256xf32>,
      %get3A_450 = arith.constant 25 : index
      %get3A_451 = arith.constant 0 : index
      %get3A_452 = arith.constant 0 : index
      %get3A_453 = arith.constant 0 : index
      %get3A_454 = vector.load %arg34[%get3A_450, %get3A_451, %get3A_452, %get3A_453] : memref<32x1x64x256xf32, #tpu.memory_space<vmem>>, vector<1x1x64x256xf32>
      %swap3A_455 = arith.constant 25 : index
      %swap3A_456 = arith.constant 0 : index
      %swap3A_457 = arith.constant 0 : index
      %swap3A_458 = arith.constant 0 : index
      %swap3A_459 = vector.load %arg35[%swap3A_455, %swap3A_456, %swap3A_457, %swap3A_458] : memref<32x1x64x256xf32, #tpu.memory_space<vmem>>, vector<1x1x64x256xf32>
      tpu.vector_store %arg35[%swap3A_455, %swap3A_456, %swap3A_457, %swap3A_458], %get3A_454 {strides = array<i32>} : memref<32x1x64x256xf32, #tpu.memory_space<vmem>>, vector<1x1x64x256xf32>,
    } else {
    }
    %ge3A_353 = arith.constant 32 : i32
    %ge3A_354 = arith.cmpi sge, %add3A_347, %ge3A_353 : i32
    %convert_element_type3A_355 = arith.extui %ge3A_354 : i1 to i32
    %cond3A_356 = arith.constant 0 : i32
    %cond3A_357 = arith.cmpi ne, %convert_element_type3A_355, %cond3A_356 : i32
    scf.if %cond3A_357 {
      %get3A = arith.constant 0 : index
      %get3A_442 = arith.constant 0 : index
      %get3A_443 = arith.constant 0 : index
      %get3A_444 = arith.constant 0 : index
      %get3A_445 = vector.load %arg27[%get3A, %get3A_442, %get3A_443, %get3A_444] : memref<1x1x64x256xf32, #tpu.memory_space<vmem>>, vector<1x1x64x256xf32>
      %swap3A = arith.constant 25 : index
      %swap3A_446 = arith.constant 0 : index
      %swap3A_447 = arith.constant 0 : index
      %swap3A_448 = arith.constant 0 : index
      %swap3A_449 = vector.load %arg35[%swap3A, %swap3A_446, %swap3A_447, %swap3A_448] : memref<32x1x64x256xf32, #tpu.memory_space<vmem>>, vector<1x1x64x256xf32>
      tpu.vector_store %arg35[%swap3A, %swap3A_446, %swap3A_447, %swap3A_448], %get3A_445 {strides = array<i32>} : memref<32x1x64x256xf32, #tpu.memory_space<vmem>>, vector<1x1x64x256xf32>,
    } else {
    }
    %mul3A_358 = arith.constant 32 : i32
    %mul3A_359 = arith.muli %arg0, %mul3A_358 : i32
    %add3A_360 = arith.constant 26 : i32
    %add3A_361 = arith.addi %mul3A_359, %add3A_360 : i32
    %lt3A_362 = arith.constant 32 : i32
    %lt3A_363 = arith.cmpi slt, %add3A_361, %lt3A_362 : i32
    %convert_element_type3A_364 = arith.extui %lt3A_363 : i1 to i32
    %cond3A_365 = arith.constant 0 : i32
    %cond3A_366 = arith.cmpi ne, %convert_element_type3A_364, %cond3A_365 : i32
    scf.if %cond3A_366 {
      %get3A = arith.constant 0 : index
      %get3A_442 = arith.constant 0 : index
      %get3A_443 = arith.constant 0 : index
      %get3A_444 = arith.constant 0 : index
      %get3A_445 = vector.load %arg28[%get3A, %get3A_442, %get3A_443, %get3A_444] : memref<1x1x64x256xf32, #tpu.memory_space<vmem>>, vector<1x1x64x256xf32>
      %swap3A = arith.constant 26 : index
      %swap3A_446 = arith.constant 0 : index
      %swap3A_447 = arith.constant 0 : index
      %swap3A_448 = arith.constant 0 : index
      %swap3A_449 = vector.load %arg36[%swap3A, %swap3A_446, %swap3A_447, %swap3A_448] : memref<32x1x64x256xf32, #tpu.memory_space<vmem>>, vector<1x1x64x256xf32>
      tpu.vector_store %arg36[%swap3A, %swap3A_446, %swap3A_447, %swap3A_448], %get3A_445 {strides = array<i32>} : memref<32x1x64x256xf32, #tpu.memory_space<vmem>>, vector<1x1x64x256xf32>,
      %get3A_450 = arith.constant 26 : index
      %get3A_451 = arith.constant 0 : index
      %get3A_452 = arith.constant 0 : index
      %get3A_453 = arith.constant 0 : index
      %get3A_454 = vector.load %arg34[%get3A_450, %get3A_451, %get3A_452, %get3A_453] : memref<32x1x64x256xf32, #tpu.memory_space<vmem>>, vector<1x1x64x256xf32>
      %swap3A_455 = arith.constant 26 : index
      %swap3A_456 = arith.constant 0 : index
      %swap3A_457 = arith.constant 0 : index
      %swap3A_458 = arith.constant 0 : index
      %swap3A_459 = vector.load %arg35[%swap3A_455, %swap3A_456, %swap3A_457, %swap3A_458] : memref<32x1x64x256xf32, #tpu.memory_space<vmem>>, vector<1x1x64x256xf32>
      tpu.vector_store %arg35[%swap3A_455, %swap3A_456, %swap3A_457, %swap3A_458], %get3A_454 {strides = array<i32>} : memref<32x1x64x256xf32, #tpu.memory_space<vmem>>, vector<1x1x64x256xf32>,
    } else {
    }
    %ge3A_367 = arith.constant 32 : i32
    %ge3A_368 = arith.cmpi sge, %add3A_361, %ge3A_367 : i32
    %convert_element_type3A_369 = arith.extui %ge3A_368 : i1 to i32
    %cond3A_370 = arith.constant 0 : i32
    %cond3A_371 = arith.cmpi ne, %convert_element_type3A_369, %cond3A_370 : i32
    scf.if %cond3A_371 {
      %get3A = arith.constant 0 : index
      %get3A_442 = arith.constant 0 : index
      %get3A_443 = arith.constant 0 : index
      %get3A_444 = arith.constant 0 : index
      %get3A_445 = vector.load %arg28[%get3A, %get3A_442, %get3A_443, %get3A_444] : memref<1x1x64x256xf32, #tpu.memory_space<vmem>>, vector<1x1x64x256xf32>
      %swap3A = arith.constant 26 : index
      %swap3A_446 = arith.constant 0 : index
      %swap3A_447 = arith.constant 0 : index
      %swap3A_448 = arith.constant 0 : index
      %swap3A_449 = vector.load %arg35[%swap3A, %swap3A_446, %swap3A_447, %swap3A_448] : memref<32x1x64x256xf32, #tpu.memory_space<vmem>>, vector<1x1x64x256xf32>
      tpu.vector_store %arg35[%swap3A, %swap3A_446, %swap3A_447, %swap3A_448], %get3A_445 {strides = array<i32>} : memref<32x1x64x256xf32, #tpu.memory_space<vmem>>, vector<1x1x64x256xf32>,
    } else {
    }
    %mul3A_372 = arith.constant 32 : i32
    %mul3A_373 = arith.muli %arg0, %mul3A_372 : i32
    %add3A_374 = arith.constant 27 : i32
    %add3A_375 = arith.addi %mul3A_373, %add3A_374 : i32
    %lt3A_376 = arith.constant 32 : i32
    %lt3A_377 = arith.cmpi slt, %add3A_375, %lt3A_376 : i32
    %convert_element_type3A_378 = arith.extui %lt3A_377 : i1 to i32
    %cond3A_379 = arith.constant 0 : i32
    %cond3A_380 = arith.cmpi ne, %convert_element_type3A_378, %cond3A_379 : i32
    scf.if %cond3A_380 {
      %get3A = arith.constant 0 : index
      %get3A_442 = arith.constant 0 : index
      %get3A_443 = arith.constant 0 : index
      %get3A_444 = arith.constant 0 : index
      %get3A_445 = vector.load %arg29[%get3A, %get3A_442, %get3A_443, %get3A_444] : memref<1x1x64x256xf32, #tpu.memory_space<vmem>>, vector<1x1x64x256xf32>
      %swap3A = arith.constant 27 : index
      %swap3A_446 = arith.constant 0 : index
      %swap3A_447 = arith.constant 0 : index
      %swap3A_448 = arith.constant 0 : index
      %swap3A_449 = vector.load %arg36[%swap3A, %swap3A_446, %swap3A_447, %swap3A_448] : memref<32x1x64x256xf32, #tpu.memory_space<vmem>>, vector<1x1x64x256xf32>
      tpu.vector_store %arg36[%swap3A, %swap3A_446, %swap3A_447, %swap3A_448], %get3A_445 {strides = array<i32>} : memref<32x1x64x256xf32, #tpu.memory_space<vmem>>, vector<1x1x64x256xf32>,
      %get3A_450 = arith.constant 27 : index
      %get3A_451 = arith.constant 0 : index
      %get3A_452 = arith.constant 0 : index
      %get3A_453 = arith.constant 0 : index
      %get3A_454 = vector.load %arg34[%get3A_450, %get3A_451, %get3A_452, %get3A_453] : memref<32x1x64x256xf32, #tpu.memory_space<vmem>>, vector<1x1x64x256xf32>
      %swap3A_455 = arith.constant 27 : index
      %swap3A_456 = arith.constant 0 : index
      %swap3A_457 = arith.constant 0 : index
      %swap3A_458 = arith.constant 0 : index
      %swap3A_459 = vector.load %arg35[%swap3A_455, %swap3A_456, %swap3A_457, %swap3A_458] : memref<32x1x64x256xf32, #tpu.memory_space<vmem>>, vector<1x1x64x256xf32>
      tpu.vector_store %arg35[%swap3A_455, %swap3A_456, %swap3A_457, %swap3A_458], %get3A_454 {strides = array<i32>} : memref<32x1x64x256xf32, #tpu.memory_space<vmem>>, vector<1x1x64x256xf32>,
    } else {
    }
    %ge3A_381 = arith.constant 32 : i32
    %ge3A_382 = arith.cmpi sge, %add3A_375, %ge3A_381 : i32
    %convert_element_type3A_383 = arith.extui %ge3A_382 : i1 to i32
    %cond3A_384 = arith.constant 0 : i32
    %cond3A_385 = arith.cmpi ne, %convert_element_type3A_383, %cond3A_384 : i32
    scf.if %cond3A_385 {
      %get3A = arith.constant 0 : index
      %get3A_442 = arith.constant 0 : index
      %get3A_443 = arith.constant 0 : index
      %get3A_444 = arith.constant 0 : index
      %get3A_445 = vector.load %arg29[%get3A, %get3A_442, %get3A_443, %get3A_444] : memref<1x1x64x256xf32, #tpu.memory_space<vmem>>, vector<1x1x64x256xf32>
      %swap3A = arith.constant 27 : index
      %swap3A_446 = arith.constant 0 : index
      %swap3A_447 = arith.constant 0 : index
      %swap3A_448 = arith.constant 0 : index
      %swap3A_449 = vector.load %arg35[%swap3A, %swap3A_446, %swap3A_447, %swap3A_448] : memref<32x1x64x256xf32, #tpu.memory_space<vmem>>, vector<1x1x64x256xf32>
      tpu.vector_store %arg35[%swap3A, %swap3A_446, %swap3A_447, %swap3A_448], %get3A_445 {strides = array<i32>} : memref<32x1x64x256xf32, #tpu.memory_space<vmem>>, vector<1x1x64x256xf32>,
    } else {
    }
    %mul3A_386 = arith.constant 32 : i32
    %mul3A_387 = arith.muli %arg0, %mul3A_386 : i32
    %add3A_388 = arith.constant 28 : i32
    %add3A_389 = arith.addi %mul3A_387, %add3A_388 : i32
    %lt3A_390 = arith.constant 32 : i32
    %lt3A_391 = arith.cmpi slt, %add3A_389, %lt3A_390 : i32
    %convert_element_type3A_392 = arith.extui %lt3A_391 : i1 to i32
    %cond3A_393 = arith.constant 0 : i32
    %cond3A_394 = arith.cmpi ne, %convert_element_type3A_392, %cond3A_393 : i32
    scf.if %cond3A_394 {
      %get3A = arith.constant 0 : index
      %get3A_442 = arith.constant 0 : index
      %get3A_443 = arith.constant 0 : index
      %get3A_444 = arith.constant 0 : index
      %get3A_445 = vector.load %arg30[%get3A, %get3A_442, %get3A_443, %get3A_444] : memref<1x1x64x256xf32, #tpu.memory_space<vmem>>, vector<1x1x64x256xf32>
      %swap3A = arith.constant 28 : index
      %swap3A_446 = arith.constant 0 : index
      %swap3A_447 = arith.constant 0 : index
      %swap3A_448 = arith.constant 0 : index
      %swap3A_449 = vector.load %arg36[%swap3A, %swap3A_446, %swap3A_447, %swap3A_448] : memref<32x1x64x256xf32, #tpu.memory_space<vmem>>, vector<1x1x64x256xf32>
      tpu.vector_store %arg36[%swap3A, %swap3A_446, %swap3A_447, %swap3A_448], %get3A_445 {strides = array<i32>} : memref<32x1x64x256xf32, #tpu.memory_space<vmem>>, vector<1x1x64x256xf32>,
      %get3A_450 = arith.constant 28 : index
      %get3A_451 = arith.constant 0 : index
      %get3A_452 = arith.constant 0 : index
      %get3A_453 = arith.constant 0 : index
      %get3A_454 = vector.load %arg34[%get3A_450, %get3A_451, %get3A_452, %get3A_453] : memref<32x1x64x256xf32, #tpu.memory_space<vmem>>, vector<1x1x64x256xf32>
      %swap3A_455 = arith.constant 28 : index
      %swap3A_456 = arith.constant 0 : index
      %swap3A_457 = arith.constant 0 : index
      %swap3A_458 = arith.constant 0 : index
      %swap3A_459 = vector.load %arg35[%swap3A_455, %swap3A_456, %swap3A_457, %swap3A_458] : memref<32x1x64x256xf32, #tpu.memory_space<vmem>>, vector<1x1x64x256xf32>
      tpu.vector_store %arg35[%swap3A_455, %swap3A_456, %swap3A_457, %swap3A_458], %get3A_454 {strides = array<i32>} : memref<32x1x64x256xf32, #tpu.memory_space<vmem>>, vector<1x1x64x256xf32>,
    } else {
    }
    %ge3A_395 = arith.constant 32 : i32
    %ge3A_396 = arith.cmpi sge, %add3A_389, %ge3A_395 : i32
    %convert_element_type3A_397 = arith.extui %ge3A_396 : i1 to i32
    %cond3A_398 = arith.constant 0 : i32
    %cond3A_399 = arith.cmpi ne, %convert_element_type3A_397, %cond3A_398 : i32
    scf.if %cond3A_399 {
      %get3A = arith.constant 0 : index
      %get3A_442 = arith.constant 0 : index
      %get3A_443 = arith.constant 0 : index
      %get3A_444 = arith.constant 0 : index
      %get3A_445 = vector.load %arg30[%get3A, %get3A_442, %get3A_443, %get3A_444] : memref<1x1x64x256xf32, #tpu.memory_space<vmem>>, vector<1x1x64x256xf32>
      %swap3A = arith.constant 28 : index
      %swap3A_446 = arith.constant 0 : index
      %swap3A_447 = arith.constant 0 : index
      %swap3A_448 = arith.constant 0 : index
      %swap3A_449 = vector.load %arg35[%swap3A, %swap3A_446, %swap3A_447, %swap3A_448] : memref<32x1x64x256xf32, #tpu.memory_space<vmem>>, vector<1x1x64x256xf32>
      tpu.vector_store %arg35[%swap3A, %swap3A_446, %swap3A_447, %swap3A_448], %get3A_445 {strides = array<i32>} : memref<32x1x64x256xf32, #tpu.memory_space<vmem>>, vector<1x1x64x256xf32>,
    } else {
    }
    %mul3A_400 = arith.constant 32 : i32
    %mul3A_401 = arith.muli %arg0, %mul3A_400 : i32
    %add3A_402 = arith.constant 29 : i32
    %add3A_403 = arith.addi %mul3A_401, %add3A_402 : i32
    %lt3A_404 = arith.constant 32 : i32
    %lt3A_405 = arith.cmpi slt, %add3A_403, %lt3A_404 : i32
    %convert_element_type3A_406 = arith.extui %lt3A_405 : i1 to i32
    %cond3A_407 = arith.constant 0 : i32
    %cond3A_408 = arith.cmpi ne, %convert_element_type3A_406, %cond3A_407 : i32
    scf.if %cond3A_408 {
      %get3A = arith.constant 0 : index
      %get3A_442 = arith.constant 0 : index
      %get3A_443 = arith.constant 0 : index
      %get3A_444 = arith.constant 0 : index
      %get3A_445 = vector.load %arg31[%get3A, %get3A_442, %get3A_443, %get3A_444] : memref<1x1x64x256xf32, #tpu.memory_space<vmem>>, vector<1x1x64x256xf32>
      %swap3A = arith.constant 29 : index
      %swap3A_446 = arith.constant 0 : index
      %swap3A_447 = arith.constant 0 : index
      %swap3A_448 = arith.constant 0 : index
      %swap3A_449 = vector.load %arg36[%swap3A, %swap3A_446, %swap3A_447, %swap3A_448] : memref<32x1x64x256xf32, #tpu.memory_space<vmem>>, vector<1x1x64x256xf32>
      tpu.vector_store %arg36[%swap3A, %swap3A_446, %swap3A_447, %swap3A_448], %get3A_445 {strides = array<i32>} : memref<32x1x64x256xf32, #tpu.memory_space<vmem>>, vector<1x1x64x256xf32>,
      %get3A_450 = arith.constant 29 : index
      %get3A_451 = arith.constant 0 : index
      %get3A_452 = arith.constant 0 : index
      %get3A_453 = arith.constant 0 : index
      %get3A_454 = vector.load %arg34[%get3A_450, %get3A_451, %get3A_452, %get3A_453] : memref<32x1x64x256xf32, #tpu.memory_space<vmem>>, vector<1x1x64x256xf32>
      %swap3A_455 = arith.constant 29 : index
      %swap3A_456 = arith.constant 0 : index
      %swap3A_457 = arith.constant 0 : index
      %swap3A_458 = arith.constant 0 : index
      %swap3A_459 = vector.load %arg35[%swap3A_455, %swap3A_456, %swap3A_457, %swap3A_458] : memref<32x1x64x256xf32, #tpu.memory_space<vmem>>, vector<1x1x64x256xf32>
      tpu.vector_store %arg35[%swap3A_455, %swap3A_456, %swap3A_457, %swap3A_458], %get3A_454 {strides = array<i32>} : memref<32x1x64x256xf32, #tpu.memory_space<vmem>>, vector<1x1x64x256xf32>,
    } else {
    }
    %ge3A_409 = arith.constant 32 : i32
    %ge3A_410 = arith.cmpi sge, %add3A_403, %ge3A_409 : i32
    %convert_element_type3A_411 = arith.extui %ge3A_410 : i1 to i32
    %cond3A_412 = arith.constant 0 : i32
    %cond3A_413 = arith.cmpi ne, %convert_element_type3A_411, %cond3A_412 : i32
    scf.if %cond3A_413 {
      %get3A = arith.constant 0 : index
      %get3A_442 = arith.constant 0 : index
      %get3A_443 = arith.constant 0 : index
      %get3A_444 = arith.constant 0 : index
      %get3A_445 = vector.load %arg31[%get3A, %get3A_442, %get3A_443, %get3A_444] : memref<1x1x64x256xf32, #tpu.memory_space<vmem>>, vector<1x1x64x256xf32>
      %swap3A = arith.constant 29 : index
      %swap3A_446 = arith.constant 0 : index
      %swap3A_447 = arith.constant 0 : index
      %swap3A_448 = arith.constant 0 : index
      %swap3A_449 = vector.load %arg35[%swap3A, %swap3A_446, %swap3A_447, %swap3A_448] : memref<32x1x64x256xf32, #tpu.memory_space<vmem>>, vector<1x1x64x256xf32>
      tpu.vector_store %arg35[%swap3A, %swap3A_446, %swap3A_447, %swap3A_448], %get3A_445 {strides = array<i32>} : memref<32x1x64x256xf32, #tpu.memory_space<vmem>>, vector<1x1x64x256xf32>,
    } else {
    }
    %mul3A_414 = arith.constant 32 : i32
    %mul3A_415 = arith.muli %arg0, %mul3A_414 : i32
    %add3A_416 = arith.constant 30 : i32
    %add3A_417 = arith.addi %mul3A_415, %add3A_416 : i32
    %lt3A_418 = arith.constant 32 : i32
    %lt3A_419 = arith.cmpi slt, %add3A_417, %lt3A_418 : i32
    %convert_element_type3A_420 = arith.extui %lt3A_419 : i1 to i32
    %cond3A_421 = arith.constant 0 : i32
    %cond3A_422 = arith.cmpi ne, %convert_element_type3A_420, %cond3A_421 : i32
    scf.if %cond3A_422 {
      %get3A = arith.constant 0 : index
      %get3A_442 = arith.constant 0 : index
      %get3A_443 = arith.constant 0 : index
      %get3A_444 = arith.constant 0 : index
      %get3A_445 = vector.load %arg32[%get3A, %get3A_442, %get3A_443, %get3A_444] : memref<1x1x64x256xf32, #tpu.memory_space<vmem>>, vector<1x1x64x256xf32>
      %swap3A = arith.constant 30 : index
      %swap3A_446 = arith.constant 0 : index
      %swap3A_447 = arith.constant 0 : index
      %swap3A_448 = arith.constant 0 : index
      %swap3A_449 = vector.load %arg36[%swap3A, %swap3A_446, %swap3A_447, %swap3A_448] : memref<32x1x64x256xf32, #tpu.memory_space<vmem>>, vector<1x1x64x256xf32>
      tpu.vector_store %arg36[%swap3A, %swap3A_446, %swap3A_447, %swap3A_448], %get3A_445 {strides = array<i32>} : memref<32x1x64x256xf32, #tpu.memory_space<vmem>>, vector<1x1x64x256xf32>,
      %get3A_450 = arith.constant 30 : index
      %get3A_451 = arith.constant 0 : index
      %get3A_452 = arith.constant 0 : index
      %get3A_453 = arith.constant 0 : index
      %get3A_454 = vector.load %arg34[%get3A_450, %get3A_451, %get3A_452, %get3A_453] : memref<32x1x64x256xf32, #tpu.memory_space<vmem>>, vector<1x1x64x256xf32>
      %swap3A_455 = arith.constant 30 : index
      %swap3A_456 = arith.constant 0 : index
      %swap3A_457 = arith.constant 0 : index
      %swap3A_458 = arith.constant 0 : index
      %swap3A_459 = vector.load %arg35[%swap3A_455, %swap3A_456, %swap3A_457, %swap3A_458] : memref<32x1x64x256xf32, #tpu.memory_space<vmem>>, vector<1x1x64x256xf32>
      tpu.vector_store %arg35[%swap3A_455, %swap3A_456, %swap3A_457, %swap3A_458], %get3A_454 {strides = array<i32>} : memref<32x1x64x256xf32, #tpu.memory_space<vmem>>, vector<1x1x64x256xf32>,
    } else {
    }
    %ge3A_423 = arith.constant 32 : i32
    %ge3A_424 = arith.cmpi sge, %add3A_417, %ge3A_423 : i32
    %convert_element_type3A_425 = arith.extui %ge3A_424 : i1 to i32
    %cond3A_426 = arith.constant 0 : i32
    %cond3A_427 = arith.cmpi ne, %convert_element_type3A_425, %cond3A_426 : i32
    scf.if %cond3A_427 {
      %get3A = arith.constant 0 : index
      %get3A_442 = arith.constant 0 : index
      %get3A_443 = arith.constant 0 : index
      %get3A_444 = arith.constant 0 : index
      %get3A_445 = vector.load %arg32[%get3A, %get3A_442, %get3A_443, %get3A_444] : memref<1x1x64x256xf32, #tpu.memory_space<vmem>>, vector<1x1x64x256xf32>
      %swap3A = arith.constant 30 : index
      %swap3A_446 = arith.constant 0 : index
      %swap3A_447 = arith.constant 0 : index
      %swap3A_448 = arith.constant 0 : index
      %swap3A_449 = vector.load %arg35[%swap3A, %swap3A_446, %swap3A_447, %swap3A_448] : memref<32x1x64x256xf32, #tpu.memory_space<vmem>>, vector<1x1x64x256xf32>
      tpu.vector_store %arg35[%swap3A, %swap3A_446, %swap3A_447, %swap3A_448], %get3A_445 {strides = array<i32>} : memref<32x1x64x256xf32, #tpu.memory_space<vmem>>, vector<1x1x64x256xf32>,
    } else {
    }
    %mul3A_428 = arith.constant 32 : i32
    %mul3A_429 = arith.muli %arg0, %mul3A_428 : i32
    %add3A_430 = arith.constant 31 : i32
    %add3A_431 = arith.addi %mul3A_429, %add3A_430 : i32
    %lt3A_432 = arith.constant 32 : i32
    %lt3A_433 = arith.cmpi slt, %add3A_431, %lt3A_432 : i32
    %convert_element_type3A_434 = arith.extui %lt3A_433 : i1 to i32
    %cond3A_435 = arith.constant 0 : i32
    %cond3A_436 = arith.cmpi ne, %convert_element_type3A_434, %cond3A_435 : i32
    scf.if %cond3A_436 {
      %get3A = arith.constant 0 : index
      %get3A_442 = arith.constant 0 : index
      %get3A_443 = arith.constant 0 : index
      %get3A_444 = arith.constant 0 : index
      %get3A_445 = vector.load %arg33[%get3A, %get3A_442, %get3A_443, %get3A_444] : memref<1x1x64x256xf32, #tpu.memory_space<vmem>>, vector<1x1x64x256xf32>
      %swap3A = arith.constant 31 : index
      %swap3A_446 = arith.constant 0 : index
      %swap3A_447 = arith.constant 0 : index
      %swap3A_448 = arith.constant 0 : index
      %swap3A_449 = vector.load %arg36[%swap3A, %swap3A_446, %swap3A_447, %swap3A_448] : memref<32x1x64x256xf32, #tpu.memory_space<vmem>>, vector<1x1x64x256xf32>
      tpu.vector_store %arg36[%swap3A, %swap3A_446, %swap3A_447, %swap3A_448], %get3A_445 {strides = array<i32>} : memref<32x1x64x256xf32, #tpu.memory_space<vmem>>, vector<1x1x64x256xf32>,
      %get3A_450 = arith.constant 31 : index
      %get3A_451 = arith.constant 0 : index
      %get3A_452 = arith.constant 0 : index
      %get3A_453 = arith.constant 0 : index
      %get3A_454 = vector.load %arg34[%get3A_450, %get3A_451, %get3A_452, %get3A_453] : memref<32x1x64x256xf32, #tpu.memory_space<vmem>>, vector<1x1x64x256xf32>
      %swap3A_455 = arith.constant 31 : index
      %swap3A_456 = arith.constant 0 : index
      %swap3A_457 = arith.constant 0 : index
      %swap3A_458 = arith.constant 0 : index
      %swap3A_459 = vector.load %arg35[%swap3A_455, %swap3A_456, %swap3A_457, %swap3A_458] : memref<32x1x64x256xf32, #tpu.memory_space<vmem>>, vector<1x1x64x256xf32>
      tpu.vector_store %arg35[%swap3A_455, %swap3A_456, %swap3A_457, %swap3A_458], %get3A_454 {strides = array<i32>} : memref<32x1x64x256xf32, #tpu.memory_space<vmem>>, vector<1x1x64x256xf32>,
    } else {
    }
    %ge3A_437 = arith.constant 32 : i32
    %ge3A_438 = arith.cmpi sge, %add3A_431, %ge3A_437 : i32
    %convert_element_type3A_439 = arith.extui %ge3A_438 : i1 to i32
    %cond3A_440 = arith.constant 0 : i32
    %cond3A_441 = arith.cmpi ne, %convert_element_type3A_439, %cond3A_440 : i32
    scf.if %cond3A_441 {
      %get3A = arith.constant 0 : index
      %get3A_442 = arith.constant 0 : index
      %get3A_443 = arith.constant 0 : index
      %get3A_444 = arith.constant 0 : index
      %get3A_445 = vector.load %arg33[%get3A, %get3A_442, %get3A_443, %get3A_444] : memref<1x1x64x256xf32, #tpu.memory_space<vmem>>, vector<1x1x64x256xf32>
      %swap3A = arith.constant 31 : index
      %swap3A_446 = arith.constant 0 : index
      %swap3A_447 = arith.constant 0 : index
      %swap3A_448 = arith.constant 0 : index
      %swap3A_449 = vector.load %arg35[%swap3A, %swap3A_446, %swap3A_447, %swap3A_448] : memref<32x1x64x256xf32, #tpu.memory_space<vmem>>, vector<1x1x64x256xf32>
      tpu.vector_store %arg35[%swap3A, %swap3A_446, %swap3A_447, %swap3A_448], %get3A_445 {strides = array<i32>} : memref<32x1x64x256xf32, #tpu.memory_space<vmem>>, vector<1x1x64x256xf32>,
    } else {
    }
    return
  }
  func.func @transform_0(%arg0: i32, %arg1: memref<1024xi32, #tpu.memory_space<smem>>) -> (i32, i32, i32, i32) {
    %mul3A = arith.constant 32 : i32
    %mul3A_0 = arith.muli %arg0, %mul3A : i32
    %add3A = arith.constant 0 : i32
    %add3A_1 = arith.addi %mul3A_0, %add3A : i32
    %get3A = arith.index_cast %add3A_1 : i32 to index
    %get3A_2 = memref.load %arg1[%get3A] : memref<1024xi32, #tpu.memory_space<smem>>
    %c0_i32 = arith.constant 0 : i32
    %c0_i32_3 = arith.constant 0 : i32
    %c0_i32_4 = arith.constant 0 : i32
    %c0_i32_5 = arith.constant 0 : i32
    return %get3A_2, %c0_i32, %c0_i32_3, %c0_i32_4 : i32, i32, i32, i32
  }
  func.func @transform_1(%arg0: i32, %arg1: memref<1024xi32, #tpu.memory_space<smem>>) -> (i32, i32, i32, i32) {
    %mul3A = arith.constant 32 : i32
    %mul3A_0 = arith.muli %arg0, %mul3A : i32
    %add3A = arith.constant 1 : i32
    %add3A_1 = arith.addi %mul3A_0, %add3A : i32
    %get3A = arith.index_cast %add3A_1 : i32 to index
    %get3A_2 = memref.load %arg1[%get3A] : memref<1024xi32, #tpu.memory_space<smem>>
    %c0_i32 = arith.constant 0 : i32
    %c0_i32_3 = arith.constant 0 : i32
    %c0_i32_4 = arith.constant 0 : i32
    %c0_i32_5 = arith.constant 0 : i32
    return %get3A_2, %c0_i32, %c0_i32_3, %c0_i32_4 : i32, i32, i32, i32
  }
  func.func @transform_2(%arg0: i32, %arg1: memref<1024xi32, #tpu.memory_space<smem>>) -> (i32, i32, i32, i32) {
    %mul3A = arith.constant 32 : i32
    %mul3A_0 = arith.muli %arg0, %mul3A : i32
    %add3A = arith.constant 2 : i32
    %add3A_1 = arith.addi %mul3A_0, %add3A : i32
    %get3A = arith.index_cast %add3A_1 : i32 to index
    %get3A_2 = memref.load %arg1[%get3A] : memref<1024xi32, #tpu.memory_space<smem>>
    %c0_i32 = arith.constant 0 : i32
    %c0_i32_3 = arith.constant 0 : i32
    %c0_i32_4 = arith.constant 0 : i32
    %c0_i32_5 = arith.constant 0 : i32
    return %get3A_2, %c0_i32, %c0_i32_3, %c0_i32_4 : i32, i32, i32, i32
  }
  func.func @transform_3(%arg0: i32, %arg1: memref<1024xi32, #tpu.memory_space<smem>>) -> (i32, i32, i32, i32) {
    %mul3A = arith.constant 32 : i32
    %mul3A_0 = arith.muli %arg0, %mul3A : i32
    %add3A = arith.constant 3 : i32
    %add3A_1 = arith.addi %mul3A_0, %add3A : i32
    %get3A = arith.index_cast %add3A_1 : i32 to index
    %get3A_2 = memref.load %arg1[%get3A] : memref<1024xi32, #tpu.memory_space<smem>>
    %c0_i32 = arith.constant 0 : i32
    %c0_i32_3 = arith.constant 0 : i32
    %c0_i32_4 = arith.constant 0 : i32
    %c0_i32_5 = arith.constant 0 : i32
    return %get3A_2, %c0_i32, %c0_i32_3, %c0_i32_4 : i32, i32, i32, i32
  }
  func.func @transform_4(%arg0: i32, %arg1: memref<1024xi32, #tpu.memory_space<smem>>) -> (i32, i32, i32, i32) {
    %mul3A = arith.constant 32 : i32
    %mul3A_0 = arith.muli %arg0, %mul3A : i32
    %add3A = arith.constant 4 : i32
    %add3A_1 = arith.addi %mul3A_0, %add3A : i32
    %get3A = arith.index_cast %add3A_1 : i32 to index
    %get3A_2 = memref.load %arg1[%get3A] : memref<1024xi32, #tpu.memory_space<smem>>
    %c0_i32 = arith.constant 0 : i32
    %c0_i32_3 = arith.constant 0 : i32
    %c0_i32_4 = arith.constant 0 : i32
    %c0_i32_5 = arith.constant 0 : i32
    return %get3A_2, %c0_i32, %c0_i32_3, %c0_i32_4 : i32, i32, i32, i32
  }
  func.func @transform_5(%arg0: i32, %arg1: memref<1024xi32, #tpu.memory_space<smem>>) -> (i32, i32, i32, i32) {
    %mul3A = arith.constant 32 : i32
    %mul3A_0 = arith.muli %arg0, %mul3A : i32
    %add3A = arith.constant 5 : i32
    %add3A_1 = arith.addi %mul3A_0, %add3A : i32
    %get3A = arith.index_cast %add3A_1 : i32 to index
    %get3A_2 = memref.load %arg1[%get3A] : memref<1024xi32, #tpu.memory_space<smem>>
    %c0_i32 = arith.constant 0 : i32
    %c0_i32_3 = arith.constant 0 : i32
    %c0_i32_4 = arith.constant 0 : i32
    %c0_i32_5 = arith.constant 0 : i32
    return %get3A_2, %c0_i32, %c0_i32_3, %c0_i32_4 : i32, i32, i32, i32
  }
  func.func @transform_6(%arg0: i32, %arg1: memref<1024xi32, #tpu.memory_space<smem>>) -> (i32, i32, i32, i32) {
    %mul3A = arith.constant 32 : i32
    %mul3A_0 = arith.muli %arg0, %mul3A : i32
    %add3A = arith.constant 6 : i32
    %add3A_1 = arith.addi %mul3A_0, %add3A : i32
    %get3A = arith.index_cast %add3A_1 : i32 to index
    %get3A_2 = memref.load %arg1[%get3A] : memref<1024xi32, #tpu.memory_space<smem>>
    %c0_i32 = arith.constant 0 : i32
    %c0_i32_3 = arith.constant 0 : i32
    %c0_i32_4 = arith.constant 0 : i32
    %c0_i32_5 = arith.constant 0 : i32
    return %get3A_2, %c0_i32, %c0_i32_3, %c0_i32_4 : i32, i32, i32, i32
  }
  func.func @transform_7(%arg0: i32, %arg1: memref<1024xi32, #tpu.memory_space<smem>>) -> (i32, i32, i32, i32) {
    %mul3A = arith.constant 32 : i32
    %mul3A_0 = arith.muli %arg0, %mul3A : i32
    %add3A = arith.constant 7 : i32
    %add3A_1 = arith.addi %mul3A_0, %add3A : i32
    %get3A = arith.index_cast %add3A_1 : i32 to index
    %get3A_2 = memref.load %arg1[%get3A] : memref<1024xi32, #tpu.memory_space<smem>>
    %c0_i32 = arith.constant 0 : i32
    %c0_i32_3 = arith.constant 0 : i32
    %c0_i32_4 = arith.constant 0 : i32
    %c0_i32_5 = arith.constant 0 : i32
    return %get3A_2, %c0_i32, %c0_i32_3, %c0_i32_4 : i32, i32, i32, i32
  }
  func.func @transform_8(%arg0: i32, %arg1: memref<1024xi32, #tpu.memory_space<smem>>) -> (i32, i32, i32, i32) {
    %mul3A = arith.constant 32 : i32
    %mul3A_0 = arith.muli %arg0, %mul3A : i32
    %add3A = arith.constant 8 : i32
    %add3A_1 = arith.addi %mul3A_0, %add3A : i32
    %get3A = arith.index_cast %add3A_1 : i32 to index
    %get3A_2 = memref.load %arg1[%get3A] : memref<1024xi32, #tpu.memory_space<smem>>
    %c0_i32 = arith.constant 0 : i32
    %c0_i32_3 = arith.constant 0 : i32
    %c0_i32_4 = arith.constant 0 : i32
    %c0_i32_5 = arith.constant 0 : i32
    return %get3A_2, %c0_i32, %c0_i32_3, %c0_i32_4 : i32, i32, i32, i32
  }
  func.func @transform_9(%arg0: i32, %arg1: memref<1024xi32, #tpu.memory_space<smem>>) -> (i32, i32, i32, i32) {
    %mul3A = arith.constant 32 : i32
    %mul3A_0 = arith.muli %arg0, %mul3A : i32
    %add3A = arith.constant 9 : i32
    %add3A_1 = arith.addi %mul3A_0, %add3A : i32
    %get3A = arith.index_cast %add3A_1 : i32 to index
    %get3A_2 = memref.load %arg1[%get3A] : memref<1024xi32, #tpu.memory_space<smem>>
    %c0_i32 = arith.constant 0 : i32
    %c0_i32_3 = arith.constant 0 : i32
    %c0_i32_4 = arith.constant 0 : i32
    %c0_i32_5 = arith.constant 0 : i32
    return %get3A_2, %c0_i32, %c0_i32_3, %c0_i32_4 : i32, i32, i32, i32
  }
  func.func @transform_10(%arg0: i32, %arg1: memref<1024xi32, #tpu.memory_space<smem>>) -> (i32, i32, i32, i32) {
    %mul3A = arith.constant 32 : i32
    %mul3A_0 = arith.muli %arg0, %mul3A : i32
    %add3A = arith.constant 10 : i32
    %add3A_1 = arith.addi %mul3A_0, %add3A : i32
    %get3A = arith.index_cast %add3A_1 : i32 to index
    %get3A_2 = memref.load %arg1[%get3A] : memref<1024xi32, #tpu.memory_space<smem>>
    %c0_i32 = arith.constant 0 : i32
    %c0_i32_3 = arith.constant 0 : i32
    %c0_i32_4 = arith.constant 0 : i32
    %c0_i32_5 = arith.constant 0 : i32
    return %get3A_2, %c0_i32, %c0_i32_3, %c0_i32_4 : i32, i32, i32, i32
  }
  func.func @transform_11(%arg0: i32, %arg1: memref<1024xi32, #tpu.memory_space<smem>>) -> (i32, i32, i32, i32) {
    %mul3A = arith.constant 32 : i32
    %mul3A_0 = arith.muli %arg0, %mul3A : i32
    %add3A = arith.constant 11 : i32
    %add3A_1 = arith.addi %mul3A_0, %add3A : i32
    %get3A = arith.index_cast %add3A_1 : i32 to index
    %get3A_2 = memref.load %arg1[%get3A] : memref<1024xi32, #tpu.memory_space<smem>>
    %c0_i32 = arith.constant 0 : i32
    %c0_i32_3 = arith.constant 0 : i32
    %c0_i32_4 = arith.constant 0 : i32
    %c0_i32_5 = arith.constant 0 : i32
    return %get3A_2, %c0_i32, %c0_i32_3, %c0_i32_4 : i32, i32, i32, i32
  }
  func.func @transform_12(%arg0: i32, %arg1: memref<1024xi32, #tpu.memory_space<smem>>) -> (i32, i32, i32, i32) {
    %mul3A = arith.constant 32 : i32
    %mul3A_0 = arith.muli %arg0, %mul3A : i32
    %add3A = arith.constant 12 : i32
    %add3A_1 = arith.addi %mul3A_0, %add3A : i32
    %get3A = arith.index_cast %add3A_1 : i32 to index
    %get3A_2 = memref.load %arg1[%get3A] : memref<1024xi32, #tpu.memory_space<smem>>
    %c0_i32 = arith.constant 0 : i32
    %c0_i32_3 = arith.constant 0 : i32
    %c0_i32_4 = arith.constant 0 : i32
    %c0_i32_5 = arith.constant 0 : i32
    return %get3A_2, %c0_i32, %c0_i32_3, %c0_i32_4 : i32, i32, i32, i32
  }
  func.func @transform_13(%arg0: i32, %arg1: memref<1024xi32, #tpu.memory_space<smem>>) -> (i32, i32, i32, i32) {
    %mul3A = arith.constant 32 : i32
    %mul3A_0 = arith.muli %arg0, %mul3A : i32
    %add3A = arith.constant 13 : i32
    %add3A_1 = arith.addi %mul3A_0, %add3A : i32
    %get3A = arith.index_cast %add3A_1 : i32 to index
    %get3A_2 = memref.load %arg1[%get3A] : memref<1024xi32, #tpu.memory_space<smem>>
    %c0_i32 = arith.constant 0 : i32
    %c0_i32_3 = arith.constant 0 : i32
    %c0_i32_4 = arith.constant 0 : i32
    %c0_i32_5 = arith.constant 0 : i32
    return %get3A_2, %c0_i32, %c0_i32_3, %c0_i32_4 : i32, i32, i32, i32
  }
  func.func @transform_14(%arg0: i32, %arg1: memref<1024xi32, #tpu.memory_space<smem>>) -> (i32, i32, i32, i32) {
    %mul3A = arith.constant 32 : i32
    %mul3A_0 = arith.muli %arg0, %mul3A : i32
    %add3A = arith.constant 14 : i32
    %add3A_1 = arith.addi %mul3A_0, %add3A : i32
    %get3A = arith.index_cast %add3A_1 : i32 to index
    %get3A_2 = memref.load %arg1[%get3A] : memref<1024xi32, #tpu.memory_space<smem>>
    %c0_i32 = arith.constant 0 : i32
    %c0_i32_3 = arith.constant 0 : i32
    %c0_i32_4 = arith.constant 0 : i32
    %c0_i32_5 = arith.constant 0 : i32
    return %get3A_2, %c0_i32, %c0_i32_3, %c0_i32_4 : i32, i32, i32, i32
  }
  func.func @transform_15(%arg0: i32, %arg1: memref<1024xi32, #tpu.memory_space<smem>>) -> (i32, i32, i32, i32) {
    %mul3A = arith.constant 32 : i32
    %mul3A_0 = arith.muli %arg0, %mul3A : i32
    %add3A = arith.constant 15 : i32
    %add3A_1 = arith.addi %mul3A_0, %add3A : i32
    %get3A = arith.index_cast %add3A_1 : i32 to index
    %get3A_2 = memref.load %arg1[%get3A] : memref<1024xi32, #tpu.memory_space<smem>>
    %c0_i32 = arith.constant 0 : i32
    %c0_i32_3 = arith.constant 0 : i32
    %c0_i32_4 = arith.constant 0 : i32
    %c0_i32_5 = arith.constant 0 : i32
    return %get3A_2, %c0_i32, %c0_i32_3, %c0_i32_4 : i32, i32, i32, i32
  }
  func.func @transform_16(%arg0: i32, %arg1: memref<1024xi32, #tpu.memory_space<smem>>) -> (i32, i32, i32, i32) {
    %mul3A = arith.constant 32 : i32
    %mul3A_0 = arith.muli %arg0, %mul3A : i32
    %add3A = arith.constant 16 : i32
    %add3A_1 = arith.addi %mul3A_0, %add3A : i32
    %get3A = arith.index_cast %add3A_1 : i32 to index
    %get3A_2 = memref.load %arg1[%get3A] : memref<1024xi32, #tpu.memory_space<smem>>
    %c0_i32 = arith.constant 0 : i32
    %c0_i32_3 = arith.constant 0 : i32
    %c0_i32_4 = arith.constant 0 : i32
    %c0_i32_5 = arith.constant 0 : i32
    return %get3A_2, %c0_i32, %c0_i32_3, %c0_i32_4 : i32, i32, i32, i32
  }
  func.func @transform_17(%arg0: i32, %arg1: memref<1024xi32, #tpu.memory_space<smem>>) -> (i32, i32, i32, i32) {
    %mul3A = arith.constant 32 : i32
    %mul3A_0 = arith.muli %arg0, %mul3A : i32
    %add3A = arith.constant 17 : i32
    %add3A_1 = arith.addi %mul3A_0, %add3A : i32
    %get3A = arith.index_cast %add3A_1 : i32 to index
    %get3A_2 = memref.load %arg1[%get3A] : memref<1024xi32, #tpu.memory_space<smem>>
    %c0_i32 = arith.constant 0 : i32
    %c0_i32_3 = arith.constant 0 : i32
    %c0_i32_4 = arith.constant 0 : i32
    %c0_i32_5 = arith.constant 0 : i32
    return %get3A_2, %c0_i32, %c0_i32_3, %c0_i32_4 : i32, i32, i32, i32
  }
  func.func @transform_18(%arg0: i32, %arg1: memref<1024xi32, #tpu.memory_space<smem>>) -> (i32, i32, i32, i32) {
    %mul3A = arith.constant 32 : i32
    %mul3A_0 = arith.muli %arg0, %mul3A : i32
    %add3A = arith.constant 18 : i32
    %add3A_1 = arith.addi %mul3A_0, %add3A : i32
    %get3A = arith.index_cast %add3A_1 : i32 to index
    %get3A_2 = memref.load %arg1[%get3A] : memref<1024xi32, #tpu.memory_space<smem>>
    %c0_i32 = arith.constant 0 : i32
    %c0_i32_3 = arith.constant 0 : i32
    %c0_i32_4 = arith.constant 0 : i32
    %c0_i32_5 = arith.constant 0 : i32
    return %get3A_2, %c0_i32, %c0_i32_3, %c0_i32_4 : i32, i32, i32, i32
  }
  func.func @transform_19(%arg0: i32, %arg1: memref<1024xi32, #tpu.memory_space<smem>>) -> (i32, i32, i32, i32) {
    %mul3A = arith.constant 32 : i32
    %mul3A_0 = arith.muli %arg0, %mul3A : i32
    %add3A = arith.constant 19 : i32
    %add3A_1 = arith.addi %mul3A_0, %add3A : i32
    %get3A = arith.index_cast %add3A_1 : i32 to index
    %get3A_2 = memref.load %arg1[%get3A] : memref<1024xi32, #tpu.memory_space<smem>>
    %c0_i32 = arith.constant 0 : i32
    %c0_i32_3 = arith.constant 0 : i32
    %c0_i32_4 = arith.constant 0 : i32
    %c0_i32_5 = arith.constant 0 : i32
    return %get3A_2, %c0_i32, %c0_i32_3, %c0_i32_4 : i32, i32, i32, i32
  }
  func.func @transform_20(%arg0: i32, %arg1: memref<1024xi32, #tpu.memory_space<smem>>) -> (i32, i32, i32, i32) {
    %mul3A = arith.constant 32 : i32
    %mul3A_0 = arith.muli %arg0, %mul3A : i32
    %add3A = arith.constant 20 : i32
    %add3A_1 = arith.addi %mul3A_0, %add3A : i32
    %get3A = arith.index_cast %add3A_1 : i32 to index
    %get3A_2 = memref.load %arg1[%get3A] : memref<1024xi32, #tpu.memory_space<smem>>
    %c0_i32 = arith.constant 0 : i32
    %c0_i32_3 = arith.constant 0 : i32
    %c0_i32_4 = arith.constant 0 : i32
    %c0_i32_5 = arith.constant 0 : i32
    return %get3A_2, %c0_i32, %c0_i32_3, %c0_i32_4 : i32, i32, i32, i32
  }
  func.func @transform_21(%arg0: i32, %arg1: memref<1024xi32, #tpu.memory_space<smem>>) -> (i32, i32, i32, i32) {
    %mul3A = arith.constant 32 : i32
    %mul3A_0 = arith.muli %arg0, %mul3A : i32
    %add3A = arith.constant 21 : i32
    %add3A_1 = arith.addi %mul3A_0, %add3A : i32
    %get3A = arith.index_cast %add3A_1 : i32 to index
    %get3A_2 = memref.load %arg1[%get3A] : memref<1024xi32, #tpu.memory_space<smem>>
    %c0_i32 = arith.constant 0 : i32
    %c0_i32_3 = arith.constant 0 : i32
    %c0_i32_4 = arith.constant 0 : i32
    %c0_i32_5 = arith.constant 0 : i32
    return %get3A_2, %c0_i32, %c0_i32_3, %c0_i32_4 : i32, i32, i32, i32
  }
  func.func @transform_22(%arg0: i32, %arg1: memref<1024xi32, #tpu.memory_space<smem>>) -> (i32, i32, i32, i32) {
    %mul3A = arith.constant 32 : i32
    %mul3A_0 = arith.muli %arg0, %mul3A : i32
    %add3A = arith.constant 22 : i32
    %add3A_1 = arith.addi %mul3A_0, %add3A : i32
    %get3A = arith.index_cast %add3A_1 : i32 to index
    %get3A_2 = memref.load %arg1[%get3A] : memref<1024xi32, #tpu.memory_space<smem>>
    %c0_i32 = arith.constant 0 : i32
    %c0_i32_3 = arith.constant 0 : i32
    %c0_i32_4 = arith.constant 0 : i32
    %c0_i32_5 = arith.constant 0 : i32
    return %get3A_2, %c0_i32, %c0_i32_3, %c0_i32_4 : i32, i32, i32, i32
  }
  func.func @transform_23(%arg0: i32, %arg1: memref<1024xi32, #tpu.memory_space<smem>>) -> (i32, i32, i32, i32) {
    %mul3A = arith.constant 32 : i32
    %mul3A_0 = arith.muli %arg0, %mul3A : i32
    %add3A = arith.constant 23 : i32
    %add3A_1 = arith.addi %mul3A_0, %add3A : i32
    %get3A = arith.index_cast %add3A_1 : i32 to index
    %get3A_2 = memref.load %arg1[%get3A] : memref<1024xi32, #tpu.memory_space<smem>>
    %c0_i32 = arith.constant 0 : i32
    %c0_i32_3 = arith.constant 0 : i32
    %c0_i32_4 = arith.constant 0 : i32
    %c0_i32_5 = arith.constant 0 : i32
    return %get3A_2, %c0_i32, %c0_i32_3, %c0_i32_4 : i32, i32, i32, i32
  }
  func.func @transform_24(%arg0: i32, %arg1: memref<1024xi32, #tpu.memory_space<smem>>) -> (i32, i32, i32, i32) {
    %mul3A = arith.constant 32 : i32
    %mul3A_0 = arith.muli %arg0, %mul3A : i32
    %add3A = arith.constant 24 : i32
    %add3A_1 = arith.addi %mul3A_0, %add3A : i32
    %get3A = arith.index_cast %add3A_1 : i32 to index
    %get3A_2 = memref.load %arg1[%get3A] : memref<1024xi32, #tpu.memory_space<smem>>
    %c0_i32 = arith.constant 0 : i32
    %c0_i32_3 = arith.constant 0 : i32
    %c0_i32_4 = arith.constant 0 : i32
    %c0_i32_5 = arith.constant 0 : i32
    return %get3A_2, %c0_i32, %c0_i32_3, %c0_i32_4 : i32, i32, i32, i32
  }
  func.func @transform_25(%arg0: i32, %arg1: memref<1024xi32, #tpu.memory_space<smem>>) -> (i32, i32, i32, i32) {
    %mul3A = arith.constant 32 : i32
    %mul3A_0 = arith.muli %arg0, %mul3A : i32
    %add3A = arith.constant 25 : i32
    %add3A_1 = arith.addi %mul3A_0, %add3A : i32
    %get3A = arith.index_cast %add3A_1 : i32 to index
    %get3A_2 = memref.load %arg1[%get3A] : memref<1024xi32, #tpu.memory_space<smem>>
    %c0_i32 = arith.constant 0 : i32
    %c0_i32_3 = arith.constant 0 : i32
    %c0_i32_4 = arith.constant 0 : i32
    %c0_i32_5 = arith.constant 0 : i32
    return %get3A_2, %c0_i32, %c0_i32_3, %c0_i32_4 : i32, i32, i32, i32
  }
  func.func @transform_26(%arg0: i32, %arg1: memref<1024xi32, #tpu.memory_space<smem>>) -> (i32, i32, i32, i32) {
    %mul3A = arith.constant 32 : i32
    %mul3A_0 = arith.muli %arg0, %mul3A : i32
    %add3A = arith.constant 26 : i32
    %add3A_1 = arith.addi %mul3A_0, %add3A : i32
    %get3A = arith.index_cast %add3A_1 : i32 to index
    %get3A_2 = memref.load %arg1[%get3A] : memref<1024xi32, #tpu.memory_space<smem>>
    %c0_i32 = arith.constant 0 : i32
    %c0_i32_3 = arith.constant 0 : i32
    %c0_i32_4 = arith.constant 0 : i32
    %c0_i32_5 = arith.constant 0 : i32
    return %get3A_2, %c0_i32, %c0_i32_3, %c0_i32_4 : i32, i32, i32, i32
  }
  func.func @transform_27(%arg0: i32, %arg1: memref<1024xi32, #tpu.memory_space<smem>>) -> (i32, i32, i32, i32) {
    %mul3A = arith.constant 32 : i32
    %mul3A_0 = arith.muli %arg0, %mul3A : i32
    %add3A = arith.constant 27 : i32
    %add3A_1 = arith.addi %mul3A_0, %add3A : i32
    %get3A = arith.index_cast %add3A_1 : i32 to index
    %get3A_2 = memref.load %arg1[%get3A] : memref<1024xi32, #tpu.memory_space<smem>>
    %c0_i32 = arith.constant 0 : i32
    %c0_i32_3 = arith.constant 0 : i32
    %c0_i32_4 = arith.constant 0 : i32
    %c0_i32_5 = arith.constant 0 : i32
    return %get3A_2, %c0_i32, %c0_i32_3, %c0_i32_4 : i32, i32, i32, i32
  }
  func.func @transform_28(%arg0: i32, %arg1: memref<1024xi32, #tpu.memory_space<smem>>) -> (i32, i32, i32, i32) {
    %mul3A = arith.constant 32 : i32
    %mul3A_0 = arith.muli %arg0, %mul3A : i32
    %add3A = arith.constant 28 : i32
    %add3A_1 = arith.addi %mul3A_0, %add3A : i32
    %get3A = arith.index_cast %add3A_1 : i32 to index
    %get3A_2 = memref.load %arg1[%get3A] : memref<1024xi32, #tpu.memory_space<smem>>
    %c0_i32 = arith.constant 0 : i32
    %c0_i32_3 = arith.constant 0 : i32
    %c0_i32_4 = arith.constant 0 : i32
    %c0_i32_5 = arith.constant 0 : i32
    return %get3A_2, %c0_i32, %c0_i32_3, %c0_i32_4 : i32, i32, i32, i32
  }
  func.func @transform_29(%arg0: i32, %arg1: memref<1024xi32, #tpu.memory_space<smem>>) -> (i32, i32, i32, i32) {
    %mul3A = arith.constant 32 : i32
    %mul3A_0 = arith.muli %arg0, %mul3A : i32
    %add3A = arith.constant 29 : i32
    %add3A_1 = arith.addi %mul3A_0, %add3A : i32
    %get3A = arith.index_cast %add3A_1 : i32 to index
    %get3A_2 = memref.load %arg1[%get3A] : memref<1024xi32, #tpu.memory_space<smem>>
    %c0_i32 = arith.constant 0 : i32
    %c0_i32_3 = arith.constant 0 : i32
    %c0_i32_4 = arith.constant 0 : i32
    %c0_i32_5 = arith.constant 0 : i32
    return %get3A_2, %c0_i32, %c0_i32_3, %c0_i32_4 : i32, i32, i32, i32
  }
  func.func @transform_30(%arg0: i32, %arg1: memref<1024xi32, #tpu.memory_space<smem>>) -> (i32, i32, i32, i32) {
    %mul3A = arith.constant 32 : i32
    %mul3A_0 = arith.muli %arg0, %mul3A : i32
    %add3A = arith.constant 30 : i32
    %add3A_1 = arith.addi %mul3A_0, %add3A : i32
    %get3A = arith.index_cast %add3A_1 : i32 to index
    %get3A_2 = memref.load %arg1[%get3A] : memref<1024xi32, #tpu.memory_space<smem>>
    %c0_i32 = arith.constant 0 : i32
    %c0_i32_3 = arith.constant 0 : i32
    %c0_i32_4 = arith.constant 0 : i32
    %c0_i32_5 = arith.constant 0 : i32
    return %get3A_2, %c0_i32, %c0_i32_3, %c0_i32_4 : i32, i32, i32, i32
  }
  func.func @transform_31(%arg0: i32, %arg1: memref<1024xi32, #tpu.memory_space<smem>>) -> (i32, i32, i32, i32) {
    %mul3A = arith.constant 32 : i32
    %mul3A_0 = arith.muli %arg0, %mul3A : i32
    %add3A = arith.constant 31 : i32
    %add3A_1 = arith.addi %mul3A_0, %add3A : i32
    %get3A = arith.index_cast %add3A_1 : i32 to index
    %get3A_2 = memref.load %arg1[%get3A] : memref<1024xi32, #tpu.memory_space<smem>>
    %c0_i32 = arith.constant 0 : i32
    %c0_i32_3 = arith.constant 0 : i32
    %c0_i32_4 = arith.constant 0 : i32
    %c0_i32_5 = arith.constant 0 : i32
    return %get3A_2, %c0_i32, %c0_i32_3, %c0_i32_4 : i32, i32, i32, i32
  }
  func.func @transform_32(%arg0: i32, %arg1: memref<1024xi32, #tpu.memory_space<smem>>) -> (i32, i32, i32, i32) {
    %min3A = arith.constant 0 : i32
    %min3A_0 = arith.minsi %arg0, %min3A : i32
    %c0_i32 = arith.constant 0 : i32
    %c0_i32_1 = arith.constant 0 : i32
    %c0_i32_2 = arith.constant 0 : i32
    %c0_i32_3 = arith.constant 0 : i32
    return %min3A_0, %c0_i32, %c0_i32_1, %c0_i32_2 : i32, i32, i32, i32
  }
  func.func @transform_33(%arg0: i32, %arg1: memref<1024xi32, #tpu.memory_space<smem>>) -> (i32, i32, i32, i32) {
    %c0_i32 = arith.constant 0 : i32
    %c0_i32_0 = arith.constant 0 : i32
    %c0_i32_1 = arith.constant 0 : i32
    %c0_i32_2 = arith.constant 0 : i32
    return %arg0, %c0_i32, %c0_i32_0, %c0_i32_1 : i32, i32, i32, i32
  }
  func.func @transform_34(%arg0: i32, %arg1: memref<1024xi32, #tpu.memory_space<smem>>) -> (i32, i32, i32, i32) {
    %min3A = arith.constant 0 : i32
    %min3A_0 = arith.minsi %arg0, %min3A : i32
    %c0_i32 = arith.constant 0 : i32
    %c0_i32_1 = arith.constant 0 : i32
    %c0_i32_2 = arith.constant 0 : i32
    %c0_i32_3 = arith.constant 0 : i32
    return %min3A_0, %c0_i32, %c0_i32_1, %c0_i32_2 : i32, i32, i32, i32
  }
}

</mosaic_0001>

<sc_bundles>
// kernel: kernel.4.cloned.1.call-start
scs
__scs_entry_jumppad:
0x0: {  	(pc) =	sbr.rel $0x88, $3  }
0x1: {  	(tag) =	ssettag $0x0;
	lr =	simm.s32 $0x1  }
0x2: {  	[smem:$0x3F9D] =	sst lr;
	_ =	strace $0xD0000000  }
0x3: {  	_ = 	snop  }
0x4: {  	_ = 	snop  }
0x5: {  	_ = 	snop  }
0x6: {  	_ = 	snop  }
0x7: {  	_ = 	snop  }
__scs_overlays_trampoline_lowered:
0x8: {  	[smem:$0x3FAC] =	sst s0  }
0x9: {  	[smem:$0x3FAD] =	sst s1  }
0xa: {  	[smem:$0x3FAE] =	sst s2  }
0xb: {  	[smem:$0x3FAF] =	sst s3  }
0xc: {  	[smem:$0x3FB0] =	sst s4  }
0xd: {  	[smem:$0x3FB1] =	sst s5  }
0xe: {  	[smem:$0x3FB2] =	sst s6  }
0xf: {  	[smem:$0x3FB3] =	sst s7  }
0x10: {  	[smem:$0x3FB4] =	sst s8  }
0x11: {  	[smem:$0x3FB5] =	sst s9;
	s0 =	simm.s32 @!p0 $0x0  }
0x12: {  	s1 =	sld [smem:$0x3F9B];
	s0 =	simm.s32 @p0 $0x1  }
0x13: {  	[smem:$0x3FB6] =	sst s0;
	s0 =	simm.s32 @!p1 $0x0  }
0x14: {  	s2 =	sld [smem:$0x3F9A];
	s0 =	simm.s32 @p1 $0x1  }
0x15: {  	[smem:$0x3FB7] =	sst s0;
	s0 =	simm.s32 @!p2 $0x0  }
0x16: {  	s3 =	sld [smem:$0x3FDB];
	s0 =	simm.s32 @p2 $0x1  }
0x17: {  	s4 =	simm.s32 $0x1BF5;
	[smem:$0x3FB9] =	sst s0  }
0x18: {  	s0 =	sld [smem:$0x3F9C];
	_ =	swait.ge [sflag:s4], $0x0  }
0x19: {  	s7 =	sld [smem:$0x3F9D]  }
0x1a: {  	s8 =	sadd.s32 $0xFFFFE003, lr  }
0x1b: {  	s9 =	sadd.s32 $0xFFFFFEF7, lr;
	s5 =	simm.s32 $0xFFFFFFFF;
	p2 =	slt.u32 s8, $0xFFFFF086  }
0x1c: {  	p1 =	slt.u32 s9, $0xF7A;
	s5 =	simm.s32 @!p2 $0x0  }
0x1d: {  	s5 =	simm.s32 @p1 $0x1;
	p0 =	seq.s32 s7, s2  }
0x1e: {  	s7 =	smul.u32 @!p0 $0xF7A, s2;
	p2 =	seq.s32 @!p0 s5, $0x0  }
0x1f: {  	s9 =	smul.u32 $0xF7A, s1;
	s8 =	simm.s32 @!p0 $0x1BF5;
	p2 =	por !p2, p0  }
0x20: {  	[sflag:s8] =	ssyncset.s32 @!p0 $0xFFFFF086;
	s6 =	sadd.s32 @!p0 s3, s7;
	s7 =	simm.s32 @!p0 $0x108  }
0x21: {  	s3 =	sadd.s32 s3, s9;
	s6 =	sadd.s32 @!p0 $0x88, s6;
	s7 =	simm.s32 @p2 $0x1082  }
0x22: {  	[simem:s7], [sflag:s8] =	dma.local @!p0 [hbm:s6], $0xF7A  }
0x23: {  	s9 =	sor.u32 $0xD0000000, s2;
	s6 =	simm.s32 $0x108;
	_ =	swait.ge @!p0 [sflag:s8], $0x0  }
0x24: {  	s3 =	sadd.s32 $0x88, s3;
	s6 =	simm.s32 @!p1 $0x1082;
	[sflag:s4] =	ssyncset.s32 $0xFFFFF086  }
0x25: {  	[simem:s6], [sflag:s4] =	dma.local [hbm:s3], $0xF7A  }
0x26: {  	[smem:$0x3F9D] =	sst s1;
	(tag) =	ssettag s2;
	_ =	strace s9  }
0x27: {  	s1 =	sld [smem:$0x3FAD]  }
0x28: {  	s2 =	sld [smem:$0x3FAE]  }
0x29: {  	s4 =	sld [smem:$0x3FB0]  }
0x2a: {  	p0 =	seq.s32 s5, $0x0;
	s5 =	sld [smem:$0x3FB1]  }
0x2b: {  	s6 =	sld [smem:$0x3FB2]  }
0x2c: {  	s7 =	sld [smem:$0x3FB3]  }
0x2d: {  	s3 =	simm.s32 $0x108;
	s8 =	sld [smem:$0x3FB4]  }
0x2e: {  	s3 =	simm.s32 @!p0 $0x1082;
	s9 =	sld [smem:$0x3FB5]  }
0x2f: {  	lr =	sadd.s32 s0, s3;
	s0 =	sld [smem:$0x3FAC]  }
0x30: {  	s3 =	sld [smem:$0x3FAF]  }
0x31: {  	[smem:$0x3FB8] =	sst s10  }
0x32: {  	s10 =	sld [smem:$0x3FB6];
	_ =	sdelay $0x3  }
0x33: {  	p0 =	seq.s32 s10, $0x1;
	s10 =	sld [smem:$0x3FB8];
	_ =	sdelay $0x3  }
0x34: {  	[smem:$0x3FB8] =	sst s10  }
0x35: {  	s10 =	sld [smem:$0x3FB7];
	_ =	sdelay $0x3  }
0x36: {  	p1 =	seq.s32 s10, $0x1;
	s10 =	sld [smem:$0x3FB8];
	_ =	sdelay $0x3  }
0x37: {  	[smem:$0x3FB8] =	sst s10  }
0x38: {  	s10 =	sld [smem:$0x3FB9]  }
0x39: {  	_ = 	snop;
	(pc) =	sbr.ind lr, $3  }
0x3a: {  	_ = 	snop  }
0x3b: {  	_ = 	snop  }
0x3c: {  	p2 =	seq.s32 s10, $0x1;
	s10 =	sld [smem:$0x3FB8]  }
0x3d: {  	_ =	shalt  }
0x3e: {  	_ =	shalt  }
0x3f: {  	_ =	shalt  }
0x40: {  	_ =	shalt  }
0x41: {  	_ =	shalt  }
0x42: {  	_ =	shalt  }
0x43: {  	_ =	shalt  }
0x44: {  	_ =	shalt  }
0x45: {  	_ =	shalt  }
0x46: {  	_ =	shalt  }
0x47: {  	_ =	shalt  }
0x48: {  	_ =	shalt  }
0x49: {  	_ =	shalt  }
0x4a: {  	_ =	shalt  }
0x4b: {  	_ =	shalt  }
0x4c: {  	_ =	shalt  }
0x4d: {  	_ =	shalt  }
0x4e: {  	_ =	shalt  }
0x4f: {  	_ =	shalt  }
0x50: {  	_ =	shalt  }
0x51: {  	_ =	shalt  }
0x52: {  	_ =	shalt  }
0x53: {  	_ =	shalt  }
0x54: {  	_ =	shalt  }
0x55: {  	_ =	shalt  }
0x56: {  	_ =	shalt  }
0x57: {  	_ =	shalt  }
0x58: {  	_ =	shalt  }
0x59: {  	_ =	shalt  }
0x5a: {  	_ =	shalt  }
0x5b: {  	_ =	shalt  }
0x5c: {  	_ =	shalt  }
0x5d: {  	_ =	shalt  }
0x5e: {  	_ =	shalt  }
0x5f: {  	_ =	shalt  }
0x60: {  	_ =	shalt  }
0x61: {  	_ =	shalt  }
0x62: {  	_ =	shalt  }
0x63: {  	_ =	shalt  }
0x64: {  	_ =	shalt  }
0x65: {  	_ =	shalt  }
0x66: {  	_ =	shalt  }
0x67: {  	_ =	shalt  }
0x68: {  	_ =	shalt  }
0x69: {  	_ =	shalt  }
0x6a: {  	_ =	shalt  }
0x6b: {  	_ =	shalt  }
0x6c: {  	_ =	shalt  }
0x6d: {  	_ =	shalt  }
0x6e: {  	_ =	shalt  }
0x6f: {  	_ =	shalt  }
0x70: {  	_ =	shalt  }
0x71: {  	_ =	shalt  }
0x72: {  	_ =	shalt  }
0x73: {  	_ =	shalt  }
0x74: {  	_ =	shalt  }
0x75: {  	_ =	shalt  }
0x76: {  	_ =	shalt  }
0x77: {  	_ =	shalt  }
0x78: {  	_ =	shalt  }
0x79: {  	_ =	shalt  }
0x7a: {  	_ =	shalt  }
0x7b: {  	_ =	shalt  }
0x7c: {  	_ =	shalt  }
0x7d: {  	_ =	shalt  }
0x7e: {  	_ =	shalt  }
0x7f: {  	_ =	shalt  }
0x80: {  	_ =	shalt  }
0x81: {  	_ =	shalt  }
0x82: {  	_ =	shalt  }
0x83: {  	_ =	shalt  }
0x84: {  	_ =	shalt  }
0x85: {  	_ =	shalt  }
0x86: {  	_ =	shalt  }
0x87: {  	_ =	shalt  }
.Lfunc_end0:
.L_simem_size_0:
called_computation_lowered:
.L_overlay_start_0:
0x88: {  	s2 =	sld [smem:$0x3FD9]  }
0x89: {  	s3 =	sld [smem:$0x3FFE];
	_ =	sdelay $0x1  }
0x8a: {  	s1 =	srdreg.scid  }
0x8b: {  	s0 =	sand.u32 $0x1, s1  }
0x8c: {  	s14 =	sshll.u32 s0, $0xA;
	s2 =	sadd.s32 s3, s2  }
0x8d: {  	s2 =	sadd.s32 s2, s14  }
0x8e: {  	[smem:$0x3FC4] =	sst s2  }
0x8f: {  	_ = 	snop  }
0x90: {  	s2 =	sld [smem:$0x3FD0];
	_ =	sdelay $0x1  }
0x91: {  	s15 =	sld [smem:$0x3FC8]  }
0x92: {  	s5 =	simm.s32 $0xA;
	s6 =	simm.s32 $0x10;
	s4 =	sld [smem:$0x3FC6]  }
0x93: {  	[smem:s6], [sflag:s5] =	dma.local [hbm:s2], $0x1  }
0x94: {  	_ =	swait.eq [sflag:s5], $0x1  }
0x95: {  	[sflag:s5] =	ssyncset.done $0x0  }
0x96: {  	s16 =	sld [smem:$0x11];
	[sflag:s5] =	ssyncadd.s32 $0xFFFFFFFF  }
0x97: {  	s17 =	sld [smem:$0x13];
	(tm) =	ssettm $0x1  }
0x98: {  	s18 =	sld [smem:$0x3FFB];
	_ =	sdelay $0x3  }
0x99: {  	_ =	strace s18  }
0x9a: {  	s6 =	sld [smem:$0x3FFC];
	_ =	sdelay $0x3  }
0x9b: {  	_ =	strace s6  }
0x9c: {  	s6 =	sld [smem:$0x3FFD];
	_ =	sdelay $0x3  }
0x9d: {  	_ =	strace s6  }
0x9e: {  	_ =	strace $0x8FFFFFFF  }
0x9f: {  	s19 =	sld [smem:$0x3FDB];
	_ =	sdelay $0x1  }
0xa0: {  	s7 =	simm.s32 $_scs_section_size  }
0xa1: {  	s8 =	simm.s32 $_size__tile_overlayer_lowered;
	s9 =	simm.s32 $_tile_overlayer_lowered  }
0xa2: {  	s22 =	simm.s32 $0x1BFF;
	s21 =	sshll.u32 s9, $0x1;
	s6 =	sadd.s32 s7, s19  }
0xa3: {  	s10 =	simm.s32 $0x0;
	s20 =	sshll.u32 s8, $0x1;
	s8 =	sadd.s32 s21, s6  }
0xa4: {  	[timem:s10], [sflag:s22] =	dma.local [hbm:s8], s20  }
0xa5: {  	_ =	swait.ge [sflag:s22], s20  }
0xa6: {  	s7 =	ssub.s32 $0x0, s20;
	[sflag:s22] =	ssyncset.done $0x0  }
0xa7: {  	[sflag:s22] =	ssyncadd.s32 s7;
	_ =	sdelay $0x1  }
0xa8: {  	s23 =	simm.s32 $0x1B8B  }
0xa9: {  	_ =	swait.ge [sflag:s23], $0x1  }
0xaa: {  	[sflag:s23] =	ssyncset.done $0x0  }
0xab: {  	s25 =	simm.s32 $0x1B8E;
	s24 =	sld [smem:$0x3FFE];
	[sflag:s23] =	ssyncadd.s32 $0xFFFFFFFF  }
0xac: {  	s26 =	simm.s32 $execute0_lowered;
	[smem:$0x3FD2] =	sst s25  }
0xad: {  	s8 =	sshll.u32 s26, $0x1;
	_ =	strace $0x80000046;
	[dreg:$0x1] =	wrdreg $0xFFFFFFFF  }
0xae: {  	s28 =	simm.s32 $_size_execute0_lowered;
	s6 =	sadd.s32 s6, s8;
	[dreg:$0x0] =	wrdreg $0x0  }
0xaf: {  	s8 =	sshll.u32 s28, $0x1;
	[dreg:$0x2] =	wrdreg s6  }
0xb0: {  	[dreg:$0x3] =	wrdreg s8  }
0xb1: {  	[dreg:$0x4] =	wrdreg $0xC0  }
0xb2: {  	_ =	task [dreg:s10], $0x5FFFF  }
0xb3: {  	[dreg:$0x1] =	wrdreg $0xFFFFFFFF  }
0xb4: {  	[dreg:$0x0] =	wrdreg $0x60  }
0xb5: {  	[dreg:$0x2] =	wrdreg s15  }
0xb6: {  	[dreg:$0x3] =	wrdreg s4  }
0xb7: {  	[dreg:$0x4] =	wrdreg s24  }
0xb8: {  	[dreg:$0x5] =	wrdreg s16  }
0xb9: {  	[dreg:$0x6] =	wrdreg s17  }
0xba: {  	[dreg:$0x7] =	wrdreg $0x9  }
0xbb: {  	_ =	task.clear_ibuf [dreg:s10], $0x8FFFF;
	_ =	strace $0x90000046  }
0xbc: {  	s29 =	simm.s32 $0x9;
	_ =	strace $0x80000048  }
0xbd: {  	_ =	swait.ge [sflag:s29], $0x1  }
0xbe: {  	[sflag:s29] =	ssyncadd.s32 $0xFFFFFFFF  }
0xbf: {  	_ =	strace $0x90000048  }
0xc0: {  	_ =	sfence  }
0xc1: {  	s30 =	sld [smem:$0x0];
	_ =	sdelay $0x2  }
0xc2: {  	s31 =	sshll.u32 s1, $0xD;
	s1 =	sshrl.u32 s1, $0x2  }
0xc3: {  	s3 =	sand.u32 $0x4000, s31;
	s1 =	sadd.s32 s1, s30  }
0xc4: {  	s0 =	sor.u32 s3, s0;
	s1 =	sshll.u32 s1, $0x11  }
0xc5: {  	s0 =	sor.u32 s1, s0  }
0xc6: {  	s0 =	sadd.s32 $0x8F2B, s0  }
0xc7: {  	[sflag:s0] =	ssyncadd.remote.s32 $0x1  }
0xc8: {  	_ =	sfence.sel $0xFFFF  }
0xc9: {  	[dreg:$0x0] =	wrdreg $0xFFFFFFFF;
	(pc) =	sbr.abs _section_cstart, $3  }
0xca: {  	[dreg:$0x1] =	wrdreg $0xFFFFFFFF  }
0xcb: {  	_ =	task.clear_ibuf [dreg:s10], $0x2FFFF;
	_ =	strace $0x9FFFFFFF  }
0xcc: {  	(tm) =	ssettm $0x7FFFFFFF  }
0xcd: {  	_ =	shalt  }
tec
execute0_lowered:
.L_overlay_start_1:
0x0: {  	(tag) =	ssettag $0x1  }
0x1: {  	s1 =	rddreg [dreg:$0x0]  }
0x2: {  	s10 =	rddreg [dreg:$0x1]  }
0x3: {  	s0 =	rddreg [dreg:$0x2]  }
0x4: {  	s8 =	rddreg [dreg:$0x3]  }
0x5: {  	s2 =	srdreg.scid;
	s13 =	rddreg [dreg:$0x4];
	s6 =	simm.s32 $0x0  }
0x6: {  	s3 =	stileid.u32;
	[smem:$0x7FF] =	sst s6;
	s22 =	sadd.s32 $0x1000, s13  }
0x7: {  	s5 =	sadd.s32 $0x2000, s13;
	_ =	strace $0x80000047;
	[dreg:$0x7] =	wrdreg s22  }
0x8: {  	s28 =	simm.s32 $0x8180;
	s23 =	sadd.s32 $0x3000, s13;
	[dreg:$0x8] =	wrdreg s5  }
0x9: {  	s29 =	simm.s32 $0x1;
	s24 =	sadd.s32 $0x4000, s13;
	[dreg:$0x9] =	wrdreg s23  }
0xa: {  	s2 =	sand.u32 $0x1, s2;
	s25 =	sadd.s32 $0x5000, s13;
	[dreg:$0xa] =	wrdreg s24  }
0xb: {  	s3 =	sshll.u32 s3, $0x1;
	s26 =	sadd.s32 $0x6000, s13;
	[dreg:$0xb] =	wrdreg s25  }
0xc: {  	s9 =	sadd.s32 $0x8000, s13;
	s15 =	sadd.s32 $0x9000, s13;
	[dreg:$0xc] =	wrdreg s26  }
0xd: {  	s16 =	sadd.s32 $0xA000, s13;
	s19 =	sadd.s32 $0xB000, s13;
	[dreg:$0xe] =	wrdreg s9  }
0xe: {  	s3 =	sor.u32 s2, s3;
	s2 =	ssub.s32 $0x2, s2;
	[dreg:$0xf] =	wrdreg s15  }
0xf: {  	[dreg:$0x10] =	wrdreg s16;
	s4 =	smul.u32 $0x22, s3;
	s20 =	sshrl.u32 s2, $0x1  }
0x10: {  	[dreg:$0x11] =	wrdreg s19;
	p0 =	sne.s32 s3, $0x0;
	s2 =	ssub.s32 s2, s20  }
0x11: {  	s0 =	sadd.s32 s4, s0;
	s4 =	sshll.u32 s3, $0x10;
	s3 =	sshll.u32 s3, $0xB  }
0x12: {  	s7 =	sadd.s32 $0xE00, s0;
	s21 =	sadd.s32 s13, s4;
	s11 =	sadd.s32 s4, s22  }
0x13: {  	s12 =	sadd.s32 s4, s5;
	s14 =	sadd.s32 s4, s23;
	s17 =	sadd.s32 s4, s24  }
0x14: {  	s18 =	sadd.s32 s4, s25;
	s5 =	sadd.s32 $0x7000, s13;
	[dreg:$0x6] =	wrdreg s21  }
0x15: {  	s20 =	sadd.s32 s4, s26;
	s22 =	sadd.s32 $0xD000, s13;
	[dreg:$0xd] =	wrdreg s5  }
0x16: {  	s26 =	sadd.s32 s4, s15;
	s15 =	sadd.s32 $0xE000, s13;
	[dreg:$0x13] =	wrdreg s22  }
0x17: {  	s24 =	sadd.s32 s4, s9;
	s25 =	sadd.s32 $0x1000, s10;
	[dreg:$0x14] =	wrdreg s15  }
0x18: {  	s8 =	sadd.s32 s8, s3;
	s3 =	sadd.s32 $0x2000, s10;
	[dreg:$0x16] =	wrdreg s25  }
0x19: {  	s31 =	sadd.s32 s4, s19;
	s19 =	sadd.s32 $0x5000, s10;
	[dreg:$0x17] =	wrdreg s3  }
0x1a: {  	s30 =	sadd.s32 s4, s16;
	s21 =	sadd.s32 $0xC000, s13;
	[dreg:$0x1a] =	wrdreg s19  }
0x1b: {  	s23 =	sadd.s32 s4, s5;
	s13 =	sadd.s32 $0xF000, s13;
	[dreg:$0x12] =	wrdreg s21  }
0x1c: {  	s5 =	sadd.s32 s4, s15;
	s15 =	sadd.s32 $0x4000, s10;
	[dreg:$0x15] =	wrdreg s13  }
0x1d: {  	s9 =	sadd.s32 s4, s22;
	s22 =	sadd.s32 $0x7000, s10;
	[dreg:$0x19] =	wrdreg s15  }
0x1e: {  	s16 =	smax.u32 s2, $0x1;
	s25 =	sadd.s32 $0x8000, s10;
	[dreg:$0x1c] =	wrdreg s22  }
0x1f: {  	s2 =	simm.s32 $0x3;
	s3 =	sadd.s32 $0x9000, s10;
	[dreg:$0x1d] =	wrdreg s25  }
0x20: {  	s19 =	sadd.s32 $0xC000, s10;
	s0 =	sadd.s32 s4, s21;
	[dreg:$0x1e] =	wrdreg s3  }
0x21: {  	s13 =	sadd.s32 s4, s13;
	s4 =	sadd.s32 $0x3000, s10;
	[smem:$0x7FA] =	sst s19  }
0x22: {  	s21 =	sadd.s32 $0x6000, s10;
	s15 =	sadd.s32 $0xB000, s10;
	[dreg:$0x18] =	wrdreg s4  }
0x23: {  	s22 =	sadd.s32 $0xE000, s10;
	s25 =	sadd.s32 $0xF000, s10;
	[dreg:$0x1b] =	wrdreg s21  }
.Ltmp0:
0x24: {  	s19 =	simm.s32 $0x10180;
	[smem:$0x7F9] =	sst s15;
	(pc) =	sbr.rel .LBB2_1-.Ltmp0, $4  }
0x25: {  	s3 =	simm.s32 $0x2;
	s4 =	sadd.s32 $0xA000, s10;
	[smem:$0x7FC] =	sst s22  }
0x26: {  	s21 =	sadd.s32 $0xD000, s10;
	[smem:$0x7FD] =	sst s25;
	s22 =	simm.s32 $0x7  }
0x27: {  	s25 =	simm.s32 $0x4;
	s10 =	simm.s32 $0x6;
	[dreg:$0x1f] =	wrdreg s4  }
0x28: {  	vm0 =	vmmov $0x1;
	v0 =	vlaneseq.u32;
	vm1 =	vmmov $0x3;
	[smem:$0x7FB] =	sst s21;
	s21 =	simm.s32 $0x180;
	s4 =	simm.s32 $0x5  }
.LBB2_3:
0x29: {  	v1 =	vld.msk [tilespmem:$0x0], $0x3;
	_ =	sdelay $0x4  }
0x2a: {  	v1 =	vshll.u32 v1, $0xE  }
0x2b: {  	v1 =	vperm.xlane v1, v0;
	_ =	sdelay $0x5  }
0x2c: {  	[tilespmem:s21], [sflag:$0x1] =	stream.indirect_vreg.gather [hbm4b:s1+s6], $0x4000, v1, vm1, $0x38;
	[tilespmem:$0x18180] =	vst v63  }
0x2d: {  	v1 =	vld.msk [tilespmem:$0x10], $0x3;
	_ =	sdelay $0x4  }
0x2e: {  	v1 =	vshll.u32 v1, $0xE  }
0x2f: {  	v1 =	vperm.xlane v1, v0;
	_ =	sdelay $0x5  }
0x30: {  	[tilespmem:s28], [sflag:$0x2] =	stream.indirect_vreg.gather [hbm4b:s1+s6], $0x4000, v1, vm1, $0x38;
	[tilespmem:$0x18180] =	vst v63  }
0x31: {  	v1 =	vld.msk [tilespmem:$0x20], $0x3;
	_ =	sdelay $0x4  }
0x32: {  	v1 =	vshll.u32 v1, $0xE  }
0x33: {  	v1 =	vperm.xlane v1, v0;
	_ =	sdelay $0x5  }
0x34: {  	[tilespmem:s19], [sflag:$0x3] =	stream.indirect_vreg.gather [hbm4b:s1+s6], $0x4000, v1, vm1, $0x38;
	[tilespmem:$0x18180] =	vst v63  }
0x35: {  	_ =	swait.ge [sflag:s29], $0x8000  }
0x36: {  	[sflag:s29] =	ssyncset.done $0x0  }
0x37: {  	s15 =	rddreg [dreg:$0x6];
	[sflag:s29] =	ssyncadd.s32 $0xFFFF8000  }
0x38: {  	[hbm4b:s15+s6] =	stream.linear.scatter [tilespmem:s21], [sflag:$0x4], $0x8000, $0x38;
	[tilespmem:$0x18180] =	vst v63  }
0x39: {  	_ =	swait.ge [sflag:s25], $0x8000  }
0x3a: {  	[sflag:s25] =	ssyncset.done $0x0  }
0x3b: {  	[sflag:s25] =	ssyncadd.s32 $0xFFFF8000  }
0x3c: {  	v1 =	vld.msk [tilespmem:$0x30], $0x3;
	_ =	sdelay $0x4  }
0x3d: {  	v1 =	vshll.u32 v1, $0xE  }
0x3e: {  	v1 =	vperm.xlane v1, v0;
	_ =	sdelay $0x5  }
0x3f: {  	[tilespmem:s21], [sflag:$0x1] =	stream.indirect_vreg.gather [hbm4b:s1+s6], $0x4000, v1, vm1, $0x38;
	[tilespmem:$0x18180] =	vst v63  }
0x40: {  	_ =	swait.ge [sflag:s3], $0x8000  }
0x41: {  	[sflag:s3] =	ssyncset.done $0x0  }
0x42: {  	[sflag:s3] =	ssyncadd.s32 $0xFFFF8000  }
0x43: {  	[hbm4b:s11+s6] =	stream.linear.scatter [tilespmem:s28], [sflag:$0x5], $0x8000, $0x38;
	[tilespmem:$0x18180] =	vst v63  }
0x44: {  	_ =	swait.ge [sflag:s4], $0x8000  }
0x45: {  	[sflag:s4] =	ssyncset.done $0x0  }
0x46: {  	[sflag:s4] =	ssyncadd.s32 $0xFFFF8000  }
0x47: {  	v1 =	vld.msk [tilespmem:$0x40], $0x3;
	_ =	sdelay $0x4  }
0x48: {  	v1 =	vshll.u32 v1, $0xE  }
0x49: {  	v1 =	vperm.xlane v1, v0;
	_ =	sdelay $0x5  }
0x4a: {  	[tilespmem:s28], [sflag:$0x2] =	stream.indirect_vreg.gather [hbm4b:s1+s6], $0x4000, v1, vm1, $0x38;
	[tilespmem:$0x18180] =	vst v63  }
0x4b: {  	_ =	swait.ge [sflag:s2], $0x8000  }
0x4c: {  	[sflag:s2] =	ssyncset.done $0x0  }
0x4d: {  	[sflag:s2] =	ssyncadd.s32 $0xFFFF8000  }
0x4e: {  	[hbm4b:s12+s6] =	stream.linear.scatter [tilespmem:s19], [sflag:$0x6], $0x8000, $0x38;
	[tilespmem:$0x18180] =	vst v63  }
0x4f: {  	_ =	swait.ge [sflag:s10], $0x8000  }
0x50: {  	[sflag:s10] =	ssyncset.done $0x0  }
0x51: {  	[sflag:s10] =	ssyncadd.s32 $0xFFFF8000  }
0x52: {  	v1 =	vld.msk [tilespmem:$0x50], $0x3;
	_ =	sdelay $0x4  }
0x53: {  	v1 =	vshll.u32 v1, $0xE  }
0x54: {  	v1 =	vperm.xlane v1, v0;
	_ =	sdelay $0x5  }
0x55: {  	[tilespmem:s19], [sflag:$0x3] =	stream.indirect_vreg.gather [hbm4b:s1+s6], $0x4000, v1, vm1, $0x38;
	[tilespmem:$0x18180] =	vst v63  }
0x56: {  	_ =	swait.ge [sflag:s29], $0x8000  }
0x57: {  	[sflag:s29] =	ssyncset.done $0x0  }
0x58: {  	[sflag:s29] =	ssyncadd.s32 $0xFFFF8000  }
0x59: {  	[hbm4b:s14+s6] =	stream.linear.scatter [tilespmem:s21], [sflag:$0x4], $0x8000, $0x38;
	[tilespmem:$0x18180] =	vst v63  }
0x5a: {  	_ =	swait.ge [sflag:s25], $0x8000  }
0x5b: {  	[sflag:s25] =	ssyncset.done $0x0  }
0x5c: {  	[sflag:s25] =	ssyncadd.s32 $0xFFFF8000  }
0x5d: {  	v1 =	vld.msk [tilespmem:$0x60], $0x3;
	_ =	sdelay $0x4  }
0x5e: {  	v1 =	vshll.u32 v1, $0xE  }
0x5f: {  	v1 =	vperm.xlane v1, v0;
	_ =	sdelay $0x5  }
0x60: {  	[tilespmem:s21], [sflag:$0x1] =	stream.indirect_vreg.gather [hbm4b:s1+s6], $0x4000, v1, vm1, $0x38;
	[tilespmem:$0x18180] =	vst v63  }
0x61: {  	_ =	swait.ge [sflag:s3], $0x8000  }
0x62: {  	[sflag:s3] =	ssyncset.done $0x0  }
0x63: {  	[sflag:s3] =	ssyncadd.s32 $0xFFFF8000  }
0x64: {  	[hbm4b:s17+s6] =	stream.linear.scatter [tilespmem:s28], [sflag:$0x5], $0x8000, $0x38;
	[tilespmem:$0x18180] =	vst v63  }
0x65: {  	_ =	swait.ge [sflag:s4], $0x8000  }
0x66: {  	[sflag:s4] =	ssyncset.done $0x0  }
0x67: {  	[sflag:s4] =	ssyncadd.s32 $0xFFFF8000  }
0x68: {  	v1 =	vld.msk [tilespmem:$0x70], $0x3;
	_ =	sdelay $0x4  }
0x69: {  	v1 =	vshll.u32 v1, $0xE  }
0x6a: {  	v1 =	vperm.xlane v1, v0;
	_ =	sdelay $0x5  }
0x6b: {  	[tilespmem:s28], [sflag:$0x2] =	stream.indirect_vreg.gather [hbm4b:s1+s6], $0x4000, v1, vm1, $0x38;
	[tilespmem:$0x18180] =	vst v63  }
0x6c: {  	_ =	swait.ge [sflag:s2], $0x8000  }
0x6d: {  	[sflag:s2] =	ssyncset.done $0x0  }
0x6e: {  	[sflag:s2] =	ssyncadd.s32 $0xFFFF8000  }
0x6f: {  	[hbm4b:s18+s6] =	stream.linear.scatter [tilespmem:s19], [sflag:$0x6], $0x8000, $0x38;
	[tilespmem:$0x18180] =	vst v63  }
0x70: {  	_ =	swait.ge [sflag:s10], $0x8000  }
0x71: {  	[sflag:s10] =	ssyncset.done $0x0  }
0x72: {  	[sflag:s10] =	ssyncadd.s32 $0xFFFF8000  }
0x73: {  	v1 =	vld.msk [tilespmem:$0x80], $0x3;
	_ =	sdelay $0x4  }
0x74: {  	v1 =	vshll.u32 v1, $0xE  }
0x75: {  	v1 =	vperm.xlane v1, v0;
	_ =	sdelay $0x5  }
0x76: {  	[tilespmem:s19], [sflag:$0x3] =	stream.indirect_vreg.gather [hbm4b:s1+s6], $0x4000, v1, vm1, $0x38;
	[tilespmem:$0x18180] =	vst v63  }
0x77: {  	_ =	swait.ge [sflag:s29], $0x8000  }
0x78: {  	[sflag:s29] =	ssyncset.done $0x0  }
0x79: {  	[sflag:s29] =	ssyncadd.s32 $0xFFFF8000  }
0x7a: {  	[hbm4b:s20+s6] =	stream.linear.scatter [tilespmem:s21], [sflag:$0x4], $0x8000, $0x38;
	[tilespmem:$0x18180] =	vst v63  }
0x7b: {  	_ =	swait.ge [sflag:s25], $0x8000  }
0x7c: {  	[sflag:s25] =	ssyncset.done $0x0  }
0x7d: {  	[sflag:s25] =	ssyncadd.s32 $0xFFFF8000  }
0x7e: {  	v1 =	vld.msk [tilespmem:$0x90], $0x3;
	_ =	sdelay $0x4  }
0x7f: {  	v1 =	vshll.u32 v1, $0xE  }
0x80: {  	v1 =	vperm.xlane v1, v0;
	_ =	sdelay $0x5  }
0x81: {  	[tilespmem:s21], [sflag:$0x1] =	stream.indirect_vreg.gather [hbm4b:s1+s6], $0x4000, v1, vm1, $0x38;
	[tilespmem:$0x18180] =	vst v63  }
0x82: {  	_ =	swait.ge [sflag:s3], $0x8000  }
0x83: {  	[sflag:s3] =	ssyncset.done $0x0  }
0x84: {  	[sflag:s3] =	ssyncadd.s32 $0xFFFF8000  }
0x85: {  	[hbm4b:s23+s6] =	stream.linear.scatter [tilespmem:s28], [sflag:$0x5], $0x8000, $0x38;
	[tilespmem:$0x18180] =	vst v63  }
0x86: {  	_ =	swait.ge [sflag:s4], $0x8000  }
0x87: {  	[sflag:s4] =	ssyncset.done $0x0  }
0x88: {  	[sflag:s4] =	ssyncadd.s32 $0xFFFF8000  }
0x89: {  	v1 =	vld.msk [tilespmem:$0xA0], $0x3;
	_ =	sdelay $0x4  }
0x8a: {  	v1 =	vshll.u32 v1, $0xE  }
0x8b: {  	v1 =	vperm.xlane v1, v0;
	_ =	sdelay $0x5  }
0x8c: {  	[tilespmem:s28], [sflag:$0x2] =	stream.indirect_vreg.gather [hbm4b:s1+s6], $0x4000, v1, vm1, $0x38;
	[tilespmem:$0x18180] =	vst v63  }
0x8d: {  	_ =	swait.ge [sflag:s2], $0x8000  }
0x8e: {  	[sflag:s2] =	ssyncset.done $0x0  }
0x8f: {  	[sflag:s2] =	ssyncadd.s32 $0xFFFF8000  }
0x90: {  	[hbm4b:s24+s6] =	stream.linear.scatter [tilespmem:s19], [sflag:$0x6], $0x8000, $0x38;
	[tilespmem:$0x18180] =	vst v63  }
0x91: {  	_ =	swait.ge [sflag:s10], $0x8000  }
0x92: {  	[sflag:s10] =	ssyncset.done $0x0  }
0x93: {  	[sflag:s10] =	ssyncadd.s32 $0xFFFF8000  }
0x94: {  	v1 =	vld.msk [tilespmem:$0xB0], $0x3;
	_ =	sdelay $0x4  }
0x95: {  	v1 =	vshll.u32 v1, $0xE  }
0x96: {  	v1 =	vperm.xlane v1, v0;
	_ =	sdelay $0x5  }
0x97: {  	[tilespmem:s19], [sflag:$0x3] =	stream.indirect_vreg.gather [hbm4b:s1+s6], $0x4000, v1, vm1, $0x38;
	[tilespmem:$0x18180] =	vst v63  }
0x98: {  	_ =	swait.ge [sflag:s29], $0x8000  }
0x99: {  	[sflag:s29] =	ssyncset.done $0x0  }
0x9a: {  	[sflag:s29] =	ssyncadd.s32 $0xFFFF8000  }
0x9b: {  	[hbm4b:s26+s6] =	stream.linear.scatter [tilespmem:s21], [sflag:$0x4], $0x8000, $0x38;
	[tilespmem:$0x18180] =	vst v63  }
0x9c: {  	_ =	swait.ge [sflag:s25], $0x8000  }
0x9d: {  	[sflag:s25] =	ssyncset.done $0x0  }
0x9e: {  	[sflag:s25] =	ssyncadd.s32 $0xFFFF8000  }
0x9f: {  	v1 =	vld.msk [tilespmem:$0xC0], $0x3;
	_ =	sdelay $0x4  }
0xa0: {  	v1 =	vshll.u32 v1, $0xE  }
0xa1: {  	v1 =	vperm.xlane v1, v0;
	_ =	sdelay $0x5  }
0xa2: {  	[tilespmem:s21], [sflag:$0x1] =	stream.indirect_vreg.gather [hbm4b:s1+s6], $0x4000, v1, vm1, $0x38;
	[tilespmem:$0x18180] =	vst v63  }
0xa3: {  	_ =	swait.ge [sflag:s3], $0x8000  }
0xa4: {  	[sflag:s3] =	ssyncset.done $0x0  }
0xa5: {  	[sflag:s3] =	ssyncadd.s32 $0xFFFF8000  }
0xa6: {  	[hbm4b:s30+s6] =	stream.linear.scatter [tilespmem:s28], [sflag:$0x5], $0x8000, $0x38;
	[tilespmem:$0x18180] =	vst v63  }
0xa7: {  	_ =	swait.ge [sflag:s4], $0x8000  }
0xa8: {  	[sflag:s4] =	ssyncset.done $0x0  }
0xa9: {  	[sflag:s4] =	ssyncadd.s32 $0xFFFF8000  }
0xaa: {  	v1 =	vld.msk [tilespmem:$0xD0], $0x3;
	_ =	sdelay $0x4  }
0xab: {  	v1 =	vshll.u32 v1, $0xE  }
0xac: {  	v1 =	vperm.xlane v1, v0;
	_ =	sdelay $0x5  }
0xad: {  	[tilespmem:s28], [sflag:$0x2] =	stream.indirect_vreg.gather [hbm4b:s1+s6], $0x4000, v1, vm1, $0x38;
	[tilespmem:$0x18180] =	vst v63  }
0xae: {  	_ =	swait.ge [sflag:s2], $0x8000  }
0xaf: {  	[sflag:s2] =	ssyncset.done $0x0  }
0xb0: {  	[sflag:s2] =	ssyncadd.s32 $0xFFFF8000  }
0xb1: {  	[hbm4b:s31+s6] =	stream.linear.scatter [tilespmem:s19], [sflag:$0x6], $0x8000, $0x38;
	[tilespmem:$0x18180] =	vst v63  }
0xb2: {  	_ =	swait.ge [sflag:s10], $0x8000  }
0xb3: {  	[sflag:s10] =	ssyncset.done $0x0  }
0xb4: {  	[sflag:s10] =	ssyncadd.s32 $0xFFFF8000  }
0xb5: {  	v1 =	vld.msk [tilespmem:$0xE0], $0x3;
	_ =	sdelay $0x4  }
0xb6: {  	v1 =	vshll.u32 v1, $0xE  }
0xb7: {  	v1 =	vperm.xlane v1, v0;
	_ =	sdelay $0x5  }
0xb8: {  	[tilespmem:s19], [sflag:$0x3] =	stream.indirect_vreg.gather [hbm4b:s1+s6], $0x4000, v1, vm1, $0x38;
	[tilespmem:$0x18180] =	vst v63  }
0xb9: {  	_ =	swait.ge [sflag:s29], $0x8000  }
0xba: {  	[sflag:s29] =	ssyncset.done $0x0  }
0xbb: {  	[sflag:s29] =	ssyncadd.s32 $0xFFFF8000  }
0xbc: {  	[hbm4b:s0+s6] =	stream.linear.scatter [tilespmem:s21], [sflag:$0x4], $0x8000, $0x38;
	[tilespmem:$0x18180] =	vst v63  }
0xbd: {  	_ =	swait.ge [sflag:s25], $0x8000  }
0xbe: {  	[sflag:s25] =	ssyncset.done $0x0  }
0xbf: {  	[sflag:s25] =	ssyncadd.s32 $0xFFFF8000  }
0xc0: {  	v1 =	vld.msk [tilespmem:$0xF0], $0x3;
	_ =	sdelay $0x4  }
0xc1: {  	v1 =	vshll.u32 v1, $0xE  }
0xc2: {  	v1 =	vperm.xlane v1, v0;
	_ =	sdelay $0x5  }
0xc3: {  	[tilespmem:s21], [sflag:$0x1] =	stream.indirect_vreg.gather [hbm4b:s1+s6], $0x4000, v1, vm1, $0x38;
	[tilespmem:$0x18180] =	vst v63  }
0xc4: {  	_ =	swait.ge [sflag:s3], $0x8000  }
0xc5: {  	[sflag:s3] =	ssyncset.done $0x0  }
0xc6: {  	[sflag:s3] =	ssyncadd.s32 $0xFFFF8000  }
0xc7: {  	[hbm4b:s9+s6] =	stream.linear.scatter [tilespmem:s28], [sflag:$0x5], $0x8000, $0x38;
	[tilespmem:$0x18180] =	vst v63  }
0xc8: {  	_ =	swait.ge [sflag:s4], $0x8000  }
0xc9: {  	[sflag:s4] =	ssyncset.done $0x0  }
0xca: {  	[sflag:s4] =	ssyncadd.s32 $0xFFFF8000  }
0xcb: {  	v1 =	vld.msk [tilespmem:$0x100], $0x1;
	_ =	sdelay $0x4  }
0xcc: {  	v1 =	vshll.u32 v1, $0xE  }
0xcd: {  	v1 =	vperm.xlane v1, v0;
	_ =	sdelay $0x5  }
0xce: {  	[tilespmem:s28], [sflag:$0x2] =	stream.indirect_vreg.gather [hbm4b:s1+s6], $0x4000, v1, vm0, $0x38;
	[tilespmem:$0x18180] =	vst v63  }
0xcf: {  	_ =	swait.ge [sflag:s2], $0x8000  }
0xd0: {  	[sflag:s2] =	ssyncset.done $0x0  }
0xd1: {  	[sflag:s2] =	ssyncadd.s32 $0xFFFF8000  }
0xd2: {  	[hbm4b:s5+s6] =	stream.linear.scatter [tilespmem:s19], [sflag:$0x6], $0x8000, $0x38;
	[tilespmem:$0x18180] =	vst v63  }
0xd3: {  	_ =	swait.ge [sflag:s29], $0x8000  }
0xd4: {  	[sflag:s29] =	ssyncset.done $0x0  }
0xd5: {  	[sflag:s29] =	ssyncadd.s32 $0xFFFF8000  }
0xd6: {  	[hbm4b:s13+s6] =	stream.linear.scatter [tilespmem:s21], [sflag:$0x4], $0x8000, $0x38;
	[tilespmem:$0x18180] =	vst v63  }
0xd7: {  	_ =	swait.ge [sflag:s3], $0x4000  }
0xd8: {  	[sflag:s3] =	ssyncset.done $0x0  }
0xd9: {  	s15 =	smov.u32 s8;
	[sflag:s3] =	ssyncadd.s32 $0xFFFFC000  }
.LBB2_4:
0xda: {  	[hbm4b:s15+s6] =	stream.linear.scatter [tilespmem:s28], [sflag:$0x5], $0x4000, $0x38;
	[tilespmem:$0x18180] =	vst v63  }
0xdb: {  	_ =	swait.ge [sflag:s10], $0x8000  }
0xdc: {  	[sflag:s10] =	ssyncset.done $0x0  }
0xdd: {  	s16 =	sadd.s32 $0xFFFFFFFF, s16;
	[sflag:s10] =	ssyncadd.s32 $0xFFFF8000  }
0xde: {  	p1 =	sne.s32 s16, $0x0;
	_ =	swait.ge [sflag:s25], $0x8000  }
.Ltmp1:
0xdf: {  	[sflag:s25] =	ssyncset.done $0x0;
	(pc) =	sbr.rel @!p1 .LBB2_5-.Ltmp1, $4  }
0xe0: {  	[sflag:s25] =	ssyncadd.s32 $0xFFFF8000  }
0xe1: {  	_ =	swait.ge [sflag:s4], $0x4000  }
0xe2: {  	[sflag:s4] =	ssyncset.done $0x0  }
0xe3: {  	[sflag:s4] =	ssyncadd.s32 $0xFFFFC000  }
.LBB2_1:
.Ltmp2:
0xe4: {  	(pc) =	sbr.rel @p0 .LBB2_3-.Ltmp2, $4  }
0xe5: {  	[tilespmem:s6], [sflag:$0x7] =	stream.linear.gather [hbm4b:s7+s6], $0x110, $0x38;
	[tilespmem:$0x18180] =	vst v63  }
0xe6: {  	_ =	swait.ge [sflag:s22], $0x110  }
0xe7: {  	[sflag:s22] =	ssyncset.done $0x0  }
0xe8: {  	[sflag:s22] =	ssyncadd.s32 $0xFFFFFEF0  }
0xe9: {  	s15 =	rddreg [dreg:$0x1]  }
0xea: {  	[tilespmem:s21], [sflag:$0x1] =	stream.linear.gather [hbm4b:s15+s6], $0x8000, $0x38;
	[tilespmem:$0x18180] =	vst v63  }
0xeb: {  	s15 =	rddreg [dreg:$0x16]  }
0xec: {  	[tilespmem:s28], [sflag:$0x2] =	stream.linear.gather [hbm4b:s15+s6], $0x8000, $0x38;
	[tilespmem:$0x18180] =	vst v63  }
0xed: {  	s15 =	rddreg [dreg:$0x17]  }
0xee: {  	[tilespmem:s19], [sflag:$0x3] =	stream.linear.gather [hbm4b:s15+s6], $0x8000, $0x38;
	[tilespmem:$0x18180] =	vst v63  }
0xef: {  	_ =	swait.ge [sflag:s29], $0x8000  }
0xf0: {  	[sflag:s29] =	ssyncset.done $0x0  }
0xf1: {  	[sflag:s29] =	ssyncadd.s32 $0xFFFF8000  }
0xf2: {  	s15 =	rddreg [dreg:$0x4]  }
0xf3: {  	[hbm4b:s15+s6] =	stream.linear.scatter [tilespmem:s21], [sflag:$0x4], $0x8000, $0x38;
	[tilespmem:$0x18180] =	vst v63  }
0xf4: {  	_ =	swait.ge [sflag:s25], $0x8000  }
0xf5: {  	[sflag:s25] =	ssyncset.done $0x0  }
0xf6: {  	s15 =	rddreg [dreg:$0x18];
	[sflag:s25] =	ssyncadd.s32 $0xFFFF8000  }
0xf7: {  	[tilespmem:s21], [sflag:$0x1] =	stream.linear.gather [hbm4b:s15+s6], $0x8000, $0x38;
	[tilespmem:$0x18180] =	vst v63  }
0xf8: {  	_ =	swait.ge [sflag:s3], $0x8000  }
0xf9: {  	[sflag:s3] =	ssyncset.done $0x0  }
0xfa: {  	s15 =	rddreg [dreg:$0x7];
	[sflag:s3] =	ssyncadd.s32 $0xFFFF8000  }
0xfb: {  	[hbm4b:s15+s6] =	stream.linear.scatter [tilespmem:s28], [sflag:$0x5], $0x8000, $0x38;
	[tilespmem:$0x18180] =	vst v63  }
0xfc: {  	_ =	swait.ge [sflag:s4], $0x8000  }
0xfd: {  	[sflag:s4] =	ssyncset.done $0x0  }
0xfe: {  	s15 =	rddreg [dreg:$0x19];
	[sflag:s4] =	ssyncadd.s32 $0xFFFF8000  }
0xff: {  	[tilespmem:s28], [sflag:$0x2] =	stream.linear.gather [hbm4b:s15+s6], $0x8000, $0x38;
	[tilespmem:$0x18180] =	vst v63  }
0x100: {  	_ =	swait.ge [sflag:s2], $0x8000  }
0x101: {  	[sflag:s2] =	ssyncset.done $0x0  }
0x102: {  	s15 =	rddreg [dreg:$0x8];
	[sflag:s2] =	ssyncadd.s32 $0xFFFF8000  }
0x103: {  	[hbm4b:s15+s6] =	stream.linear.scatter [tilespmem:s19], [sflag:$0x6], $0x8000, $0x38;
	[tilespmem:$0x18180] =	vst v63  }
0x104: {  	_ =	swait.ge [sflag:s10], $0x8000  }
0x105: {  	[sflag:s10] =	ssyncset.done $0x0  }
0x106: {  	s15 =	rddreg [dreg:$0x1a];
	[sflag:s10] =	ssyncadd.s32 $0xFFFF8000  }
0x107: {  	[tilespmem:s19], [sflag:$0x3] =	stream.linear.gather [hbm4b:s15+s6], $0x8000, $0x38;
	[tilespmem:$0x18180] =	vst v63  }
0x108: {  	_ =	swait.ge [sflag:s29], $0x8000  }
0x109: {  	[sflag:s29] =	ssyncset.done $0x0  }
0x10a: {  	s15 =	rddreg [dreg:$0x9];
	[sflag:s29] =	ssyncadd.s32 $0xFFFF8000  }
0x10b: {  	[hbm4b:s15+s6] =	stream.linear.scatter [tilespmem:s21], [sflag:$0x4], $0x8000, $0x38;
	[tilespmem:$0x18180] =	vst v63  }
0x10c: {  	_ =	swait.ge [sflag:s25], $0x8000  }
0x10d: {  	[sflag:s25] =	ssyncset.done $0x0  }
0x10e: {  	s15 =	rddreg [dreg:$0x1b];
	[sflag:s25] =	ssyncadd.s32 $0xFFFF8000  }
0x10f: {  	[tilespmem:s21], [sflag:$0x1] =	stream.linear.gather [hbm4b:s15+s6], $0x8000, $0x38;
	[tilespmem:$0x18180] =	vst v63  }
0x110: {  	_ =	swait.ge [sflag:s3], $0x8000  }
0x111: {  	[sflag:s3] =	ssyncset.done $0x0  }
0x112: {  	s15 =	rddreg [dreg:$0xa];
	[sflag:s3] =	ssyncadd.s32 $0xFFFF8000  }
0x113: {  	[hbm4b:s15+s6] =	stream.linear.scatter [tilespmem:s28], [sflag:$0x5], $0x8000, $0x38;
	[tilespmem:$0x18180] =	vst v63  }
0x114: {  	_ =	swait.ge [sflag:s4], $0x8000  }
0x115: {  	[sflag:s4] =	ssyncset.done $0x0  }
0x116: {  	s15 =	rddreg [dreg:$0x1c];
	[sflag:s4] =	ssyncadd.s32 $0xFFFF8000  }
0x117: {  	[tilespmem:s28], [sflag:$0x2] =	stream.linear.gather [hbm4b:s15+s6], $0x8000, $0x38;
	[tilespmem:$0x18180] =	vst v63  }
0x118: {  	_ =	swait.ge [sflag:s2], $0x8000  }
0x119: {  	[sflag:s2] =	ssyncset.done $0x0  }
0x11a: {  	s15 =	rddreg [dreg:$0xb];
	[sflag:s2] =	ssyncadd.s32 $0xFFFF8000  }
0x11b: {  	[hbm4b:s15+s6] =	stream.linear.scatter [tilespmem:s19], [sflag:$0x6], $0x8000, $0x38;
	[tilespmem:$0x18180] =	vst v63  }
0x11c: {  	_ =	swait.ge [sflag:s10], $0x8000  }
0x11d: {  	[sflag:s10] =	ssyncset.done $0x0  }
0x11e: {  	s15 =	rddreg [dreg:$0x1d];
	[sflag:s10] =	ssyncadd.s32 $0xFFFF8000  }
0x11f: {  	[tilespmem:s19], [sflag:$0x3] =	stream.linear.gather [hbm4b:s15+s6], $0x8000, $0x38;
	[tilespmem:$0x18180] =	vst v63  }
0x120: {  	_ =	swait.ge [sflag:s29], $0x8000  }
0x121: {  	[sflag:s29] =	ssyncset.done $0x0  }
0x122: {  	s15 =	rddreg [dreg:$0xc];
	[sflag:s29] =	ssyncadd.s32 $0xFFFF8000  }
0x123: {  	[hbm4b:s15+s6] =	stream.linear.scatter [tilespmem:s21], [sflag:$0x4], $0x8000, $0x38;
	[tilespmem:$0x18180] =	vst v63  }
0x124: {  	_ =	swait.ge [sflag:s25], $0x8000  }
0x125: {  	[sflag:s25] =	ssyncset.done $0x0  }
0x126: {  	s15 =	rddreg [dreg:$0x1e];
	[sflag:s25] =	ssyncadd.s32 $0xFFFF8000  }
0x127: {  	[tilespmem:s21], [sflag:$0x1] =	stream.linear.gather [hbm4b:s15+s6], $0x8000, $0x38;
	[tilespmem:$0x18180] =	vst v63  }
0x128: {  	_ =	swait.ge [sflag:s3], $0x8000  }
0x129: {  	[sflag:s3] =	ssyncset.done $0x0  }
0x12a: {  	s15 =	rddreg [dreg:$0xd];
	[sflag:s3] =	ssyncadd.s32 $0xFFFF8000  }
0x12b: {  	[hbm4b:s15+s6] =	stream.linear.scatter [tilespmem:s28], [sflag:$0x5], $0x8000, $0x38;
	[tilespmem:$0x18180] =	vst v63  }
0x12c: {  	_ =	swait.ge [sflag:s4], $0x8000  }
0x12d: {  	[sflag:s4] =	ssyncset.done $0x0  }
0x12e: {  	s15 =	rddreg [dreg:$0x1f];
	[sflag:s4] =	ssyncadd.s32 $0xFFFF8000  }
0x12f: {  	[tilespmem:s28], [sflag:$0x2] =	stream.linear.gather [hbm4b:s15+s6], $0x8000, $0x38;
	[tilespmem:$0x18180] =	vst v63  }
0x130: {  	_ =	swait.ge [sflag:s2], $0x8000  }
0x131: {  	[sflag:s2] =	ssyncset.done $0x0  }
0x132: {  	s15 =	rddreg [dreg:$0xe];
	[sflag:s2] =	ssyncadd.s32 $0xFFFF8000  }
0x133: {  	[hbm4b:s15+s6] =	stream.linear.scatter [tilespmem:s19], [sflag:$0x6], $0x8000, $0x38;
	[tilespmem:$0x18180] =	vst v63  }
0x134: {  	_ =	swait.ge [sflag:s10], $0x8000  }
0x135: {  	s15 =	sld [smem:$0x7F9]  }
0x136: {  	[sflag:s10] =	ssyncset.done $0x0  }
0x137: {  	[sflag:s10] =	ssyncadd.s32 $0xFFFF8000  }
0x138: {  	[tilespmem:s19], [sflag:$0x3] =	stream.linear.gather [hbm4b:s15+s6], $0x8000, $0x38;
	[tilespmem:$0x18180] =	vst v63  }
0x139: {  	_ =	swait.ge [sflag:s29], $0x8000  }
0x13a: {  	[sflag:s29] =	ssyncset.done $0x0  }
0x13b: {  	s15 =	rddreg [dreg:$0xf];
	[sflag:s29] =	ssyncadd.s32 $0xFFFF8000  }
0x13c: {  	[hbm4b:s15+s6] =	stream.linear.scatter [tilespmem:s21], [sflag:$0x4], $0x8000, $0x38;
	[tilespmem:$0x18180] =	vst v63  }
0x13d: {  	_ =	swait.ge [sflag:s25], $0x8000  }
0x13e: {  	s15 =	sld [smem:$0x7FA]  }
0x13f: {  	[sflag:s25] =	ssyncset.done $0x0  }
0x140: {  	[sflag:s25] =	ssyncadd.s32 $0xFFFF8000  }
0x141: {  	[tilespmem:s21], [sflag:$0x1] =	stream.linear.gather [hbm4b:s15+s6], $0x8000, $0x38;
	[tilespmem:$0x18180] =	vst v63  }
0x142: {  	_ =	swait.ge [sflag:s3], $0x8000  }
0x143: {  	[sflag:s3] =	ssyncset.done $0x0  }
0x144: {  	s15 =	rddreg [dreg:$0x10];
	[sflag:s3] =	ssyncadd.s32 $0xFFFF8000  }
0x145: {  	[hbm4b:s15+s6] =	stream.linear.scatter [tilespmem:s28], [sflag:$0x5], $0x8000, $0x38;
	[tilespmem:$0x18180] =	vst v63  }
0x146: {  	_ =	swait.ge [sflag:s4], $0x8000  }
0x147: {  	s15 =	sld [smem:$0x7FB]  }
0x148: {  	[sflag:s4] =	ssyncset.done $0x0  }
0x149: {  	[sflag:s4] =	ssyncadd.s32 $0xFFFF8000  }
0x14a: {  	[tilespmem:s28], [sflag:$0x2] =	stream.linear.gather [hbm4b:s15+s6], $0x8000, $0x38;
	[tilespmem:$0x18180] =	vst v63  }
0x14b: {  	_ =	swait.ge [sflag:s2], $0x8000  }
0x14c: {  	[sflag:s2] =	ssyncset.done $0x0  }
0x14d: {  	s15 =	rddreg [dreg:$0x11];
	[sflag:s2] =	ssyncadd.s32 $0xFFFF8000  }
0x14e: {  	[hbm4b:s15+s6] =	stream.linear.scatter [tilespmem:s19], [sflag:$0x6], $0x8000, $0x38;
	[tilespmem:$0x18180] =	vst v63  }
0x14f: {  	_ =	swait.ge [sflag:s10], $0x8000  }
0x150: {  	s15 =	sld [smem:$0x7FC]  }
0x151: {  	[sflag:s10] =	ssyncset.done $0x0  }
0x152: {  	[sflag:s10] =	ssyncadd.s32 $0xFFFF8000  }
0x153: {  	[tilespmem:s19], [sflag:$0x3] =	stream.linear.gather [hbm4b:s15+s6], $0x8000, $0x38;
	[tilespmem:$0x18180] =	vst v63  }
0x154: {  	_ =	swait.ge [sflag:s29], $0x8000  }
0x155: {  	[sflag:s29] =	ssyncset.done $0x0  }
0x156: {  	s15 =	rddreg [dreg:$0x12];
	[sflag:s29] =	ssyncadd.s32 $0xFFFF8000  }
0x157: {  	[hbm4b:s15+s6] =	stream.linear.scatter [tilespmem:s21], [sflag:$0x4], $0x8000, $0x38;
	[tilespmem:$0x18180] =	vst v63  }
0x158: {  	_ =	swait.ge [sflag:s25], $0x8000  }
0x159: {  	s15 =	sld [smem:$0x7FD]  }
0x15a: {  	[sflag:s25] =	ssyncset.done $0x0  }
0x15b: {  	[sflag:s25] =	ssyncadd.s32 $0xFFFF8000  }
0x15c: {  	[tilespmem:s21], [sflag:$0x1] =	stream.linear.gather [hbm4b:s15+s6], $0x8000, $0x38;
	[tilespmem:$0x18180] =	vst v63  }
0x15d: {  	_ =	swait.ge [sflag:s3], $0x8000  }
0x15e: {  	[sflag:s3] =	ssyncset.done $0x0  }
0x15f: {  	s15 =	rddreg [dreg:$0x13];
	[sflag:s3] =	ssyncadd.s32 $0xFFFF8000  }
0x160: {  	[hbm4b:s15+s6] =	stream.linear.scatter [tilespmem:s28], [sflag:$0x5], $0x8000, $0x38;
	[tilespmem:$0x18180] =	vst v63  }
0x161: {  	_ =	swait.ge [sflag:s4], $0x8000  }
0x162: {  	[sflag:s4] =	ssyncset.done $0x0  }
0x163: {  	[sflag:s4] =	ssyncadd.s32 $0xFFFF8000  }
0x164: {  	v1 =	vld.msk [tilespmem:$0x100], $0x1;
	_ =	sdelay $0x4  }
0x165: {  	v1 =	vshll.u32 v1, $0xE  }
0x166: {  	v1 =	vperm.xlane v1, v0;
	_ =	sdelay $0x5  }
0x167: {  	[tilespmem:s28], [sflag:$0x2] =	stream.indirect_vreg.gather [hbm4b:s1+s6], $0x4000, v1, vm0, $0x38;
	[tilespmem:$0x18180] =	vst v63  }
0x168: {  	_ =	swait.ge [sflag:s2], $0x8000  }
0x169: {  	[sflag:s2] =	ssyncset.done $0x0  }
0x16a: {  	s15 =	rddreg [dreg:$0x14];
	[sflag:s2] =	ssyncadd.s32 $0xFFFF8000  }
0x16b: {  	[hbm4b:s15+s6] =	stream.linear.scatter [tilespmem:s19], [sflag:$0x6], $0x8000, $0x38;
	[tilespmem:$0x18180] =	vst v63  }
0x16c: {  	_ =	swait.ge [sflag:s29], $0x8000  }
0x16d: {  	[sflag:s29] =	ssyncset.done $0x0  }
0x16e: {  	s15 =	rddreg [dreg:$0x15];
	[sflag:s29] =	ssyncadd.s32 $0xFFFF8000  }
0x16f: {  	[hbm4b:s15+s6] =	stream.linear.scatter [tilespmem:s21], [sflag:$0x4], $0x8000, $0x38;
	[tilespmem:$0x18180] =	vst v63  }
.Ltmp3:
0x170: {  	_ = 	snop;
	(pc) =	sbr.rel .LBB2_4-.Ltmp3, $4  }
0x171: {  	_ =	swait.ge [sflag:s3], $0x4000  }
0x172: {  	[sflag:s3] =	ssyncset.done $0x0  }
0x173: {  	[sflag:s3] =	ssyncadd.s32 $0xFFFFC000  }
0x174: {  	s15 =	rddreg [dreg:$0x3]  }
.LBB2_5:
0x175: {  	_ =	sfence.sel $0x180000  }
0x176: {  	[bflag:$0x0] =	sbarrier.arrive $0xFFFF  }
0x177: {  	_ =	strace $0x90000047  }
0x178: {  	s0 =	stileid.u32;
	[bflag:$0x2] =	sbarrier.arrive $0xFFFF  }
0x179: {  	p0 =	sne.s32 s0, $0x0;
	s0 =	rddreg [dreg:$0x5]  }
0x17a: {  	s0 =	sadd.s32 @!p0 $0x100000, s0  }
0x17b: {  	[sflag:s0] =	ssyncadd.tile.s32 @!p0 $0x1;
	_ =	shalt  }
.Lfunc_end2:
_tile_overlayer_lowered:
.L_overlay_start_2:
0x17c: {  	(tag) =	ssettag $0x2  }
0x17d: {  	s0 =	rddreg [dreg:$0x0];
	s2 =	stileid.u32  }
0x17e: {  	s1 =	rddreg [dreg:$0x1];
	p0 =	sne.s32 s2, $0x0  }
0x17f: {  	s3 =	rddreg [dreg:$0x2];
	[bflag:$0x3] =	sbarrier.arrive $0xFFFF;
	s2 =	simm.s32 @!p0 $0x1C07  }
0x180: {  	[timem:s3], [sflag:s2] =	dma.local @!p0 [hbm:s0], s1  }
0x181: {  	s0 =	simm.s32 @!p0 $0x7  }
0x182: {  	_ =	swait.ge @!p0 [sflag:s0], s1  }
0x183: {  	s1 =	ssub.s32 @!p0 $0x0, s1;
	[sflag:s0] =	ssyncset.done @!p0 $0x0  }
0x184: {  	[sflag:s0] =	ssyncadd.s32 @!p0 s1  }
0x185: {  	[bflag:$0x3] =	sbarrier.arrive $0xFFFF  }
0x186: {  	_ =	shalt  }

</sc_bundles>
